<compile_context>
chip_gen: v7x
topology: tpu7x:2x2x1
jax: 0.10.2.dev20260603
libtpu: 0.0.44.dev20260713+nightly
codegen_flags: <defaults>
</compile_context>

<pallas_src>
import functools

import jax
import jax.numpy as jnp
from jax import lax
from jax.experimental import pallas as pl
from jax.experimental.pallas import tpu as pltpu
from jax.experimental.pallas import tpu_sc as plsc

_DIM = 64
_IDX_LANES = 128
_CHUNK = 208
_NBUF = 4
_BBLK = 128


@functools.cache
def _build_gather(n_total):
    info = plsc.get_sparse_core_info()
    nc, ns = info.num_cores, info.num_subcores
    nw = nc * ns
    rows_per_w = n_total // nw
    n_chunks = rows_per_w // _CHUNK
    idx_rows_per_w = rows_per_w // _IDX_LANES

    mesh = plsc.VectorSubcoreMesh(core_axis_name="c", subcore_axis_name="s")

    @functools.partial(
        pl.kernel,
        mesh=mesh,
        compiler_params=pltpu.CompilerParams(use_tc_tiling_on_sc=True),
        out_type=jax.ShapeDtypeStruct((n_total, _DIM), jnp.float32),
        scratch_types=[
            pltpu.VMEM((idx_rows_per_w, _IDX_LANES), jnp.int32),
            pltpu.VMEM((_NBUF, _CHUNK, _DIM), jnp.float32),
            pltpu.SemaphoreType.DMA((_NBUF,)),
            pltpu.SemaphoreType.DMA((_NBUF,)),
        ],
    )
    def gather_kernel(idx_hbm, table_hbm, out_hbm, idx_all, rows_v, gsem, ssem):
        wid = lax.axis_index("s") * nc + lax.axis_index("c")
        idx_row0 = wid * idx_rows_per_w
        out_row0 = wid * rows_per_w
        pltpu.sync_copy(idx_hbm.at[pl.ds(idx_row0, idx_rows_per_w)], idx_all)

        def start_gathers(c, b):
            @pl.loop(0, _CHUNK // 16)
            def _grp(g):
                flat = c * _CHUNK + g * 16
                vec = idx_all[flat // _IDX_LANES,
                              pl.ds(flat % _IDX_LANES, 16)]
                for i in range(16):
                    pltpu.async_copy(
                        table_hbm.at[pl.ds(vec[i], 1)],
                        rows_v.at[b, pl.ds(g * 16 + i, 1)],
                        gsem.at[b],
                    )

        def wait_gathers(b):
            pltpu.make_async_copy(
                table_hbm.at[pl.ds(0, _CHUNK)], rows_v.at[b], gsem.at[b]
            ).wait()

        def start_store(c, b):
            return pltpu.async_copy(
                rows_v.at[b],
                out_hbm.at[pl.ds(out_row0 + c * _CHUNK, _CHUNK)],
                ssem.at[b],
            )

        def wait_store(b):
            pltpu.make_async_copy(
                rows_v.at[b], out_hbm.at[pl.ds(out_row0, _CHUNK)], ssem.at[b]
            ).wait()

        start_gathers(0, 0)

        @pl.loop(0, n_chunks, step=_NBUF)
        def _chunks(lv):
            for p in range(_NBUF):
                c = lv + p
                c_fin = c - 2
                bf = (p - 2) % _NBUF

                @pl.when(c_fin >= 0)
                def _():
                    wait_gathers(bf)
                    start_store(c_fin, bf)

                c_new = c + 1
                bn = (p + 1) % _NBUF

                @pl.when(c_new < n_chunks)
                def _():
                    @pl.when(c_new >= _NBUF)
                    def _():
                        wait_store(bn)

                    start_gathers(c_new, bn)

        for c_fin in (n_chunks - 2, n_chunks - 1):
            bf = c_fin % _NBUF
            wait_gathers(bf)
            start_store(c_fin, bf)
        for b in range(_NBUF):
            wait_store(b)

    return gather_kernel


@functools.cache
def _build_transpose(batch, fields):
    rows_per_blk = _BBLK * fields

    def body(rows_ref, out_ref):
        a = rows_ref[...].reshape(_BBLK, fields, _DIM)
        t = jnp.transpose(a, (1, 2, 0))
        out_ref[...] = t.reshape(fields, _DIM // 8, 1, 8, _BBLK)

    return pl.pallas_call(
        body,
        grid=(batch // _BBLK,),
        in_specs=[
            pl.BlockSpec((rows_per_blk, _DIM), lambda i: (i, 0)),
        ],
        out_specs=pl.BlockSpec(
            (fields, _DIM // 8, 1, 8, _BBLK), lambda i: (0, 0, i, 0, 0)
        ),
        out_shape=jax.ShapeDtypeStruct(
            (fields, _DIM // 8, batch // _BBLK, 8, _BBLK), jnp.float32
        ),
    )


def kernel(x, weight):
    b, f = x.shape
    n_total = b * f
    idx2d = x.reshape(n_total // _IDX_LANES, _IDX_LANES).astype(jnp.int32)
    rows = _build_gather(n_total)(idx2d, weight)
    out5 = _build_transpose(b, f)(rows)
    return jnp.transpose(out5, (2, 4, 0, 1, 3)).reshape(b, f, _DIM)

# --- scband reference (transcript-rebuilt; emitter-appended) ---
"""Pipeline reference for scband-embedding-15058155340070 (READ-ONLY COPY).

The authoritative reference and input builder live on the scoring server;
editing this copy changes nothing except your own understanding.
"""

import jax, jax.numpy as jnp
import numpy as np

NUM_EMBEDDINGS = 1000000
EMBEDDING_DIM = 64
BATCH = 16384
FIELDS = 26


def setup_inputs(seed: int = 0) -> dict:
    key = jax.random.key(seed)
    k_idx, k_w = jax.random.split(key)
    x = jax.random.randint(k_idx, (BATCH, FIELDS), 0, NUM_EMBEDDINGS, dtype=jnp.int64 if jax.config.jax_enable_x64 else jnp.int32)
    weight = jax.random.normal(k_w, (NUM_EMBEDDINGS, EMBEDDING_DIM), dtype=jnp.float32) * 0.02
    return {"x": x, "weight": weight}


def reference(x, weight):
    # F.embedding(x, weight) -> gather rows of weight by index
    return jnp.take(weight, x, axis=0)

if __name__ == "__main__":
    import jax
    _d = setup_inputs()
    print(jax.jit(kernel)(*tuple(_d.values())))

</pallas_src>

<mosaic_0001>
#map = affine_map<(d0, d1) -> (0, 0)>
module attributes {stable_mosaic.version = 14 : i64} {
  func.func @gather_kernel(%arg0: i32, %arg1: i32, %arg2: memref<3328x128xi32, #tpu.memory_space<hbm>>, %arg3: memref<1000000x64xf32, #tpu.memory_space<hbm>>, %arg4: memref<425984x64xf32, #tpu.memory_space<hbm>>, %arg5: memref<104x128xi32, #tpu.memory_space<vmem>>, %arg6: memref<4x208x64xf32, #tpu.memory_space<vmem>>, %arg7: memref<4x!tpu.dma_semaphore, #tpu.memory_space<semaphore_mem>>, %arg8: memref<4x!tpu.dma_semaphore, #tpu.memory_space<semaphore_mem>>) attributes {dimension_semantics = [#tpu.dimension_semantics<core_parallel>, #tpu.dimension_semantics<subcore_parallel>], iteration_bounds = array<i64: 2, 16>, scalar_prefetch = 0 : i64, scratch_operands = 4 : i64, tpu.core_type = #tpu.core_type<sc_vector_subcore>, window_params = [{transform_indices = #map}, {transform_indices = #map}, {transform_indices = #map}]} {
    %mul3A = arith.constant 2 : i32
    %mul3A_0 = arith.muli %arg1, %mul3A : i32
    %add3A = arith.addi %mul3A_0, %arg0 : i32
    %mul3A_1 = arith.constant 104 : i32
    %mul3A_2 = arith.muli %add3A, %mul3A_1 : i32
    %mul3A_3 = arith.constant 13312 : i32
    %mul3A_4 = arith.muli %add3A, %mul3A_3 : i32
    "tpu.region"() ({
      %run_scoped3A = tpu.sem_alloc : memref<!tpu.dma_semaphore, #tpu.memory_space<semaphore_mem>>
      %dma_start3A_148 = arith.constant 0 : i32
      %dma_start3A_149 = tpu.memref_slice %arg2[%mul3A_2, %dma_start3A_148] : memref<3328x128xi32, #tpu.memory_space<hbm>> -> memref<104x128xi32, #tpu.memory_space<hbm>>
      %dma_start3A_150 = arith.constant 0 : i32
      %dma_start3A_151 = tpu.memref_slice %arg2[%mul3A_2, %dma_start3A_150] : memref<3328x128xi32, #tpu.memory_space<hbm>> -> memref<104x128xi32, #tpu.memory_space<hbm>>
      tpu.enqueue_dma source(%dma_start3A_151 : memref<104x128xi32, #tpu.memory_space<hbm>>) target(%arg5 : memref<104x128xi32, #tpu.memory_space<vmem>>) target_semaphore(%run_scoped3A : memref<!tpu.dma_semaphore, #tpu.memory_space<semaphore_mem>>)
      %dma_wait3A_152 = arith.constant 0 : i32
      %dma_wait3A_153 = tpu.memref_slice %arg2[%mul3A_2, %dma_wait3A_152] : memref<3328x128xi32, #tpu.memory_space<hbm>> -> memref<104x128xi32, #tpu.memory_space<hbm>>
      %dma_wait3A_154 = arith.constant 0 : i32
      %dma_wait3A_155 = tpu.memref_slice %arg2[%mul3A_2, %dma_wait3A_154] : memref<3328x128xi32, #tpu.memory_space<hbm>> -> memref<104x128xi32, #tpu.memory_space<hbm>>
      tpu.wait_dma2 semaphore(%run_scoped3A : memref<!tpu.dma_semaphore, #tpu.memory_space<semaphore_mem>>) src(%dma_wait3A_155 : memref<104x128xi32, #tpu.memory_space<hbm>>) dst(%arg5 : memref<104x128xi32, #tpu.memory_space<vmem>>)
      tpu.yield
    }) : () -> ()
    %scan3A = arith.constant 0 : i32
    %scan3A_5 = arith.constant 13 : i32
    %scan3A_6 = arith.addi %scan3A, %scan3A_5 : i32
    %scan3A_7 = arith.constant 1 : i32
    scf.for %scan3A_148 = %scan3A to %scan3A_6 step %scan3A_7  : i32 {
      %mul3A_149 = arith.constant 1 : i32
      %mul3A_150 = arith.muli %scan3A_148, %mul3A_149 : i32
      %add3A_151 = arith.constant 0 : i32
      %add3A_152 = arith.addi %add3A_151, %mul3A_150 : i32
      %mul3A_153 = arith.constant 16 : i32
      %mul3A_154 = arith.muli %add3A_152, %mul3A_153 : i32
      %add3A_155 = arith.constant 0 : i32
      %add3A_156 = arith.addi %add3A_155, %mul3A_154 : i32
      %jit3A = arith.constant 128 : i32
      %div3A = arith.divsi %add3A_156, %jit3A : i32
      %sign3A = arith.constant 0 : i32
      %sign3A_157 = arith.cmpi sgt, %add3A_156, %sign3A : i32
      %sign3A_158 = arith.extui %sign3A_157 : i1 to i32
      %sign3A_159 = arith.constant 0 : i32
      %sign3A_160 = arith.cmpi slt, %add3A_156, %sign3A_159 : i32
      %sign3A_161 = arith.extui %sign3A_160 : i1 to i32
      %sign3A_162 = arith.subi %sign3A_158, %sign3A_161 : i32
      %sign3A_163 = arith.constant 0 : i32
      %sign3A_164 = arith.cmpi sgt, %jit3A, %sign3A_163 : i32
      %sign3A_165 = arith.extui %sign3A_164 : i1 to i32
      %sign3A_166 = arith.constant 0 : i32
      %sign3A_167 = arith.cmpi slt, %jit3A, %sign3A_166 : i32
      %sign3A_168 = arith.extui %sign3A_167 : i1 to i32
      %sign3A_169 = arith.subi %sign3A_165, %sign3A_168 : i32
      %ne3A = arith.cmpi ne, %sign3A_162, %sign3A_169 : i32
      %rem3A = arith.remsi %add3A_156, %jit3A : i32
      %ne3A_170 = arith.constant 0 : i32
      %ne3A_171 = arith.cmpi ne, %rem3A, %ne3A_170 : i32
      %and3A = arith.andi %ne3A, %ne3A_171 : i1
      %sub3A = arith.constant 1 : i32
      %sub3A_172 = arith.subi %div3A, %sub3A : i32
      %select_n3A = arith.select %and3A, %sub3A_172, %div3A : i32
      %jit3A_173 = arith.constant 128 : i32
      %eq3A = arith.constant 0 : i32
      %eq3A_174 = arith.cmpi eq, %jit3A_173, %eq3A : i32
      %jit3A_175 = arith.constant 1 : i32
      %select_n3A_176 = arith.select %eq3A_174, %jit3A_175, %jit3A_173 : i32
      %rem3A_177 = arith.remsi %add3A_156, %select_n3A_176 : i32
      %ne3A_178 = arith.constant 0 : i32
      %ne3A_179 = arith.cmpi ne, %rem3A_177, %ne3A_178 : i32
      %lt3A = arith.constant 0 : i32
      %lt3A_180 = arith.cmpi slt, %rem3A_177, %lt3A : i32
      %lt3A_181 = arith.constant 0 : i32
      %lt3A_182 = arith.cmpi slt, %select_n3A_176, %lt3A_181 : i32
      %ne3A_183 = arith.xori %lt3A_180, %lt3A_182 : i1
      %and3A_184 = arith.andi %ne3A_183, %ne3A_179 : i1
      %add3A_185 = arith.addi %rem3A_177, %select_n3A_176 : i32
      %select_n3A_186 = arith.select %and3A_184, %add3A_185, %rem3A_177 : i32
      %get3A = arith.index_cast %select_n3A : i32 to index
      %get3A_187 = arith.index_cast %select_n3A_186 : i32 to index
      %get3A_188 = tpu.vector_load %arg5[%get3A, %get3A_187] {strides = array<i32>} : memref<104x128xi32, #tpu.memory_space<vmem>>, vector<1x16xi32>,
      %get3A_189 = vector.shape_cast %get3A_188 : vector<1x16xi32> to vector<16xi32>
      %slice3A = vector.extract_strided_slice %get3A_189 {offsets = [0], sizes = [1], strides = [1]} : vector<16xi32> to vector<1xi32>
      %squeeze3A = vector.extract %slice3A[0] : i32 from vector<1xi32>
      %mul3A_190 = arith.constant 16 : i32
      %mul3A_191 = arith.muli %add3A_152, %mul3A_190 : i32
      %add3A_192 = arith.constant 0 : i32
      %add3A_193 = arith.addi %mul3A_191, %add3A_192 : i32
      %dma_start3A_194 = arith.constant 0 : i32
      %dma_start3A_195 = arith.constant 0 : i32
      %dma_start3A_196 = arith.constant 0 : i32
      %dma_start3A_197 = tpu.memref_slice %arg6[%dma_start3A_194, %add3A_193, %dma_start3A_196] : memref<4x208x64xf32, #tpu.memory_space<vmem>> -> memref<1x1x64xf32, #tpu.memory_space<vmem>>
      %dma_start3A_198 = tpu.memref_squeeze %dma_start3A_197 : memref<1x1x64xf32, #tpu.memory_space<vmem>> -> memref<1x64xf32, #tpu.memory_space<vmem>>
      %dma_start3A_199 = arith.constant 0 : i32
      %dma_start3A_200 = tpu.memref_slice %arg3[%squeeze3A, %dma_start3A_199] : memref<1000000x64xf32, #tpu.memory_space<hbm>> -> memref<1x64xf32, #tpu.memory_space<hbm>>
      %dma_start3A_201 = tpu.memref_slice %arg7[%dma_start3A_195] : memref<4x!tpu.dma_semaphore, #tpu.memory_space<semaphore_mem>> -> memref<1x!tpu.dma_semaphore, #tpu.memory_space<semaphore_mem>>
      %dma_start3A_202 = tpu.memref_squeeze %dma_start3A_201 : memref<1x!tpu.dma_semaphore, #tpu.memory_space<semaphore_mem>> -> memref<!tpu.dma_semaphore, #tpu.memory_space<semaphore_mem>>
      %dma_start3A_203 = arith.constant 0 : i32
      %dma_start3A_204 = tpu.memref_slice %arg6[%dma_start3A_194, %add3A_193, %dma_start3A_203] : memref<4x208x64xf32, #tpu.memory_space<vmem>> -> memref<1x1x64xf32, #tpu.memory_space<vmem>>
      %dma_start3A_205 = tpu.memref_squeeze %dma_start3A_204 : memref<1x1x64xf32, #tpu.memory_space<vmem>> -> memref<1x64xf32, #tpu.memory_space<vmem>>
      %dma_start3A_206 = arith.constant 0 : i32
      %dma_start3A_207 = tpu.memref_slice %arg3[%squeeze3A, %dma_start3A_206] : memref<1000000x64xf32, #tpu.memory_space<hbm>> -> memref<1x64xf32, #tpu.memory_space<hbm>>
      tpu.enqueue_dma source(%dma_start3A_207 : memref<1x64xf32, #tpu.memory_space<hbm>>) target(%dma_start3A_205 : memref<1x64xf32, #tpu.memory_space<vmem>>) target_semaphore(%dma_start3A_202 : memref<!tpu.dma_semaphore, #tpu.memory_space<semaphore_mem>>)
      %slice3A_208 = vector.extract_strided_slice %get3A_189 {offsets = [1], sizes = [1], strides = [1]} : vector<16xi32> to vector<1xi32>
      %squeeze3A_209 = vector.extract %slice3A_208[0] : i32 from vector<1xi32>
      %mul3A_210 = arith.constant 16 : i32
      %mul3A_211 = arith.muli %add3A_152, %mul3A_210 : i32
      %add3A_212 = arith.constant 1 : i32
      %add3A_213 = arith.addi %mul3A_211, %add3A_212 : i32
      %dma_start3A_214 = arith.constant 0 : i32
      %dma_start3A_215 = arith.constant 0 : i32
      %dma_start3A_216 = arith.constant 0 : i32
      %dma_start3A_217 = tpu.memref_slice %arg6[%dma_start3A_214, %add3A_213, %dma_start3A_216] : memref<4x208x64xf32, #tpu.memory_space<vmem>> -> memref<1x1x64xf32, #tpu.memory_space<vmem>>
      %dma_start3A_218 = tpu.memref_squeeze %dma_start3A_217 : memref<1x1x64xf32, #tpu.memory_space<vmem>> -> memref<1x64xf32, #tpu.memory_space<vmem>>
      %dma_start3A_219 = arith.constant 0 : i32
      %dma_start3A_220 = tpu.memref_slice %arg3[%squeeze3A_209, %dma_start3A_219] : memref<1000000x64xf32, #tpu.memory_space<hbm>> -> memref<1x64xf32, #tpu.memory_space<hbm>>
      %dma_start3A_221 = tpu.memref_slice %arg7[%dma_start3A_215] : memref<4x!tpu.dma_semaphore, #tpu.memory_space<semaphore_mem>> -> memref<1x!tpu.dma_semaphore, #tpu.memory_space<semaphore_mem>>
      %dma_start3A_222 = tpu.memref_squeeze %dma_start3A_221 : memref<1x!tpu.dma_semaphore, #tpu.memory_space<semaphore_mem>> -> memref<!tpu.dma_semaphore, #tpu.memory_space<semaphore_mem>>
      %dma_start3A_223 = arith.constant 0 : i32
      %dma_start3A_224 = tpu.memref_slice %arg6[%dma_start3A_214, %add3A_213, %dma_start3A_223] : memref<4x208x64xf32, #tpu.memory_space<vmem>> -> memref<1x1x64xf32, #tpu.memory_space<vmem>>
      %dma_start3A_225 = tpu.memref_squeeze %dma_start3A_224 : memref<1x1x64xf32, #tpu.memory_space<vmem>> -> memref<1x64xf32, #tpu.memory_space<vmem>>
      %dma_start3A_226 = arith.constant 0 : i32
      %dma_start3A_227 = tpu.memref_slice %arg3[%squeeze3A_209, %dma_start3A_226] : memref<1000000x64xf32, #tpu.memory_space<hbm>> -> memref<1x64xf32, #tpu.memory_space<hbm>>
      tpu.enqueue_dma source(%dma_start3A_227 : memref<1x64xf32, #tpu.memory_space<hbm>>) target(%dma_start3A_225 : memref<1x64xf32, #tpu.memory_space<vmem>>) target_semaphore(%dma_start3A_222 : memref<!tpu.dma_semaphore, #tpu.memory_space<semaphore_mem>>)
      %slice3A_228 = vector.extract_strided_slice %get3A_189 {offsets = [2], sizes = [1], strides = [1]} : vector<16xi32> to vector<1xi32>
      %squeeze3A_229 = vector.extract %slice3A_228[0] : i32 from vector<1xi32>
      %mul3A_230 = arith.constant 16 : i32
      %mul3A_231 = arith.muli %add3A_152, %mul3A_230 : i32
      %add3A_232 = arith.constant 2 : i32
      %add3A_233 = arith.addi %mul3A_231, %add3A_232 : i32
      %dma_start3A_234 = arith.constant 0 : i32
      %dma_start3A_235 = arith.constant 0 : i32
      %dma_start3A_236 = arith.constant 0 : i32
      %dma_start3A_237 = tpu.memref_slice %arg6[%dma_start3A_234, %add3A_233, %dma_start3A_236] : memref<4x208x64xf32, #tpu.memory_space<vmem>> -> memref<1x1x64xf32, #tpu.memory_space<vmem>>
      %dma_start3A_238 = tpu.memref_squeeze %dma_start3A_237 : memref<1x1x64xf32, #tpu.memory_space<vmem>> -> memref<1x64xf32, #tpu.memory_space<vmem>>
      %dma_start3A_239 = arith.constant 0 : i32
      %dma_start3A_240 = tpu.memref_slice %arg3[%squeeze3A_229, %dma_start3A_239] : memref<1000000x64xf32, #tpu.memory_space<hbm>> -> memref<1x64xf32, #tpu.memory_space<hbm>>
      %dma_start3A_241 = tpu.memref_slice %arg7[%dma_start3A_235] : memref<4x!tpu.dma_semaphore, #tpu.memory_space<semaphore_mem>> -> memref<1x!tpu.dma_semaphore, #tpu.memory_space<semaphore_mem>>
      %dma_start3A_242 = tpu.memref_squeeze %dma_start3A_241 : memref<1x!tpu.dma_semaphore, #tpu.memory_space<semaphore_mem>> -> memref<!tpu.dma_semaphore, #tpu.memory_space<semaphore_mem>>
      %dma_start3A_243 = arith.constant 0 : i32
      %dma_start3A_244 = tpu.memref_slice %arg6[%dma_start3A_234, %add3A_233, %dma_start3A_243] : memref<4x208x64xf32, #tpu.memory_space<vmem>> -> memref<1x1x64xf32, #tpu.memory_space<vmem>>
      %dma_start3A_245 = tpu.memref_squeeze %dma_start3A_244 : memref<1x1x64xf32, #tpu.memory_space<vmem>> -> memref<1x64xf32, #tpu.memory_space<vmem>>
      %dma_start3A_246 = arith.constant 0 : i32
      %dma_start3A_247 = tpu.memref_slice %arg3[%squeeze3A_229, %dma_start3A_246] : memref<1000000x64xf32, #tpu.memory_space<hbm>> -> memref<1x64xf32, #tpu.memory_space<hbm>>
      tpu.enqueue_dma source(%dma_start3A_247 : memref<1x64xf32, #tpu.memory_space<hbm>>) target(%dma_start3A_245 : memref<1x64xf32, #tpu.memory_space<vmem>>) target_semaphore(%dma_start3A_242 : memref<!tpu.dma_semaphore, #tpu.memory_space<semaphore_mem>>)
      %slice3A_248 = vector.extract_strided_slice %get3A_189 {offsets = [3], sizes = [1], strides = [1]} : vector<16xi32> to vector<1xi32>
      %squeeze3A_249 = vector.extract %slice3A_248[0] : i32 from vector<1xi32>
      %mul3A_250 = arith.constant 16 : i32
      %mul3A_251 = arith.muli %add3A_152, %mul3A_250 : i32
      %add3A_252 = arith.constant 3 : i32
      %add3A_253 = arith.addi %mul3A_251, %add3A_252 : i32
      %dma_start3A_254 = arith.constant 0 : i32
      %dma_start3A_255 = arith.constant 0 : i32
      %dma_start3A_256 = arith.constant 0 : i32
      %dma_start3A_257 = tpu.memref_slice %arg6[%dma_start3A_254, %add3A_253, %dma_start3A_256] : memref<4x208x64xf32, #tpu.memory_space<vmem>> -> memref<1x1x64xf32, #tpu.memory_space<vmem>>
      %dma_start3A_258 = tpu.memref_squeeze %dma_start3A_257 : memref<1x1x64xf32, #tpu.memory_space<vmem>> -> memref<1x64xf32, #tpu.memory_space<vmem>>
      %dma_start3A_259 = arith.constant 0 : i32
      %dma_start3A_260 = tpu.memref_slice %arg3[%squeeze3A_249, %dma_start3A_259] : memref<1000000x64xf32, #tpu.memory_space<hbm>> -> memref<1x64xf32, #tpu.memory_space<hbm>>
      %dma_start3A_261 = tpu.memref_slice %arg7[%dma_start3A_255] : memref<4x!tpu.dma_semaphore, #tpu.memory_space<semaphore_mem>> -> memref<1x!tpu.dma_semaphore, #tpu.memory_space<semaphore_mem>>
      %dma_start3A_262 = tpu.memref_squeeze %dma_start3A_261 : memref<1x!tpu.dma_semaphore, #tpu.memory_space<semaphore_mem>> -> memref<!tpu.dma_semaphore, #tpu.memory_space<semaphore_mem>>
      %dma_start3A_263 = arith.constant 0 : i32
      %dma_start3A_264 = tpu.memref_slice %arg6[%dma_start3A_254, %add3A_253, %dma_start3A_263] : memref<4x208x64xf32, #tpu.memory_space<vmem>> -> memref<1x1x64xf32, #tpu.memory_space<vmem>>
      %dma_start3A_265 = tpu.memref_squeeze %dma_start3A_264 : memref<1x1x64xf32, #tpu.memory_space<vmem>> -> memref<1x64xf32, #tpu.memory_space<vmem>>
      %dma_start3A_266 = arith.constant 0 : i32
      %dma_start3A_267 = tpu.memref_slice %arg3[%squeeze3A_249, %dma_start3A_266] : memref<1000000x64xf32, #tpu.memory_space<hbm>> -> memref<1x64xf32, #tpu.memory_space<hbm>>
      tpu.enqueue_dma source(%dma_start3A_267 : memref<1x64xf32, #tpu.memory_space<hbm>>) target(%dma_start3A_265 : memref<1x64xf32, #tpu.memory_space<vmem>>) target_semaphore(%dma_start3A_262 : memref<!tpu.dma_semaphore, #tpu.memory_space<semaphore_mem>>)
      %slice3A_268 = vector.extract_strided_slice %get3A_189 {offsets = [4], sizes = [1], strides = [1]} : vector<16xi32> to vector<1xi32>
      %squeeze3A_269 = vector.extract %slice3A_268[0] : i32 from vector<1xi32>
      %mul3A_270 = arith.constant 16 : i32
      %mul3A_271 = arith.muli %add3A_152, %mul3A_270 : i32
      %add3A_272 = arith.constant 4 : i32
      %add3A_273 = arith.addi %mul3A_271, %add3A_272 : i32
      %dma_start3A_274 = arith.constant 0 : i32
      %dma_start3A_275 = arith.constant 0 : i32
      %dma_start3A_276 = arith.constant 0 : i32
      %dma_start3A_277 = tpu.memref_slice %arg6[%dma_start3A_274, %add3A_273, %dma_start3A_276] : memref<4x208x64xf32, #tpu.memory_space<vmem>> -> memref<1x1x64xf32, #tpu.memory_space<vmem>>
      %dma_start3A_278 = tpu.memref_squeeze %dma_start3A_277 : memref<1x1x64xf32, #tpu.memory_space<vmem>> -> memref<1x64xf32, #tpu.memory_space<vmem>>
      %dma_start3A_279 = arith.constant 0 : i32
      %dma_start3A_280 = tpu.memref_slice %arg3[%squeeze3A_269, %dma_start3A_279] : memref<1000000x64xf32, #tpu.memory_space<hbm>> -> memref<1x64xf32, #tpu.memory_space<hbm>>
      %dma_start3A_281 = tpu.memref_slice %arg7[%dma_start3A_275] : memref<4x!tpu.dma_semaphore, #tpu.memory_space<semaphore_mem>> -> memref<1x!tpu.dma_semaphore, #tpu.memory_space<semaphore_mem>>
      %dma_start3A_282 = tpu.memref_squeeze %dma_start3A_281 : memref<1x!tpu.dma_semaphore, #tpu.memory_space<semaphore_mem>> -> memref<!tpu.dma_semaphore, #tpu.memory_space<semaphore_mem>>
      %dma_start3A_283 = arith.constant 0 : i32
      %dma_start3A_284 = tpu.memref_slice %arg6[%dma_start3A_274, %add3A_273, %dma_start3A_283] : memref<4x208x64xf32, #tpu.memory_space<vmem>> -> memref<1x1x64xf32, #tpu.memory_space<vmem>>
      %dma_start3A_285 = tpu.memref_squeeze %dma_start3A_284 : memref<1x1x64xf32, #tpu.memory_space<vmem>> -> memref<1x64xf32, #tpu.memory_space<vmem>>
      %dma_start3A_286 = arith.constant 0 : i32
      %dma_start3A_287 = tpu.memref_slice %arg3[%squeeze3A_269, %dma_start3A_286] : memref<1000000x64xf32, #tpu.memory_space<hbm>> -> memref<1x64xf32, #tpu.memory_space<hbm>>
      tpu.enqueue_dma source(%dma_start3A_287 : memref<1x64xf32, #tpu.memory_space<hbm>>) target(%dma_start3A_285 : memref<1x64xf32, #tpu.memory_space<vmem>>) target_semaphore(%dma_start3A_282 : memref<!tpu.dma_semaphore, #tpu.memory_space<semaphore_mem>>)
      %slice3A_288 = vector.extract_strided_slice %get3A_189 {offsets = [5], sizes = [1], strides = [1]} : vector<16xi32> to vector<1xi32>
      %squeeze3A_289 = vector.extract %slice3A_288[0] : i32 from vector<1xi32>
      %mul3A_290 = arith.constant 16 : i32
      %mul3A_291 = arith.muli %add3A_152, %mul3A_290 : i32
      %add3A_292 = arith.constant 5 : i32
      %add3A_293 = arith.addi %mul3A_291, %add3A_292 : i32
      %dma_start3A_294 = arith.constant 0 : i32
      %dma_start3A_295 = arith.constant 0 : i32
      %dma_start3A_296 = arith.constant 0 : i32
      %dma_start3A_297 = tpu.memref_slice %arg6[%dma_start3A_294, %add3A_293, %dma_start3A_296] : memref<4x208x64xf32, #tpu.memory_space<vmem>> -> memref<1x1x64xf32, #tpu.memory_space<vmem>>
      %dma_start3A_298 = tpu.memref_squeeze %dma_start3A_297 : memref<1x1x64xf32, #tpu.memory_space<vmem>> -> memref<1x64xf32, #tpu.memory_space<vmem>>
      %dma_start3A_299 = arith.constant 0 : i32
      %dma_start3A_300 = tpu.memref_slice %arg3[%squeeze3A_289, %dma_start3A_299] : memref<1000000x64xf32, #tpu.memory_space<hbm>> -> memref<1x64xf32, #tpu.memory_space<hbm>>
      %dma_start3A_301 = tpu.memref_slice %arg7[%dma_start3A_295] : memref<4x!tpu.dma_semaphore, #tpu.memory_space<semaphore_mem>> -> memref<1x!tpu.dma_semaphore, #tpu.memory_space<semaphore_mem>>
      %dma_start3A_302 = tpu.memref_squeeze %dma_start3A_301 : memref<1x!tpu.dma_semaphore, #tpu.memory_space<semaphore_mem>> -> memref<!tpu.dma_semaphore, #tpu.memory_space<semaphore_mem>>
      %dma_start3A_303 = arith.constant 0 : i32
      %dma_start3A_304 = tpu.memref_slice %arg6[%dma_start3A_294, %add3A_293, %dma_start3A_303] : memref<4x208x64xf32, #tpu.memory_space<vmem>> -> memref<1x1x64xf32, #tpu.memory_space<vmem>>
      %dma_start3A_305 = tpu.memref_squeeze %dma_start3A_304 : memref<1x1x64xf32, #tpu.memory_space<vmem>> -> memref<1x64xf32, #tpu.memory_space<vmem>>
      %dma_start3A_306 = arith.constant 0 : i32
      %dma_start3A_307 = tpu.memref_slice %arg3[%squeeze3A_289, %dma_start3A_306] : memref<1000000x64xf32, #tpu.memory_space<hbm>> -> memref<1x64xf32, #tpu.memory_space<hbm>>
      tpu.enqueue_dma source(%dma_start3A_307 : memref<1x64xf32, #tpu.memory_space<hbm>>) target(%dma_start3A_305 : memref<1x64xf32, #tpu.memory_space<vmem>>) target_semaphore(%dma_start3A_302 : memref<!tpu.dma_semaphore, #tpu.memory_space<semaphore_mem>>)
      %slice3A_308 = vector.extract_strided_slice %get3A_189 {offsets = [6], sizes = [1], strides = [1]} : vector<16xi32> to vector<1xi32>
      %squeeze3A_309 = vector.extract %slice3A_308[0] : i32 from vector<1xi32>
      %mul3A_310 = arith.constant 16 : i32
      %mul3A_311 = arith.muli %add3A_152, %mul3A_310 : i32
      %add3A_312 = arith.constant 6 : i32
      %add3A_313 = arith.addi %mul3A_311, %add3A_312 : i32
      %dma_start3A_314 = arith.constant 0 : i32
      %dma_start3A_315 = arith.constant 0 : i32
      %dma_start3A_316 = arith.constant 0 : i32
      %dma_start3A_317 = tpu.memref_slice %arg6[%dma_start3A_314, %add3A_313, %dma_start3A_316] : memref<4x208x64xf32, #tpu.memory_space<vmem>> -> memref<1x1x64xf32, #tpu.memory_space<vmem>>
      %dma_start3A_318 = tpu.memref_squeeze %dma_start3A_317 : memref<1x1x64xf32, #tpu.memory_space<vmem>> -> memref<1x64xf32, #tpu.memory_space<vmem>>
      %dma_start3A_319 = arith.constant 0 : i32
      %dma_start3A_320 = tpu.memref_slice %arg3[%squeeze3A_309, %dma_start3A_319] : memref<1000000x64xf32, #tpu.memory_space<hbm>> -> memref<1x64xf32, #tpu.memory_space<hbm>>
      %dma_start3A_321 = tpu.memref_slice %arg7[%dma_start3A_315] : memref<4x!tpu.dma_semaphore, #tpu.memory_space<semaphore_mem>> -> memref<1x!tpu.dma_semaphore, #tpu.memory_space<semaphore_mem>>
      %dma_start3A_322 = tpu.memref_squeeze %dma_start3A_321 : memref<1x!tpu.dma_semaphore, #tpu.memory_space<semaphore_mem>> -> memref<!tpu.dma_semaphore, #tpu.memory_space<semaphore_mem>>
      %dma_start3A_323 = arith.constant 0 : i32
      %dma_start3A_324 = tpu.memref_slice %arg6[%dma_start3A_314, %add3A_313, %dma_start3A_323] : memref<4x208x64xf32, #tpu.memory_space<vmem>> -> memref<1x1x64xf32, #tpu.memory_space<vmem>>
      %dma_start3A_325 = tpu.memref_squeeze %dma_start3A_324 : memref<1x1x64xf32, #tpu.memory_space<vmem>> -> memref<1x64xf32, #tpu.memory_space<vmem>>
      %dma_start3A_326 = arith.constant 0 : i32
      %dma_start3A_327 = tpu.memref_slice %arg3[%squeeze3A_309, %dma_start3A_326] : memref<1000000x64xf32, #tpu.memory_space<hbm>> -> memref<1x64xf32, #tpu.memory_space<hbm>>
      tpu.enqueue_dma source(%dma_start3A_327 : memref<1x64xf32, #tpu.memory_space<hbm>>) target(%dma_start3A_325 : memref<1x64xf32, #tpu.memory_space<vmem>>) target_semaphore(%dma_start3A_322 : memref<!tpu.dma_semaphore, #tpu.memory_space<semaphore_mem>>)
      %slice3A_328 = vector.extract_strided_slice %get3A_189 {offsets = [7], sizes = [1], strides = [1]} : vector<16xi32> to vector<1xi32>
      %squeeze3A_329 = vector.extract %slice3A_328[0] : i32 from vector<1xi32>
      %mul3A_330 = arith.constant 16 : i32
      %mul3A_331 = arith.muli %add3A_152, %mul3A_330 : i32
      %add3A_332 = arith.constant 7 : i32
      %add3A_333 = arith.addi %mul3A_331, %add3A_332 : i32
      %dma_start3A_334 = arith.constant 0 : i32
      %dma_start3A_335 = arith.constant 0 : i32
      %dma_start3A_336 = arith.constant 0 : i32
      %dma_start3A_337 = tpu.memref_slice %arg6[%dma_start3A_334, %add3A_333, %dma_start3A_336] : memref<4x208x64xf32, #tpu.memory_space<vmem>> -> memref<1x1x64xf32, #tpu.memory_space<vmem>>
      %dma_start3A_338 = tpu.memref_squeeze %dma_start3A_337 : memref<1x1x64xf32, #tpu.memory_space<vmem>> -> memref<1x64xf32, #tpu.memory_space<vmem>>
      %dma_start3A_339 = arith.constant 0 : i32
      %dma_start3A_340 = tpu.memref_slice %arg3[%squeeze3A_329, %dma_start3A_339] : memref<1000000x64xf32, #tpu.memory_space<hbm>> -> memref<1x64xf32, #tpu.memory_space<hbm>>
      %dma_start3A_341 = tpu.memref_slice %arg7[%dma_start3A_335] : memref<4x!tpu.dma_semaphore, #tpu.memory_space<semaphore_mem>> -> memref<1x!tpu.dma_semaphore, #tpu.memory_space<semaphore_mem>>
      %dma_start3A_342 = tpu.memref_squeeze %dma_start3A_341 : memref<1x!tpu.dma_semaphore, #tpu.memory_space<semaphore_mem>> -> memref<!tpu.dma_semaphore, #tpu.memory_space<semaphore_mem>>
      %dma_start3A_343 = arith.constant 0 : i32
      %dma_start3A_344 = tpu.memref_slice %arg6[%dma_start3A_334, %add3A_333, %dma_start3A_343] : memref<4x208x64xf32, #tpu.memory_space<vmem>> -> memref<1x1x64xf32, #tpu.memory_space<vmem>>
      %dma_start3A_345 = tpu.memref_squeeze %dma_start3A_344 : memref<1x1x64xf32, #tpu.memory_space<vmem>> -> memref<1x64xf32, #tpu.memory_space<vmem>>
      %dma_start3A_346 = arith.constant 0 : i32
      %dma_start3A_347 = tpu.memref_slice %arg3[%squeeze3A_329, %dma_start3A_346] : memref<1000000x64xf32, #tpu.memory_space<hbm>> -> memref<1x64xf32, #tpu.memory_space<hbm>>
      tpu.enqueue_dma source(%dma_start3A_347 : memref<1x64xf32, #tpu.memory_space<hbm>>) target(%dma_start3A_345 : memref<1x64xf32, #tpu.memory_space<vmem>>) target_semaphore(%dma_start3A_342 : memref<!tpu.dma_semaphore, #tpu.memory_space<semaphore_mem>>)
      %slice3A_348 = vector.extract_strided_slice %get3A_189 {offsets = [8], sizes = [1], strides = [1]} : vector<16xi32> to vector<1xi32>
      %squeeze3A_349 = vector.extract %slice3A_348[0] : i32 from vector<1xi32>
      %mul3A_350 = arith.constant 16 : i32
      %mul3A_351 = arith.muli %add3A_152, %mul3A_350 : i32
      %add3A_352 = arith.constant 8 : i32
      %add3A_353 = arith.addi %mul3A_351, %add3A_352 : i32
      %dma_start3A_354 = arith.constant 0 : i32
      %dma_start3A_355 = arith.constant 0 : i32
      %dma_start3A_356 = arith.constant 0 : i32
      %dma_start3A_357 = tpu.memref_slice %arg6[%dma_start3A_354, %add3A_353, %dma_start3A_356] : memref<4x208x64xf32, #tpu.memory_space<vmem>> -> memref<1x1x64xf32, #tpu.memory_space<vmem>>
      %dma_start3A_358 = tpu.memref_squeeze %dma_start3A_357 : memref<1x1x64xf32, #tpu.memory_space<vmem>> -> memref<1x64xf32, #tpu.memory_space<vmem>>
      %dma_start3A_359 = arith.constant 0 : i32
      %dma_start3A_360 = tpu.memref_slice %arg3[%squeeze3A_349, %dma_start3A_359] : memref<1000000x64xf32, #tpu.memory_space<hbm>> -> memref<1x64xf32, #tpu.memory_space<hbm>>
      %dma_start3A_361 = tpu.memref_slice %arg7[%dma_start3A_355] : memref<4x!tpu.dma_semaphore, #tpu.memory_space<semaphore_mem>> -> memref<1x!tpu.dma_semaphore, #tpu.memory_space<semaphore_mem>>
      %dma_start3A_362 = tpu.memref_squeeze %dma_start3A_361 : memref<1x!tpu.dma_semaphore, #tpu.memory_space<semaphore_mem>> -> memref<!tpu.dma_semaphore, #tpu.memory_space<semaphore_mem>>
      %dma_start3A_363 = arith.constant 0 : i32
      %dma_start3A_364 = tpu.memref_slice %arg6[%dma_start3A_354, %add3A_353, %dma_start3A_363] : memref<4x208x64xf32, #tpu.memory_space<vmem>> -> memref<1x1x64xf32, #tpu.memory_space<vmem>>
      %dma_start3A_365 = tpu.memref_squeeze %dma_start3A_364 : memref<1x1x64xf32, #tpu.memory_space<vmem>> -> memref<1x64xf32, #tpu.memory_space<vmem>>
      %dma_start3A_366 = arith.constant 0 : i32
      %dma_start3A_367 = tpu.memref_slice %arg3[%squeeze3A_349, %dma_start3A_366] : memref<1000000x64xf32, #tpu.memory_space<hbm>> -> memref<1x64xf32, #tpu.memory_space<hbm>>
      tpu.enqueue_dma source(%dma_start3A_367 : memref<1x64xf32, #tpu.memory_space<hbm>>) target(%dma_start3A_365 : memref<1x64xf32, #tpu.memory_space<vmem>>) target_semaphore(%dma_start3A_362 : memref<!tpu.dma_semaphore, #tpu.memory_space<semaphore_mem>>)
      %slice3A_368 = vector.extract_strided_slice %get3A_189 {offsets = [9], sizes = [1], strides = [1]} : vector<16xi32> to vector<1xi32>
      %squeeze3A_369 = vector.extract %slice3A_368[0] : i32 from vector<1xi32>
      %mul3A_370 = arith.constant 16 : i32
      %mul3A_371 = arith.muli %add3A_152, %mul3A_370 : i32
      %add3A_372 = arith.constant 9 : i32
      %add3A_373 = arith.addi %mul3A_371, %add3A_372 : i32
      %dma_start3A_374 = arith.constant 0 : i32
      %dma_start3A_375 = arith.constant 0 : i32
      %dma_start3A_376 = arith.constant 0 : i32
      %dma_start3A_377 = tpu.memref_slice %arg6[%dma_start3A_374, %add3A_373, %dma_start3A_376] : memref<4x208x64xf32, #tpu.memory_space<vmem>> -> memref<1x1x64xf32, #tpu.memory_space<vmem>>
      %dma_start3A_378 = tpu.memref_squeeze %dma_start3A_377 : memref<1x1x64xf32, #tpu.memory_space<vmem>> -> memref<1x64xf32, #tpu.memory_space<vmem>>
      %dma_start3A_379 = arith.constant 0 : i32
      %dma_start3A_380 = tpu.memref_slice %arg3[%squeeze3A_369, %dma_start3A_379] : memref<1000000x64xf32, #tpu.memory_space<hbm>> -> memref<1x64xf32, #tpu.memory_space<hbm>>
      %dma_start3A_381 = tpu.memref_slice %arg7[%dma_start3A_375] : memref<4x!tpu.dma_semaphore, #tpu.memory_space<semaphore_mem>> -> memref<1x!tpu.dma_semaphore, #tpu.memory_space<semaphore_mem>>
      %dma_start3A_382 = tpu.memref_squeeze %dma_start3A_381 : memref<1x!tpu.dma_semaphore, #tpu.memory_space<semaphore_mem>> -> memref<!tpu.dma_semaphore, #tpu.memory_space<semaphore_mem>>
      %dma_start3A_383 = arith.constant 0 : i32
      %dma_start3A_384 = tpu.memref_slice %arg6[%dma_start3A_374, %add3A_373, %dma_start3A_383] : memref<4x208x64xf32, #tpu.memory_space<vmem>> -> memref<1x1x64xf32, #tpu.memory_space<vmem>>
      %dma_start3A_385 = tpu.memref_squeeze %dma_start3A_384 : memref<1x1x64xf32, #tpu.memory_space<vmem>> -> memref<1x64xf32, #tpu.memory_space<vmem>>
      %dma_start3A_386 = arith.constant 0 : i32
      %dma_start3A_387 = tpu.memref_slice %arg3[%squeeze3A_369, %dma_start3A_386] : memref<1000000x64xf32, #tpu.memory_space<hbm>> -> memref<1x64xf32, #tpu.memory_space<hbm>>
      tpu.enqueue_dma source(%dma_start3A_387 : memref<1x64xf32, #tpu.memory_space<hbm>>) target(%dma_start3A_385 : memref<1x64xf32, #tpu.memory_space<vmem>>) target_semaphore(%dma_start3A_382 : memref<!tpu.dma_semaphore, #tpu.memory_space<semaphore_mem>>)
      %slice3A_388 = vector.extract_strided_slice %get3A_189 {offsets = [10], sizes = [1], strides = [1]} : vector<16xi32> to vector<1xi32>
      %squeeze3A_389 = vector.extract %slice3A_388[0] : i32 from vector<1xi32>
      %mul3A_390 = arith.constant 16 : i32
      %mul3A_391 = arith.muli %add3A_152, %mul3A_390 : i32
      %add3A_392 = arith.constant 10 : i32
      %add3A_393 = arith.addi %mul3A_391, %add3A_392 : i32
      %dma_start3A_394 = arith.constant 0 : i32
      %dma_start3A_395 = arith.constant 0 : i32
      %dma_start3A_396 = arith.constant 0 : i32
      %dma_start3A_397 = tpu.memref_slice %arg6[%dma_start3A_394, %add3A_393, %dma_start3A_396] : memref<4x208x64xf32, #tpu.memory_space<vmem>> -> memref<1x1x64xf32, #tpu.memory_space<vmem>>
      %dma_start3A_398 = tpu.memref_squeeze %dma_start3A_397 : memref<1x1x64xf32, #tpu.memory_space<vmem>> -> memref<1x64xf32, #tpu.memory_space<vmem>>
      %dma_start3A_399 = arith.constant 0 : i32
      %dma_start3A_400 = tpu.memref_slice %arg3[%squeeze3A_389, %dma_start3A_399] : memref<1000000x64xf32, #tpu.memory_space<hbm>> -> memref<1x64xf32, #tpu.memory_space<hbm>>
      %dma_start3A_401 = tpu.memref_slice %arg7[%dma_start3A_395] : memref<4x!tpu.dma_semaphore, #tpu.memory_space<semaphore_mem>> -> memref<1x!tpu.dma_semaphore, #tpu.memory_space<semaphore_mem>>
      %dma_start3A_402 = tpu.memref_squeeze %dma_start3A_401 : memref<1x!tpu.dma_semaphore, #tpu.memory_space<semaphore_mem>> -> memref<!tpu.dma_semaphore, #tpu.memory_space<semaphore_mem>>
      %dma_start3A_403 = arith.constant 0 : i32
      %dma_start3A_404 = tpu.memref_slice %arg6[%dma_start3A_394, %add3A_393, %dma_start3A_403] : memref<4x208x64xf32, #tpu.memory_space<vmem>> -> memref<1x1x64xf32, #tpu.memory_space<vmem>>
      %dma_start3A_405 = tpu.memref_squeeze %dma_start3A_404 : memref<1x1x64xf32, #tpu.memory_space<vmem>> -> memref<1x64xf32, #tpu.memory_space<vmem>>
      %dma_start3A_406 = arith.constant 0 : i32
      %dma_start3A_407 = tpu.memref_slice %arg3[%squeeze3A_389, %dma_start3A_406] : memref<1000000x64xf32, #tpu.memory_space<hbm>> -> memref<1x64xf32, #tpu.memory_space<hbm>>
      tpu.enqueue_dma source(%dma_start3A_407 : memref<1x64xf32, #tpu.memory_space<hbm>>) target(%dma_start3A_405 : memref<1x64xf32, #tpu.memory_space<vmem>>) target_semaphore(%dma_start3A_402 : memref<!tpu.dma_semaphore, #tpu.memory_space<semaphore_mem>>)
      %slice3A_408 = vector.extract_strided_slice %get3A_189 {offsets = [11], sizes = [1], strides = [1]} : vector<16xi32> to vector<1xi32>
      %squeeze3A_409 = vector.extract %slice3A_408[0] : i32 from vector<1xi32>
      %mul3A_410 = arith.constant 16 : i32
      %mul3A_411 = arith.muli %add3A_152, %mul3A_410 : i32
      %add3A_412 = arith.constant 11 : i32
      %add3A_413 = arith.addi %mul3A_411, %add3A_412 : i32
      %dma_start3A_414 = arith.constant 0 : i32
      %dma_start3A_415 = arith.constant 0 : i32
      %dma_start3A_416 = arith.constant 0 : i32
      %dma_start3A_417 = tpu.memref_slice %arg6[%dma_start3A_414, %add3A_413, %dma_start3A_416] : memref<4x208x64xf32, #tpu.memory_space<vmem>> -> memref<1x1x64xf32, #tpu.memory_space<vmem>>
      %dma_start3A_418 = tpu.memref_squeeze %dma_start3A_417 : memref<1x1x64xf32, #tpu.memory_space<vmem>> -> memref<1x64xf32, #tpu.memory_space<vmem>>
      %dma_start3A_419 = arith.constant 0 : i32
      %dma_start3A_420 = tpu.memref_slice %arg3[%squeeze3A_409, %dma_start3A_419] : memref<1000000x64xf32, #tpu.memory_space<hbm>> -> memref<1x64xf32, #tpu.memory_space<hbm>>
      %dma_start3A_421 = tpu.memref_slice %arg7[%dma_start3A_415] : memref<4x!tpu.dma_semaphore, #tpu.memory_space<semaphore_mem>> -> memref<1x!tpu.dma_semaphore, #tpu.memory_space<semaphore_mem>>
      %dma_start3A_422 = tpu.memref_squeeze %dma_start3A_421 : memref<1x!tpu.dma_semaphore, #tpu.memory_space<semaphore_mem>> -> memref<!tpu.dma_semaphore, #tpu.memory_space<semaphore_mem>>
      %dma_start3A_423 = arith.constant 0 : i32
      %dma_start3A_424 = tpu.memref_slice %arg6[%dma_start3A_414, %add3A_413, %dma_start3A_423] : memref<4x208x64xf32, #tpu.memory_space<vmem>> -> memref<1x1x64xf32, #tpu.memory_space<vmem>>
      %dma_start3A_425 = tpu.memref_squeeze %dma_start3A_424 : memref<1x1x64xf32, #tpu.memory_space<vmem>> -> memref<1x64xf32, #tpu.memory_space<vmem>>
      %dma_start3A_426 = arith.constant 0 : i32
      %dma_start3A_427 = tpu.memref_slice %arg3[%squeeze3A_409, %dma_start3A_426] : memref<1000000x64xf32, #tpu.memory_space<hbm>> -> memref<1x64xf32, #tpu.memory_space<hbm>>
      tpu.enqueue_dma source(%dma_start3A_427 : memref<1x64xf32, #tpu.memory_space<hbm>>) target(%dma_start3A_425 : memref<1x64xf32, #tpu.memory_space<vmem>>) target_semaphore(%dma_start3A_422 : memref<!tpu.dma_semaphore, #tpu.memory_space<semaphore_mem>>)
      %slice3A_428 = vector.extract_strided_slice %get3A_189 {offsets = [12], sizes = [1], strides = [1]} : vector<16xi32> to vector<1xi32>
      %squeeze3A_429 = vector.extract %slice3A_428[0] : i32 from vector<1xi32>
      %mul3A_430 = arith.constant 16 : i32
      %mul3A_431 = arith.muli %add3A_152, %mul3A_430 : i32
      %add3A_432 = arith.constant 12 : i32
      %add3A_433 = arith.addi %mul3A_431, %add3A_432 : i32
      %dma_start3A_434 = arith.constant 0 : i32
      %dma_start3A_435 = arith.constant 0 : i32
      %dma_start3A_436 = arith.constant 0 : i32
      %dma_start3A_437 = tpu.memref_slice %arg6[%dma_start3A_434, %add3A_433, %dma_start3A_436] : memref<4x208x64xf32, #tpu.memory_space<vmem>> -> memref<1x1x64xf32, #tpu.memory_space<vmem>>
      %dma_start3A_438 = tpu.memref_squeeze %dma_start3A_437 : memref<1x1x64xf32, #tpu.memory_space<vmem>> -> memref<1x64xf32, #tpu.memory_space<vmem>>
      %dma_start3A_439 = arith.constant 0 : i32
      %dma_start3A_440 = tpu.memref_slice %arg3[%squeeze3A_429, %dma_start3A_439] : memref<1000000x64xf32, #tpu.memory_space<hbm>> -> memref<1x64xf32, #tpu.memory_space<hbm>>
      %dma_start3A_441 = tpu.memref_slice %arg7[%dma_start3A_435] : memref<4x!tpu.dma_semaphore, #tpu.memory_space<semaphore_mem>> -> memref<1x!tpu.dma_semaphore, #tpu.memory_space<semaphore_mem>>
      %dma_start3A_442 = tpu.memref_squeeze %dma_start3A_441 : memref<1x!tpu.dma_semaphore, #tpu.memory_space<semaphore_mem>> -> memref<!tpu.dma_semaphore, #tpu.memory_space<semaphore_mem>>
      %dma_start3A_443 = arith.constant 0 : i32
      %dma_start3A_444 = tpu.memref_slice %arg6[%dma_start3A_434, %add3A_433, %dma_start3A_443] : memref<4x208x64xf32, #tpu.memory_space<vmem>> -> memref<1x1x64xf32, #tpu.memory_space<vmem>>
      %dma_start3A_445 = tpu.memref_squeeze %dma_start3A_444 : memref<1x1x64xf32, #tpu.memory_space<vmem>> -> memref<1x64xf32, #tpu.memory_space<vmem>>
      %dma_start3A_446 = arith.constant 0 : i32
      %dma_start3A_447 = tpu.memref_slice %arg3[%squeeze3A_429, %dma_start3A_446] : memref<1000000x64xf32, #tpu.memory_space<hbm>> -> memref<1x64xf32, #tpu.memory_space<hbm>>
      tpu.enqueue_dma source(%dma_start3A_447 : memref<1x64xf32, #tpu.memory_space<hbm>>) target(%dma_start3A_445 : memref<1x64xf32, #tpu.memory_space<vmem>>) target_semaphore(%dma_start3A_442 : memref<!tpu.dma_semaphore, #tpu.memory_space<semaphore_mem>>)
      %slice3A_448 = vector.extract_strided_slice %get3A_189 {offsets = [13], sizes = [1], strides = [1]} : vector<16xi32> to vector<1xi32>
      %squeeze3A_449 = vector.extract %slice3A_448[0] : i32 from vector<1xi32>
      %mul3A_450 = arith.constant 16 : i32
      %mul3A_451 = arith.muli %add3A_152, %mul3A_450 : i32
      %add3A_452 = arith.constant 13 : i32
      %add3A_453 = arith.addi %mul3A_451, %add3A_452 : i32
      %dma_start3A_454 = arith.constant 0 : i32
      %dma_start3A_455 = arith.constant 0 : i32
      %dma_start3A_456 = arith.constant 0 : i32
      %dma_start3A_457 = tpu.memref_slice %arg6[%dma_start3A_454, %add3A_453, %dma_start3A_456] : memref<4x208x64xf32, #tpu.memory_space<vmem>> -> memref<1x1x64xf32, #tpu.memory_space<vmem>>
      %dma_start3A_458 = tpu.memref_squeeze %dma_start3A_457 : memref<1x1x64xf32, #tpu.memory_space<vmem>> -> memref<1x64xf32, #tpu.memory_space<vmem>>
      %dma_start3A_459 = arith.constant 0 : i32
      %dma_start3A_460 = tpu.memref_slice %arg3[%squeeze3A_449, %dma_start3A_459] : memref<1000000x64xf32, #tpu.memory_space<hbm>> -> memref<1x64xf32, #tpu.memory_space<hbm>>
      %dma_start3A_461 = tpu.memref_slice %arg7[%dma_start3A_455] : memref<4x!tpu.dma_semaphore, #tpu.memory_space<semaphore_mem>> -> memref<1x!tpu.dma_semaphore, #tpu.memory_space<semaphore_mem>>
      %dma_start3A_462 = tpu.memref_squeeze %dma_start3A_461 : memref<1x!tpu.dma_semaphore, #tpu.memory_space<semaphore_mem>> -> memref<!tpu.dma_semaphore, #tpu.memory_space<semaphore_mem>>
      %dma_start3A_463 = arith.constant 0 : i32
      %dma_start3A_464 = tpu.memref_slice %arg6[%dma_start3A_454, %add3A_453, %dma_start3A_463] : memref<4x208x64xf32, #tpu.memory_space<vmem>> -> memref<1x1x64xf32, #tpu.memory_space<vmem>>
      %dma_start3A_465 = tpu.memref_squeeze %dma_start3A_464 : memref<1x1x64xf32, #tpu.memory_space<vmem>> -> memref<1x64xf32, #tpu.memory_space<vmem>>
      %dma_start3A_466 = arith.constant 0 : i32
      %dma_start3A_467 = tpu.memref_slice %arg3[%squeeze3A_449, %dma_start3A_466] : memref<1000000x64xf32, #tpu.memory_space<hbm>> -> memref<1x64xf32, #tpu.memory_space<hbm>>
      tpu.enqueue_dma source(%dma_start3A_467 : memref<1x64xf32, #tpu.memory_space<hbm>>) target(%dma_start3A_465 : memref<1x64xf32, #tpu.memory_space<vmem>>) target_semaphore(%dma_start3A_462 : memref<!tpu.dma_semaphore, #tpu.memory_space<semaphore_mem>>)
      %slice3A_468 = vector.extract_strided_slice %get3A_189 {offsets = [14], sizes = [1], strides = [1]} : vector<16xi32> to vector<1xi32>
      %squeeze3A_469 = vector.extract %slice3A_468[0] : i32 from vector<1xi32>
      %mul3A_470 = arith.constant 16 : i32
      %mul3A_471 = arith.muli %add3A_152, %mul3A_470 : i32
      %add3A_472 = arith.constant 14 : i32
      %add3A_473 = arith.addi %mul3A_471, %add3A_472 : i32
      %dma_start3A_474 = arith.constant 0 : i32
      %dma_start3A_475 = arith.constant 0 : i32
      %dma_start3A_476 = arith.constant 0 : i32
      %dma_start3A_477 = tpu.memref_slice %arg6[%dma_start3A_474, %add3A_473, %dma_start3A_476] : memref<4x208x64xf32, #tpu.memory_space<vmem>> -> memref<1x1x64xf32, #tpu.memory_space<vmem>>
      %dma_start3A_478 = tpu.memref_squeeze %dma_start3A_477 : memref<1x1x64xf32, #tpu.memory_space<vmem>> -> memref<1x64xf32, #tpu.memory_space<vmem>>
      %dma_start3A_479 = arith.constant 0 : i32
      %dma_start3A_480 = tpu.memref_slice %arg3[%squeeze3A_469, %dma_start3A_479] : memref<1000000x64xf32, #tpu.memory_space<hbm>> -> memref<1x64xf32, #tpu.memory_space<hbm>>
      %dma_start3A_481 = tpu.memref_slice %arg7[%dma_start3A_475] : memref<4x!tpu.dma_semaphore, #tpu.memory_space<semaphore_mem>> -> memref<1x!tpu.dma_semaphore, #tpu.memory_space<semaphore_mem>>
      %dma_start3A_482 = tpu.memref_squeeze %dma_start3A_481 : memref<1x!tpu.dma_semaphore, #tpu.memory_space<semaphore_mem>> -> memref<!tpu.dma_semaphore, #tpu.memory_space<semaphore_mem>>
      %dma_start3A_483 = arith.constant 0 : i32
      %dma_start3A_484 = tpu.memref_slice %arg6[%dma_start3A_474, %add3A_473, %dma_start3A_483] : memref<4x208x64xf32, #tpu.memory_space<vmem>> -> memref<1x1x64xf32, #tpu.memory_space<vmem>>
      %dma_start3A_485 = tpu.memref_squeeze %dma_start3A_484 : memref<1x1x64xf32, #tpu.memory_space<vmem>> -> memref<1x64xf32, #tpu.memory_space<vmem>>
      %dma_start3A_486 = arith.constant 0 : i32
      %dma_start3A_487 = tpu.memref_slice %arg3[%squeeze3A_469, %dma_start3A_486] : memref<1000000x64xf32, #tpu.memory_space<hbm>> -> memref<1x64xf32, #tpu.memory_space<hbm>>
      tpu.enqueue_dma source(%dma_start3A_487 : memref<1x64xf32, #tpu.memory_space<hbm>>) target(%dma_start3A_485 : memref<1x64xf32, #tpu.memory_space<vmem>>) target_semaphore(%dma_start3A_482 : memref<!tpu.dma_semaphore, #tpu.memory_space<semaphore_mem>>)
      %slice3A_488 = vector.extract_strided_slice %get3A_189 {offsets = [15], sizes = [1], strides = [1]} : vector<16xi32> to vector<1xi32>
      %squeeze3A_489 = vector.extract %slice3A_488[0] : i32 from vector<1xi32>
      %mul3A_490 = arith.constant 16 : i32
      %mul3A_491 = arith.muli %add3A_152, %mul3A_490 : i32
      %add3A_492 = arith.constant 15 : i32
      %add3A_493 = arith.addi %mul3A_491, %add3A_492 : i32
      %dma_start3A_494 = arith.constant 0 : i32
      %dma_start3A_495 = arith.constant 0 : i32
      %dma_start3A_496 = arith.constant 0 : i32
      %dma_start3A_497 = tpu.memref_slice %arg6[%dma_start3A_494, %add3A_493, %dma_start3A_496] : memref<4x208x64xf32, #tpu.memory_space<vmem>> -> memref<1x1x64xf32, #tpu.memory_space<vmem>>
      %dma_start3A_498 = tpu.memref_squeeze %dma_start3A_497 : memref<1x1x64xf32, #tpu.memory_space<vmem>> -> memref<1x64xf32, #tpu.memory_space<vmem>>
      %dma_start3A_499 = arith.constant 0 : i32
      %dma_start3A_500 = tpu.memref_slice %arg3[%squeeze3A_489, %dma_start3A_499] : memref<1000000x64xf32, #tpu.memory_space<hbm>> -> memref<1x64xf32, #tpu.memory_space<hbm>>
      %dma_start3A_501 = tpu.memref_slice %arg7[%dma_start3A_495] : memref<4x!tpu.dma_semaphore, #tpu.memory_space<semaphore_mem>> -> memref<1x!tpu.dma_semaphore, #tpu.memory_space<semaphore_mem>>
      %dma_start3A_502 = tpu.memref_squeeze %dma_start3A_501 : memref<1x!tpu.dma_semaphore, #tpu.memory_space<semaphore_mem>> -> memref<!tpu.dma_semaphore, #tpu.memory_space<semaphore_mem>>
      %dma_start3A_503 = arith.constant 0 : i32
      %dma_start3A_504 = tpu.memref_slice %arg6[%dma_start3A_494, %add3A_493, %dma_start3A_503] : memref<4x208x64xf32, #tpu.memory_space<vmem>> -> memref<1x1x64xf32, #tpu.memory_space<vmem>>
      %dma_start3A_505 = tpu.memref_squeeze %dma_start3A_504 : memref<1x1x64xf32, #tpu.memory_space<vmem>> -> memref<1x64xf32, #tpu.memory_space<vmem>>
      %dma_start3A_506 = arith.constant 0 : i32
      %dma_start3A_507 = tpu.memref_slice %arg3[%squeeze3A_489, %dma_start3A_506] : memref<1000000x64xf32, #tpu.memory_space<hbm>> -> memref<1x64xf32, #tpu.memory_space<hbm>>
      tpu.enqueue_dma source(%dma_start3A_507 : memref<1x64xf32, #tpu.memory_space<hbm>>) target(%dma_start3A_505 : memref<1x64xf32, #tpu.memory_space<vmem>>) target_semaphore(%dma_start3A_502 : memref<!tpu.dma_semaphore, #tpu.memory_space<semaphore_mem>>)
    }
    %scan3A_8 = arith.constant 13 : i32
    %scan3A_9 = arith.constant 0 : i32
    %scan3A_10 = arith.constant 16 : i32
    %scan3A_11 = arith.addi %scan3A_9, %scan3A_10 : i32
    %scan3A_12 = arith.constant 1 : i32
    scf.for %scan3A_148 = %scan3A_9 to %scan3A_11 step %scan3A_12  : i32 {
      %mul3A_149 = arith.constant 4 : i32
      %mul3A_150 = arith.muli %scan3A_148, %mul3A_149 : i32
      %add3A_151 = arith.constant 0 : i32
      %add3A_152 = arith.addi %add3A_151, %mul3A_150 : i32
      %add3A_153 = arith.constant 0 : i32
      %add3A_154 = arith.addi %add3A_152, %add3A_153 : i32
      %sub3A = arith.constant 2 : i32
      %sub3A_155 = arith.subi %add3A_154, %sub3A : i32
      %ge3A = arith.constant 0 : i32
      %ge3A_156 = arith.cmpi sge, %sub3A_155, %ge3A : i32
      %convert_element_type3A = arith.extui %ge3A_156 : i1 to i32
      %cond3A = arith.constant 0 : i32
      %cond3A_157 = arith.cmpi ne, %convert_element_type3A, %cond3A : i32
      scf.if %cond3A_157 {
        %dma_wait3A_212 = arith.constant 2 : i32
        %dma_wait3A_213 = arith.constant 2 : i32
        %dma_wait3A_214 = arith.constant 0 : i32
        %dma_wait3A_215 = arith.constant 0 : i32
        %dma_wait3A_216 = tpu.memref_slice %arg6[%dma_wait3A_212, %dma_wait3A_214, %dma_wait3A_215] : memref<4x208x64xf32, #tpu.memory_space<vmem>> -> memref<1x208x64xf32, #tpu.memory_space<vmem>>
        %dma_wait3A_217 = tpu.memref_squeeze %dma_wait3A_216 : memref<1x208x64xf32, #tpu.memory_space<vmem>> -> memref<208x64xf32, #tpu.memory_space<vmem>>
        %dma_wait3A_218 = arith.constant 0 : i32
        %dma_wait3A_219 = arith.constant 0 : i32
        %dma_wait3A_220 = tpu.memref_slice %arg3[%dma_wait3A_218, %dma_wait3A_219] : memref<1000000x64xf32, #tpu.memory_space<hbm>> -> memref<208x64xf32, #tpu.memory_space<hbm>>
        %dma_wait3A_221 = tpu.memref_slice %arg7[%dma_wait3A_213] : memref<4x!tpu.dma_semaphore, #tpu.memory_space<semaphore_mem>> -> memref<1x!tpu.dma_semaphore, #tpu.memory_space<semaphore_mem>>
        %dma_wait3A_222 = tpu.memref_squeeze %dma_wait3A_221 : memref<1x!tpu.dma_semaphore, #tpu.memory_space<semaphore_mem>> -> memref<!tpu.dma_semaphore, #tpu.memory_space<semaphore_mem>>
        %dma_wait3A_223 = arith.constant 0 : i32
        %dma_wait3A_224 = arith.constant 0 : i32
        %dma_wait3A_225 = tpu.memref_slice %arg6[%dma_wait3A_212, %dma_wait3A_223, %dma_wait3A_224] : memref<4x208x64xf32, #tpu.memory_space<vmem>> -> memref<1x208x64xf32, #tpu.memory_space<vmem>>
        %dma_wait3A_226 = tpu.memref_squeeze %dma_wait3A_225 : memref<1x208x64xf32, #tpu.memory_space<vmem>> -> memref<208x64xf32, #tpu.memory_space<vmem>>
        %dma_wait3A_227 = arith.constant 0 : i32
        %dma_wait3A_228 = arith.constant 0 : i32
        %dma_wait3A_229 = tpu.memref_slice %arg3[%dma_wait3A_227, %dma_wait3A_228] : memref<1000000x64xf32, #tpu.memory_space<hbm>> -> memref<208x64xf32, #tpu.memory_space<hbm>>
        tpu.wait_dma2 semaphore(%dma_wait3A_222 : memref<!tpu.dma_semaphore, #tpu.memory_space<semaphore_mem>>) src(%dma_wait3A_229 : memref<208x64xf32, #tpu.memory_space<hbm>>) dst(%dma_wait3A_226 : memref<208x64xf32, #tpu.memory_space<vmem>>)
        %mul3A_230 = arith.constant 208 : i32
        %mul3A_231 = arith.muli %sub3A_155, %mul3A_230 : i32
        %add3A_232 = arith.addi %mul3A_4, %mul3A_231 : i32
        %dma_start3A_233 = arith.constant 2 : i32
        %dma_start3A_234 = arith.constant 2 : i32
        %dma_start3A_235 = arith.constant 0 : i32
        %dma_start3A_236 = arith.constant 0 : i32
        %dma_start3A_237 = tpu.memref_slice %arg6[%dma_start3A_233, %dma_start3A_235, %dma_start3A_236] : memref<4x208x64xf32, #tpu.memory_space<vmem>> -> memref<1x208x64xf32, #tpu.memory_space<vmem>>
        %dma_start3A_238 = tpu.memref_squeeze %dma_start3A_237 : memref<1x208x64xf32, #tpu.memory_space<vmem>> -> memref<208x64xf32, #tpu.memory_space<vmem>>
        %dma_start3A_239 = arith.constant 0 : i32
        %dma_start3A_240 = tpu.memref_slice %arg4[%add3A_232, %dma_start3A_239] : memref<425984x64xf32, #tpu.memory_space<hbm>> -> memref<208x64xf32, #tpu.memory_space<hbm>>
        %dma_start3A_241 = tpu.memref_slice %arg8[%dma_start3A_234] : memref<4x!tpu.dma_semaphore, #tpu.memory_space<semaphore_mem>> -> memref<1x!tpu.dma_semaphore, #tpu.memory_space<semaphore_mem>>
        %dma_start3A_242 = tpu.memref_squeeze %dma_start3A_241 : memref<1x!tpu.dma_semaphore, #tpu.memory_space<semaphore_mem>> -> memref<!tpu.dma_semaphore, #tpu.memory_space<semaphore_mem>>
        %dma_start3A_243 = arith.constant 0 : i32
        %dma_start3A_244 = tpu.memref_slice %arg4[%add3A_232, %dma_start3A_243] : memref<425984x64xf32, #tpu.memory_space<hbm>> -> memref<208x64xf32, #tpu.memory_space<hbm>>
        %dma_start3A_245 = arith.constant 0 : i32
        %dma_start3A_246 = arith.constant 0 : i32
        %dma_start3A_247 = tpu.memref_slice %arg6[%dma_start3A_233, %dma_start3A_245, %dma_start3A_246] : memref<4x208x64xf32, #tpu.memory_space<vmem>> -> memref<1x208x64xf32, #tpu.memory_space<vmem>>
        %dma_start3A_248 = tpu.memref_squeeze %dma_start3A_247 : memref<1x208x64xf32, #tpu.memory_space<vmem>> -> memref<208x64xf32, #tpu.memory_space<vmem>>
        tpu.enqueue_dma source(%dma_start3A_248 : memref<208x64xf32, #tpu.memory_space<vmem>>) target(%dma_start3A_244 : memref<208x64xf32, #tpu.memory_space<hbm>>) target_semaphore(%dma_start3A_242 : memref<!tpu.dma_semaphore, #tpu.memory_space<semaphore_mem>>)
      } else {
      }
      %add3A_158 = arith.constant 1 : i32
      %add3A_159 = arith.addi %add3A_154, %add3A_158 : i32
      %lt3A = arith.constant 64 : i32
      %lt3A_160 = arith.cmpi slt, %add3A_159, %lt3A : i32
      %convert_element_type3A_161 = arith.extui %lt3A_160 : i1 to i32
      %cond3A_162 = arith.constant 0 : i32
      %cond3A_163 = arith.cmpi ne, %convert_element_type3A_161, %cond3A_162 : i32
      scf.if %cond3A_163 {
        %ge3A_212 = arith.constant 4 : i32
        %ge3A_213 = arith.cmpi sge, %add3A_159, %ge3A_212 : i32
        %convert_element_type3A_214 = arith.extui %ge3A_213 : i1 to i32
        %cond3A_215 = arith.constant 0 : i32
        %cond3A_216 = arith.cmpi ne, %convert_element_type3A_214, %cond3A_215 : i32
        scf.if %cond3A_216 {
          %dma_wait3A_222 = arith.constant 1 : i32
          %dma_wait3A_223 = arith.constant 1 : i32
          %dma_wait3A_224 = arith.constant 0 : i32
          %dma_wait3A_225 = arith.constant 0 : i32
          %dma_wait3A_226 = tpu.memref_slice %arg6[%dma_wait3A_222, %dma_wait3A_224, %dma_wait3A_225] : memref<4x208x64xf32, #tpu.memory_space<vmem>> -> memref<1x208x64xf32, #tpu.memory_space<vmem>>
          %dma_wait3A_227 = tpu.memref_squeeze %dma_wait3A_226 : memref<1x208x64xf32, #tpu.memory_space<vmem>> -> memref<208x64xf32, #tpu.memory_space<vmem>>
          %dma_wait3A_228 = arith.constant 0 : i32
          %dma_wait3A_229 = tpu.memref_slice %arg4[%mul3A_4, %dma_wait3A_228] : memref<425984x64xf32, #tpu.memory_space<hbm>> -> memref<208x64xf32, #tpu.memory_space<hbm>>
          %dma_wait3A_230 = tpu.memref_slice %arg8[%dma_wait3A_223] : memref<4x!tpu.dma_semaphore, #tpu.memory_space<semaphore_mem>> -> memref<1x!tpu.dma_semaphore, #tpu.memory_space<semaphore_mem>>
          %dma_wait3A_231 = tpu.memref_squeeze %dma_wait3A_230 : memref<1x!tpu.dma_semaphore, #tpu.memory_space<semaphore_mem>> -> memref<!tpu.dma_semaphore, #tpu.memory_space<semaphore_mem>>
          %dma_wait3A_232 = arith.constant 0 : i32
          %dma_wait3A_233 = tpu.memref_slice %arg4[%mul3A_4, %dma_wait3A_232] : memref<425984x64xf32, #tpu.memory_space<hbm>> -> memref<208x64xf32, #tpu.memory_space<hbm>>
          %dma_wait3A_234 = arith.constant 0 : i32
          %dma_wait3A_235 = arith.constant 0 : i32
          %dma_wait3A_236 = tpu.memref_slice %arg6[%dma_wait3A_222, %dma_wait3A_234, %dma_wait3A_235] : memref<4x208x64xf32, #tpu.memory_space<vmem>> -> memref<1x208x64xf32, #tpu.memory_space<vmem>>
          %dma_wait3A_237 = tpu.memref_squeeze %dma_wait3A_236 : memref<1x208x64xf32, #tpu.memory_space<vmem>> -> memref<208x64xf32, #tpu.memory_space<vmem>>
          tpu.wait_dma2 semaphore(%dma_wait3A_231 : memref<!tpu.dma_semaphore, #tpu.memory_space<semaphore_mem>>) src(%dma_wait3A_237 : memref<208x64xf32, #tpu.memory_space<vmem>>) dst(%dma_wait3A_233 : memref<208x64xf32, #tpu.memory_space<hbm>>)
        } else {
        }
        %scan3A_217 = arith.constant 0 : i32
        %scan3A_218 = arith.constant 13 : i32
        %scan3A_219 = arith.addi %scan3A_217, %scan3A_218 : i32
        %scan3A_220 = arith.constant 1 : i32
        scf.for %scan3A_222 = %scan3A_217 to %scan3A_219 step %scan3A_220  : i32 {
          %mul3A_223 = arith.constant 1 : i32
          %mul3A_224 = arith.muli %scan3A_222, %mul3A_223 : i32
          %add3A_225 = arith.constant 0 : i32
          %add3A_226 = arith.addi %add3A_225, %mul3A_224 : i32
          %mul3A_227 = arith.constant 208 : i32
          %mul3A_228 = arith.muli %add3A_159, %mul3A_227 : i32
          %mul3A_229 = arith.constant 16 : i32
          %mul3A_230 = arith.muli %add3A_226, %mul3A_229 : i32
          %add3A_231 = arith.addi %mul3A_228, %mul3A_230 : i32
          %jit3A = arith.constant 128 : i32
          %div3A = arith.divsi %add3A_231, %jit3A : i32
          %sign3A = arith.constant 0 : i32
          %sign3A_232 = arith.cmpi sgt, %add3A_231, %sign3A : i32
          %sign3A_233 = arith.extui %sign3A_232 : i1 to i32
          %sign3A_234 = arith.constant 0 : i32
          %sign3A_235 = arith.cmpi slt, %add3A_231, %sign3A_234 : i32
          %sign3A_236 = arith.extui %sign3A_235 : i1 to i32
          %sign3A_237 = arith.subi %sign3A_233, %sign3A_236 : i32
          %sign3A_238 = arith.constant 0 : i32
          %sign3A_239 = arith.cmpi sgt, %jit3A, %sign3A_238 : i32
          %sign3A_240 = arith.extui %sign3A_239 : i1 to i32
          %sign3A_241 = arith.constant 0 : i32
          %sign3A_242 = arith.cmpi slt, %jit3A, %sign3A_241 : i32
          %sign3A_243 = arith.extui %sign3A_242 : i1 to i32
          %sign3A_244 = arith.subi %sign3A_240, %sign3A_243 : i32
          %ne3A = arith.cmpi ne, %sign3A_237, %sign3A_244 : i32
          %rem3A = arith.remsi %add3A_231, %jit3A : i32
          %ne3A_245 = arith.constant 0 : i32
          %ne3A_246 = arith.cmpi ne, %rem3A, %ne3A_245 : i32
          %and3A = arith.andi %ne3A, %ne3A_246 : i1
          %sub3A_247 = arith.constant 1 : i32
          %sub3A_248 = arith.subi %div3A, %sub3A_247 : i32
          %select_n3A = arith.select %and3A, %sub3A_248, %div3A : i32
          %jit3A_249 = arith.constant 128 : i32
          %eq3A = arith.constant 0 : i32
          %eq3A_250 = arith.cmpi eq, %jit3A_249, %eq3A : i32
          %jit3A_251 = arith.constant 1 : i32
          %select_n3A_252 = arith.select %eq3A_250, %jit3A_251, %jit3A_249 : i32
          %rem3A_253 = arith.remsi %add3A_231, %select_n3A_252 : i32
          %ne3A_254 = arith.constant 0 : i32
          %ne3A_255 = arith.cmpi ne, %rem3A_253, %ne3A_254 : i32
          %lt3A_256 = arith.constant 0 : i32
          %lt3A_257 = arith.cmpi slt, %rem3A_253, %lt3A_256 : i32
          %lt3A_258 = arith.constant 0 : i32
          %lt3A_259 = arith.cmpi slt, %select_n3A_252, %lt3A_258 : i32
          %ne3A_260 = arith.xori %lt3A_257, %lt3A_259 : i1
          %and3A_261 = arith.andi %ne3A_260, %ne3A_255 : i1
          %add3A_262 = arith.addi %rem3A_253, %select_n3A_252 : i32
          %select_n3A_263 = arith.select %and3A_261, %add3A_262, %rem3A_253 : i32
          %get3A = arith.index_cast %select_n3A : i32 to index
          %get3A_264 = arith.index_cast %select_n3A_263 : i32 to index
          %get3A_265 = tpu.vector_load %arg5[%get3A, %get3A_264] {strides = array<i32>} : memref<104x128xi32, #tpu.memory_space<vmem>>, vector<1x16xi32>,
          %get3A_266 = vector.shape_cast %get3A_265 : vector<1x16xi32> to vector<16xi32>
          %slice3A = vector.extract_strided_slice %get3A_266 {offsets = [0], sizes = [1], strides = [1]} : vector<16xi32> to vector<1xi32>
          %squeeze3A = vector.extract %slice3A[0] : i32 from vector<1xi32>
          %mul3A_267 = arith.constant 16 : i32
          %mul3A_268 = arith.muli %add3A_226, %mul3A_267 : i32
          %add3A_269 = arith.constant 0 : i32
          %add3A_270 = arith.addi %mul3A_268, %add3A_269 : i32
          %dma_start3A_271 = arith.constant 1 : i32
          %dma_start3A_272 = arith.constant 1 : i32
          %dma_start3A_273 = arith.constant 0 : i32
          %dma_start3A_274 = tpu.memref_slice %arg6[%dma_start3A_271, %add3A_270, %dma_start3A_273] : memref<4x208x64xf32, #tpu.memory_space<vmem>> -> memref<1x1x64xf32, #tpu.memory_space<vmem>>
          %dma_start3A_275 = tpu.memref_squeeze %dma_start3A_274 : memref<1x1x64xf32, #tpu.memory_space<vmem>> -> memref<1x64xf32, #tpu.memory_space<vmem>>
          %dma_start3A_276 = arith.constant 0 : i32
          %dma_start3A_277 = tpu.memref_slice %arg3[%squeeze3A, %dma_start3A_276] : memref<1000000x64xf32, #tpu.memory_space<hbm>> -> memref<1x64xf32, #tpu.memory_space<hbm>>
          %dma_start3A_278 = tpu.memref_slice %arg7[%dma_start3A_272] : memref<4x!tpu.dma_semaphore, #tpu.memory_space<semaphore_mem>> -> memref<1x!tpu.dma_semaphore, #tpu.memory_space<semaphore_mem>>
          %dma_start3A_279 = tpu.memref_squeeze %dma_start3A_278 : memref<1x!tpu.dma_semaphore, #tpu.memory_space<semaphore_mem>> -> memref<!tpu.dma_semaphore, #tpu.memory_space<semaphore_mem>>
          %dma_start3A_280 = arith.constant 0 : i32
          %dma_start3A_281 = tpu.memref_slice %arg6[%dma_start3A_271, %add3A_270, %dma_start3A_280] : memref<4x208x64xf32, #tpu.memory_space<vmem>> -> memref<1x1x64xf32, #tpu.memory_space<vmem>>
          %dma_start3A_282 = tpu.memref_squeeze %dma_start3A_281 : memref<1x1x64xf32, #tpu.memory_space<vmem>> -> memref<1x64xf32, #tpu.memory_space<vmem>>
          %dma_start3A_283 = arith.constant 0 : i32
          %dma_start3A_284 = tpu.memref_slice %arg3[%squeeze3A, %dma_start3A_283] : memref<1000000x64xf32, #tpu.memory_space<hbm>> -> memref<1x64xf32, #tpu.memory_space<hbm>>
          tpu.enqueue_dma source(%dma_start3A_284 : memref<1x64xf32, #tpu.memory_space<hbm>>) target(%dma_start3A_282 : memref<1x64xf32, #tpu.memory_space<vmem>>) target_semaphore(%dma_start3A_279 : memref<!tpu.dma_semaphore, #tpu.memory_space<semaphore_mem>>)
          %slice3A_285 = vector.extract_strided_slice %get3A_266 {offsets = [1], sizes = [1], strides = [1]} : vector<16xi32> to vector<1xi32>
          %squeeze3A_286 = vector.extract %slice3A_285[0] : i32 from vector<1xi32>
          %mul3A_287 = arith.constant 16 : i32
          %mul3A_288 = arith.muli %add3A_226, %mul3A_287 : i32
          %add3A_289 = arith.constant 1 : i32
          %add3A_290 = arith.addi %mul3A_288, %add3A_289 : i32
          %dma_start3A_291 = arith.constant 1 : i32
          %dma_start3A_292 = arith.constant 1 : i32
          %dma_start3A_293 = arith.constant 0 : i32
          %dma_start3A_294 = tpu.memref_slice %arg6[%dma_start3A_291, %add3A_290, %dma_start3A_293] : memref<4x208x64xf32, #tpu.memory_space<vmem>> -> memref<1x1x64xf32, #tpu.memory_space<vmem>>
          %dma_start3A_295 = tpu.memref_squeeze %dma_start3A_294 : memref<1x1x64xf32, #tpu.memory_space<vmem>> -> memref<1x64xf32, #tpu.memory_space<vmem>>
          %dma_start3A_296 = arith.constant 0 : i32
          %dma_start3A_297 = tpu.memref_slice %arg3[%squeeze3A_286, %dma_start3A_296] : memref<1000000x64xf32, #tpu.memory_space<hbm>> -> memref<1x64xf32, #tpu.memory_space<hbm>>
          %dma_start3A_298 = tpu.memref_slice %arg7[%dma_start3A_292] : memref<4x!tpu.dma_semaphore, #tpu.memory_space<semaphore_mem>> -> memref<1x!tpu.dma_semaphore, #tpu.memory_space<semaphore_mem>>
          %dma_start3A_299 = tpu.memref_squeeze %dma_start3A_298 : memref<1x!tpu.dma_semaphore, #tpu.memory_space<semaphore_mem>> -> memref<!tpu.dma_semaphore, #tpu.memory_space<semaphore_mem>>
          %dma_start3A_300 = arith.constant 0 : i32
          %dma_start3A_301 = tpu.memref_slice %arg6[%dma_start3A_291, %add3A_290, %dma_start3A_300] : memref<4x208x64xf32, #tpu.memory_space<vmem>> -> memref<1x1x64xf32, #tpu.memory_space<vmem>>
          %dma_start3A_302 = tpu.memref_squeeze %dma_start3A_301 : memref<1x1x64xf32, #tpu.memory_space<vmem>> -> memref<1x64xf32, #tpu.memory_space<vmem>>
          %dma_start3A_303 = arith.constant 0 : i32
          %dma_start3A_304 = tpu.memref_slice %arg3[%squeeze3A_286, %dma_start3A_303] : memref<1000000x64xf32, #tpu.memory_space<hbm>> -> memref<1x64xf32, #tpu.memory_space<hbm>>
          tpu.enqueue_dma source(%dma_start3A_304 : memref<1x64xf32, #tpu.memory_space<hbm>>) target(%dma_start3A_302 : memref<1x64xf32, #tpu.memory_space<vmem>>) target_semaphore(%dma_start3A_299 : memref<!tpu.dma_semaphore, #tpu.memory_space<semaphore_mem>>)
          %slice3A_305 = vector.extract_strided_slice %get3A_266 {offsets = [2], sizes = [1], strides = [1]} : vector<16xi32> to vector<1xi32>
          %squeeze3A_306 = vector.extract %slice3A_305[0] : i32 from vector<1xi32>
          %mul3A_307 = arith.constant 16 : i32
          %mul3A_308 = arith.muli %add3A_226, %mul3A_307 : i32
          %add3A_309 = arith.constant 2 : i32
          %add3A_310 = arith.addi %mul3A_308, %add3A_309 : i32
          %dma_start3A_311 = arith.constant 1 : i32
          %dma_start3A_312 = arith.constant 1 : i32
          %dma_start3A_313 = arith.constant 0 : i32
          %dma_start3A_314 = tpu.memref_slice %arg6[%dma_start3A_311, %add3A_310, %dma_start3A_313] : memref<4x208x64xf32, #tpu.memory_space<vmem>> -> memref<1x1x64xf32, #tpu.memory_space<vmem>>
          %dma_start3A_315 = tpu.memref_squeeze %dma_start3A_314 : memref<1x1x64xf32, #tpu.memory_space<vmem>> -> memref<1x64xf32, #tpu.memory_space<vmem>>
          %dma_start3A_316 = arith.constant 0 : i32
          %dma_start3A_317 = tpu.memref_slice %arg3[%squeeze3A_306, %dma_start3A_316] : memref<1000000x64xf32, #tpu.memory_space<hbm>> -> memref<1x64xf32, #tpu.memory_space<hbm>>
          %dma_start3A_318 = tpu.memref_slice %arg7[%dma_start3A_312] : memref<4x!tpu.dma_semaphore, #tpu.memory_space<semaphore_mem>> -> memref<1x!tpu.dma_semaphore, #tpu.memory_space<semaphore_mem>>
          %dma_start3A_319 = tpu.memref_squeeze %dma_start3A_318 : memref<1x!tpu.dma_semaphore, #tpu.memory_space<semaphore_mem>> -> memref<!tpu.dma_semaphore, #tpu.memory_space<semaphore_mem>>
          %dma_start3A_320 = arith.constant 0 : i32
          %dma_start3A_321 = tpu.memref_slice %arg6[%dma_start3A_311, %add3A_310, %dma_start3A_320] : memref<4x208x64xf32, #tpu.memory_space<vmem>> -> memref<1x1x64xf32, #tpu.memory_space<vmem>>
          %dma_start3A_322 = tpu.memref_squeeze %dma_start3A_321 : memref<1x1x64xf32, #tpu.memory_space<vmem>> -> memref<1x64xf32, #tpu.memory_space<vmem>>
          %dma_start3A_323 = arith.constant 0 : i32
          %dma_start3A_324 = tpu.memref_slice %arg3[%squeeze3A_306, %dma_start3A_323] : memref<1000000x64xf32, #tpu.memory_space<hbm>> -> memref<1x64xf32, #tpu.memory_space<hbm>>
          tpu.enqueue_dma source(%dma_start3A_324 : memref<1x64xf32, #tpu.memory_space<hbm>>) target(%dma_start3A_322 : memref<1x64xf32, #tpu.memory_space<vmem>>) target_semaphore(%dma_start3A_319 : memref<!tpu.dma_semaphore, #tpu.memory_space<semaphore_mem>>)
          %slice3A_325 = vector.extract_strided_slice %get3A_266 {offsets = [3], sizes = [1], strides = [1]} : vector<16xi32> to vector<1xi32>
          %squeeze3A_326 = vector.extract %slice3A_325[0] : i32 from vector<1xi32>
          %mul3A_327 = arith.constant 16 : i32
          %mul3A_328 = arith.muli %add3A_226, %mul3A_327 : i32
          %add3A_329 = arith.constant 3 : i32
          %add3A_330 = arith.addi %mul3A_328, %add3A_329 : i32
          %dma_start3A_331 = arith.constant 1 : i32
          %dma_start3A_332 = arith.constant 1 : i32
          %dma_start3A_333 = arith.constant 0 : i32
          %dma_start3A_334 = tpu.memref_slice %arg6[%dma_start3A_331, %add3A_330, %dma_start3A_333] : memref<4x208x64xf32, #tpu.memory_space<vmem>> -> memref<1x1x64xf32, #tpu.memory_space<vmem>>
          %dma_start3A_335 = tpu.memref_squeeze %dma_start3A_334 : memref<1x1x64xf32, #tpu.memory_space<vmem>> -> memref<1x64xf32, #tpu.memory_space<vmem>>
          %dma_start3A_336 = arith.constant 0 : i32
          %dma_start3A_337 = tpu.memref_slice %arg3[%squeeze3A_326, %dma_start3A_336] : memref<1000000x64xf32, #tpu.memory_space<hbm>> -> memref<1x64xf32, #tpu.memory_space<hbm>>
          %dma_start3A_338 = tpu.memref_slice %arg7[%dma_start3A_332] : memref<4x!tpu.dma_semaphore, #tpu.memory_space<semaphore_mem>> -> memref<1x!tpu.dma_semaphore, #tpu.memory_space<semaphore_mem>>
          %dma_start3A_339 = tpu.memref_squeeze %dma_start3A_338 : memref<1x!tpu.dma_semaphore, #tpu.memory_space<semaphore_mem>> -> memref<!tpu.dma_semaphore, #tpu.memory_space<semaphore_mem>>
          %dma_start3A_340 = arith.constant 0 : i32
          %dma_start3A_341 = tpu.memref_slice %arg6[%dma_start3A_331, %add3A_330, %dma_start3A_340] : memref<4x208x64xf32, #tpu.memory_space<vmem>> -> memref<1x1x64xf32, #tpu.memory_space<vmem>>
          %dma_start3A_342 = tpu.memref_squeeze %dma_start3A_341 : memref<1x1x64xf32, #tpu.memory_space<vmem>> -> memref<1x64xf32, #tpu.memory_space<vmem>>
          %dma_start3A_343 = arith.constant 0 : i32
          %dma_start3A_344 = tpu.memref_slice %arg3[%squeeze3A_326, %dma_start3A_343] : memref<1000000x64xf32, #tpu.memory_space<hbm>> -> memref<1x64xf32, #tpu.memory_space<hbm>>
          tpu.enqueue_dma source(%dma_start3A_344 : memref<1x64xf32, #tpu.memory_space<hbm>>) target(%dma_start3A_342 : memref<1x64xf32, #tpu.memory_space<vmem>>) target_semaphore(%dma_start3A_339 : memref<!tpu.dma_semaphore, #tpu.memory_space<semaphore_mem>>)
          %slice3A_345 = vector.extract_strided_slice %get3A_266 {offsets = [4], sizes = [1], strides = [1]} : vector<16xi32> to vector<1xi32>
          %squeeze3A_346 = vector.extract %slice3A_345[0] : i32 from vector<1xi32>
          %mul3A_347 = arith.constant 16 : i32
          %mul3A_348 = arith.muli %add3A_226, %mul3A_347 : i32
          %add3A_349 = arith.constant 4 : i32
          %add3A_350 = arith.addi %mul3A_348, %add3A_349 : i32
          %dma_start3A_351 = arith.constant 1 : i32
          %dma_start3A_352 = arith.constant 1 : i32
          %dma_start3A_353 = arith.constant 0 : i32
          %dma_start3A_354 = tpu.memref_slice %arg6[%dma_start3A_351, %add3A_350, %dma_start3A_353] : memref<4x208x64xf32, #tpu.memory_space<vmem>> -> memref<1x1x64xf32, #tpu.memory_space<vmem>>
          %dma_start3A_355 = tpu.memref_squeeze %dma_start3A_354 : memref<1x1x64xf32, #tpu.memory_space<vmem>> -> memref<1x64xf32, #tpu.memory_space<vmem>>
          %dma_start3A_356 = arith.constant 0 : i32
          %dma_start3A_357 = tpu.memref_slice %arg3[%squeeze3A_346, %dma_start3A_356] : memref<1000000x64xf32, #tpu.memory_space<hbm>> -> memref<1x64xf32, #tpu.memory_space<hbm>>
          %dma_start3A_358 = tpu.memref_slice %arg7[%dma_start3A_352] : memref<4x!tpu.dma_semaphore, #tpu.memory_space<semaphore_mem>> -> memref<1x!tpu.dma_semaphore, #tpu.memory_space<semaphore_mem>>
          %dma_start3A_359 = tpu.memref_squeeze %dma_start3A_358 : memref<1x!tpu.dma_semaphore, #tpu.memory_space<semaphore_mem>> -> memref<!tpu.dma_semaphore, #tpu.memory_space<semaphore_mem>>
          %dma_start3A_360 = arith.constant 0 : i32
          %dma_start3A_361 = tpu.memref_slice %arg6[%dma_start3A_351, %add3A_350, %dma_start3A_360] : memref<4x208x64xf32, #tpu.memory_space<vmem>> -> memref<1x1x64xf32, #tpu.memory_space<vmem>>
          %dma_start3A_362 = tpu.memref_squeeze %dma_start3A_361 : memref<1x1x64xf32, #tpu.memory_space<vmem>> -> memref<1x64xf32, #tpu.memory_space<vmem>>
          %dma_start3A_363 = arith.constant 0 : i32
          %dma_start3A_364 = tpu.memref_slice %arg3[%squeeze3A_346, %dma_start3A_363] : memref<1000000x64xf32, #tpu.memory_space<hbm>> -> memref<1x64xf32, #tpu.memory_space<hbm>>
          tpu.enqueue_dma source(%dma_start3A_364 : memref<1x64xf32, #tpu.memory_space<hbm>>) target(%dma_start3A_362 : memref<1x64xf32, #tpu.memory_space<vmem>>) target_semaphore(%dma_start3A_359 : memref<!tpu.dma_semaphore, #tpu.memory_space<semaphore_mem>>)
          %slice3A_365 = vector.extract_strided_slice %get3A_266 {offsets = [5], sizes = [1], strides = [1]} : vector<16xi32> to vector<1xi32>
          %squeeze3A_366 = vector.extract %slice3A_365[0] : i32 from vector<1xi32>
          %mul3A_367 = arith.constant 16 : i32
          %mul3A_368 = arith.muli %add3A_226, %mul3A_367 : i32
          %add3A_369 = arith.constant 5 : i32
          %add3A_370 = arith.addi %mul3A_368, %add3A_369 : i32
          %dma_start3A_371 = arith.constant 1 : i32
          %dma_start3A_372 = arith.constant 1 : i32
          %dma_start3A_373 = arith.constant 0 : i32
          %dma_start3A_374 = tpu.memref_slice %arg6[%dma_start3A_371, %add3A_370, %dma_start3A_373] : memref<4x208x64xf32, #tpu.memory_space<vmem>> -> memref<1x1x64xf32, #tpu.memory_space<vmem>>
          %dma_start3A_375 = tpu.memref_squeeze %dma_start3A_374 : memref<1x1x64xf32, #tpu.memory_space<vmem>> -> memref<1x64xf32, #tpu.memory_space<vmem>>
          %dma_start3A_376 = arith.constant 0 : i32
          %dma_start3A_377 = tpu.memref_slice %arg3[%squeeze3A_366, %dma_start3A_376] : memref<1000000x64xf32, #tpu.memory_space<hbm>> -> memref<1x64xf32, #tpu.memory_space<hbm>>
          %dma_start3A_378 = tpu.memref_slice %arg7[%dma_start3A_372] : memref<4x!tpu.dma_semaphore, #tpu.memory_space<semaphore_mem>> -> memref<1x!tpu.dma_semaphore, #tpu.memory_space<semaphore_mem>>
          %dma_start3A_379 = tpu.memref_squeeze %dma_start3A_378 : memref<1x!tpu.dma_semaphore, #tpu.memory_space<semaphore_mem>> -> memref<!tpu.dma_semaphore, #tpu.memory_space<semaphore_mem>>
          %dma_start3A_380 = arith.constant 0 : i32
          %dma_start3A_381 = tpu.memref_slice %arg6[%dma_start3A_371, %add3A_370, %dma_start3A_380] : memref<4x208x64xf32, #tpu.memory_space<vmem>> -> memref<1x1x64xf32, #tpu.memory_space<vmem>>
          %dma_start3A_382 = tpu.memref_squeeze %dma_start3A_381 : memref<1x1x64xf32, #tpu.memory_space<vmem>> -> memref<1x64xf32, #tpu.memory_space<vmem>>
          %dma_start3A_383 = arith.constant 0 : i32
          %dma_start3A_384 = tpu.memref_slice %arg3[%squeeze3A_366, %dma_start3A_383] : memref<1000000x64xf32, #tpu.memory_space<hbm>> -> memref<1x64xf32, #tpu.memory_space<hbm>>
          tpu.enqueue_dma source(%dma_start3A_384 : memref<1x64xf32, #tpu.memory_space<hbm>>) target(%dma_start3A_382 : memref<1x64xf32, #tpu.memory_space<vmem>>) target_semaphore(%dma_start3A_379 : memref<!tpu.dma_semaphore, #tpu.memory_space<semaphore_mem>>)
          %slice3A_385 = vector.extract_strided_slice %get3A_266 {offsets = [6], sizes = [1], strides = [1]} : vector<16xi32> to vector<1xi32>
          %squeeze3A_386 = vector.extract %slice3A_385[0] : i32 from vector<1xi32>
          %mul3A_387 = arith.constant 16 : i32
          %mul3A_388 = arith.muli %add3A_226, %mul3A_387 : i32
          %add3A_389 = arith.constant 6 : i32
          %add3A_390 = arith.addi %mul3A_388, %add3A_389 : i32
          %dma_start3A_391 = arith.constant 1 : i32
          %dma_start3A_392 = arith.constant 1 : i32
          %dma_start3A_393 = arith.constant 0 : i32
          %dma_start3A_394 = tpu.memref_slice %arg6[%dma_start3A_391, %add3A_390, %dma_start3A_393] : memref<4x208x64xf32, #tpu.memory_space<vmem>> -> memref<1x1x64xf32, #tpu.memory_space<vmem>>
          %dma_start3A_395 = tpu.memref_squeeze %dma_start3A_394 : memref<1x1x64xf32, #tpu.memory_space<vmem>> -> memref<1x64xf32, #tpu.memory_space<vmem>>
          %dma_start3A_396 = arith.constant 0 : i32
          %dma_start3A_397 = tpu.memref_slice %arg3[%squeeze3A_386, %dma_start3A_396] : memref<1000000x64xf32, #tpu.memory_space<hbm>> -> memref<1x64xf32, #tpu.memory_space<hbm>>
          %dma_start3A_398 = tpu.memref_slice %arg7[%dma_start3A_392] : memref<4x!tpu.dma_semaphore, #tpu.memory_space<semaphore_mem>> -> memref<1x!tpu.dma_semaphore, #tpu.memory_space<semaphore_mem>>
          %dma_start3A_399 = tpu.memref_squeeze %dma_start3A_398 : memref<1x!tpu.dma_semaphore, #tpu.memory_space<semaphore_mem>> -> memref<!tpu.dma_semaphore, #tpu.memory_space<semaphore_mem>>
          %dma_start3A_400 = arith.constant 0 : i32
          %dma_start3A_401 = tpu.memref_slice %arg6[%dma_start3A_391, %add3A_390, %dma_start3A_400] : memref<4x208x64xf32, #tpu.memory_space<vmem>> -> memref<1x1x64xf32, #tpu.memory_space<vmem>>
          %dma_start3A_402 = tpu.memref_squeeze %dma_start3A_401 : memref<1x1x64xf32, #tpu.memory_space<vmem>> -> memref<1x64xf32, #tpu.memory_space<vmem>>
          %dma_start3A_403 = arith.constant 0 : i32
          %dma_start3A_404 = tpu.memref_slice %arg3[%squeeze3A_386, %dma_start3A_403] : memref<1000000x64xf32, #tpu.memory_space<hbm>> -> memref<1x64xf32, #tpu.memory_space<hbm>>
          tpu.enqueue_dma source(%dma_start3A_404 : memref<1x64xf32, #tpu.memory_space<hbm>>) target(%dma_start3A_402 : memref<1x64xf32, #tpu.memory_space<vmem>>) target_semaphore(%dma_start3A_399 : memref<!tpu.dma_semaphore, #tpu.memory_space<semaphore_mem>>)
          %slice3A_405 = vector.extract_strided_slice %get3A_266 {offsets = [7], sizes = [1], strides = [1]} : vector<16xi32> to vector<1xi32>
          %squeeze3A_406 = vector.extract %slice3A_405[0] : i32 from vector<1xi32>
          %mul3A_407 = arith.constant 16 : i32
          %mul3A_408 = arith.muli %add3A_226, %mul3A_407 : i32
          %add3A_409 = arith.constant 7 : i32
          %add3A_410 = arith.addi %mul3A_408, %add3A_409 : i32
          %dma_start3A_411 = arith.constant 1 : i32
          %dma_start3A_412 = arith.constant 1 : i32
          %dma_start3A_413 = arith.constant 0 : i32
          %dma_start3A_414 = tpu.memref_slice %arg6[%dma_start3A_411, %add3A_410, %dma_start3A_413] : memref<4x208x64xf32, #tpu.memory_space<vmem>> -> memref<1x1x64xf32, #tpu.memory_space<vmem>>
          %dma_start3A_415 = tpu.memref_squeeze %dma_start3A_414 : memref<1x1x64xf32, #tpu.memory_space<vmem>> -> memref<1x64xf32, #tpu.memory_space<vmem>>
          %dma_start3A_416 = arith.constant 0 : i32
          %dma_start3A_417 = tpu.memref_slice %arg3[%squeeze3A_406, %dma_start3A_416] : memref<1000000x64xf32, #tpu.memory_space<hbm>> -> memref<1x64xf32, #tpu.memory_space<hbm>>
          %dma_start3A_418 = tpu.memref_slice %arg7[%dma_start3A_412] : memref<4x!tpu.dma_semaphore, #tpu.memory_space<semaphore_mem>> -> memref<1x!tpu.dma_semaphore, #tpu.memory_space<semaphore_mem>>
          %dma_start3A_419 = tpu.memref_squeeze %dma_start3A_418 : memref<1x!tpu.dma_semaphore, #tpu.memory_space<semaphore_mem>> -> memref<!tpu.dma_semaphore, #tpu.memory_space<semaphore_mem>>
          %dma_start3A_420 = arith.constant 0 : i32
          %dma_start3A_421 = tpu.memref_slice %arg6[%dma_start3A_411, %add3A_410, %dma_start3A_420] : memref<4x208x64xf32, #tpu.memory_space<vmem>> -> memref<1x1x64xf32, #tpu.memory_space<vmem>>
          %dma_start3A_422 = tpu.memref_squeeze %dma_start3A_421 : memref<1x1x64xf32, #tpu.memory_space<vmem>> -> memref<1x64xf32, #tpu.memory_space<vmem>>
          %dma_start3A_423 = arith.constant 0 : i32
          %dma_start3A_424 = tpu.memref_slice %arg3[%squeeze3A_406, %dma_start3A_423] : memref<1000000x64xf32, #tpu.memory_space<hbm>> -> memref<1x64xf32, #tpu.memory_space<hbm>>
          tpu.enqueue_dma source(%dma_start3A_424 : memref<1x64xf32, #tpu.memory_space<hbm>>) target(%dma_start3A_422 : memref<1x64xf32, #tpu.memory_space<vmem>>) target_semaphore(%dma_start3A_419 : memref<!tpu.dma_semaphore, #tpu.memory_space<semaphore_mem>>)
          %slice3A_425 = vector.extract_strided_slice %get3A_266 {offsets = [8], sizes = [1], strides = [1]} : vector<16xi32> to vector<1xi32>
          %squeeze3A_426 = vector.extract %slice3A_425[0] : i32 from vector<1xi32>
          %mul3A_427 = arith.constant 16 : i32
          %mul3A_428 = arith.muli %add3A_226, %mul3A_427 : i32
          %add3A_429 = arith.constant 8 : i32
          %add3A_430 = arith.addi %mul3A_428, %add3A_429 : i32
          %dma_start3A_431 = arith.constant 1 : i32
          %dma_start3A_432 = arith.constant 1 : i32
          %dma_start3A_433 = arith.constant 0 : i32
          %dma_start3A_434 = tpu.memref_slice %arg6[%dma_start3A_431, %add3A_430, %dma_start3A_433] : memref<4x208x64xf32, #tpu.memory_space<vmem>> -> memref<1x1x64xf32, #tpu.memory_space<vmem>>
          %dma_start3A_435 = tpu.memref_squeeze %dma_start3A_434 : memref<1x1x64xf32, #tpu.memory_space<vmem>> -> memref<1x64xf32, #tpu.memory_space<vmem>>
          %dma_start3A_436 = arith.constant 0 : i32
          %dma_start3A_437 = tpu.memref_slice %arg3[%squeeze3A_426, %dma_start3A_436] : memref<1000000x64xf32, #tpu.memory_space<hbm>> -> memref<1x64xf32, #tpu.memory_space<hbm>>
          %dma_start3A_438 = tpu.memref_slice %arg7[%dma_start3A_432] : memref<4x!tpu.dma_semaphore, #tpu.memory_space<semaphore_mem>> -> memref<1x!tpu.dma_semaphore, #tpu.memory_space<semaphore_mem>>
          %dma_start3A_439 = tpu.memref_squeeze %dma_start3A_438 : memref<1x!tpu.dma_semaphore, #tpu.memory_space<semaphore_mem>> -> memref<!tpu.dma_semaphore, #tpu.memory_space<semaphore_mem>>
          %dma_start3A_440 = arith.constant 0 : i32
          %dma_start3A_441 = tpu.memref_slice %arg6[%dma_start3A_431, %add3A_430, %dma_start3A_440] : memref<4x208x64xf32, #tpu.memory_space<vmem>> -> memref<1x1x64xf32, #tpu.memory_space<vmem>>
          %dma_start3A_442 = tpu.memref_squeeze %dma_start3A_441 : memref<1x1x64xf32, #tpu.memory_space<vmem>> -> memref<1x64xf32, #tpu.memory_space<vmem>>
          %dma_start3A_443 = arith.constant 0 : i32
          %dma_start3A_444 = tpu.memref_slice %arg3[%squeeze3A_426, %dma_start3A_443] : memref<1000000x64xf32, #tpu.memory_space<hbm>> -> memref<1x64xf32, #tpu.memory_space<hbm>>
          tpu.enqueue_dma source(%dma_start3A_444 : memref<1x64xf32, #tpu.memory_space<hbm>>) target(%dma_start3A_442 : memref<1x64xf32, #tpu.memory_space<vmem>>) target_semaphore(%dma_start3A_439 : memref<!tpu.dma_semaphore, #tpu.memory_space<semaphore_mem>>)
          %slice3A_445 = vector.extract_strided_slice %get3A_266 {offsets = [9], sizes = [1], strides = [1]} : vector<16xi32> to vector<1xi32>
          %squeeze3A_446 = vector.extract %slice3A_445[0] : i32 from vector<1xi32>
          %mul3A_447 = arith.constant 16 : i32
          %mul3A_448 = arith.muli %add3A_226, %mul3A_447 : i32
          %add3A_449 = arith.constant 9 : i32
          %add3A_450 = arith.addi %mul3A_448, %add3A_449 : i32
          %dma_start3A_451 = arith.constant 1 : i32
          %dma_start3A_452 = arith.constant 1 : i32
          %dma_start3A_453 = arith.constant 0 : i32
          %dma_start3A_454 = tpu.memref_slice %arg6[%dma_start3A_451, %add3A_450, %dma_start3A_453] : memref<4x208x64xf32, #tpu.memory_space<vmem>> -> memref<1x1x64xf32, #tpu.memory_space<vmem>>
          %dma_start3A_455 = tpu.memref_squeeze %dma_start3A_454 : memref<1x1x64xf32, #tpu.memory_space<vmem>> -> memref<1x64xf32, #tpu.memory_space<vmem>>
          %dma_start3A_456 = arith.constant 0 : i32
          %dma_start3A_457 = tpu.memref_slice %arg3[%squeeze3A_446, %dma_start3A_456] : memref<1000000x64xf32, #tpu.memory_space<hbm>> -> memref<1x64xf32, #tpu.memory_space<hbm>>
          %dma_start3A_458 = tpu.memref_slice %arg7[%dma_start3A_452] : memref<4x!tpu.dma_semaphore, #tpu.memory_space<semaphore_mem>> -> memref<1x!tpu.dma_semaphore, #tpu.memory_space<semaphore_mem>>
          %dma_start3A_459 = tpu.memref_squeeze %dma_start3A_458 : memref<1x!tpu.dma_semaphore, #tpu.memory_space<semaphore_mem>> -> memref<!tpu.dma_semaphore, #tpu.memory_space<semaphore_mem>>
          %dma_start3A_460 = arith.constant 0 : i32
          %dma_start3A_461 = tpu.memref_slice %arg6[%dma_start3A_451, %add3A_450, %dma_start3A_460] : memref<4x208x64xf32, #tpu.memory_space<vmem>> -> memref<1x1x64xf32, #tpu.memory_space<vmem>>
          %dma_start3A_462 = tpu.memref_squeeze %dma_start3A_461 : memref<1x1x64xf32, #tpu.memory_space<vmem>> -> memref<1x64xf32, #tpu.memory_space<vmem>>
          %dma_start3A_463 = arith.constant 0 : i32
          %dma_start3A_464 = tpu.memref_slice %arg3[%squeeze3A_446, %dma_start3A_463] : memref<1000000x64xf32, #tpu.memory_space<hbm>> -> memref<1x64xf32, #tpu.memory_space<hbm>>
          tpu.enqueue_dma source(%dma_start3A_464 : memref<1x64xf32, #tpu.memory_space<hbm>>) target(%dma_start3A_462 : memref<1x64xf32, #tpu.memory_space<vmem>>) target_semaphore(%dma_start3A_459 : memref<!tpu.dma_semaphore, #tpu.memory_space<semaphore_mem>>)
          %slice3A_465 = vector.extract_strided_slice %get3A_266 {offsets = [10], sizes = [1], strides = [1]} : vector<16xi32> to vector<1xi32>
          %squeeze3A_466 = vector.extract %slice3A_465[0] : i32 from vector<1xi32>
          %mul3A_467 = arith.constant 16 : i32
          %mul3A_468 = arith.muli %add3A_226, %mul3A_467 : i32
          %add3A_469 = arith.constant 10 : i32
          %add3A_470 = arith.addi %mul3A_468, %add3A_469 : i32
          %dma_start3A_471 = arith.constant 1 : i32
          %dma_start3A_472 = arith.constant 1 : i32
          %dma_start3A_473 = arith.constant 0 : i32
          %dma_start3A_474 = tpu.memref_slice %arg6[%dma_start3A_471, %add3A_470, %dma_start3A_473] : memref<4x208x64xf32, #tpu.memory_space<vmem>> -> memref<1x1x64xf32, #tpu.memory_space<vmem>>
          %dma_start3A_475 = tpu.memref_squeeze %dma_start3A_474 : memref<1x1x64xf32, #tpu.memory_space<vmem>> -> memref<1x64xf32, #tpu.memory_space<vmem>>
          %dma_start3A_476 = arith.constant 0 : i32
          %dma_start3A_477 = tpu.memref_slice %arg3[%squeeze3A_466, %dma_start3A_476] : memref<1000000x64xf32, #tpu.memory_space<hbm>> -> memref<1x64xf32, #tpu.memory_space<hbm>>
          %dma_start3A_478 = tpu.memref_slice %arg7[%dma_start3A_472] : memref<4x!tpu.dma_semaphore, #tpu.memory_space<semaphore_mem>> -> memref<1x!tpu.dma_semaphore, #tpu.memory_space<semaphore_mem>>
          %dma_start3A_479 = tpu.memref_squeeze %dma_start3A_478 : memref<1x!tpu.dma_semaphore, #tpu.memory_space<semaphore_mem>> -> memref<!tpu.dma_semaphore, #tpu.memory_space<semaphore_mem>>
          %dma_start3A_480 = arith.constant 0 : i32
          %dma_start3A_481 = tpu.memref_slice %arg6[%dma_start3A_471, %add3A_470, %dma_start3A_480] : memref<4x208x64xf32, #tpu.memory_space<vmem>> -> memref<1x1x64xf32, #tpu.memory_space<vmem>>
          %dma_start3A_482 = tpu.memref_squeeze %dma_start3A_481 : memref<1x1x64xf32, #tpu.memory_space<vmem>> -> memref<1x64xf32, #tpu.memory_space<vmem>>
          %dma_start3A_483 = arith.constant 0 : i32
          %dma_start3A_484 = tpu.memref_slice %arg3[%squeeze3A_466, %dma_start3A_483] : memref<1000000x64xf32, #tpu.memory_space<hbm>> -> memref<1x64xf32, #tpu.memory_space<hbm>>
          tpu.enqueue_dma source(%dma_start3A_484 : memref<1x64xf32, #tpu.memory_space<hbm>>) target(%dma_start3A_482 : memref<1x64xf32, #tpu.memory_space<vmem>>) target_semaphore(%dma_start3A_479 : memref<!tpu.dma_semaphore, #tpu.memory_space<semaphore_mem>>)
          %slice3A_485 = vector.extract_strided_slice %get3A_266 {offsets = [11], sizes = [1], strides = [1]} : vector<16xi32> to vector<1xi32>
          %squeeze3A_486 = vector.extract %slice3A_485[0] : i32 from vector<1xi32>
          %mul3A_487 = arith.constant 16 : i32
          %mul3A_488 = arith.muli %add3A_226, %mul3A_487 : i32
          %add3A_489 = arith.constant 11 : i32
          %add3A_490 = arith.addi %mul3A_488, %add3A_489 : i32
          %dma_start3A_491 = arith.constant 1 : i32
          %dma_start3A_492 = arith.constant 1 : i32
          %dma_start3A_493 = arith.constant 0 : i32
          %dma_start3A_494 = tpu.memref_slice %arg6[%dma_start3A_491, %add3A_490, %dma_start3A_493] : memref<4x208x64xf32, #tpu.memory_space<vmem>> -> memref<1x1x64xf32, #tpu.memory_space<vmem>>
          %dma_start3A_495 = tpu.memref_squeeze %dma_start3A_494 : memref<1x1x64xf32, #tpu.memory_space<vmem>> -> memref<1x64xf32, #tpu.memory_space<vmem>>
          %dma_start3A_496 = arith.constant 0 : i32
          %dma_start3A_497 = tpu.memref_slice %arg3[%squeeze3A_486, %dma_start3A_496] : memref<1000000x64xf32, #tpu.memory_space<hbm>> -> memref<1x64xf32, #tpu.memory_space<hbm>>
          %dma_start3A_498 = tpu.memref_slice %arg7[%dma_start3A_492] : memref<4x!tpu.dma_semaphore, #tpu.memory_space<semaphore_mem>> -> memref<1x!tpu.dma_semaphore, #tpu.memory_space<semaphore_mem>>
          %dma_start3A_499 = tpu.memref_squeeze %dma_start3A_498 : memref<1x!tpu.dma_semaphore, #tpu.memory_space<semaphore_mem>> -> memref<!tpu.dma_semaphore, #tpu.memory_space<semaphore_mem>>
          %dma_start3A_500 = arith.constant 0 : i32
          %dma_start3A_501 = tpu.memref_slice %arg6[%dma_start3A_491, %add3A_490, %dma_start3A_500] : memref<4x208x64xf32, #tpu.memory_space<vmem>> -> memref<1x1x64xf32, #tpu.memory_space<vmem>>
          %dma_start3A_502 = tpu.memref_squeeze %dma_start3A_501 : memref<1x1x64xf32, #tpu.memory_space<vmem>> -> memref<1x64xf32, #tpu.memory_space<vmem>>
          %dma_start3A_503 = arith.constant 0 : i32
          %dma_start3A_504 = tpu.memref_slice %arg3[%squeeze3A_486, %dma_start3A_503] : memref<1000000x64xf32, #tpu.memory_space<hbm>> -> memref<1x64xf32, #tpu.memory_space<hbm>>
          tpu.enqueue_dma source(%dma_start3A_504 : memref<1x64xf32, #tpu.memory_space<hbm>>) target(%dma_start3A_502 : memref<1x64xf32, #tpu.memory_space<vmem>>) target_semaphore(%dma_start3A_499 : memref<!tpu.dma_semaphore, #tpu.memory_space<semaphore_mem>>)
          %slice3A_505 = vector.extract_strided_slice %get3A_266 {offsets = [12], sizes = [1], strides = [1]} : vector<16xi32> to vector<1xi32>
          %squeeze3A_506 = vector.extract %slice3A_505[0] : i32 from vector<1xi32>
          %mul3A_507 = arith.constant 16 : i32
          %mul3A_508 = arith.muli %add3A_226, %mul3A_507 : i32
          %add3A_509 = arith.constant 12 : i32
          %add3A_510 = arith.addi %mul3A_508, %add3A_509 : i32
          %dma_start3A_511 = arith.constant 1 : i32
          %dma_start3A_512 = arith.constant 1 : i32
          %dma_start3A_513 = arith.constant 0 : i32
          %dma_start3A_514 = tpu.memref_slice %arg6[%dma_start3A_511, %add3A_510, %dma_start3A_513] : memref<4x208x64xf32, #tpu.memory_space<vmem>> -> memref<1x1x64xf32, #tpu.memory_space<vmem>>
          %dma_start3A_515 = tpu.memref_squeeze %dma_start3A_514 : memref<1x1x64xf32, #tpu.memory_space<vmem>> -> memref<1x64xf32, #tpu.memory_space<vmem>>
          %dma_start3A_516 = arith.constant 0 : i32
          %dma_start3A_517 = tpu.memref_slice %arg3[%squeeze3A_506, %dma_start3A_516] : memref<1000000x64xf32, #tpu.memory_space<hbm>> -> memref<1x64xf32, #tpu.memory_space<hbm>>
          %dma_start3A_518 = tpu.memref_slice %arg7[%dma_start3A_512] : memref<4x!tpu.dma_semaphore, #tpu.memory_space<semaphore_mem>> -> memref<1x!tpu.dma_semaphore, #tpu.memory_space<semaphore_mem>>
          %dma_start3A_519 = tpu.memref_squeeze %dma_start3A_518 : memref<1x!tpu.dma_semaphore, #tpu.memory_space<semaphore_mem>> -> memref<!tpu.dma_semaphore, #tpu.memory_space<semaphore_mem>>
          %dma_start3A_520 = arith.constant 0 : i32
          %dma_start3A_521 = tpu.memref_slice %arg6[%dma_start3A_511, %add3A_510, %dma_start3A_520] : memref<4x208x64xf32, #tpu.memory_space<vmem>> -> memref<1x1x64xf32, #tpu.memory_space<vmem>>
          %dma_start3A_522 = tpu.memref_squeeze %dma_start3A_521 : memref<1x1x64xf32, #tpu.memory_space<vmem>> -> memref<1x64xf32, #tpu.memory_space<vmem>>
          %dma_start3A_523 = arith.constant 0 : i32
          %dma_start3A_524 = tpu.memref_slice %arg3[%squeeze3A_506, %dma_start3A_523] : memref<1000000x64xf32, #tpu.memory_space<hbm>> -> memref<1x64xf32, #tpu.memory_space<hbm>>
          tpu.enqueue_dma source(%dma_start3A_524 : memref<1x64xf32, #tpu.memory_space<hbm>>) target(%dma_start3A_522 : memref<1x64xf32, #tpu.memory_space<vmem>>) target_semaphore(%dma_start3A_519 : memref<!tpu.dma_semaphore, #tpu.memory_space<semaphore_mem>>)
          %slice3A_525 = vector.extract_strided_slice %get3A_266 {offsets = [13], sizes = [1], strides = [1]} : vector<16xi32> to vector<1xi32>
          %squeeze3A_526 = vector.extract %slice3A_525[0] : i32 from vector<1xi32>
          %mul3A_527 = arith.constant 16 : i32
          %mul3A_528 = arith.muli %add3A_226, %mul3A_527 : i32
          %add3A_529 = arith.constant 13 : i32
          %add3A_530 = arith.addi %mul3A_528, %add3A_529 : i32
          %dma_start3A_531 = arith.constant 1 : i32
          %dma_start3A_532 = arith.constant 1 : i32
          %dma_start3A_533 = arith.constant 0 : i32
          %dma_start3A_534 = tpu.memref_slice %arg6[%dma_start3A_531, %add3A_530, %dma_start3A_533] : memref<4x208x64xf32, #tpu.memory_space<vmem>> -> memref<1x1x64xf32, #tpu.memory_space<vmem>>
          %dma_start3A_535 = tpu.memref_squeeze %dma_start3A_534 : memref<1x1x64xf32, #tpu.memory_space<vmem>> -> memref<1x64xf32, #tpu.memory_space<vmem>>
          %dma_start3A_536 = arith.constant 0 : i32
          %dma_start3A_537 = tpu.memref_slice %arg3[%squeeze3A_526, %dma_start3A_536] : memref<1000000x64xf32, #tpu.memory_space<hbm>> -> memref<1x64xf32, #tpu.memory_space<hbm>>
          %dma_start3A_538 = tpu.memref_slice %arg7[%dma_start3A_532] : memref<4x!tpu.dma_semaphore, #tpu.memory_space<semaphore_mem>> -> memref<1x!tpu.dma_semaphore, #tpu.memory_space<semaphore_mem>>
          %dma_start3A_539 = tpu.memref_squeeze %dma_start3A_538 : memref<1x!tpu.dma_semaphore, #tpu.memory_space<semaphore_mem>> -> memref<!tpu.dma_semaphore, #tpu.memory_space<semaphore_mem>>
          %dma_start3A_540 = arith.constant 0 : i32
          %dma_start3A_541 = tpu.memref_slice %arg6[%dma_start3A_531, %add3A_530, %dma_start3A_540] : memref<4x208x64xf32, #tpu.memory_space<vmem>> -> memref<1x1x64xf32, #tpu.memory_space<vmem>>
          %dma_start3A_542 = tpu.memref_squeeze %dma_start3A_541 : memref<1x1x64xf32, #tpu.memory_space<vmem>> -> memref<1x64xf32, #tpu.memory_space<vmem>>
          %dma_start3A_543 = arith.constant 0 : i32
          %dma_start3A_544 = tpu.memref_slice %arg3[%squeeze3A_526, %dma_start3A_543] : memref<1000000x64xf32, #tpu.memory_space<hbm>> -> memref<1x64xf32, #tpu.memory_space<hbm>>
          tpu.enqueue_dma source(%dma_start3A_544 : memref<1x64xf32, #tpu.memory_space<hbm>>) target(%dma_start3A_542 : memref<1x64xf32, #tpu.memory_space<vmem>>) target_semaphore(%dma_start3A_539 : memref<!tpu.dma_semaphore, #tpu.memory_space<semaphore_mem>>)
          %slice3A_545 = vector.extract_strided_slice %get3A_266 {offsets = [14], sizes = [1], strides = [1]} : vector<16xi32> to vector<1xi32>
          %squeeze3A_546 = vector.extract %slice3A_545[0] : i32 from vector<1xi32>
          %mul3A_547 = arith.constant 16 : i32
          %mul3A_548 = arith.muli %add3A_226, %mul3A_547 : i32
          %add3A_549 = arith.constant 14 : i32
          %add3A_550 = arith.addi %mul3A_548, %add3A_549 : i32
          %dma_start3A_551 = arith.constant 1 : i32
          %dma_start3A_552 = arith.constant 1 : i32
          %dma_start3A_553 = arith.constant 0 : i32
          %dma_start3A_554 = tpu.memref_slice %arg6[%dma_start3A_551, %add3A_550, %dma_start3A_553] : memref<4x208x64xf32, #tpu.memory_space<vmem>> -> memref<1x1x64xf32, #tpu.memory_space<vmem>>
          %dma_start3A_555 = tpu.memref_squeeze %dma_start3A_554 : memref<1x1x64xf32, #tpu.memory_space<vmem>> -> memref<1x64xf32, #tpu.memory_space<vmem>>
          %dma_start3A_556 = arith.constant 0 : i32
          %dma_start3A_557 = tpu.memref_slice %arg3[%squeeze3A_546, %dma_start3A_556] : memref<1000000x64xf32, #tpu.memory_space<hbm>> -> memref<1x64xf32, #tpu.memory_space<hbm>>
          %dma_start3A_558 = tpu.memref_slice %arg7[%dma_start3A_552] : memref<4x!tpu.dma_semaphore, #tpu.memory_space<semaphore_mem>> -> memref<1x!tpu.dma_semaphore, #tpu.memory_space<semaphore_mem>>
          %dma_start3A_559 = tpu.memref_squeeze %dma_start3A_558 : memref<1x!tpu.dma_semaphore, #tpu.memory_space<semaphore_mem>> -> memref<!tpu.dma_semaphore, #tpu.memory_space<semaphore_mem>>
          %dma_start3A_560 = arith.constant 0 : i32
          %dma_start3A_561 = tpu.memref_slice %arg6[%dma_start3A_551, %add3A_550, %dma_start3A_560] : memref<4x208x64xf32, #tpu.memory_space<vmem>> -> memref<1x1x64xf32, #tpu.memory_space<vmem>>
          %dma_start3A_562 = tpu.memref_squeeze %dma_start3A_561 : memref<1x1x64xf32, #tpu.memory_space<vmem>> -> memref<1x64xf32, #tpu.memory_space<vmem>>
          %dma_start3A_563 = arith.constant 0 : i32
          %dma_start3A_564 = tpu.memref_slice %arg3[%squeeze3A_546, %dma_start3A_563] : memref<1000000x64xf32, #tpu.memory_space<hbm>> -> memref<1x64xf32, #tpu.memory_space<hbm>>
          tpu.enqueue_dma source(%dma_start3A_564 : memref<1x64xf32, #tpu.memory_space<hbm>>) target(%dma_start3A_562 : memref<1x64xf32, #tpu.memory_space<vmem>>) target_semaphore(%dma_start3A_559 : memref<!tpu.dma_semaphore, #tpu.memory_space<semaphore_mem>>)
          %slice3A_565 = vector.extract_strided_slice %get3A_266 {offsets = [15], sizes = [1], strides = [1]} : vector<16xi32> to vector<1xi32>
          %squeeze3A_566 = vector.extract %slice3A_565[0] : i32 from vector<1xi32>
          %mul3A_567 = arith.constant 16 : i32
          %mul3A_568 = arith.muli %add3A_226, %mul3A_567 : i32
          %add3A_569 = arith.constant 15 : i32
          %add3A_570 = arith.addi %mul3A_568, %add3A_569 : i32
          %dma_start3A_571 = arith.constant 1 : i32
          %dma_start3A_572 = arith.constant 1 : i32
          %dma_start3A_573 = arith.constant 0 : i32
          %dma_start3A_574 = tpu.memref_slice %arg6[%dma_start3A_571, %add3A_570, %dma_start3A_573] : memref<4x208x64xf32, #tpu.memory_space<vmem>> -> memref<1x1x64xf32, #tpu.memory_space<vmem>>
          %dma_start3A_575 = tpu.memref_squeeze %dma_start3A_574 : memref<1x1x64xf32, #tpu.memory_space<vmem>> -> memref<1x64xf32, #tpu.memory_space<vmem>>
          %dma_start3A_576 = arith.constant 0 : i32
          %dma_start3A_577 = tpu.memref_slice %arg3[%squeeze3A_566, %dma_start3A_576] : memref<1000000x64xf32, #tpu.memory_space<hbm>> -> memref<1x64xf32, #tpu.memory_space<hbm>>
          %dma_start3A_578 = tpu.memref_slice %arg7[%dma_start3A_572] : memref<4x!tpu.dma_semaphore, #tpu.memory_space<semaphore_mem>> -> memref<1x!tpu.dma_semaphore, #tpu.memory_space<semaphore_mem>>
          %dma_start3A_579 = tpu.memref_squeeze %dma_start3A_578 : memref<1x!tpu.dma_semaphore, #tpu.memory_space<semaphore_mem>> -> memref<!tpu.dma_semaphore, #tpu.memory_space<semaphore_mem>>
          %dma_start3A_580 = arith.constant 0 : i32
          %dma_start3A_581 = tpu.memref_slice %arg6[%dma_start3A_571, %add3A_570, %dma_start3A_580] : memref<4x208x64xf32, #tpu.memory_space<vmem>> -> memref<1x1x64xf32, #tpu.memory_space<vmem>>
          %dma_start3A_582 = tpu.memref_squeeze %dma_start3A_581 : memref<1x1x64xf32, #tpu.memory_space<vmem>> -> memref<1x64xf32, #tpu.memory_space<vmem>>
          %dma_start3A_583 = arith.constant 0 : i32
          %dma_start3A_584 = tpu.memref_slice %arg3[%squeeze3A_566, %dma_start3A_583] : memref<1000000x64xf32, #tpu.memory_space<hbm>> -> memref<1x64xf32, #tpu.memory_space<hbm>>
          tpu.enqueue_dma source(%dma_start3A_584 : memref<1x64xf32, #tpu.memory_space<hbm>>) target(%dma_start3A_582 : memref<1x64xf32, #tpu.memory_space<vmem>>) target_semaphore(%dma_start3A_579 : memref<!tpu.dma_semaphore, #tpu.memory_space<semaphore_mem>>)
        }
        %scan3A_221 = arith.constant 13 : i32
      } else {
      }
      %add3A_164 = arith.constant 1 : i32
      %add3A_165 = arith.addi %add3A_152, %add3A_164 : i32
      %sub3A_166 = arith.constant 2 : i32
      %sub3A_167 = arith.subi %add3A_165, %sub3A_166 : i32
      %ge3A_168 = arith.constant 0 : i32
      %ge3A_169 = arith.cmpi sge, %sub3A_167, %ge3A_168 : i32
      %convert_element_type3A_170 = arith.extui %ge3A_169 : i1 to i32
      %cond3A_171 = arith.constant 0 : i32
      %cond3A_172 = arith.cmpi ne, %convert_element_type3A_170, %cond3A_171 : i32
      scf.if %cond3A_172 {
        %dma_wait3A_212 = arith.constant 3 : i32
        %dma_wait3A_213 = arith.constant 3 : i32
        %dma_wait3A_214 = arith.constant 0 : i32
        %dma_wait3A_215 = arith.constant 0 : i32
        %dma_wait3A_216 = tpu.memref_slice %arg6[%dma_wait3A_212, %dma_wait3A_214, %dma_wait3A_215] : memref<4x208x64xf32, #tpu.memory_space<vmem>> -> memref<1x208x64xf32, #tpu.memory_space<vmem>>
        %dma_wait3A_217 = tpu.memref_squeeze %dma_wait3A_216 : memref<1x208x64xf32, #tpu.memory_space<vmem>> -> memref<208x64xf32, #tpu.memory_space<vmem>>
        %dma_wait3A_218 = arith.constant 0 : i32
        %dma_wait3A_219 = arith.constant 0 : i32
        %dma_wait3A_220 = tpu.memref_slice %arg3[%dma_wait3A_218, %dma_wait3A_219] : memref<1000000x64xf32, #tpu.memory_space<hbm>> -> memref<208x64xf32, #tpu.memory_space<hbm>>
        %dma_wait3A_221 = tpu.memref_slice %arg7[%dma_wait3A_213] : memref<4x!tpu.dma_semaphore, #tpu.memory_space<semaphore_mem>> -> memref<1x!tpu.dma_semaphore, #tpu.memory_space<semaphore_mem>>
        %dma_wait3A_222 = tpu.memref_squeeze %dma_wait3A_221 : memref<1x!tpu.dma_semaphore, #tpu.memory_space<semaphore_mem>> -> memref<!tpu.dma_semaphore, #tpu.memory_space<semaphore_mem>>
        %dma_wait3A_223 = arith.constant 0 : i32
        %dma_wait3A_224 = arith.constant 0 : i32
        %dma_wait3A_225 = tpu.memref_slice %arg6[%dma_wait3A_212, %dma_wait3A_223, %dma_wait3A_224] : memref<4x208x64xf32, #tpu.memory_space<vmem>> -> memref<1x208x64xf32, #tpu.memory_space<vmem>>
        %dma_wait3A_226 = tpu.memref_squeeze %dma_wait3A_225 : memref<1x208x64xf32, #tpu.memory_space<vmem>> -> memref<208x64xf32, #tpu.memory_space<vmem>>
        %dma_wait3A_227 = arith.constant 0 : i32
        %dma_wait3A_228 = arith.constant 0 : i32
        %dma_wait3A_229 = tpu.memref_slice %arg3[%dma_wait3A_227, %dma_wait3A_228] : memref<1000000x64xf32, #tpu.memory_space<hbm>> -> memref<208x64xf32, #tpu.memory_space<hbm>>
        tpu.wait_dma2 semaphore(%dma_wait3A_222 : memref<!tpu.dma_semaphore, #tpu.memory_space<semaphore_mem>>) src(%dma_wait3A_229 : memref<208x64xf32, #tpu.memory_space<hbm>>) dst(%dma_wait3A_226 : memref<208x64xf32, #tpu.memory_space<vmem>>)
        %mul3A_230 = arith.constant 208 : i32
        %mul3A_231 = arith.muli %sub3A_167, %mul3A_230 : i32
        %add3A_232 = arith.addi %mul3A_4, %mul3A_231 : i32
        %dma_start3A_233 = arith.constant 3 : i32
        %dma_start3A_234 = arith.constant 3 : i32
        %dma_start3A_235 = arith.constant 0 : i32
        %dma_start3A_236 = arith.constant 0 : i32
        %dma_start3A_237 = tpu.memref_slice %arg6[%dma_start3A_233, %dma_start3A_235, %dma_start3A_236] : memref<4x208x64xf32, #tpu.memory_space<vmem>> -> memref<1x208x64xf32, #tpu.memory_space<vmem>>
        %dma_start3A_238 = tpu.memref_squeeze %dma_start3A_237 : memref<1x208x64xf32, #tpu.memory_space<vmem>> -> memref<208x64xf32, #tpu.memory_space<vmem>>
        %dma_start3A_239 = arith.constant 0 : i32
        %dma_start3A_240 = tpu.memref_slice %arg4[%add3A_232, %dma_start3A_239] : memref<425984x64xf32, #tpu.memory_space<hbm>> -> memref<208x64xf32, #tpu.memory_space<hbm>>
        %dma_start3A_241 = tpu.memref_slice %arg8[%dma_start3A_234] : memref<4x!tpu.dma_semaphore, #tpu.memory_space<semaphore_mem>> -> memref<1x!tpu.dma_semaphore, #tpu.memory_space<semaphore_mem>>
        %dma_start3A_242 = tpu.memref_squeeze %dma_start3A_241 : memref<1x!tpu.dma_semaphore, #tpu.memory_space<semaphore_mem>> -> memref<!tpu.dma_semaphore, #tpu.memory_space<semaphore_mem>>
        %dma_start3A_243 = arith.constant 0 : i32
        %dma_start3A_244 = tpu.memref_slice %arg4[%add3A_232, %dma_start3A_243] : memref<425984x64xf32, #tpu.memory_space<hbm>> -> memref<208x64xf32, #tpu.memory_space<hbm>>
        %dma_start3A_245 = arith.constant 0 : i32
        %dma_start3A_246 = arith.constant 0 : i32
        %dma_start3A_247 = tpu.memref_slice %arg6[%dma_start3A_233, %dma_start3A_245, %dma_start3A_246] : memref<4x208x64xf32, #tpu.memory_space<vmem>> -> memref<1x208x64xf32, #tpu.memory_space<vmem>>
        %dma_start3A_248 = tpu.memref_squeeze %dma_start3A_247 : memref<1x208x64xf32, #tpu.memory_space<vmem>> -> memref<208x64xf32, #tpu.memory_space<vmem>>
        tpu.enqueue_dma source(%dma_start3A_248 : memref<208x64xf32, #tpu.memory_space<vmem>>) target(%dma_start3A_244 : memref<208x64xf32, #tpu.memory_space<hbm>>) target_semaphore(%dma_start3A_242 : memref<!tpu.dma_semaphore, #tpu.memory_space<semaphore_mem>>)
      } else {
      }
      %add3A_173 = arith.constant 1 : i32
      %add3A_174 = arith.addi %add3A_165, %add3A_173 : i32
      %lt3A_175 = arith.constant 64 : i32
      %lt3A_176 = arith.cmpi slt, %add3A_174, %lt3A_175 : i32
      %convert_element_type3A_177 = arith.extui %lt3A_176 : i1 to i32
      %cond3A_178 = arith.constant 0 : i32
      %cond3A_179 = arith.cmpi ne, %convert_element_type3A_177, %cond3A_178 : i32
      scf.if %cond3A_179 {
        %ge3A_212 = arith.constant 4 : i32
        %ge3A_213 = arith.cmpi sge, %add3A_174, %ge3A_212 : i32
        %convert_element_type3A_214 = arith.extui %ge3A_213 : i1 to i32
        %cond3A_215 = arith.constant 0 : i32
        %cond3A_216 = arith.cmpi ne, %convert_element_type3A_214, %cond3A_215 : i32
        scf.if %cond3A_216 {
          %dma_wait3A_222 = arith.constant 2 : i32
          %dma_wait3A_223 = arith.constant 2 : i32
          %dma_wait3A_224 = arith.constant 0 : i32
          %dma_wait3A_225 = arith.constant 0 : i32
          %dma_wait3A_226 = tpu.memref_slice %arg6[%dma_wait3A_222, %dma_wait3A_224, %dma_wait3A_225] : memref<4x208x64xf32, #tpu.memory_space<vmem>> -> memref<1x208x64xf32, #tpu.memory_space<vmem>>
          %dma_wait3A_227 = tpu.memref_squeeze %dma_wait3A_226 : memref<1x208x64xf32, #tpu.memory_space<vmem>> -> memref<208x64xf32, #tpu.memory_space<vmem>>
          %dma_wait3A_228 = arith.constant 0 : i32
          %dma_wait3A_229 = tpu.memref_slice %arg4[%mul3A_4, %dma_wait3A_228] : memref<425984x64xf32, #tpu.memory_space<hbm>> -> memref<208x64xf32, #tpu.memory_space<hbm>>
          %dma_wait3A_230 = tpu.memref_slice %arg8[%dma_wait3A_223] : memref<4x!tpu.dma_semaphore, #tpu.memory_space<semaphore_mem>> -> memref<1x!tpu.dma_semaphore, #tpu.memory_space<semaphore_mem>>
          %dma_wait3A_231 = tpu.memref_squeeze %dma_wait3A_230 : memref<1x!tpu.dma_semaphore, #tpu.memory_space<semaphore_mem>> -> memref<!tpu.dma_semaphore, #tpu.memory_space<semaphore_mem>>
          %dma_wait3A_232 = arith.constant 0 : i32
          %dma_wait3A_233 = tpu.memref_slice %arg4[%mul3A_4, %dma_wait3A_232] : memref<425984x64xf32, #tpu.memory_space<hbm>> -> memref<208x64xf32, #tpu.memory_space<hbm>>
          %dma_wait3A_234 = arith.constant 0 : i32
          %dma_wait3A_235 = arith.constant 0 : i32
          %dma_wait3A_236 = tpu.memref_slice %arg6[%dma_wait3A_222, %dma_wait3A_234, %dma_wait3A_235] : memref<4x208x64xf32, #tpu.memory_space<vmem>> -> memref<1x208x64xf32, #tpu.memory_space<vmem>>
          %dma_wait3A_237 = tpu.memref_squeeze %dma_wait3A_236 : memref<1x208x64xf32, #tpu.memory_space<vmem>> -> memref<208x64xf32, #tpu.memory_space<vmem>>
          tpu.wait_dma2 semaphore(%dma_wait3A_231 : memref<!tpu.dma_semaphore, #tpu.memory_space<semaphore_mem>>) src(%dma_wait3A_237 : memref<208x64xf32, #tpu.memory_space<vmem>>) dst(%dma_wait3A_233 : memref<208x64xf32, #tpu.memory_space<hbm>>)
        } else {
        }
        %scan3A_217 = arith.constant 0 : i32
        %scan3A_218 = arith.constant 13 : i32
        %scan3A_219 = arith.addi %scan3A_217, %scan3A_218 : i32
        %scan3A_220 = arith.constant 1 : i32
        scf.for %scan3A_222 = %scan3A_217 to %scan3A_219 step %scan3A_220  : i32 {
          %mul3A_223 = arith.constant 1 : i32
          %mul3A_224 = arith.muli %scan3A_222, %mul3A_223 : i32
          %add3A_225 = arith.constant 0 : i32
          %add3A_226 = arith.addi %add3A_225, %mul3A_224 : i32
          %mul3A_227 = arith.constant 208 : i32
          %mul3A_228 = arith.muli %add3A_174, %mul3A_227 : i32
          %mul3A_229 = arith.constant 16 : i32
          %mul3A_230 = arith.muli %add3A_226, %mul3A_229 : i32
          %add3A_231 = arith.addi %mul3A_228, %mul3A_230 : i32
          %jit3A = arith.constant 128 : i32
          %div3A = arith.divsi %add3A_231, %jit3A : i32
          %sign3A = arith.constant 0 : i32
          %sign3A_232 = arith.cmpi sgt, %add3A_231, %sign3A : i32
          %sign3A_233 = arith.extui %sign3A_232 : i1 to i32
          %sign3A_234 = arith.constant 0 : i32
          %sign3A_235 = arith.cmpi slt, %add3A_231, %sign3A_234 : i32
          %sign3A_236 = arith.extui %sign3A_235 : i1 to i32
          %sign3A_237 = arith.subi %sign3A_233, %sign3A_236 : i32
          %sign3A_238 = arith.constant 0 : i32
          %sign3A_239 = arith.cmpi sgt, %jit3A, %sign3A_238 : i32
          %sign3A_240 = arith.extui %sign3A_239 : i1 to i32
          %sign3A_241 = arith.constant 0 : i32
          %sign3A_242 = arith.cmpi slt, %jit3A, %sign3A_241 : i32
          %sign3A_243 = arith.extui %sign3A_242 : i1 to i32
          %sign3A_244 = arith.subi %sign3A_240, %sign3A_243 : i32
          %ne3A = arith.cmpi ne, %sign3A_237, %sign3A_244 : i32
          %rem3A = arith.remsi %add3A_231, %jit3A : i32
          %ne3A_245 = arith.constant 0 : i32
          %ne3A_246 = arith.cmpi ne, %rem3A, %ne3A_245 : i32
          %and3A = arith.andi %ne3A, %ne3A_246 : i1
          %sub3A_247 = arith.constant 1 : i32
          %sub3A_248 = arith.subi %div3A, %sub3A_247 : i32
          %select_n3A = arith.select %and3A, %sub3A_248, %div3A : i32
          %jit3A_249 = arith.constant 128 : i32
          %eq3A = arith.constant 0 : i32
          %eq3A_250 = arith.cmpi eq, %jit3A_249, %eq3A : i32
          %jit3A_251 = arith.constant 1 : i32
          %select_n3A_252 = arith.select %eq3A_250, %jit3A_251, %jit3A_249 : i32
          %rem3A_253 = arith.remsi %add3A_231, %select_n3A_252 : i32
          %ne3A_254 = arith.constant 0 : i32
          %ne3A_255 = arith.cmpi ne, %rem3A_253, %ne3A_254 : i32
          %lt3A_256 = arith.constant 0 : i32
          %lt3A_257 = arith.cmpi slt, %rem3A_253, %lt3A_256 : i32
          %lt3A_258 = arith.constant 0 : i32
          %lt3A_259 = arith.cmpi slt, %select_n3A_252, %lt3A_258 : i32
          %ne3A_260 = arith.xori %lt3A_257, %lt3A_259 : i1
          %and3A_261 = arith.andi %ne3A_260, %ne3A_255 : i1
          %add3A_262 = arith.addi %rem3A_253, %select_n3A_252 : i32
          %select_n3A_263 = arith.select %and3A_261, %add3A_262, %rem3A_253 : i32
          %get3A = arith.index_cast %select_n3A : i32 to index
          %get3A_264 = arith.index_cast %select_n3A_263 : i32 to index
          %get3A_265 = tpu.vector_load %arg5[%get3A, %get3A_264] {strides = array<i32>} : memref<104x128xi32, #tpu.memory_space<vmem>>, vector<1x16xi32>,
          %get3A_266 = vector.shape_cast %get3A_265 : vector<1x16xi32> to vector<16xi32>
          %slice3A = vector.extract_strided_slice %get3A_266 {offsets = [0], sizes = [1], strides = [1]} : vector<16xi32> to vector<1xi32>
          %squeeze3A = vector.extract %slice3A[0] : i32 from vector<1xi32>
          %mul3A_267 = arith.constant 16 : i32
          %mul3A_268 = arith.muli %add3A_226, %mul3A_267 : i32
          %add3A_269 = arith.constant 0 : i32
          %add3A_270 = arith.addi %mul3A_268, %add3A_269 : i32
          %dma_start3A_271 = arith.constant 2 : i32
          %dma_start3A_272 = arith.constant 2 : i32
          %dma_start3A_273 = arith.constant 0 : i32
          %dma_start3A_274 = tpu.memref_slice %arg6[%dma_start3A_271, %add3A_270, %dma_start3A_273] : memref<4x208x64xf32, #tpu.memory_space<vmem>> -> memref<1x1x64xf32, #tpu.memory_space<vmem>>
          %dma_start3A_275 = tpu.memref_squeeze %dma_start3A_274 : memref<1x1x64xf32, #tpu.memory_space<vmem>> -> memref<1x64xf32, #tpu.memory_space<vmem>>
          %dma_start3A_276 = arith.constant 0 : i32
          %dma_start3A_277 = tpu.memref_slice %arg3[%squeeze3A, %dma_start3A_276] : memref<1000000x64xf32, #tpu.memory_space<hbm>> -> memref<1x64xf32, #tpu.memory_space<hbm>>
          %dma_start3A_278 = tpu.memref_slice %arg7[%dma_start3A_272] : memref<4x!tpu.dma_semaphore, #tpu.memory_space<semaphore_mem>> -> memref<1x!tpu.dma_semaphore, #tpu.memory_space<semaphore_mem>>
          %dma_start3A_279 = tpu.memref_squeeze %dma_start3A_278 : memref<1x!tpu.dma_semaphore, #tpu.memory_space<semaphore_mem>> -> memref<!tpu.dma_semaphore, #tpu.memory_space<semaphore_mem>>
          %dma_start3A_280 = arith.constant 0 : i32
          %dma_start3A_281 = tpu.memref_slice %arg6[%dma_start3A_271, %add3A_270, %dma_start3A_280] : memref<4x208x64xf32, #tpu.memory_space<vmem>> -> memref<1x1x64xf32, #tpu.memory_space<vmem>>
          %dma_start3A_282 = tpu.memref_squeeze %dma_start3A_281 : memref<1x1x64xf32, #tpu.memory_space<vmem>> -> memref<1x64xf32, #tpu.memory_space<vmem>>
          %dma_start3A_283 = arith.constant 0 : i32
          %dma_start3A_284 = tpu.memref_slice %arg3[%squeeze3A, %dma_start3A_283] : memref<1000000x64xf32, #tpu.memory_space<hbm>> -> memref<1x64xf32, #tpu.memory_space<hbm>>
          tpu.enqueue_dma source(%dma_start3A_284 : memref<1x64xf32, #tpu.memory_space<hbm>>) target(%dma_start3A_282 : memref<1x64xf32, #tpu.memory_space<vmem>>) target_semaphore(%dma_start3A_279 : memref<!tpu.dma_semaphore, #tpu.memory_space<semaphore_mem>>)
          %slice3A_285 = vector.extract_strided_slice %get3A_266 {offsets = [1], sizes = [1], strides = [1]} : vector<16xi32> to vector<1xi32>
          %squeeze3A_286 = vector.extract %slice3A_285[0] : i32 from vector<1xi32>
          %mul3A_287 = arith.constant 16 : i32
          %mul3A_288 = arith.muli %add3A_226, %mul3A_287 : i32
          %add3A_289 = arith.constant 1 : i32
          %add3A_290 = arith.addi %mul3A_288, %add3A_289 : i32
          %dma_start3A_291 = arith.constant 2 : i32
          %dma_start3A_292 = arith.constant 2 : i32
          %dma_start3A_293 = arith.constant 0 : i32
          %dma_start3A_294 = tpu.memref_slice %arg6[%dma_start3A_291, %add3A_290, %dma_start3A_293] : memref<4x208x64xf32, #tpu.memory_space<vmem>> -> memref<1x1x64xf32, #tpu.memory_space<vmem>>
          %dma_start3A_295 = tpu.memref_squeeze %dma_start3A_294 : memref<1x1x64xf32, #tpu.memory_space<vmem>> -> memref<1x64xf32, #tpu.memory_space<vmem>>
          %dma_start3A_296 = arith.constant 0 : i32
          %dma_start3A_297 = tpu.memref_slice %arg3[%squeeze3A_286, %dma_start3A_296] : memref<1000000x64xf32, #tpu.memory_space<hbm>> -> memref<1x64xf32, #tpu.memory_space<hbm>>
          %dma_start3A_298 = tpu.memref_slice %arg7[%dma_start3A_292] : memref<4x!tpu.dma_semaphore, #tpu.memory_space<semaphore_mem>> -> memref<1x!tpu.dma_semaphore, #tpu.memory_space<semaphore_mem>>
          %dma_start3A_299 = tpu.memref_squeeze %dma_start3A_298 : memref<1x!tpu.dma_semaphore, #tpu.memory_space<semaphore_mem>> -> memref<!tpu.dma_semaphore, #tpu.memory_space<semaphore_mem>>
          %dma_start3A_300 = arith.constant 0 : i32
          %dma_start3A_301 = tpu.memref_slice %arg6[%dma_start3A_291, %add3A_290, %dma_start3A_300] : memref<4x208x64xf32, #tpu.memory_space<vmem>> -> memref<1x1x64xf32, #tpu.memory_space<vmem>>
          %dma_start3A_302 = tpu.memref_squeeze %dma_start3A_301 : memref<1x1x64xf32, #tpu.memory_space<vmem>> -> memref<1x64xf32, #tpu.memory_space<vmem>>
          %dma_start3A_303 = arith.constant 0 : i32
          %dma_start3A_304 = tpu.memref_slice %arg3[%squeeze3A_286, %dma_start3A_303] : memref<1000000x64xf32, #tpu.memory_space<hbm>> -> memref<1x64xf32, #tpu.memory_space<hbm>>
          tpu.enqueue_dma source(%dma_start3A_304 : memref<1x64xf32, #tpu.memory_space<hbm>>) target(%dma_start3A_302 : memref<1x64xf32, #tpu.memory_space<vmem>>) target_semaphore(%dma_start3A_299 : memref<!tpu.dma_semaphore, #tpu.memory_space<semaphore_mem>>)
          %slice3A_305 = vector.extract_strided_slice %get3A_266 {offsets = [2], sizes = [1], strides = [1]} : vector<16xi32> to vector<1xi32>
          %squeeze3A_306 = vector.extract %slice3A_305[0] : i32 from vector<1xi32>
          %mul3A_307 = arith.constant 16 : i32
          %mul3A_308 = arith.muli %add3A_226, %mul3A_307 : i32
          %add3A_309 = arith.constant 2 : i32
          %add3A_310 = arith.addi %mul3A_308, %add3A_309 : i32
          %dma_start3A_311 = arith.constant 2 : i32
          %dma_start3A_312 = arith.constant 2 : i32
          %dma_start3A_313 = arith.constant 0 : i32
          %dma_start3A_314 = tpu.memref_slice %arg6[%dma_start3A_311, %add3A_310, %dma_start3A_313] : memref<4x208x64xf32, #tpu.memory_space<vmem>> -> memref<1x1x64xf32, #tpu.memory_space<vmem>>
          %dma_start3A_315 = tpu.memref_squeeze %dma_start3A_314 : memref<1x1x64xf32, #tpu.memory_space<vmem>> -> memref<1x64xf32, #tpu.memory_space<vmem>>
          %dma_start3A_316 = arith.constant 0 : i32
          %dma_start3A_317 = tpu.memref_slice %arg3[%squeeze3A_306, %dma_start3A_316] : memref<1000000x64xf32, #tpu.memory_space<hbm>> -> memref<1x64xf32, #tpu.memory_space<hbm>>
          %dma_start3A_318 = tpu.memref_slice %arg7[%dma_start3A_312] : memref<4x!tpu.dma_semaphore, #tpu.memory_space<semaphore_mem>> -> memref<1x!tpu.dma_semaphore, #tpu.memory_space<semaphore_mem>>
          %dma_start3A_319 = tpu.memref_squeeze %dma_start3A_318 : memref<1x!tpu.dma_semaphore, #tpu.memory_space<semaphore_mem>> -> memref<!tpu.dma_semaphore, #tpu.memory_space<semaphore_mem>>
          %dma_start3A_320 = arith.constant 0 : i32
          %dma_start3A_321 = tpu.memref_slice %arg6[%dma_start3A_311, %add3A_310, %dma_start3A_320] : memref<4x208x64xf32, #tpu.memory_space<vmem>> -> memref<1x1x64xf32, #tpu.memory_space<vmem>>
          %dma_start3A_322 = tpu.memref_squeeze %dma_start3A_321 : memref<1x1x64xf32, #tpu.memory_space<vmem>> -> memref<1x64xf32, #tpu.memory_space<vmem>>
          %dma_start3A_323 = arith.constant 0 : i32
          %dma_start3A_324 = tpu.memref_slice %arg3[%squeeze3A_306, %dma_start3A_323] : memref<1000000x64xf32, #tpu.memory_space<hbm>> -> memref<1x64xf32, #tpu.memory_space<hbm>>
          tpu.enqueue_dma source(%dma_start3A_324 : memref<1x64xf32, #tpu.memory_space<hbm>>) target(%dma_start3A_322 : memref<1x64xf32, #tpu.memory_space<vmem>>) target_semaphore(%dma_start3A_319 : memref<!tpu.dma_semaphore, #tpu.memory_space<semaphore_mem>>)
          %slice3A_325 = vector.extract_strided_slice %get3A_266 {offsets = [3], sizes = [1], strides = [1]} : vector<16xi32> to vector<1xi32>
          %squeeze3A_326 = vector.extract %slice3A_325[0] : i32 from vector<1xi32>
          %mul3A_327 = arith.constant 16 : i32
          %mul3A_328 = arith.muli %add3A_226, %mul3A_327 : i32
          %add3A_329 = arith.constant 3 : i32
          %add3A_330 = arith.addi %mul3A_328, %add3A_329 : i32
          %dma_start3A_331 = arith.constant 2 : i32
          %dma_start3A_332 = arith.constant 2 : i32
          %dma_start3A_333 = arith.constant 0 : i32
          %dma_start3A_334 = tpu.memref_slice %arg6[%dma_start3A_331, %add3A_330, %dma_start3A_333] : memref<4x208x64xf32, #tpu.memory_space<vmem>> -> memref<1x1x64xf32, #tpu.memory_space<vmem>>
          %dma_start3A_335 = tpu.memref_squeeze %dma_start3A_334 : memref<1x1x64xf32, #tpu.memory_space<vmem>> -> memref<1x64xf32, #tpu.memory_space<vmem>>
          %dma_start3A_336 = arith.constant 0 : i32
          %dma_start3A_337 = tpu.memref_slice %arg3[%squeeze3A_326, %dma_start3A_336] : memref<1000000x64xf32, #tpu.memory_space<hbm>> -> memref<1x64xf32, #tpu.memory_space<hbm>>
          %dma_start3A_338 = tpu.memref_slice %arg7[%dma_start3A_332] : memref<4x!tpu.dma_semaphore, #tpu.memory_space<semaphore_mem>> -> memref<1x!tpu.dma_semaphore, #tpu.memory_space<semaphore_mem>>
          %dma_start3A_339 = tpu.memref_squeeze %dma_start3A_338 : memref<1x!tpu.dma_semaphore, #tpu.memory_space<semaphore_mem>> -> memref<!tpu.dma_semaphore, #tpu.memory_space<semaphore_mem>>
          %dma_start3A_340 = arith.constant 0 : i32
          %dma_start3A_341 = tpu.memref_slice %arg6[%dma_start3A_331, %add3A_330, %dma_start3A_340] : memref<4x208x64xf32, #tpu.memory_space<vmem>> -> memref<1x1x64xf32, #tpu.memory_space<vmem>>
          %dma_start3A_342 = tpu.memref_squeeze %dma_start3A_341 : memref<1x1x64xf32, #tpu.memory_space<vmem>> -> memref<1x64xf32, #tpu.memory_space<vmem>>
          %dma_start3A_343 = arith.constant 0 : i32
          %dma_start3A_344 = tpu.memref_slice %arg3[%squeeze3A_326, %dma_start3A_343] : memref<1000000x64xf32, #tpu.memory_space<hbm>> -> memref<1x64xf32, #tpu.memory_space<hbm>>
          tpu.enqueue_dma source(%dma_start3A_344 : memref<1x64xf32, #tpu.memory_space<hbm>>) target(%dma_start3A_342 : memref<1x64xf32, #tpu.memory_space<vmem>>) target_semaphore(%dma_start3A_339 : memref<!tpu.dma_semaphore, #tpu.memory_space<semaphore_mem>>)
          %slice3A_345 = vector.extract_strided_slice %get3A_266 {offsets = [4], sizes = [1], strides = [1]} : vector<16xi32> to vector<1xi32>
          %squeeze3A_346 = vector.extract %slice3A_345[0] : i32 from vector<1xi32>
          %mul3A_347 = arith.constant 16 : i32
          %mul3A_348 = arith.muli %add3A_226, %mul3A_347 : i32
          %add3A_349 = arith.constant 4 : i32
          %add3A_350 = arith.addi %mul3A_348, %add3A_349 : i32
          %dma_start3A_351 = arith.constant 2 : i32
          %dma_start3A_352 = arith.constant 2 : i32
          %dma_start3A_353 = arith.constant 0 : i32
          %dma_start3A_354 = tpu.memref_slice %arg6[%dma_start3A_351, %add3A_350, %dma_start3A_353] : memref<4x208x64xf32, #tpu.memory_space<vmem>> -> memref<1x1x64xf32, #tpu.memory_space<vmem>>
          %dma_start3A_355 = tpu.memref_squeeze %dma_start3A_354 : memref<1x1x64xf32, #tpu.memory_space<vmem>> -> memref<1x64xf32, #tpu.memory_space<vmem>>
          %dma_start3A_356 = arith.constant 0 : i32
          %dma_start3A_357 = tpu.memref_slice %arg3[%squeeze3A_346, %dma_start3A_356] : memref<1000000x64xf32, #tpu.memory_space<hbm>> -> memref<1x64xf32, #tpu.memory_space<hbm>>
          %dma_start3A_358 = tpu.memref_slice %arg7[%dma_start3A_352] : memref<4x!tpu.dma_semaphore, #tpu.memory_space<semaphore_mem>> -> memref<1x!tpu.dma_semaphore, #tpu.memory_space<semaphore_mem>>
          %dma_start3A_359 = tpu.memref_squeeze %dma_start3A_358 : memref<1x!tpu.dma_semaphore, #tpu.memory_space<semaphore_mem>> -> memref<!tpu.dma_semaphore, #tpu.memory_space<semaphore_mem>>
          %dma_start3A_360 = arith.constant 0 : i32
          %dma_start3A_361 = tpu.memref_slice %arg6[%dma_start3A_351, %add3A_350, %dma_start3A_360] : memref<4x208x64xf32, #tpu.memory_space<vmem>> -> memref<1x1x64xf32, #tpu.memory_space<vmem>>
          %dma_start3A_362 = tpu.memref_squeeze %dma_start3A_361 : memref<1x1x64xf32, #tpu.memory_space<vmem>> -> memref<1x64xf32, #tpu.memory_space<vmem>>
          %dma_start3A_363 = arith.constant 0 : i32
          %dma_start3A_364 = tpu.memref_slice %arg3[%squeeze3A_346, %dma_start3A_363] : memref<1000000x64xf32, #tpu.memory_space<hbm>> -> memref<1x64xf32, #tpu.memory_space<hbm>>
          tpu.enqueue_dma source(%dma_start3A_364 : memref<1x64xf32, #tpu.memory_space<hbm>>) target(%dma_start3A_362 : memref<1x64xf32, #tpu.memory_space<vmem>>) target_semaphore(%dma_start3A_359 : memref<!tpu.dma_semaphore, #tpu.memory_space<semaphore_mem>>)
          %slice3A_365 = vector.extract_strided_slice %get3A_266 {offsets = [5], sizes = [1], strides = [1]} : vector<16xi32> to vector<1xi32>
          %squeeze3A_366 = vector.extract %slice3A_365[0] : i32 from vector<1xi32>
          %mul3A_367 = arith.constant 16 : i32
          %mul3A_368 = arith.muli %add3A_226, %mul3A_367 : i32
          %add3A_369 = arith.constant 5 : i32
          %add3A_370 = arith.addi %mul3A_368, %add3A_369 : i32
          %dma_start3A_371 = arith.constant 2 : i32
          %dma_start3A_372 = arith.constant 2 : i32
          %dma_start3A_373 = arith.constant 0 : i32
          %dma_start3A_374 = tpu.memref_slice %arg6[%dma_start3A_371, %add3A_370, %dma_start3A_373] : memref<4x208x64xf32, #tpu.memory_space<vmem>> -> memref<1x1x64xf32, #tpu.memory_space<vmem>>
          %dma_start3A_375 = tpu.memref_squeeze %dma_start3A_374 : memref<1x1x64xf32, #tpu.memory_space<vmem>> -> memref<1x64xf32, #tpu.memory_space<vmem>>
          %dma_start3A_376 = arith.constant 0 : i32
          %dma_start3A_377 = tpu.memref_slice %arg3[%squeeze3A_366, %dma_start3A_376] : memref<1000000x64xf32, #tpu.memory_space<hbm>> -> memref<1x64xf32, #tpu.memory_space<hbm>>
          %dma_start3A_378 = tpu.memref_slice %arg7[%dma_start3A_372] : memref<4x!tpu.dma_semaphore, #tpu.memory_space<semaphore_mem>> -> memref<1x!tpu.dma_semaphore, #tpu.memory_space<semaphore_mem>>
          %dma_start3A_379 = tpu.memref_squeeze %dma_start3A_378 : memref<1x!tpu.dma_semaphore, #tpu.memory_space<semaphore_mem>> -> memref<!tpu.dma_semaphore, #tpu.memory_space<semaphore_mem>>
          %dma_start3A_380 = arith.constant 0 : i32
          %dma_start3A_381 = tpu.memref_slice %arg6[%dma_start3A_371, %add3A_370, %dma_start3A_380] : memref<4x208x64xf32, #tpu.memory_space<vmem>> -> memref<1x1x64xf32, #tpu.memory_space<vmem>>
          %dma_start3A_382 = tpu.memref_squeeze %dma_start3A_381 : memref<1x1x64xf32, #tpu.memory_space<vmem>> -> memref<1x64xf32, #tpu.memory_space<vmem>>
          %dma_start3A_383 = arith.constant 0 : i32
          %dma_start3A_384 = tpu.memref_slice %arg3[%squeeze3A_366, %dma_start3A_383] : memref<1000000x64xf32, #tpu.memory_space<hbm>> -> memref<1x64xf32, #tpu.memory_space<hbm>>
          tpu.enqueue_dma source(%dma_start3A_384 : memref<1x64xf32, #tpu.memory_space<hbm>>) target(%dma_start3A_382 : memref<1x64xf32, #tpu.memory_space<vmem>>) target_semaphore(%dma_start3A_379 : memref<!tpu.dma_semaphore, #tpu.memory_space<semaphore_mem>>)
          %slice3A_385 = vector.extract_strided_slice %get3A_266 {offsets = [6], sizes = [1], strides = [1]} : vector<16xi32> to vector<1xi32>
          %squeeze3A_386 = vector.extract %slice3A_385[0] : i32 from vector<1xi32>
          %mul3A_387 = arith.constant 16 : i32
          %mul3A_388 = arith.muli %add3A_226, %mul3A_387 : i32
          %add3A_389 = arith.constant 6 : i32
          %add3A_390 = arith.addi %mul3A_388, %add3A_389 : i32
          %dma_start3A_391 = arith.constant 2 : i32
          %dma_start3A_392 = arith.constant 2 : i32
          %dma_start3A_393 = arith.constant 0 : i32
          %dma_start3A_394 = tpu.memref_slice %arg6[%dma_start3A_391, %add3A_390, %dma_start3A_393] : memref<4x208x64xf32, #tpu.memory_space<vmem>> -> memref<1x1x64xf32, #tpu.memory_space<vmem>>
          %dma_start3A_395 = tpu.memref_squeeze %dma_start3A_394 : memref<1x1x64xf32, #tpu.memory_space<vmem>> -> memref<1x64xf32, #tpu.memory_space<vmem>>
          %dma_start3A_396 = arith.constant 0 : i32
          %dma_start3A_397 = tpu.memref_slice %arg3[%squeeze3A_386, %dma_start3A_396] : memref<1000000x64xf32, #tpu.memory_space<hbm>> -> memref<1x64xf32, #tpu.memory_space<hbm>>
          %dma_start3A_398 = tpu.memref_slice %arg7[%dma_start3A_392] : memref<4x!tpu.dma_semaphore, #tpu.memory_space<semaphore_mem>> -> memref<1x!tpu.dma_semaphore, #tpu.memory_space<semaphore_mem>>
          %dma_start3A_399 = tpu.memref_squeeze %dma_start3A_398 : memref<1x!tpu.dma_semaphore, #tpu.memory_space<semaphore_mem>> -> memref<!tpu.dma_semaphore, #tpu.memory_space<semaphore_mem>>
          %dma_start3A_400 = arith.constant 0 : i32
          %dma_start3A_401 = tpu.memref_slice %arg6[%dma_start3A_391, %add3A_390, %dma_start3A_400] : memref<4x208x64xf32, #tpu.memory_space<vmem>> -> memref<1x1x64xf32, #tpu.memory_space<vmem>>
          %dma_start3A_402 = tpu.memref_squeeze %dma_start3A_401 : memref<1x1x64xf32, #tpu.memory_space<vmem>> -> memref<1x64xf32, #tpu.memory_space<vmem>>
          %dma_start3A_403 = arith.constant 0 : i32
          %dma_start3A_404 = tpu.memref_slice %arg3[%squeeze3A_386, %dma_start3A_403] : memref<1000000x64xf32, #tpu.memory_space<hbm>> -> memref<1x64xf32, #tpu.memory_space<hbm>>
          tpu.enqueue_dma source(%dma_start3A_404 : memref<1x64xf32, #tpu.memory_space<hbm>>) target(%dma_start3A_402 : memref<1x64xf32, #tpu.memory_space<vmem>>) target_semaphore(%dma_start3A_399 : memref<!tpu.dma_semaphore, #tpu.memory_space<semaphore_mem>>)
          %slice3A_405 = vector.extract_strided_slice %get3A_266 {offsets = [7], sizes = [1], strides = [1]} : vector<16xi32> to vector<1xi32>
          %squeeze3A_406 = vector.extract %slice3A_405[0] : i32 from vector<1xi32>
          %mul3A_407 = arith.constant 16 : i32
          %mul3A_408 = arith.muli %add3A_226, %mul3A_407 : i32
          %add3A_409 = arith.constant 7 : i32
          %add3A_410 = arith.addi %mul3A_408, %add3A_409 : i32
          %dma_start3A_411 = arith.constant 2 : i32
          %dma_start3A_412 = arith.constant 2 : i32
          %dma_start3A_413 = arith.constant 0 : i32
          %dma_start3A_414 = tpu.memref_slice %arg6[%dma_start3A_411, %add3A_410, %dma_start3A_413] : memref<4x208x64xf32, #tpu.memory_space<vmem>> -> memref<1x1x64xf32, #tpu.memory_space<vmem>>
          %dma_start3A_415 = tpu.memref_squeeze %dma_start3A_414 : memref<1x1x64xf32, #tpu.memory_space<vmem>> -> memref<1x64xf32, #tpu.memory_space<vmem>>
          %dma_start3A_416 = arith.constant 0 : i32
          %dma_start3A_417 = tpu.memref_slice %arg3[%squeeze3A_406, %dma_start3A_416] : memref<1000000x64xf32, #tpu.memory_space<hbm>> -> memref<1x64xf32, #tpu.memory_space<hbm>>
          %dma_start3A_418 = tpu.memref_slice %arg7[%dma_start3A_412] : memref<4x!tpu.dma_semaphore, #tpu.memory_space<semaphore_mem>> -> memref<1x!tpu.dma_semaphore, #tpu.memory_space<semaphore_mem>>
          %dma_start3A_419 = tpu.memref_squeeze %dma_start3A_418 : memref<1x!tpu.dma_semaphore, #tpu.memory_space<semaphore_mem>> -> memref<!tpu.dma_semaphore, #tpu.memory_space<semaphore_mem>>
          %dma_start3A_420 = arith.constant 0 : i32
          %dma_start3A_421 = tpu.memref_slice %arg6[%dma_start3A_411, %add3A_410, %dma_start3A_420] : memref<4x208x64xf32, #tpu.memory_space<vmem>> -> memref<1x1x64xf32, #tpu.memory_space<vmem>>
          %dma_start3A_422 = tpu.memref_squeeze %dma_start3A_421 : memref<1x1x64xf32, #tpu.memory_space<vmem>> -> memref<1x64xf32, #tpu.memory_space<vmem>>
          %dma_start3A_423 = arith.constant 0 : i32
          %dma_start3A_424 = tpu.memref_slice %arg3[%squeeze3A_406, %dma_start3A_423] : memref<1000000x64xf32, #tpu.memory_space<hbm>> -> memref<1x64xf32, #tpu.memory_space<hbm>>
          tpu.enqueue_dma source(%dma_start3A_424 : memref<1x64xf32, #tpu.memory_space<hbm>>) target(%dma_start3A_422 : memref<1x64xf32, #tpu.memory_space<vmem>>) target_semaphore(%dma_start3A_419 : memref<!tpu.dma_semaphore, #tpu.memory_space<semaphore_mem>>)
          %slice3A_425 = vector.extract_strided_slice %get3A_266 {offsets = [8], sizes = [1], strides = [1]} : vector<16xi32> to vector<1xi32>
          %squeeze3A_426 = vector.extract %slice3A_425[0] : i32 from vector<1xi32>
          %mul3A_427 = arith.constant 16 : i32
          %mul3A_428 = arith.muli %add3A_226, %mul3A_427 : i32
          %add3A_429 = arith.constant 8 : i32
          %add3A_430 = arith.addi %mul3A_428, %add3A_429 : i32
          %dma_start3A_431 = arith.constant 2 : i32
          %dma_start3A_432 = arith.constant 2 : i32
          %dma_start3A_433 = arith.constant 0 : i32
          %dma_start3A_434 = tpu.memref_slice %arg6[%dma_start3A_431, %add3A_430, %dma_start3A_433] : memref<4x208x64xf32, #tpu.memory_space<vmem>> -> memref<1x1x64xf32, #tpu.memory_space<vmem>>
          %dma_start3A_435 = tpu.memref_squeeze %dma_start3A_434 : memref<1x1x64xf32, #tpu.memory_space<vmem>> -> memref<1x64xf32, #tpu.memory_space<vmem>>
          %dma_start3A_436 = arith.constant 0 : i32
          %dma_start3A_437 = tpu.memref_slice %arg3[%squeeze3A_426, %dma_start3A_436] : memref<1000000x64xf32, #tpu.memory_space<hbm>> -> memref<1x64xf32, #tpu.memory_space<hbm>>
          %dma_start3A_438 = tpu.memref_slice %arg7[%dma_start3A_432] : memref<4x!tpu.dma_semaphore, #tpu.memory_space<semaphore_mem>> -> memref<1x!tpu.dma_semaphore, #tpu.memory_space<semaphore_mem>>
          %dma_start3A_439 = tpu.memref_squeeze %dma_start3A_438 : memref<1x!tpu.dma_semaphore, #tpu.memory_space<semaphore_mem>> -> memref<!tpu.dma_semaphore, #tpu.memory_space<semaphore_mem>>
          %dma_start3A_440 = arith.constant 0 : i32
          %dma_start3A_441 = tpu.memref_slice %arg6[%dma_start3A_431, %add3A_430, %dma_start3A_440] : memref<4x208x64xf32, #tpu.memory_space<vmem>> -> memref<1x1x64xf32, #tpu.memory_space<vmem>>
          %dma_start3A_442 = tpu.memref_squeeze %dma_start3A_441 : memref<1x1x64xf32, #tpu.memory_space<vmem>> -> memref<1x64xf32, #tpu.memory_space<vmem>>
          %dma_start3A_443 = arith.constant 0 : i32
          %dma_start3A_444 = tpu.memref_slice %arg3[%squeeze3A_426, %dma_start3A_443] : memref<1000000x64xf32, #tpu.memory_space<hbm>> -> memref<1x64xf32, #tpu.memory_space<hbm>>
          tpu.enqueue_dma source(%dma_start3A_444 : memref<1x64xf32, #tpu.memory_space<hbm>>) target(%dma_start3A_442 : memref<1x64xf32, #tpu.memory_space<vmem>>) target_semaphore(%dma_start3A_439 : memref<!tpu.dma_semaphore, #tpu.memory_space<semaphore_mem>>)
          %slice3A_445 = vector.extract_strided_slice %get3A_266 {offsets = [9], sizes = [1], strides = [1]} : vector<16xi32> to vector<1xi32>
          %squeeze3A_446 = vector.extract %slice3A_445[0] : i32 from vector<1xi32>
          %mul3A_447 = arith.constant 16 : i32
          %mul3A_448 = arith.muli %add3A_226, %mul3A_447 : i32
          %add3A_449 = arith.constant 9 : i32
          %add3A_450 = arith.addi %mul3A_448, %add3A_449 : i32
          %dma_start3A_451 = arith.constant 2 : i32
          %dma_start3A_452 = arith.constant 2 : i32
          %dma_start3A_453 = arith.constant 0 : i32
          %dma_start3A_454 = tpu.memref_slice %arg6[%dma_start3A_451, %add3A_450, %dma_start3A_453] : memref<4x208x64xf32, #tpu.memory_space<vmem>> -> memref<1x1x64xf32, #tpu.memory_space<vmem>>
          %dma_start3A_455 = tpu.memref_squeeze %dma_start3A_454 : memref<1x1x64xf32, #tpu.memory_space<vmem>> -> memref<1x64xf32, #tpu.memory_space<vmem>>
          %dma_start3A_456 = arith.constant 0 : i32
          %dma_start3A_457 = tpu.memref_slice %arg3[%squeeze3A_446, %dma_start3A_456] : memref<1000000x64xf32, #tpu.memory_space<hbm>> -> memref<1x64xf32, #tpu.memory_space<hbm>>
          %dma_start3A_458 = tpu.memref_slice %arg7[%dma_start3A_452] : memref<4x!tpu.dma_semaphore, #tpu.memory_space<semaphore_mem>> -> memref<1x!tpu.dma_semaphore, #tpu.memory_space<semaphore_mem>>
          %dma_start3A_459 = tpu.memref_squeeze %dma_start3A_458 : memref<1x!tpu.dma_semaphore, #tpu.memory_space<semaphore_mem>> -> memref<!tpu.dma_semaphore, #tpu.memory_space<semaphore_mem>>
          %dma_start3A_460 = arith.constant 0 : i32
          %dma_start3A_461 = tpu.memref_slice %arg6[%dma_start3A_451, %add3A_450, %dma_start3A_460] : memref<4x208x64xf32, #tpu.memory_space<vmem>> -> memref<1x1x64xf32, #tpu.memory_space<vmem>>
          %dma_start3A_462 = tpu.memref_squeeze %dma_start3A_461 : memref<1x1x64xf32, #tpu.memory_space<vmem>> -> memref<1x64xf32, #tpu.memory_space<vmem>>
          %dma_start3A_463 = arith.constant 0 : i32
          %dma_start3A_464 = tpu.memref_slice %arg3[%squeeze3A_446, %dma_start3A_463] : memref<1000000x64xf32, #tpu.memory_space<hbm>> -> memref<1x64xf32, #tpu.memory_space<hbm>>
          tpu.enqueue_dma source(%dma_start3A_464 : memref<1x64xf32, #tpu.memory_space<hbm>>) target(%dma_start3A_462 : memref<1x64xf32, #tpu.memory_space<vmem>>) target_semaphore(%dma_start3A_459 : memref<!tpu.dma_semaphore, #tpu.memory_space<semaphore_mem>>)
          %slice3A_465 = vector.extract_strided_slice %get3A_266 {offsets = [10], sizes = [1], strides = [1]} : vector<16xi32> to vector<1xi32>
          %squeeze3A_466 = vector.extract %slice3A_465[0] : i32 from vector<1xi32>
          %mul3A_467 = arith.constant 16 : i32
          %mul3A_468 = arith.muli %add3A_226, %mul3A_467 : i32
          %add3A_469 = arith.constant 10 : i32
          %add3A_470 = arith.addi %mul3A_468, %add3A_469 : i32
          %dma_start3A_471 = arith.constant 2 : i32
          %dma_start3A_472 = arith.constant 2 : i32
          %dma_start3A_473 = arith.constant 0 : i32
          %dma_start3A_474 = tpu.memref_slice %arg6[%dma_start3A_471, %add3A_470, %dma_start3A_473] : memref<4x208x64xf32, #tpu.memory_space<vmem>> -> memref<1x1x64xf32, #tpu.memory_space<vmem>>
          %dma_start3A_475 = tpu.memref_squeeze %dma_start3A_474 : memref<1x1x64xf32, #tpu.memory_space<vmem>> -> memref<1x64xf32, #tpu.memory_space<vmem>>
          %dma_start3A_476 = arith.constant 0 : i32
          %dma_start3A_477 = tpu.memref_slice %arg3[%squeeze3A_466, %dma_start3A_476] : memref<1000000x64xf32, #tpu.memory_space<hbm>> -> memref<1x64xf32, #tpu.memory_space<hbm>>
          %dma_start3A_478 = tpu.memref_slice %arg7[%dma_start3A_472] : memref<4x!tpu.dma_semaphore, #tpu.memory_space<semaphore_mem>> -> memref<1x!tpu.dma_semaphore, #tpu.memory_space<semaphore_mem>>
          %dma_start3A_479 = tpu.memref_squeeze %dma_start3A_478 : memref<1x!tpu.dma_semaphore, #tpu.memory_space<semaphore_mem>> -> memref<!tpu.dma_semaphore, #tpu.memory_space<semaphore_mem>>
          %dma_start3A_480 = arith.constant 0 : i32
          %dma_start3A_481 = tpu.memref_slice %arg6[%dma_start3A_471, %add3A_470, %dma_start3A_480] : memref<4x208x64xf32, #tpu.memory_space<vmem>> -> memref<1x1x64xf32, #tpu.memory_space<vmem>>
          %dma_start3A_482 = tpu.memref_squeeze %dma_start3A_481 : memref<1x1x64xf32, #tpu.memory_space<vmem>> -> memref<1x64xf32, #tpu.memory_space<vmem>>
          %dma_start3A_483 = arith.constant 0 : i32
          %dma_start3A_484 = tpu.memref_slice %arg3[%squeeze3A_466, %dma_start3A_483] : memref<1000000x64xf32, #tpu.memory_space<hbm>> -> memref<1x64xf32, #tpu.memory_space<hbm>>
          tpu.enqueue_dma source(%dma_start3A_484 : memref<1x64xf32, #tpu.memory_space<hbm>>) target(%dma_start3A_482 : memref<1x64xf32, #tpu.memory_space<vmem>>) target_semaphore(%dma_start3A_479 : memref<!tpu.dma_semaphore, #tpu.memory_space<semaphore_mem>>)
          %slice3A_485 = vector.extract_strided_slice %get3A_266 {offsets = [11], sizes = [1], strides = [1]} : vector<16xi32> to vector<1xi32>
          %squeeze3A_486 = vector.extract %slice3A_485[0] : i32 from vector<1xi32>
          %mul3A_487 = arith.constant 16 : i32
          %mul3A_488 = arith.muli %add3A_226, %mul3A_487 : i32
          %add3A_489 = arith.constant 11 : i32
          %add3A_490 = arith.addi %mul3A_488, %add3A_489 : i32
          %dma_start3A_491 = arith.constant 2 : i32
          %dma_start3A_492 = arith.constant 2 : i32
          %dma_start3A_493 = arith.constant 0 : i32
          %dma_start3A_494 = tpu.memref_slice %arg6[%dma_start3A_491, %add3A_490, %dma_start3A_493] : memref<4x208x64xf32, #tpu.memory_space<vmem>> -> memref<1x1x64xf32, #tpu.memory_space<vmem>>
          %dma_start3A_495 = tpu.memref_squeeze %dma_start3A_494 : memref<1x1x64xf32, #tpu.memory_space<vmem>> -> memref<1x64xf32, #tpu.memory_space<vmem>>
          %dma_start3A_496 = arith.constant 0 : i32
          %dma_start3A_497 = tpu.memref_slice %arg3[%squeeze3A_486, %dma_start3A_496] : memref<1000000x64xf32, #tpu.memory_space<hbm>> -> memref<1x64xf32, #tpu.memory_space<hbm>>
          %dma_start3A_498 = tpu.memref_slice %arg7[%dma_start3A_492] : memref<4x!tpu.dma_semaphore, #tpu.memory_space<semaphore_mem>> -> memref<1x!tpu.dma_semaphore, #tpu.memory_space<semaphore_mem>>
          %dma_start3A_499 = tpu.memref_squeeze %dma_start3A_498 : memref<1x!tpu.dma_semaphore, #tpu.memory_space<semaphore_mem>> -> memref<!tpu.dma_semaphore, #tpu.memory_space<semaphore_mem>>
          %dma_start3A_500 = arith.constant 0 : i32
          %dma_start3A_501 = tpu.memref_slice %arg6[%dma_start3A_491, %add3A_490, %dma_start3A_500] : memref<4x208x64xf32, #tpu.memory_space<vmem>> -> memref<1x1x64xf32, #tpu.memory_space<vmem>>
          %dma_start3A_502 = tpu.memref_squeeze %dma_start3A_501 : memref<1x1x64xf32, #tpu.memory_space<vmem>> -> memref<1x64xf32, #tpu.memory_space<vmem>>
          %dma_start3A_503 = arith.constant 0 : i32
          %dma_start3A_504 = tpu.memref_slice %arg3[%squeeze3A_486, %dma_start3A_503] : memref<1000000x64xf32, #tpu.memory_space<hbm>> -> memref<1x64xf32, #tpu.memory_space<hbm>>
          tpu.enqueue_dma source(%dma_start3A_504 : memref<1x64xf32, #tpu.memory_space<hbm>>) target(%dma_start3A_502 : memref<1x64xf32, #tpu.memory_space<vmem>>) target_semaphore(%dma_start3A_499 : memref<!tpu.dma_semaphore, #tpu.memory_space<semaphore_mem>>)
          %slice3A_505 = vector.extract_strided_slice %get3A_266 {offsets = [12], sizes = [1], strides = [1]} : vector<16xi32> to vector<1xi32>
          %squeeze3A_506 = vector.extract %slice3A_505[0] : i32 from vector<1xi32>
          %mul3A_507 = arith.constant 16 : i32
          %mul3A_508 = arith.muli %add3A_226, %mul3A_507 : i32
          %add3A_509 = arith.constant 12 : i32
          %add3A_510 = arith.addi %mul3A_508, %add3A_509 : i32
          %dma_start3A_511 = arith.constant 2 : i32
          %dma_start3A_512 = arith.constant 2 : i32
          %dma_start3A_513 = arith.constant 0 : i32
          %dma_start3A_514 = tpu.memref_slice %arg6[%dma_start3A_511, %add3A_510, %dma_start3A_513] : memref<4x208x64xf32, #tpu.memory_space<vmem>> -> memref<1x1x64xf32, #tpu.memory_space<vmem>>
          %dma_start3A_515 = tpu.memref_squeeze %dma_start3A_514 : memref<1x1x64xf32, #tpu.memory_space<vmem>> -> memref<1x64xf32, #tpu.memory_space<vmem>>
          %dma_start3A_516 = arith.constant 0 : i32
          %dma_start3A_517 = tpu.memref_slice %arg3[%squeeze3A_506, %dma_start3A_516] : memref<1000000x64xf32, #tpu.memory_space<hbm>> -> memref<1x64xf32, #tpu.memory_space<hbm>>
          %dma_start3A_518 = tpu.memref_slice %arg7[%dma_start3A_512] : memref<4x!tpu.dma_semaphore, #tpu.memory_space<semaphore_mem>> -> memref<1x!tpu.dma_semaphore, #tpu.memory_space<semaphore_mem>>
          %dma_start3A_519 = tpu.memref_squeeze %dma_start3A_518 : memref<1x!tpu.dma_semaphore, #tpu.memory_space<semaphore_mem>> -> memref<!tpu.dma_semaphore, #tpu.memory_space<semaphore_mem>>
          %dma_start3A_520 = arith.constant 0 : i32
          %dma_start3A_521 = tpu.memref_slice %arg6[%dma_start3A_511, %add3A_510, %dma_start3A_520] : memref<4x208x64xf32, #tpu.memory_space<vmem>> -> memref<1x1x64xf32, #tpu.memory_space<vmem>>
          %dma_start3A_522 = tpu.memref_squeeze %dma_start3A_521 : memref<1x1x64xf32, #tpu.memory_space<vmem>> -> memref<1x64xf32, #tpu.memory_space<vmem>>
          %dma_start3A_523 = arith.constant 0 : i32
          %dma_start3A_524 = tpu.memref_slice %arg3[%squeeze3A_506, %dma_start3A_523] : memref<1000000x64xf32, #tpu.memory_space<hbm>> -> memref<1x64xf32, #tpu.memory_space<hbm>>
          tpu.enqueue_dma source(%dma_start3A_524 : memref<1x64xf32, #tpu.memory_space<hbm>>) target(%dma_start3A_522 : memref<1x64xf32, #tpu.memory_space<vmem>>) target_semaphore(%dma_start3A_519 : memref<!tpu.dma_semaphore, #tpu.memory_space<semaphore_mem>>)
          %slice3A_525 = vector.extract_strided_slice %get3A_266 {offsets = [13], sizes = [1], strides = [1]} : vector<16xi32> to vector<1xi32>
          %squeeze3A_526 = vector.extract %slice3A_525[0] : i32 from vector<1xi32>
          %mul3A_527 = arith.constant 16 : i32
          %mul3A_528 = arith.muli %add3A_226, %mul3A_527 : i32
          %add3A_529 = arith.constant 13 : i32
          %add3A_530 = arith.addi %mul3A_528, %add3A_529 : i32
          %dma_start3A_531 = arith.constant 2 : i32
          %dma_start3A_532 = arith.constant 2 : i32
          %dma_start3A_533 = arith.constant 0 : i32
          %dma_start3A_534 = tpu.memref_slice %arg6[%dma_start3A_531, %add3A_530, %dma_start3A_533] : memref<4x208x64xf32, #tpu.memory_space<vmem>> -> memref<1x1x64xf32, #tpu.memory_space<vmem>>
          %dma_start3A_535 = tpu.memref_squeeze %dma_start3A_534 : memref<1x1x64xf32, #tpu.memory_space<vmem>> -> memref<1x64xf32, #tpu.memory_space<vmem>>
          %dma_start3A_536 = arith.constant 0 : i32
          %dma_start3A_537 = tpu.memref_slice %arg3[%squeeze3A_526, %dma_start3A_536] : memref<1000000x64xf32, #tpu.memory_space<hbm>> -> memref<1x64xf32, #tpu.memory_space<hbm>>
          %dma_start3A_538 = tpu.memref_slice %arg7[%dma_start3A_532] : memref<4x!tpu.dma_semaphore, #tpu.memory_space<semaphore_mem>> -> memref<1x!tpu.dma_semaphore, #tpu.memory_space<semaphore_mem>>
          %dma_start3A_539 = tpu.memref_squeeze %dma_start3A_538 : memref<1x!tpu.dma_semaphore, #tpu.memory_space<semaphore_mem>> -> memref<!tpu.dma_semaphore, #tpu.memory_space<semaphore_mem>>
          %dma_start3A_540 = arith.constant 0 : i32
          %dma_start3A_541 = tpu.memref_slice %arg6[%dma_start3A_531, %add3A_530, %dma_start3A_540] : memref<4x208x64xf32, #tpu.memory_space<vmem>> -> memref<1x1x64xf32, #tpu.memory_space<vmem>>
          %dma_start3A_542 = tpu.memref_squeeze %dma_start3A_541 : memref<1x1x64xf32, #tpu.memory_space<vmem>> -> memref<1x64xf32, #tpu.memory_space<vmem>>
          %dma_start3A_543 = arith.constant 0 : i32
          %dma_start3A_544 = tpu.memref_slice %arg3[%squeeze3A_526, %dma_start3A_543] : memref<1000000x64xf32, #tpu.memory_space<hbm>> -> memref<1x64xf32, #tpu.memory_space<hbm>>
          tpu.enqueue_dma source(%dma_start3A_544 : memref<1x64xf32, #tpu.memory_space<hbm>>) target(%dma_start3A_542 : memref<1x64xf32, #tpu.memory_space<vmem>>) target_semaphore(%dma_start3A_539 : memref<!tpu.dma_semaphore, #tpu.memory_space<semaphore_mem>>)
          %slice3A_545 = vector.extract_strided_slice %get3A_266 {offsets = [14], sizes = [1], strides = [1]} : vector<16xi32> to vector<1xi32>
          %squeeze3A_546 = vector.extract %slice3A_545[0] : i32 from vector<1xi32>
          %mul3A_547 = arith.constant 16 : i32
          %mul3A_548 = arith.muli %add3A_226, %mul3A_547 : i32
          %add3A_549 = arith.constant 14 : i32
          %add3A_550 = arith.addi %mul3A_548, %add3A_549 : i32
          %dma_start3A_551 = arith.constant 2 : i32
          %dma_start3A_552 = arith.constant 2 : i32
          %dma_start3A_553 = arith.constant 0 : i32
          %dma_start3A_554 = tpu.memref_slice %arg6[%dma_start3A_551, %add3A_550, %dma_start3A_553] : memref<4x208x64xf32, #tpu.memory_space<vmem>> -> memref<1x1x64xf32, #tpu.memory_space<vmem>>
          %dma_start3A_555 = tpu.memref_squeeze %dma_start3A_554 : memref<1x1x64xf32, #tpu.memory_space<vmem>> -> memref<1x64xf32, #tpu.memory_space<vmem>>
          %dma_start3A_556 = arith.constant 0 : i32
          %dma_start3A_557 = tpu.memref_slice %arg3[%squeeze3A_546, %dma_start3A_556] : memref<1000000x64xf32, #tpu.memory_space<hbm>> -> memref<1x64xf32, #tpu.memory_space<hbm>>
          %dma_start3A_558 = tpu.memref_slice %arg7[%dma_start3A_552] : memref<4x!tpu.dma_semaphore, #tpu.memory_space<semaphore_mem>> -> memref<1x!tpu.dma_semaphore, #tpu.memory_space<semaphore_mem>>
          %dma_start3A_559 = tpu.memref_squeeze %dma_start3A_558 : memref<1x!tpu.dma_semaphore, #tpu.memory_space<semaphore_mem>> -> memref<!tpu.dma_semaphore, #tpu.memory_space<semaphore_mem>>
          %dma_start3A_560 = arith.constant 0 : i32
          %dma_start3A_561 = tpu.memref_slice %arg6[%dma_start3A_551, %add3A_550, %dma_start3A_560] : memref<4x208x64xf32, #tpu.memory_space<vmem>> -> memref<1x1x64xf32, #tpu.memory_space<vmem>>
          %dma_start3A_562 = tpu.memref_squeeze %dma_start3A_561 : memref<1x1x64xf32, #tpu.memory_space<vmem>> -> memref<1x64xf32, #tpu.memory_space<vmem>>
          %dma_start3A_563 = arith.constant 0 : i32
          %dma_start3A_564 = tpu.memref_slice %arg3[%squeeze3A_546, %dma_start3A_563] : memref<1000000x64xf32, #tpu.memory_space<hbm>> -> memref<1x64xf32, #tpu.memory_space<hbm>>
          tpu.enqueue_dma source(%dma_start3A_564 : memref<1x64xf32, #tpu.memory_space<hbm>>) target(%dma_start3A_562 : memref<1x64xf32, #tpu.memory_space<vmem>>) target_semaphore(%dma_start3A_559 : memref<!tpu.dma_semaphore, #tpu.memory_space<semaphore_mem>>)
          %slice3A_565 = vector.extract_strided_slice %get3A_266 {offsets = [15], sizes = [1], strides = [1]} : vector<16xi32> to vector<1xi32>
          %squeeze3A_566 = vector.extract %slice3A_565[0] : i32 from vector<1xi32>
          %mul3A_567 = arith.constant 16 : i32
          %mul3A_568 = arith.muli %add3A_226, %mul3A_567 : i32
          %add3A_569 = arith.constant 15 : i32
          %add3A_570 = arith.addi %mul3A_568, %add3A_569 : i32
          %dma_start3A_571 = arith.constant 2 : i32
          %dma_start3A_572 = arith.constant 2 : i32
          %dma_start3A_573 = arith.constant 0 : i32
          %dma_start3A_574 = tpu.memref_slice %arg6[%dma_start3A_571, %add3A_570, %dma_start3A_573] : memref<4x208x64xf32, #tpu.memory_space<vmem>> -> memref<1x1x64xf32, #tpu.memory_space<vmem>>
          %dma_start3A_575 = tpu.memref_squeeze %dma_start3A_574 : memref<1x1x64xf32, #tpu.memory_space<vmem>> -> memref<1x64xf32, #tpu.memory_space<vmem>>
          %dma_start3A_576 = arith.constant 0 : i32
          %dma_start3A_577 = tpu.memref_slice %arg3[%squeeze3A_566, %dma_start3A_576] : memref<1000000x64xf32, #tpu.memory_space<hbm>> -> memref<1x64xf32, #tpu.memory_space<hbm>>
          %dma_start3A_578 = tpu.memref_slice %arg7[%dma_start3A_572] : memref<4x!tpu.dma_semaphore, #tpu.memory_space<semaphore_mem>> -> memref<1x!tpu.dma_semaphore, #tpu.memory_space<semaphore_mem>>
          %dma_start3A_579 = tpu.memref_squeeze %dma_start3A_578 : memref<1x!tpu.dma_semaphore, #tpu.memory_space<semaphore_mem>> -> memref<!tpu.dma_semaphore, #tpu.memory_space<semaphore_mem>>
          %dma_start3A_580 = arith.constant 0 : i32
          %dma_start3A_581 = tpu.memref_slice %arg6[%dma_start3A_571, %add3A_570, %dma_start3A_580] : memref<4x208x64xf32, #tpu.memory_space<vmem>> -> memref<1x1x64xf32, #tpu.memory_space<vmem>>
          %dma_start3A_582 = tpu.memref_squeeze %dma_start3A_581 : memref<1x1x64xf32, #tpu.memory_space<vmem>> -> memref<1x64xf32, #tpu.memory_space<vmem>>
          %dma_start3A_583 = arith.constant 0 : i32
          %dma_start3A_584 = tpu.memref_slice %arg3[%squeeze3A_566, %dma_start3A_583] : memref<1000000x64xf32, #tpu.memory_space<hbm>> -> memref<1x64xf32, #tpu.memory_space<hbm>>
          tpu.enqueue_dma source(%dma_start3A_584 : memref<1x64xf32, #tpu.memory_space<hbm>>) target(%dma_start3A_582 : memref<1x64xf32, #tpu.memory_space<vmem>>) target_semaphore(%dma_start3A_579 : memref<!tpu.dma_semaphore, #tpu.memory_space<semaphore_mem>>)
        }
        %scan3A_221 = arith.constant 13 : i32
      } else {
      }
      %add3A_180 = arith.constant 2 : i32
      %add3A_181 = arith.addi %add3A_152, %add3A_180 : i32
      %sub3A_182 = arith.constant 2 : i32
      %sub3A_183 = arith.subi %add3A_181, %sub3A_182 : i32
      %ge3A_184 = arith.constant 0 : i32
      %ge3A_185 = arith.cmpi sge, %sub3A_183, %ge3A_184 : i32
      %convert_element_type3A_186 = arith.extui %ge3A_185 : i1 to i32
      %cond3A_187 = arith.constant 0 : i32
      %cond3A_188 = arith.cmpi ne, %convert_element_type3A_186, %cond3A_187 : i32
      scf.if %cond3A_188 {
        %dma_wait3A_212 = arith.constant 0 : i32
        %dma_wait3A_213 = arith.constant 0 : i32
        %dma_wait3A_214 = arith.constant 0 : i32
        %dma_wait3A_215 = arith.constant 0 : i32
        %dma_wait3A_216 = tpu.memref_slice %arg6[%dma_wait3A_212, %dma_wait3A_214, %dma_wait3A_215] : memref<4x208x64xf32, #tpu.memory_space<vmem>> -> memref<1x208x64xf32, #tpu.memory_space<vmem>>
        %dma_wait3A_217 = tpu.memref_squeeze %dma_wait3A_216 : memref<1x208x64xf32, #tpu.memory_space<vmem>> -> memref<208x64xf32, #tpu.memory_space<vmem>>
        %dma_wait3A_218 = arith.constant 0 : i32
        %dma_wait3A_219 = arith.constant 0 : i32
        %dma_wait3A_220 = tpu.memref_slice %arg3[%dma_wait3A_218, %dma_wait3A_219] : memref<1000000x64xf32, #tpu.memory_space<hbm>> -> memref<208x64xf32, #tpu.memory_space<hbm>>
        %dma_wait3A_221 = tpu.memref_slice %arg7[%dma_wait3A_213] : memref<4x!tpu.dma_semaphore, #tpu.memory_space<semaphore_mem>> -> memref<1x!tpu.dma_semaphore, #tpu.memory_space<semaphore_mem>>
        %dma_wait3A_222 = tpu.memref_squeeze %dma_wait3A_221 : memref<1x!tpu.dma_semaphore, #tpu.memory_space<semaphore_mem>> -> memref<!tpu.dma_semaphore, #tpu.memory_space<semaphore_mem>>
        %dma_wait3A_223 = arith.constant 0 : i32
        %dma_wait3A_224 = arith.constant 0 : i32
        %dma_wait3A_225 = tpu.memref_slice %arg6[%dma_wait3A_212, %dma_wait3A_223, %dma_wait3A_224] : memref<4x208x64xf32, #tpu.memory_space<vmem>> -> memref<1x208x64xf32, #tpu.memory_space<vmem>>
        %dma_wait3A_226 = tpu.memref_squeeze %dma_wait3A_225 : memref<1x208x64xf32, #tpu.memory_space<vmem>> -> memref<208x64xf32, #tpu.memory_space<vmem>>
        %dma_wait3A_227 = arith.constant 0 : i32
        %dma_wait3A_228 = arith.constant 0 : i32
        %dma_wait3A_229 = tpu.memref_slice %arg3[%dma_wait3A_227, %dma_wait3A_228] : memref<1000000x64xf32, #tpu.memory_space<hbm>> -> memref<208x64xf32, #tpu.memory_space<hbm>>
        tpu.wait_dma2 semaphore(%dma_wait3A_222 : memref<!tpu.dma_semaphore, #tpu.memory_space<semaphore_mem>>) src(%dma_wait3A_229 : memref<208x64xf32, #tpu.memory_space<hbm>>) dst(%dma_wait3A_226 : memref<208x64xf32, #tpu.memory_space<vmem>>)
        %mul3A_230 = arith.constant 208 : i32
        %mul3A_231 = arith.muli %sub3A_183, %mul3A_230 : i32
        %add3A_232 = arith.addi %mul3A_4, %mul3A_231 : i32
        %dma_start3A_233 = arith.constant 0 : i32
        %dma_start3A_234 = arith.constant 0 : i32
        %dma_start3A_235 = arith.constant 0 : i32
        %dma_start3A_236 = arith.constant 0 : i32
        %dma_start3A_237 = tpu.memref_slice %arg6[%dma_start3A_233, %dma_start3A_235, %dma_start3A_236] : memref<4x208x64xf32, #tpu.memory_space<vmem>> -> memref<1x208x64xf32, #tpu.memory_space<vmem>>
        %dma_start3A_238 = tpu.memref_squeeze %dma_start3A_237 : memref<1x208x64xf32, #tpu.memory_space<vmem>> -> memref<208x64xf32, #tpu.memory_space<vmem>>
        %dma_start3A_239 = arith.constant 0 : i32
        %dma_start3A_240 = tpu.memref_slice %arg4[%add3A_232, %dma_start3A_239] : memref<425984x64xf32, #tpu.memory_space<hbm>> -> memref<208x64xf32, #tpu.memory_space<hbm>>
        %dma_start3A_241 = tpu.memref_slice %arg8[%dma_start3A_234] : memref<4x!tpu.dma_semaphore, #tpu.memory_space<semaphore_mem>> -> memref<1x!tpu.dma_semaphore, #tpu.memory_space<semaphore_mem>>
        %dma_start3A_242 = tpu.memref_squeeze %dma_start3A_241 : memref<1x!tpu.dma_semaphore, #tpu.memory_space<semaphore_mem>> -> memref<!tpu.dma_semaphore, #tpu.memory_space<semaphore_mem>>
        %dma_start3A_243 = arith.constant 0 : i32
        %dma_start3A_244 = tpu.memref_slice %arg4[%add3A_232, %dma_start3A_243] : memref<425984x64xf32, #tpu.memory_space<hbm>> -> memref<208x64xf32, #tpu.memory_space<hbm>>
        %dma_start3A_245 = arith.constant 0 : i32
        %dma_start3A_246 = arith.constant 0 : i32
        %dma_start3A_247 = tpu.memref_slice %arg6[%dma_start3A_233, %dma_start3A_245, %dma_start3A_246] : memref<4x208x64xf32, #tpu.memory_space<vmem>> -> memref<1x208x64xf32, #tpu.memory_space<vmem>>
        %dma_start3A_248 = tpu.memref_squeeze %dma_start3A_247 : memref<1x208x64xf32, #tpu.memory_space<vmem>> -> memref<208x64xf32, #tpu.memory_space<vmem>>
        tpu.enqueue_dma source(%dma_start3A_248 : memref<208x64xf32, #tpu.memory_space<vmem>>) target(%dma_start3A_244 : memref<208x64xf32, #tpu.memory_space<hbm>>) target_semaphore(%dma_start3A_242 : memref<!tpu.dma_semaphore, #tpu.memory_space<semaphore_mem>>)
      } else {
      }
      %add3A_189 = arith.constant 1 : i32
      %add3A_190 = arith.addi %add3A_181, %add3A_189 : i32
      %lt3A_191 = arith.constant 64 : i32
      %lt3A_192 = arith.cmpi slt, %add3A_190, %lt3A_191 : i32
      %convert_element_type3A_193 = arith.extui %lt3A_192 : i1 to i32
      %cond3A_194 = arith.constant 0 : i32
      %cond3A_195 = arith.cmpi ne, %convert_element_type3A_193, %cond3A_194 : i32
      scf.if %cond3A_195 {
        %ge3A_212 = arith.constant 4 : i32
        %ge3A_213 = arith.cmpi sge, %add3A_190, %ge3A_212 : i32
        %convert_element_type3A_214 = arith.extui %ge3A_213 : i1 to i32
        %cond3A_215 = arith.constant 0 : i32
        %cond3A_216 = arith.cmpi ne, %convert_element_type3A_214, %cond3A_215 : i32
        scf.if %cond3A_216 {
          %dma_wait3A_222 = arith.constant 3 : i32
          %dma_wait3A_223 = arith.constant 3 : i32
          %dma_wait3A_224 = arith.constant 0 : i32
          %dma_wait3A_225 = arith.constant 0 : i32
          %dma_wait3A_226 = tpu.memref_slice %arg6[%dma_wait3A_222, %dma_wait3A_224, %dma_wait3A_225] : memref<4x208x64xf32, #tpu.memory_space<vmem>> -> memref<1x208x64xf32, #tpu.memory_space<vmem>>
          %dma_wait3A_227 = tpu.memref_squeeze %dma_wait3A_226 : memref<1x208x64xf32, #tpu.memory_space<vmem>> -> memref<208x64xf32, #tpu.memory_space<vmem>>
          %dma_wait3A_228 = arith.constant 0 : i32
          %dma_wait3A_229 = tpu.memref_slice %arg4[%mul3A_4, %dma_wait3A_228] : memref<425984x64xf32, #tpu.memory_space<hbm>> -> memref<208x64xf32, #tpu.memory_space<hbm>>
          %dma_wait3A_230 = tpu.memref_slice %arg8[%dma_wait3A_223] : memref<4x!tpu.dma_semaphore, #tpu.memory_space<semaphore_mem>> -> memref<1x!tpu.dma_semaphore, #tpu.memory_space<semaphore_mem>>
          %dma_wait3A_231 = tpu.memref_squeeze %dma_wait3A_230 : memref<1x!tpu.dma_semaphore, #tpu.memory_space<semaphore_mem>> -> memref<!tpu.dma_semaphore, #tpu.memory_space<semaphore_mem>>
          %dma_wait3A_232 = arith.constant 0 : i32
          %dma_wait3A_233 = tpu.memref_slice %arg4[%mul3A_4, %dma_wait3A_232] : memref<425984x64xf32, #tpu.memory_space<hbm>> -> memref<208x64xf32, #tpu.memory_space<hbm>>
          %dma_wait3A_234 = arith.constant 0 : i32
          %dma_wait3A_235 = arith.constant 0 : i32
          %dma_wait3A_236 = tpu.memref_slice %arg6[%dma_wait3A_222, %dma_wait3A_234, %dma_wait3A_235] : memref<4x208x64xf32, #tpu.memory_space<vmem>> -> memref<1x208x64xf32, #tpu.memory_space<vmem>>
          %dma_wait3A_237 = tpu.memref_squeeze %dma_wait3A_236 : memref<1x208x64xf32, #tpu.memory_space<vmem>> -> memref<208x64xf32, #tpu.memory_space<vmem>>
          tpu.wait_dma2 semaphore(%dma_wait3A_231 : memref<!tpu.dma_semaphore, #tpu.memory_space<semaphore_mem>>) src(%dma_wait3A_237 : memref<208x64xf32, #tpu.memory_space<vmem>>) dst(%dma_wait3A_233 : memref<208x64xf32, #tpu.memory_space<hbm>>)
        } else {
        }
        %scan3A_217 = arith.constant 0 : i32
        %scan3A_218 = arith.constant 13 : i32
        %scan3A_219 = arith.addi %scan3A_217, %scan3A_218 : i32
        %scan3A_220 = arith.constant 1 : i32
        scf.for %scan3A_222 = %scan3A_217 to %scan3A_219 step %scan3A_220  : i32 {
          %mul3A_223 = arith.constant 1 : i32
          %mul3A_224 = arith.muli %scan3A_222, %mul3A_223 : i32
          %add3A_225 = arith.constant 0 : i32
          %add3A_226 = arith.addi %add3A_225, %mul3A_224 : i32
          %mul3A_227 = arith.constant 208 : i32
          %mul3A_228 = arith.muli %add3A_190, %mul3A_227 : i32
          %mul3A_229 = arith.constant 16 : i32
          %mul3A_230 = arith.muli %add3A_226, %mul3A_229 : i32
          %add3A_231 = arith.addi %mul3A_228, %mul3A_230 : i32
          %jit3A = arith.constant 128 : i32
          %div3A = arith.divsi %add3A_231, %jit3A : i32
          %sign3A = arith.constant 0 : i32
          %sign3A_232 = arith.cmpi sgt, %add3A_231, %sign3A : i32
          %sign3A_233 = arith.extui %sign3A_232 : i1 to i32
          %sign3A_234 = arith.constant 0 : i32
          %sign3A_235 = arith.cmpi slt, %add3A_231, %sign3A_234 : i32
          %sign3A_236 = arith.extui %sign3A_235 : i1 to i32
          %sign3A_237 = arith.subi %sign3A_233, %sign3A_236 : i32
          %sign3A_238 = arith.constant 0 : i32
          %sign3A_239 = arith.cmpi sgt, %jit3A, %sign3A_238 : i32
          %sign3A_240 = arith.extui %sign3A_239 : i1 to i32
          %sign3A_241 = arith.constant 0 : i32
          %sign3A_242 = arith.cmpi slt, %jit3A, %sign3A_241 : i32
          %sign3A_243 = arith.extui %sign3A_242 : i1 to i32
          %sign3A_244 = arith.subi %sign3A_240, %sign3A_243 : i32
          %ne3A = arith.cmpi ne, %sign3A_237, %sign3A_244 : i32
          %rem3A = arith.remsi %add3A_231, %jit3A : i32
          %ne3A_245 = arith.constant 0 : i32
          %ne3A_246 = arith.cmpi ne, %rem3A, %ne3A_245 : i32
          %and3A = arith.andi %ne3A, %ne3A_246 : i1
          %sub3A_247 = arith.constant 1 : i32
          %sub3A_248 = arith.subi %div3A, %sub3A_247 : i32
          %select_n3A = arith.select %and3A, %sub3A_248, %div3A : i32
          %jit3A_249 = arith.constant 128 : i32
          %eq3A = arith.constant 0 : i32
          %eq3A_250 = arith.cmpi eq, %jit3A_249, %eq3A : i32
          %jit3A_251 = arith.constant 1 : i32
          %select_n3A_252 = arith.select %eq3A_250, %jit3A_251, %jit3A_249 : i32
          %rem3A_253 = arith.remsi %add3A_231, %select_n3A_252 : i32
          %ne3A_254 = arith.constant 0 : i32
          %ne3A_255 = arith.cmpi ne, %rem3A_253, %ne3A_254 : i32
          %lt3A_256 = arith.constant 0 : i32
          %lt3A_257 = arith.cmpi slt, %rem3A_253, %lt3A_256 : i32
          %lt3A_258 = arith.constant 0 : i32
          %lt3A_259 = arith.cmpi slt, %select_n3A_252, %lt3A_258 : i32
          %ne3A_260 = arith.xori %lt3A_257, %lt3A_259 : i1
          %and3A_261 = arith.andi %ne3A_260, %ne3A_255 : i1
          %add3A_262 = arith.addi %rem3A_253, %select_n3A_252 : i32
          %select_n3A_263 = arith.select %and3A_261, %add3A_262, %rem3A_253 : i32
          %get3A = arith.index_cast %select_n3A : i32 to index
          %get3A_264 = arith.index_cast %select_n3A_263 : i32 to index
          %get3A_265 = tpu.vector_load %arg5[%get3A, %get3A_264] {strides = array<i32>} : memref<104x128xi32, #tpu.memory_space<vmem>>, vector<1x16xi32>,
          %get3A_266 = vector.shape_cast %get3A_265 : vector<1x16xi32> to vector<16xi32>
          %slice3A = vector.extract_strided_slice %get3A_266 {offsets = [0], sizes = [1], strides = [1]} : vector<16xi32> to vector<1xi32>
          %squeeze3A = vector.extract %slice3A[0] : i32 from vector<1xi32>
          %mul3A_267 = arith.constant 16 : i32
          %mul3A_268 = arith.muli %add3A_226, %mul3A_267 : i32
          %add3A_269 = arith.constant 0 : i32
          %add3A_270 = arith.addi %mul3A_268, %add3A_269 : i32
          %dma_start3A_271 = arith.constant 3 : i32
          %dma_start3A_272 = arith.constant 3 : i32
          %dma_start3A_273 = arith.constant 0 : i32
          %dma_start3A_274 = tpu.memref_slice %arg6[%dma_start3A_271, %add3A_270, %dma_start3A_273] : memref<4x208x64xf32, #tpu.memory_space<vmem>> -> memref<1x1x64xf32, #tpu.memory_space<vmem>>
          %dma_start3A_275 = tpu.memref_squeeze %dma_start3A_274 : memref<1x1x64xf32, #tpu.memory_space<vmem>> -> memref<1x64xf32, #tpu.memory_space<vmem>>
          %dma_start3A_276 = arith.constant 0 : i32
          %dma_start3A_277 = tpu.memref_slice %arg3[%squeeze3A, %dma_start3A_276] : memref<1000000x64xf32, #tpu.memory_space<hbm>> -> memref<1x64xf32, #tpu.memory_space<hbm>>
          %dma_start3A_278 = tpu.memref_slice %arg7[%dma_start3A_272] : memref<4x!tpu.dma_semaphore, #tpu.memory_space<semaphore_mem>> -> memref<1x!tpu.dma_semaphore, #tpu.memory_space<semaphore_mem>>
          %dma_start3A_279 = tpu.memref_squeeze %dma_start3A_278 : memref<1x!tpu.dma_semaphore, #tpu.memory_space<semaphore_mem>> -> memref<!tpu.dma_semaphore, #tpu.memory_space<semaphore_mem>>
          %dma_start3A_280 = arith.constant 0 : i32
          %dma_start3A_281 = tpu.memref_slice %arg6[%dma_start3A_271, %add3A_270, %dma_start3A_280] : memref<4x208x64xf32, #tpu.memory_space<vmem>> -> memref<1x1x64xf32, #tpu.memory_space<vmem>>
          %dma_start3A_282 = tpu.memref_squeeze %dma_start3A_281 : memref<1x1x64xf32, #tpu.memory_space<vmem>> -> memref<1x64xf32, #tpu.memory_space<vmem>>
          %dma_start3A_283 = arith.constant 0 : i32
          %dma_start3A_284 = tpu.memref_slice %arg3[%squeeze3A, %dma_start3A_283] : memref<1000000x64xf32, #tpu.memory_space<hbm>> -> memref<1x64xf32, #tpu.memory_space<hbm>>
          tpu.enqueue_dma source(%dma_start3A_284 : memref<1x64xf32, #tpu.memory_space<hbm>>) target(%dma_start3A_282 : memref<1x64xf32, #tpu.memory_space<vmem>>) target_semaphore(%dma_start3A_279 : memref<!tpu.dma_semaphore, #tpu.memory_space<semaphore_mem>>)
          %slice3A_285 = vector.extract_strided_slice %get3A_266 {offsets = [1], sizes = [1], strides = [1]} : vector<16xi32> to vector<1xi32>
          %squeeze3A_286 = vector.extract %slice3A_285[0] : i32 from vector<1xi32>
          %mul3A_287 = arith.constant 16 : i32
          %mul3A_288 = arith.muli %add3A_226, %mul3A_287 : i32
          %add3A_289 = arith.constant 1 : i32
          %add3A_290 = arith.addi %mul3A_288, %add3A_289 : i32
          %dma_start3A_291 = arith.constant 3 : i32
          %dma_start3A_292 = arith.constant 3 : i32
          %dma_start3A_293 = arith.constant 0 : i32
          %dma_start3A_294 = tpu.memref_slice %arg6[%dma_start3A_291, %add3A_290, %dma_start3A_293] : memref<4x208x64xf32, #tpu.memory_space<vmem>> -> memref<1x1x64xf32, #tpu.memory_space<vmem>>
          %dma_start3A_295 = tpu.memref_squeeze %dma_start3A_294 : memref<1x1x64xf32, #tpu.memory_space<vmem>> -> memref<1x64xf32, #tpu.memory_space<vmem>>
          %dma_start3A_296 = arith.constant 0 : i32
          %dma_start3A_297 = tpu.memref_slice %arg3[%squeeze3A_286, %dma_start3A_296] : memref<1000000x64xf32, #tpu.memory_space<hbm>> -> memref<1x64xf32, #tpu.memory_space<hbm>>
          %dma_start3A_298 = tpu.memref_slice %arg7[%dma_start3A_292] : memref<4x!tpu.dma_semaphore, #tpu.memory_space<semaphore_mem>> -> memref<1x!tpu.dma_semaphore, #tpu.memory_space<semaphore_mem>>
          %dma_start3A_299 = tpu.memref_squeeze %dma_start3A_298 : memref<1x!tpu.dma_semaphore, #tpu.memory_space<semaphore_mem>> -> memref<!tpu.dma_semaphore, #tpu.memory_space<semaphore_mem>>
          %dma_start3A_300 = arith.constant 0 : i32
          %dma_start3A_301 = tpu.memref_slice %arg6[%dma_start3A_291, %add3A_290, %dma_start3A_300] : memref<4x208x64xf32, #tpu.memory_space<vmem>> -> memref<1x1x64xf32, #tpu.memory_space<vmem>>
          %dma_start3A_302 = tpu.memref_squeeze %dma_start3A_301 : memref<1x1x64xf32, #tpu.memory_space<vmem>> -> memref<1x64xf32, #tpu.memory_space<vmem>>
          %dma_start3A_303 = arith.constant 0 : i32
          %dma_start3A_304 = tpu.memref_slice %arg3[%squeeze3A_286, %dma_start3A_303] : memref<1000000x64xf32, #tpu.memory_space<hbm>> -> memref<1x64xf32, #tpu.memory_space<hbm>>
          tpu.enqueue_dma source(%dma_start3A_304 : memref<1x64xf32, #tpu.memory_space<hbm>>) target(%dma_start3A_302 : memref<1x64xf32, #tpu.memory_space<vmem>>) target_semaphore(%dma_start3A_299 : memref<!tpu.dma_semaphore, #tpu.memory_space<semaphore_mem>>)
          %slice3A_305 = vector.extract_strided_slice %get3A_266 {offsets = [2], sizes = [1], strides = [1]} : vector<16xi32> to vector<1xi32>
          %squeeze3A_306 = vector.extract %slice3A_305[0] : i32 from vector<1xi32>
          %mul3A_307 = arith.constant 16 : i32
          %mul3A_308 = arith.muli %add3A_226, %mul3A_307 : i32
          %add3A_309 = arith.constant 2 : i32
          %add3A_310 = arith.addi %mul3A_308, %add3A_309 : i32
          %dma_start3A_311 = arith.constant 3 : i32
          %dma_start3A_312 = arith.constant 3 : i32
          %dma_start3A_313 = arith.constant 0 : i32
          %dma_start3A_314 = tpu.memref_slice %arg6[%dma_start3A_311, %add3A_310, %dma_start3A_313] : memref<4x208x64xf32, #tpu.memory_space<vmem>> -> memref<1x1x64xf32, #tpu.memory_space<vmem>>
          %dma_start3A_315 = tpu.memref_squeeze %dma_start3A_314 : memref<1x1x64xf32, #tpu.memory_space<vmem>> -> memref<1x64xf32, #tpu.memory_space<vmem>>
          %dma_start3A_316 = arith.constant 0 : i32
          %dma_start3A_317 = tpu.memref_slice %arg3[%squeeze3A_306, %dma_start3A_316] : memref<1000000x64xf32, #tpu.memory_space<hbm>> -> memref<1x64xf32, #tpu.memory_space<hbm>>
          %dma_start3A_318 = tpu.memref_slice %arg7[%dma_start3A_312] : memref<4x!tpu.dma_semaphore, #tpu.memory_space<semaphore_mem>> -> memref<1x!tpu.dma_semaphore, #tpu.memory_space<semaphore_mem>>
          %dma_start3A_319 = tpu.memref_squeeze %dma_start3A_318 : memref<1x!tpu.dma_semaphore, #tpu.memory_space<semaphore_mem>> -> memref<!tpu.dma_semaphore, #tpu.memory_space<semaphore_mem>>
          %dma_start3A_320 = arith.constant 0 : i32
          %dma_start3A_321 = tpu.memref_slice %arg6[%dma_start3A_311, %add3A_310, %dma_start3A_320] : memref<4x208x64xf32, #tpu.memory_space<vmem>> -> memref<1x1x64xf32, #tpu.memory_space<vmem>>
          %dma_start3A_322 = tpu.memref_squeeze %dma_start3A_321 : memref<1x1x64xf32, #tpu.memory_space<vmem>> -> memref<1x64xf32, #tpu.memory_space<vmem>>
          %dma_start3A_323 = arith.constant 0 : i32
          %dma_start3A_324 = tpu.memref_slice %arg3[%squeeze3A_306, %dma_start3A_323] : memref<1000000x64xf32, #tpu.memory_space<hbm>> -> memref<1x64xf32, #tpu.memory_space<hbm>>
          tpu.enqueue_dma source(%dma_start3A_324 : memref<1x64xf32, #tpu.memory_space<hbm>>) target(%dma_start3A_322 : memref<1x64xf32, #tpu.memory_space<vmem>>) target_semaphore(%dma_start3A_319 : memref<!tpu.dma_semaphore, #tpu.memory_space<semaphore_mem>>)
          %slice3A_325 = vector.extract_strided_slice %get3A_266 {offsets = [3], sizes = [1], strides = [1]} : vector<16xi32> to vector<1xi32>
          %squeeze3A_326 = vector.extract %slice3A_325[0] : i32 from vector<1xi32>
          %mul3A_327 = arith.constant 16 : i32
          %mul3A_328 = arith.muli %add3A_226, %mul3A_327 : i32
          %add3A_329 = arith.constant 3 : i32
          %add3A_330 = arith.addi %mul3A_328, %add3A_329 : i32
          %dma_start3A_331 = arith.constant 3 : i32
          %dma_start3A_332 = arith.constant 3 : i32
          %dma_start3A_333 = arith.constant 0 : i32
          %dma_start3A_334 = tpu.memref_slice %arg6[%dma_start3A_331, %add3A_330, %dma_start3A_333] : memref<4x208x64xf32, #tpu.memory_space<vmem>> -> memref<1x1x64xf32, #tpu.memory_space<vmem>>
          %dma_start3A_335 = tpu.memref_squeeze %dma_start3A_334 : memref<1x1x64xf32, #tpu.memory_space<vmem>> -> memref<1x64xf32, #tpu.memory_space<vmem>>
          %dma_start3A_336 = arith.constant 0 : i32
          %dma_start3A_337 = tpu.memref_slice %arg3[%squeeze3A_326, %dma_start3A_336] : memref<1000000x64xf32, #tpu.memory_space<hbm>> -> memref<1x64xf32, #tpu.memory_space<hbm>>
          %dma_start3A_338 = tpu.memref_slice %arg7[%dma_start3A_332] : memref<4x!tpu.dma_semaphore, #tpu.memory_space<semaphore_mem>> -> memref<1x!tpu.dma_semaphore, #tpu.memory_space<semaphore_mem>>
          %dma_start3A_339 = tpu.memref_squeeze %dma_start3A_338 : memref<1x!tpu.dma_semaphore, #tpu.memory_space<semaphore_mem>> -> memref<!tpu.dma_semaphore, #tpu.memory_space<semaphore_mem>>
          %dma_start3A_340 = arith.constant 0 : i32
          %dma_start3A_341 = tpu.memref_slice %arg6[%dma_start3A_331, %add3A_330, %dma_start3A_340] : memref<4x208x64xf32, #tpu.memory_space<vmem>> -> memref<1x1x64xf32, #tpu.memory_space<vmem>>
          %dma_start3A_342 = tpu.memref_squeeze %dma_start3A_341 : memref<1x1x64xf32, #tpu.memory_space<vmem>> -> memref<1x64xf32, #tpu.memory_space<vmem>>
          %dma_start3A_343 = arith.constant 0 : i32
          %dma_start3A_344 = tpu.memref_slice %arg3[%squeeze3A_326, %dma_start3A_343] : memref<1000000x64xf32, #tpu.memory_space<hbm>> -> memref<1x64xf32, #tpu.memory_space<hbm>>
          tpu.enqueue_dma source(%dma_start3A_344 : memref<1x64xf32, #tpu.memory_space<hbm>>) target(%dma_start3A_342 : memref<1x64xf32, #tpu.memory_space<vmem>>) target_semaphore(%dma_start3A_339 : memref<!tpu.dma_semaphore, #tpu.memory_space<semaphore_mem>>)
          %slice3A_345 = vector.extract_strided_slice %get3A_266 {offsets = [4], sizes = [1], strides = [1]} : vector<16xi32> to vector<1xi32>
          %squeeze3A_346 = vector.extract %slice3A_345[0] : i32 from vector<1xi32>
          %mul3A_347 = arith.constant 16 : i32
          %mul3A_348 = arith.muli %add3A_226, %mul3A_347 : i32
          %add3A_349 = arith.constant 4 : i32
          %add3A_350 = arith.addi %mul3A_348, %add3A_349 : i32
          %dma_start3A_351 = arith.constant 3 : i32
          %dma_start3A_352 = arith.constant 3 : i32
          %dma_start3A_353 = arith.constant 0 : i32
          %dma_start3A_354 = tpu.memref_slice %arg6[%dma_start3A_351, %add3A_350, %dma_start3A_353] : memref<4x208x64xf32, #tpu.memory_space<vmem>> -> memref<1x1x64xf32, #tpu.memory_space<vmem>>
          %dma_start3A_355 = tpu.memref_squeeze %dma_start3A_354 : memref<1x1x64xf32, #tpu.memory_space<vmem>> -> memref<1x64xf32, #tpu.memory_space<vmem>>
          %dma_start3A_356 = arith.constant 0 : i32
          %dma_start3A_357 = tpu.memref_slice %arg3[%squeeze3A_346, %dma_start3A_356] : memref<1000000x64xf32, #tpu.memory_space<hbm>> -> memref<1x64xf32, #tpu.memory_space<hbm>>
          %dma_start3A_358 = tpu.memref_slice %arg7[%dma_start3A_352] : memref<4x!tpu.dma_semaphore, #tpu.memory_space<semaphore_mem>> -> memref<1x!tpu.dma_semaphore, #tpu.memory_space<semaphore_mem>>
          %dma_start3A_359 = tpu.memref_squeeze %dma_start3A_358 : memref<1x!tpu.dma_semaphore, #tpu.memory_space<semaphore_mem>> -> memref<!tpu.dma_semaphore, #tpu.memory_space<semaphore_mem>>
          %dma_start3A_360 = arith.constant 0 : i32
          %dma_start3A_361 = tpu.memref_slice %arg6[%dma_start3A_351, %add3A_350, %dma_start3A_360] : memref<4x208x64xf32, #tpu.memory_space<vmem>> -> memref<1x1x64xf32, #tpu.memory_space<vmem>>
          %dma_start3A_362 = tpu.memref_squeeze %dma_start3A_361 : memref<1x1x64xf32, #tpu.memory_space<vmem>> -> memref<1x64xf32, #tpu.memory_space<vmem>>
          %dma_start3A_363 = arith.constant 0 : i32
          %dma_start3A_364 = tpu.memref_slice %arg3[%squeeze3A_346, %dma_start3A_363] : memref<1000000x64xf32, #tpu.memory_space<hbm>> -> memref<1x64xf32, #tpu.memory_space<hbm>>
          tpu.enqueue_dma source(%dma_start3A_364 : memref<1x64xf32, #tpu.memory_space<hbm>>) target(%dma_start3A_362 : memref<1x64xf32, #tpu.memory_space<vmem>>) target_semaphore(%dma_start3A_359 : memref<!tpu.dma_semaphore, #tpu.memory_space<semaphore_mem>>)
          %slice3A_365 = vector.extract_strided_slice %get3A_266 {offsets = [5], sizes = [1], strides = [1]} : vector<16xi32> to vector<1xi32>
          %squeeze3A_366 = vector.extract %slice3A_365[0] : i32 from vector<1xi32>
          %mul3A_367 = arith.constant 16 : i32
          %mul3A_368 = arith.muli %add3A_226, %mul3A_367 : i32
          %add3A_369 = arith.constant 5 : i32
          %add3A_370 = arith.addi %mul3A_368, %add3A_369 : i32
          %dma_start3A_371 = arith.constant 3 : i32
          %dma_start3A_372 = arith.constant 3 : i32
          %dma_start3A_373 = arith.constant 0 : i32
          %dma_start3A_374 = tpu.memref_slice %arg6[%dma_start3A_371, %add3A_370, %dma_start3A_373] : memref<4x208x64xf32, #tpu.memory_space<vmem>> -> memref<1x1x64xf32, #tpu.memory_space<vmem>>
          %dma_start3A_375 = tpu.memref_squeeze %dma_start3A_374 : memref<1x1x64xf32, #tpu.memory_space<vmem>> -> memref<1x64xf32, #tpu.memory_space<vmem>>
          %dma_start3A_376 = arith.constant 0 : i32
          %dma_start3A_377 = tpu.memref_slice %arg3[%squeeze3A_366, %dma_start3A_376] : memref<1000000x64xf32, #tpu.memory_space<hbm>> -> memref<1x64xf32, #tpu.memory_space<hbm>>
          %dma_start3A_378 = tpu.memref_slice %arg7[%dma_start3A_372] : memref<4x!tpu.dma_semaphore, #tpu.memory_space<semaphore_mem>> -> memref<1x!tpu.dma_semaphore, #tpu.memory_space<semaphore_mem>>
          %dma_start3A_379 = tpu.memref_squeeze %dma_start3A_378 : memref<1x!tpu.dma_semaphore, #tpu.memory_space<semaphore_mem>> -> memref<!tpu.dma_semaphore, #tpu.memory_space<semaphore_mem>>
          %dma_start3A_380 = arith.constant 0 : i32
          %dma_start3A_381 = tpu.memref_slice %arg6[%dma_start3A_371, %add3A_370, %dma_start3A_380] : memref<4x208x64xf32, #tpu.memory_space<vmem>> -> memref<1x1x64xf32, #tpu.memory_space<vmem>>
          %dma_start3A_382 = tpu.memref_squeeze %dma_start3A_381 : memref<1x1x64xf32, #tpu.memory_space<vmem>> -> memref<1x64xf32, #tpu.memory_space<vmem>>
          %dma_start3A_383 = arith.constant 0 : i32
          %dma_start3A_384 = tpu.memref_slice %arg3[%squeeze3A_366, %dma_start3A_383] : memref<1000000x64xf32, #tpu.memory_space<hbm>> -> memref<1x64xf32, #tpu.memory_space<hbm>>
          tpu.enqueue_dma source(%dma_start3A_384 : memref<1x64xf32, #tpu.memory_space<hbm>>) target(%dma_start3A_382 : memref<1x64xf32, #tpu.memory_space<vmem>>) target_semaphore(%dma_start3A_379 : memref<!tpu.dma_semaphore, #tpu.memory_space<semaphore_mem>>)
          %slice3A_385 = vector.extract_strided_slice %get3A_266 {offsets = [6], sizes = [1], strides = [1]} : vector<16xi32> to vector<1xi32>
          %squeeze3A_386 = vector.extract %slice3A_385[0] : i32 from vector<1xi32>
          %mul3A_387 = arith.constant 16 : i32
          %mul3A_388 = arith.muli %add3A_226, %mul3A_387 : i32
          %add3A_389 = arith.constant 6 : i32
          %add3A_390 = arith.addi %mul3A_388, %add3A_389 : i32
          %dma_start3A_391 = arith.constant 3 : i32
          %dma_start3A_392 = arith.constant 3 : i32
          %dma_start3A_393 = arith.constant 0 : i32
          %dma_start3A_394 = tpu.memref_slice %arg6[%dma_start3A_391, %add3A_390, %dma_start3A_393] : memref<4x208x64xf32, #tpu.memory_space<vmem>> -> memref<1x1x64xf32, #tpu.memory_space<vmem>>
          %dma_start3A_395 = tpu.memref_squeeze %dma_start3A_394 : memref<1x1x64xf32, #tpu.memory_space<vmem>> -> memref<1x64xf32, #tpu.memory_space<vmem>>
          %dma_start3A_396 = arith.constant 0 : i32
          %dma_start3A_397 = tpu.memref_slice %arg3[%squeeze3A_386, %dma_start3A_396] : memref<1000000x64xf32, #tpu.memory_space<hbm>> -> memref<1x64xf32, #tpu.memory_space<hbm>>
          %dma_start3A_398 = tpu.memref_slice %arg7[%dma_start3A_392] : memref<4x!tpu.dma_semaphore, #tpu.memory_space<semaphore_mem>> -> memref<1x!tpu.dma_semaphore, #tpu.memory_space<semaphore_mem>>
          %dma_start3A_399 = tpu.memref_squeeze %dma_start3A_398 : memref<1x!tpu.dma_semaphore, #tpu.memory_space<semaphore_mem>> -> memref<!tpu.dma_semaphore, #tpu.memory_space<semaphore_mem>>
          %dma_start3A_400 = arith.constant 0 : i32
          %dma_start3A_401 = tpu.memref_slice %arg6[%dma_start3A_391, %add3A_390, %dma_start3A_400] : memref<4x208x64xf32, #tpu.memory_space<vmem>> -> memref<1x1x64xf32, #tpu.memory_space<vmem>>
          %dma_start3A_402 = tpu.memref_squeeze %dma_start3A_401 : memref<1x1x64xf32, #tpu.memory_space<vmem>> -> memref<1x64xf32, #tpu.memory_space<vmem>>
          %dma_start3A_403 = arith.constant 0 : i32
          %dma_start3A_404 = tpu.memref_slice %arg3[%squeeze3A_386, %dma_start3A_403] : memref<1000000x64xf32, #tpu.memory_space<hbm>> -> memref<1x64xf32, #tpu.memory_space<hbm>>
          tpu.enqueue_dma source(%dma_start3A_404 : memref<1x64xf32, #tpu.memory_space<hbm>>) target(%dma_start3A_402 : memref<1x64xf32, #tpu.memory_space<vmem>>) target_semaphore(%dma_start3A_399 : memref<!tpu.dma_semaphore, #tpu.memory_space<semaphore_mem>>)
          %slice3A_405 = vector.extract_strided_slice %get3A_266 {offsets = [7], sizes = [1], strides = [1]} : vector<16xi32> to vector<1xi32>
          %squeeze3A_406 = vector.extract %slice3A_405[0] : i32 from vector<1xi32>
          %mul3A_407 = arith.constant 16 : i32
          %mul3A_408 = arith.muli %add3A_226, %mul3A_407 : i32
          %add3A_409 = arith.constant 7 : i32
          %add3A_410 = arith.addi %mul3A_408, %add3A_409 : i32
          %dma_start3A_411 = arith.constant 3 : i32
          %dma_start3A_412 = arith.constant 3 : i32
          %dma_start3A_413 = arith.constant 0 : i32
          %dma_start3A_414 = tpu.memref_slice %arg6[%dma_start3A_411, %add3A_410, %dma_start3A_413] : memref<4x208x64xf32, #tpu.memory_space<vmem>> -> memref<1x1x64xf32, #tpu.memory_space<vmem>>
          %dma_start3A_415 = tpu.memref_squeeze %dma_start3A_414 : memref<1x1x64xf32, #tpu.memory_space<vmem>> -> memref<1x64xf32, #tpu.memory_space<vmem>>
          %dma_start3A_416 = arith.constant 0 : i32
          %dma_start3A_417 = tpu.memref_slice %arg3[%squeeze3A_406, %dma_start3A_416] : memref<1000000x64xf32, #tpu.memory_space<hbm>> -> memref<1x64xf32, #tpu.memory_space<hbm>>
          %dma_start3A_418 = tpu.memref_slice %arg7[%dma_start3A_412] : memref<4x!tpu.dma_semaphore, #tpu.memory_space<semaphore_mem>> -> memref<1x!tpu.dma_semaphore, #tpu.memory_space<semaphore_mem>>
          %dma_start3A_419 = tpu.memref_squeeze %dma_start3A_418 : memref<1x!tpu.dma_semaphore, #tpu.memory_space<semaphore_mem>> -> memref<!tpu.dma_semaphore, #tpu.memory_space<semaphore_mem>>
          %dma_start3A_420 = arith.constant 0 : i32
          %dma_start3A_421 = tpu.memref_slice %arg6[%dma_start3A_411, %add3A_410, %dma_start3A_420] : memref<4x208x64xf32, #tpu.memory_space<vmem>> -> memref<1x1x64xf32, #tpu.memory_space<vmem>>
          %dma_start3A_422 = tpu.memref_squeeze %dma_start3A_421 : memref<1x1x64xf32, #tpu.memory_space<vmem>> -> memref<1x64xf32, #tpu.memory_space<vmem>>
          %dma_start3A_423 = arith.constant 0 : i32
          %dma_start3A_424 = tpu.memref_slice %arg3[%squeeze3A_406, %dma_start3A_423] : memref<1000000x64xf32, #tpu.memory_space<hbm>> -> memref<1x64xf32, #tpu.memory_space<hbm>>
          tpu.enqueue_dma source(%dma_start3A_424 : memref<1x64xf32, #tpu.memory_space<hbm>>) target(%dma_start3A_422 : memref<1x64xf32, #tpu.memory_space<vmem>>) target_semaphore(%dma_start3A_419 : memref<!tpu.dma_semaphore, #tpu.memory_space<semaphore_mem>>)
          %slice3A_425 = vector.extract_strided_slice %get3A_266 {offsets = [8], sizes = [1], strides = [1]} : vector<16xi32> to vector<1xi32>
          %squeeze3A_426 = vector.extract %slice3A_425[0] : i32 from vector<1xi32>
          %mul3A_427 = arith.constant 16 : i32
          %mul3A_428 = arith.muli %add3A_226, %mul3A_427 : i32
          %add3A_429 = arith.constant 8 : i32
          %add3A_430 = arith.addi %mul3A_428, %add3A_429 : i32
          %dma_start3A_431 = arith.constant 3 : i32
          %dma_start3A_432 = arith.constant 3 : i32
          %dma_start3A_433 = arith.constant 0 : i32
          %dma_start3A_434 = tpu.memref_slice %arg6[%dma_start3A_431, %add3A_430, %dma_start3A_433] : memref<4x208x64xf32, #tpu.memory_space<vmem>> -> memref<1x1x64xf32, #tpu.memory_space<vmem>>
          %dma_start3A_435 = tpu.memref_squeeze %dma_start3A_434 : memref<1x1x64xf32, #tpu.memory_space<vmem>> -> memref<1x64xf32, #tpu.memory_space<vmem>>
          %dma_start3A_436 = arith.constant 0 : i32
          %dma_start3A_437 = tpu.memref_slice %arg3[%squeeze3A_426, %dma_start3A_436] : memref<1000000x64xf32, #tpu.memory_space<hbm>> -> memref<1x64xf32, #tpu.memory_space<hbm>>
          %dma_start3A_438 = tpu.memref_slice %arg7[%dma_start3A_432] : memref<4x!tpu.dma_semaphore, #tpu.memory_space<semaphore_mem>> -> memref<1x!tpu.dma_semaphore, #tpu.memory_space<semaphore_mem>>
          %dma_start3A_439 = tpu.memref_squeeze %dma_start3A_438 : memref<1x!tpu.dma_semaphore, #tpu.memory_space<semaphore_mem>> -> memref<!tpu.dma_semaphore, #tpu.memory_space<semaphore_mem>>
          %dma_start3A_440 = arith.constant 0 : i32
          %dma_start3A_441 = tpu.memref_slice %arg6[%dma_start3A_431, %add3A_430, %dma_start3A_440] : memref<4x208x64xf32, #tpu.memory_space<vmem>> -> memref<1x1x64xf32, #tpu.memory_space<vmem>>
          %dma_start3A_442 = tpu.memref_squeeze %dma_start3A_441 : memref<1x1x64xf32, #tpu.memory_space<vmem>> -> memref<1x64xf32, #tpu.memory_space<vmem>>
          %dma_start3A_443 = arith.constant 0 : i32
          %dma_start3A_444 = tpu.memref_slice %arg3[%squeeze3A_426, %dma_start3A_443] : memref<1000000x64xf32, #tpu.memory_space<hbm>> -> memref<1x64xf32, #tpu.memory_space<hbm>>
          tpu.enqueue_dma source(%dma_start3A_444 : memref<1x64xf32, #tpu.memory_space<hbm>>) target(%dma_start3A_442 : memref<1x64xf32, #tpu.memory_space<vmem>>) target_semaphore(%dma_start3A_439 : memref<!tpu.dma_semaphore, #tpu.memory_space<semaphore_mem>>)
          %slice3A_445 = vector.extract_strided_slice %get3A_266 {offsets = [9], sizes = [1], strides = [1]} : vector<16xi32> to vector<1xi32>
          %squeeze3A_446 = vector.extract %slice3A_445[0] : i32 from vector<1xi32>
          %mul3A_447 = arith.constant 16 : i32
          %mul3A_448 = arith.muli %add3A_226, %mul3A_447 : i32
          %add3A_449 = arith.constant 9 : i32
          %add3A_450 = arith.addi %mul3A_448, %add3A_449 : i32
          %dma_start3A_451 = arith.constant 3 : i32
          %dma_start3A_452 = arith.constant 3 : i32
          %dma_start3A_453 = arith.constant 0 : i32
          %dma_start3A_454 = tpu.memref_slice %arg6[%dma_start3A_451, %add3A_450, %dma_start3A_453] : memref<4x208x64xf32, #tpu.memory_space<vmem>> -> memref<1x1x64xf32, #tpu.memory_space<vmem>>
          %dma_start3A_455 = tpu.memref_squeeze %dma_start3A_454 : memref<1x1x64xf32, #tpu.memory_space<vmem>> -> memref<1x64xf32, #tpu.memory_space<vmem>>
          %dma_start3A_456 = arith.constant 0 : i32
          %dma_start3A_457 = tpu.memref_slice %arg3[%squeeze3A_446, %dma_start3A_456] : memref<1000000x64xf32, #tpu.memory_space<hbm>> -> memref<1x64xf32, #tpu.memory_space<hbm>>
          %dma_start3A_458 = tpu.memref_slice %arg7[%dma_start3A_452] : memref<4x!tpu.dma_semaphore, #tpu.memory_space<semaphore_mem>> -> memref<1x!tpu.dma_semaphore, #tpu.memory_space<semaphore_mem>>
          %dma_start3A_459 = tpu.memref_squeeze %dma_start3A_458 : memref<1x!tpu.dma_semaphore, #tpu.memory_space<semaphore_mem>> -> memref<!tpu.dma_semaphore, #tpu.memory_space<semaphore_mem>>
          %dma_start3A_460 = arith.constant 0 : i32
          %dma_start3A_461 = tpu.memref_slice %arg6[%dma_start3A_451, %add3A_450, %dma_start3A_460] : memref<4x208x64xf32, #tpu.memory_space<vmem>> -> memref<1x1x64xf32, #tpu.memory_space<vmem>>
          %dma_start3A_462 = tpu.memref_squeeze %dma_start3A_461 : memref<1x1x64xf32, #tpu.memory_space<vmem>> -> memref<1x64xf32, #tpu.memory_space<vmem>>
          %dma_start3A_463 = arith.constant 0 : i32
          %dma_start3A_464 = tpu.memref_slice %arg3[%squeeze3A_446, %dma_start3A_463] : memref<1000000x64xf32, #tpu.memory_space<hbm>> -> memref<1x64xf32, #tpu.memory_space<hbm>>
          tpu.enqueue_dma source(%dma_start3A_464 : memref<1x64xf32, #tpu.memory_space<hbm>>) target(%dma_start3A_462 : memref<1x64xf32, #tpu.memory_space<vmem>>) target_semaphore(%dma_start3A_459 : memref<!tpu.dma_semaphore, #tpu.memory_space<semaphore_mem>>)
          %slice3A_465 = vector.extract_strided_slice %get3A_266 {offsets = [10], sizes = [1], strides = [1]} : vector<16xi32> to vector<1xi32>
          %squeeze3A_466 = vector.extract %slice3A_465[0] : i32 from vector<1xi32>
          %mul3A_467 = arith.constant 16 : i32
          %mul3A_468 = arith.muli %add3A_226, %mul3A_467 : i32
          %add3A_469 = arith.constant 10 : i32
          %add3A_470 = arith.addi %mul3A_468, %add3A_469 : i32
          %dma_start3A_471 = arith.constant 3 : i32
          %dma_start3A_472 = arith.constant 3 : i32
          %dma_start3A_473 = arith.constant 0 : i32
          %dma_start3A_474 = tpu.memref_slice %arg6[%dma_start3A_471, %add3A_470, %dma_start3A_473] : memref<4x208x64xf32, #tpu.memory_space<vmem>> -> memref<1x1x64xf32, #tpu.memory_space<vmem>>
          %dma_start3A_475 = tpu.memref_squeeze %dma_start3A_474 : memref<1x1x64xf32, #tpu.memory_space<vmem>> -> memref<1x64xf32, #tpu.memory_space<vmem>>
          %dma_start3A_476 = arith.constant 0 : i32
          %dma_start3A_477 = tpu.memref_slice %arg3[%squeeze3A_466, %dma_start3A_476] : memref<1000000x64xf32, #tpu.memory_space<hbm>> -> memref<1x64xf32, #tpu.memory_space<hbm>>
          %dma_start3A_478 = tpu.memref_slice %arg7[%dma_start3A_472] : memref<4x!tpu.dma_semaphore, #tpu.memory_space<semaphore_mem>> -> memref<1x!tpu.dma_semaphore, #tpu.memory_space<semaphore_mem>>
          %dma_start3A_479 = tpu.memref_squeeze %dma_start3A_478 : memref<1x!tpu.dma_semaphore, #tpu.memory_space<semaphore_mem>> -> memref<!tpu.dma_semaphore, #tpu.memory_space<semaphore_mem>>
          %dma_start3A_480 = arith.constant 0 : i32
          %dma_start3A_481 = tpu.memref_slice %arg6[%dma_start3A_471, %add3A_470, %dma_start3A_480] : memref<4x208x64xf32, #tpu.memory_space<vmem>> -> memref<1x1x64xf32, #tpu.memory_space<vmem>>
          %dma_start3A_482 = tpu.memref_squeeze %dma_start3A_481 : memref<1x1x64xf32, #tpu.memory_space<vmem>> -> memref<1x64xf32, #tpu.memory_space<vmem>>
          %dma_start3A_483 = arith.constant 0 : i32
          %dma_start3A_484 = tpu.memref_slice %arg3[%squeeze3A_466, %dma_start3A_483] : memref<1000000x64xf32, #tpu.memory_space<hbm>> -> memref<1x64xf32, #tpu.memory_space<hbm>>
          tpu.enqueue_dma source(%dma_start3A_484 : memref<1x64xf32, #tpu.memory_space<hbm>>) target(%dma_start3A_482 : memref<1x64xf32, #tpu.memory_space<vmem>>) target_semaphore(%dma_start3A_479 : memref<!tpu.dma_semaphore, #tpu.memory_space<semaphore_mem>>)
          %slice3A_485 = vector.extract_strided_slice %get3A_266 {offsets = [11], sizes = [1], strides = [1]} : vector<16xi32> to vector<1xi32>
          %squeeze3A_486 = vector.extract %slice3A_485[0] : i32 from vector<1xi32>
          %mul3A_487 = arith.constant 16 : i32
          %mul3A_488 = arith.muli %add3A_226, %mul3A_487 : i32
          %add3A_489 = arith.constant 11 : i32
          %add3A_490 = arith.addi %mul3A_488, %add3A_489 : i32
          %dma_start3A_491 = arith.constant 3 : i32
          %dma_start3A_492 = arith.constant 3 : i32
          %dma_start3A_493 = arith.constant 0 : i32
          %dma_start3A_494 = tpu.memref_slice %arg6[%dma_start3A_491, %add3A_490, %dma_start3A_493] : memref<4x208x64xf32, #tpu.memory_space<vmem>> -> memref<1x1x64xf32, #tpu.memory_space<vmem>>
          %dma_start3A_495 = tpu.memref_squeeze %dma_start3A_494 : memref<1x1x64xf32, #tpu.memory_space<vmem>> -> memref<1x64xf32, #tpu.memory_space<vmem>>
          %dma_start3A_496 = arith.constant 0 : i32
          %dma_start3A_497 = tpu.memref_slice %arg3[%squeeze3A_486, %dma_start3A_496] : memref<1000000x64xf32, #tpu.memory_space<hbm>> -> memref<1x64xf32, #tpu.memory_space<hbm>>
          %dma_start3A_498 = tpu.memref_slice %arg7[%dma_start3A_492] : memref<4x!tpu.dma_semaphore, #tpu.memory_space<semaphore_mem>> -> memref<1x!tpu.dma_semaphore, #tpu.memory_space<semaphore_mem>>
          %dma_start3A_499 = tpu.memref_squeeze %dma_start3A_498 : memref<1x!tpu.dma_semaphore, #tpu.memory_space<semaphore_mem>> -> memref<!tpu.dma_semaphore, #tpu.memory_space<semaphore_mem>>
          %dma_start3A_500 = arith.constant 0 : i32
          %dma_start3A_501 = tpu.memref_slice %arg6[%dma_start3A_491, %add3A_490, %dma_start3A_500] : memref<4x208x64xf32, #tpu.memory_space<vmem>> -> memref<1x1x64xf32, #tpu.memory_space<vmem>>
          %dma_start3A_502 = tpu.memref_squeeze %dma_start3A_501 : memref<1x1x64xf32, #tpu.memory_space<vmem>> -> memref<1x64xf32, #tpu.memory_space<vmem>>
          %dma_start3A_503 = arith.constant 0 : i32
          %dma_start3A_504 = tpu.memref_slice %arg3[%squeeze3A_486, %dma_start3A_503] : memref<1000000x64xf32, #tpu.memory_space<hbm>> -> memref<1x64xf32, #tpu.memory_space<hbm>>
          tpu.enqueue_dma source(%dma_start3A_504 : memref<1x64xf32, #tpu.memory_space<hbm>>) target(%dma_start3A_502 : memref<1x64xf32, #tpu.memory_space<vmem>>) target_semaphore(%dma_start3A_499 : memref<!tpu.dma_semaphore, #tpu.memory_space<semaphore_mem>>)
          %slice3A_505 = vector.extract_strided_slice %get3A_266 {offsets = [12], sizes = [1], strides = [1]} : vector<16xi32> to vector<1xi32>
          %squeeze3A_506 = vector.extract %slice3A_505[0] : i32 from vector<1xi32>
          %mul3A_507 = arith.constant 16 : i32
          %mul3A_508 = arith.muli %add3A_226, %mul3A_507 : i32
          %add3A_509 = arith.constant 12 : i32
          %add3A_510 = arith.addi %mul3A_508, %add3A_509 : i32
          %dma_start3A_511 = arith.constant 3 : i32
          %dma_start3A_512 = arith.constant 3 : i32
          %dma_start3A_513 = arith.constant 0 : i32
          %dma_start3A_514 = tpu.memref_slice %arg6[%dma_start3A_511, %add3A_510, %dma_start3A_513] : memref<4x208x64xf32, #tpu.memory_space<vmem>> -> memref<1x1x64xf32, #tpu.memory_space<vmem>>
          %dma_start3A_515 = tpu.memref_squeeze %dma_start3A_514 : memref<1x1x64xf32, #tpu.memory_space<vmem>> -> memref<1x64xf32, #tpu.memory_space<vmem>>
          %dma_start3A_516 = arith.constant 0 : i32
          %dma_start3A_517 = tpu.memref_slice %arg3[%squeeze3A_506, %dma_start3A_516] : memref<1000000x64xf32, #tpu.memory_space<hbm>> -> memref<1x64xf32, #tpu.memory_space<hbm>>
          %dma_start3A_518 = tpu.memref_slice %arg7[%dma_start3A_512] : memref<4x!tpu.dma_semaphore, #tpu.memory_space<semaphore_mem>> -> memref<1x!tpu.dma_semaphore, #tpu.memory_space<semaphore_mem>>
          %dma_start3A_519 = tpu.memref_squeeze %dma_start3A_518 : memref<1x!tpu.dma_semaphore, #tpu.memory_space<semaphore_mem>> -> memref<!tpu.dma_semaphore, #tpu.memory_space<semaphore_mem>>
          %dma_start3A_520 = arith.constant 0 : i32
          %dma_start3A_521 = tpu.memref_slice %arg6[%dma_start3A_511, %add3A_510, %dma_start3A_520] : memref<4x208x64xf32, #tpu.memory_space<vmem>> -> memref<1x1x64xf32, #tpu.memory_space<vmem>>
          %dma_start3A_522 = tpu.memref_squeeze %dma_start3A_521 : memref<1x1x64xf32, #tpu.memory_space<vmem>> -> memref<1x64xf32, #tpu.memory_space<vmem>>
          %dma_start3A_523 = arith.constant 0 : i32
          %dma_start3A_524 = tpu.memref_slice %arg3[%squeeze3A_506, %dma_start3A_523] : memref<1000000x64xf32, #tpu.memory_space<hbm>> -> memref<1x64xf32, #tpu.memory_space<hbm>>
          tpu.enqueue_dma source(%dma_start3A_524 : memref<1x64xf32, #tpu.memory_space<hbm>>) target(%dma_start3A_522 : memref<1x64xf32, #tpu.memory_space<vmem>>) target_semaphore(%dma_start3A_519 : memref<!tpu.dma_semaphore, #tpu.memory_space<semaphore_mem>>)
          %slice3A_525 = vector.extract_strided_slice %get3A_266 {offsets = [13], sizes = [1], strides = [1]} : vector<16xi32> to vector<1xi32>
          %squeeze3A_526 = vector.extract %slice3A_525[0] : i32 from vector<1xi32>
          %mul3A_527 = arith.constant 16 : i32
          %mul3A_528 = arith.muli %add3A_226, %mul3A_527 : i32
          %add3A_529 = arith.constant 13 : i32
          %add3A_530 = arith.addi %mul3A_528, %add3A_529 : i32
          %dma_start3A_531 = arith.constant 3 : i32
          %dma_start3A_532 = arith.constant 3 : i32
          %dma_start3A_533 = arith.constant 0 : i32
          %dma_start3A_534 = tpu.memref_slice %arg6[%dma_start3A_531, %add3A_530, %dma_start3A_533] : memref<4x208x64xf32, #tpu.memory_space<vmem>> -> memref<1x1x64xf32, #tpu.memory_space<vmem>>
          %dma_start3A_535 = tpu.memref_squeeze %dma_start3A_534 : memref<1x1x64xf32, #tpu.memory_space<vmem>> -> memref<1x64xf32, #tpu.memory_space<vmem>>
          %dma_start3A_536 = arith.constant 0 : i32
          %dma_start3A_537 = tpu.memref_slice %arg3[%squeeze3A_526, %dma_start3A_536] : memref<1000000x64xf32, #tpu.memory_space<hbm>> -> memref<1x64xf32, #tpu.memory_space<hbm>>
          %dma_start3A_538 = tpu.memref_slice %arg7[%dma_start3A_532] : memref<4x!tpu.dma_semaphore, #tpu.memory_space<semaphore_mem>> -> memref<1x!tpu.dma_semaphore, #tpu.memory_space<semaphore_mem>>
          %dma_start3A_539 = tpu.memref_squeeze %dma_start3A_538 : memref<1x!tpu.dma_semaphore, #tpu.memory_space<semaphore_mem>> -> memref<!tpu.dma_semaphore, #tpu.memory_space<semaphore_mem>>
          %dma_start3A_540 = arith.constant 0 : i32
          %dma_start3A_541 = tpu.memref_slice %arg6[%dma_start3A_531, %add3A_530, %dma_start3A_540] : memref<4x208x64xf32, #tpu.memory_space<vmem>> -> memref<1x1x64xf32, #tpu.memory_space<vmem>>
          %dma_start3A_542 = tpu.memref_squeeze %dma_start3A_541 : memref<1x1x64xf32, #tpu.memory_space<vmem>> -> memref<1x64xf32, #tpu.memory_space<vmem>>
          %dma_start3A_543 = arith.constant 0 : i32
          %dma_start3A_544 = tpu.memref_slice %arg3[%squeeze3A_526, %dma_start3A_543] : memref<1000000x64xf32, #tpu.memory_space<hbm>> -> memref<1x64xf32, #tpu.memory_space<hbm>>
          tpu.enqueue_dma source(%dma_start3A_544 : memref<1x64xf32, #tpu.memory_space<hbm>>) target(%dma_start3A_542 : memref<1x64xf32, #tpu.memory_space<vmem>>) target_semaphore(%dma_start3A_539 : memref<!tpu.dma_semaphore, #tpu.memory_space<semaphore_mem>>)
          %slice3A_545 = vector.extract_strided_slice %get3A_266 {offsets = [14], sizes = [1], strides = [1]} : vector<16xi32> to vector<1xi32>
          %squeeze3A_546 = vector.extract %slice3A_545[0] : i32 from vector<1xi32>
          %mul3A_547 = arith.constant 16 : i32
          %mul3A_548 = arith.muli %add3A_226, %mul3A_547 : i32
          %add3A_549 = arith.constant 14 : i32
          %add3A_550 = arith.addi %mul3A_548, %add3A_549 : i32
          %dma_start3A_551 = arith.constant 3 : i32
          %dma_start3A_552 = arith.constant 3 : i32
          %dma_start3A_553 = arith.constant 0 : i32
          %dma_start3A_554 = tpu.memref_slice %arg6[%dma_start3A_551, %add3A_550, %dma_start3A_553] : memref<4x208x64xf32, #tpu.memory_space<vmem>> -> memref<1x1x64xf32, #tpu.memory_space<vmem>>
          %dma_start3A_555 = tpu.memref_squeeze %dma_start3A_554 : memref<1x1x64xf32, #tpu.memory_space<vmem>> -> memref<1x64xf32, #tpu.memory_space<vmem>>
          %dma_start3A_556 = arith.constant 0 : i32
          %dma_start3A_557 = tpu.memref_slice %arg3[%squeeze3A_546, %dma_start3A_556] : memref<1000000x64xf32, #tpu.memory_space<hbm>> -> memref<1x64xf32, #tpu.memory_space<hbm>>
          %dma_start3A_558 = tpu.memref_slice %arg7[%dma_start3A_552] : memref<4x!tpu.dma_semaphore, #tpu.memory_space<semaphore_mem>> -> memref<1x!tpu.dma_semaphore, #tpu.memory_space<semaphore_mem>>
          %dma_start3A_559 = tpu.memref_squeeze %dma_start3A_558 : memref<1x!tpu.dma_semaphore, #tpu.memory_space<semaphore_mem>> -> memref<!tpu.dma_semaphore, #tpu.memory_space<semaphore_mem>>
          %dma_start3A_560 = arith.constant 0 : i32
          %dma_start3A_561 = tpu.memref_slice %arg6[%dma_start3A_551, %add3A_550, %dma_start3A_560] : memref<4x208x64xf32, #tpu.memory_space<vmem>> -> memref<1x1x64xf32, #tpu.memory_space<vmem>>
          %dma_start3A_562 = tpu.memref_squeeze %dma_start3A_561 : memref<1x1x64xf32, #tpu.memory_space<vmem>> -> memref<1x64xf32, #tpu.memory_space<vmem>>
          %dma_start3A_563 = arith.constant 0 : i32
          %dma_start3A_564 = tpu.memref_slice %arg3[%squeeze3A_546, %dma_start3A_563] : memref<1000000x64xf32, #tpu.memory_space<hbm>> -> memref<1x64xf32, #tpu.memory_space<hbm>>
          tpu.enqueue_dma source(%dma_start3A_564 : memref<1x64xf32, #tpu.memory_space<hbm>>) target(%dma_start3A_562 : memref<1x64xf32, #tpu.memory_space<vmem>>) target_semaphore(%dma_start3A_559 : memref<!tpu.dma_semaphore, #tpu.memory_space<semaphore_mem>>)
          %slice3A_565 = vector.extract_strided_slice %get3A_266 {offsets = [15], sizes = [1], strides = [1]} : vector<16xi32> to vector<1xi32>
          %squeeze3A_566 = vector.extract %slice3A_565[0] : i32 from vector<1xi32>
          %mul3A_567 = arith.constant 16 : i32
          %mul3A_568 = arith.muli %add3A_226, %mul3A_567 : i32
          %add3A_569 = arith.constant 15 : i32
          %add3A_570 = arith.addi %mul3A_568, %add3A_569 : i32
          %dma_start3A_571 = arith.constant 3 : i32
          %dma_start3A_572 = arith.constant 3 : i32
          %dma_start3A_573 = arith.constant 0 : i32
          %dma_start3A_574 = tpu.memref_slice %arg6[%dma_start3A_571, %add3A_570, %dma_start3A_573] : memref<4x208x64xf32, #tpu.memory_space<vmem>> -> memref<1x1x64xf32, #tpu.memory_space<vmem>>
          %dma_start3A_575 = tpu.memref_squeeze %dma_start3A_574 : memref<1x1x64xf32, #tpu.memory_space<vmem>> -> memref<1x64xf32, #tpu.memory_space<vmem>>
          %dma_start3A_576 = arith.constant 0 : i32
          %dma_start3A_577 = tpu.memref_slice %arg3[%squeeze3A_566, %dma_start3A_576] : memref<1000000x64xf32, #tpu.memory_space<hbm>> -> memref<1x64xf32, #tpu.memory_space<hbm>>
          %dma_start3A_578 = tpu.memref_slice %arg7[%dma_start3A_572] : memref<4x!tpu.dma_semaphore, #tpu.memory_space<semaphore_mem>> -> memref<1x!tpu.dma_semaphore, #tpu.memory_space<semaphore_mem>>
          %dma_start3A_579 = tpu.memref_squeeze %dma_start3A_578 : memref<1x!tpu.dma_semaphore, #tpu.memory_space<semaphore_mem>> -> memref<!tpu.dma_semaphore, #tpu.memory_space<semaphore_mem>>
          %dma_start3A_580 = arith.constant 0 : i32
          %dma_start3A_581 = tpu.memref_slice %arg6[%dma_start3A_571, %add3A_570, %dma_start3A_580] : memref<4x208x64xf32, #tpu.memory_space<vmem>> -> memref<1x1x64xf32, #tpu.memory_space<vmem>>
          %dma_start3A_582 = tpu.memref_squeeze %dma_start3A_581 : memref<1x1x64xf32, #tpu.memory_space<vmem>> -> memref<1x64xf32, #tpu.memory_space<vmem>>
          %dma_start3A_583 = arith.constant 0 : i32
          %dma_start3A_584 = tpu.memref_slice %arg3[%squeeze3A_566, %dma_start3A_583] : memref<1000000x64xf32, #tpu.memory_space<hbm>> -> memref<1x64xf32, #tpu.memory_space<hbm>>
          tpu.enqueue_dma source(%dma_start3A_584 : memref<1x64xf32, #tpu.memory_space<hbm>>) target(%dma_start3A_582 : memref<1x64xf32, #tpu.memory_space<vmem>>) target_semaphore(%dma_start3A_579 : memref<!tpu.dma_semaphore, #tpu.memory_space<semaphore_mem>>)
        }
        %scan3A_221 = arith.constant 13 : i32
      } else {
      }
      %add3A_196 = arith.constant 3 : i32
      %add3A_197 = arith.addi %add3A_152, %add3A_196 : i32
      %sub3A_198 = arith.constant 2 : i32
      %sub3A_199 = arith.subi %add3A_197, %sub3A_198 : i32
      %ge3A_200 = arith.constant 0 : i32
      %ge3A_201 = arith.cmpi sge, %sub3A_199, %ge3A_200 : i32
      %convert_element_type3A_202 = arith.extui %ge3A_201 : i1 to i32
      %cond3A_203 = arith.constant 0 : i32
      %cond3A_204 = arith.cmpi ne, %convert_element_type3A_202, %cond3A_203 : i32
      scf.if %cond3A_204 {
        %dma_wait3A_212 = arith.constant 1 : i32
        %dma_wait3A_213 = arith.constant 1 : i32
        %dma_wait3A_214 = arith.constant 0 : i32
        %dma_wait3A_215 = arith.constant 0 : i32
        %dma_wait3A_216 = tpu.memref_slice %arg6[%dma_wait3A_212, %dma_wait3A_214, %dma_wait3A_215] : memref<4x208x64xf32, #tpu.memory_space<vmem>> -> memref<1x208x64xf32, #tpu.memory_space<vmem>>
        %dma_wait3A_217 = tpu.memref_squeeze %dma_wait3A_216 : memref<1x208x64xf32, #tpu.memory_space<vmem>> -> memref<208x64xf32, #tpu.memory_space<vmem>>
        %dma_wait3A_218 = arith.constant 0 : i32
        %dma_wait3A_219 = arith.constant 0 : i32
        %dma_wait3A_220 = tpu.memref_slice %arg3[%dma_wait3A_218, %dma_wait3A_219] : memref<1000000x64xf32, #tpu.memory_space<hbm>> -> memref<208x64xf32, #tpu.memory_space<hbm>>
        %dma_wait3A_221 = tpu.memref_slice %arg7[%dma_wait3A_213] : memref<4x!tpu.dma_semaphore, #tpu.memory_space<semaphore_mem>> -> memref<1x!tpu.dma_semaphore, #tpu.memory_space<semaphore_mem>>
        %dma_wait3A_222 = tpu.memref_squeeze %dma_wait3A_221 : memref<1x!tpu.dma_semaphore, #tpu.memory_space<semaphore_mem>> -> memref<!tpu.dma_semaphore, #tpu.memory_space<semaphore_mem>>
        %dma_wait3A_223 = arith.constant 0 : i32
        %dma_wait3A_224 = arith.constant 0 : i32
        %dma_wait3A_225 = tpu.memref_slice %arg6[%dma_wait3A_212, %dma_wait3A_223, %dma_wait3A_224] : memref<4x208x64xf32, #tpu.memory_space<vmem>> -> memref<1x208x64xf32, #tpu.memory_space<vmem>>
        %dma_wait3A_226 = tpu.memref_squeeze %dma_wait3A_225 : memref<1x208x64xf32, #tpu.memory_space<vmem>> -> memref<208x64xf32, #tpu.memory_space<vmem>>
        %dma_wait3A_227 = arith.constant 0 : i32
        %dma_wait3A_228 = arith.constant 0 : i32
        %dma_wait3A_229 = tpu.memref_slice %arg3[%dma_wait3A_227, %dma_wait3A_228] : memref<1000000x64xf32, #tpu.memory_space<hbm>> -> memref<208x64xf32, #tpu.memory_space<hbm>>
        tpu.wait_dma2 semaphore(%dma_wait3A_222 : memref<!tpu.dma_semaphore, #tpu.memory_space<semaphore_mem>>) src(%dma_wait3A_229 : memref<208x64xf32, #tpu.memory_space<hbm>>) dst(%dma_wait3A_226 : memref<208x64xf32, #tpu.memory_space<vmem>>)
        %mul3A_230 = arith.constant 208 : i32
        %mul3A_231 = arith.muli %sub3A_199, %mul3A_230 : i32
        %add3A_232 = arith.addi %mul3A_4, %mul3A_231 : i32
        %dma_start3A_233 = arith.constant 1 : i32
        %dma_start3A_234 = arith.constant 1 : i32
        %dma_start3A_235 = arith.constant 0 : i32
        %dma_start3A_236 = arith.constant 0 : i32
        %dma_start3A_237 = tpu.memref_slice %arg6[%dma_start3A_233, %dma_start3A_235, %dma_start3A_236] : memref<4x208x64xf32, #tpu.memory_space<vmem>> -> memref<1x208x64xf32, #tpu.memory_space<vmem>>
        %dma_start3A_238 = tpu.memref_squeeze %dma_start3A_237 : memref<1x208x64xf32, #tpu.memory_space<vmem>> -> memref<208x64xf32, #tpu.memory_space<vmem>>
        %dma_start3A_239 = arith.constant 0 : i32
        %dma_start3A_240 = tpu.memref_slice %arg4[%add3A_232, %dma_start3A_239] : memref<425984x64xf32, #tpu.memory_space<hbm>> -> memref<208x64xf32, #tpu.memory_space<hbm>>
        %dma_start3A_241 = tpu.memref_slice %arg8[%dma_start3A_234] : memref<4x!tpu.dma_semaphore, #tpu.memory_space<semaphore_mem>> -> memref<1x!tpu.dma_semaphore, #tpu.memory_space<semaphore_mem>>
        %dma_start3A_242 = tpu.memref_squeeze %dma_start3A_241 : memref<1x!tpu.dma_semaphore, #tpu.memory_space<semaphore_mem>> -> memref<!tpu.dma_semaphore, #tpu.memory_space<semaphore_mem>>
        %dma_start3A_243 = arith.constant 0 : i32
        %dma_start3A_244 = tpu.memref_slice %arg4[%add3A_232, %dma_start3A_243] : memref<425984x64xf32, #tpu.memory_space<hbm>> -> memref<208x64xf32, #tpu.memory_space<hbm>>
        %dma_start3A_245 = arith.constant 0 : i32
        %dma_start3A_246 = arith.constant 0 : i32
        %dma_start3A_247 = tpu.memref_slice %arg6[%dma_start3A_233, %dma_start3A_245, %dma_start3A_246] : memref<4x208x64xf32, #tpu.memory_space<vmem>> -> memref<1x208x64xf32, #tpu.memory_space<vmem>>
        %dma_start3A_248 = tpu.memref_squeeze %dma_start3A_247 : memref<1x208x64xf32, #tpu.memory_space<vmem>> -> memref<208x64xf32, #tpu.memory_space<vmem>>
        tpu.enqueue_dma source(%dma_start3A_248 : memref<208x64xf32, #tpu.memory_space<vmem>>) target(%dma_start3A_244 : memref<208x64xf32, #tpu.memory_space<hbm>>) target_semaphore(%dma_start3A_242 : memref<!tpu.dma_semaphore, #tpu.memory_space<semaphore_mem>>)
      } else {
      }
      %add3A_205 = arith.constant 1 : i32
      %add3A_206 = arith.addi %add3A_197, %add3A_205 : i32
      %lt3A_207 = arith.constant 64 : i32
      %lt3A_208 = arith.cmpi slt, %add3A_206, %lt3A_207 : i32
      %convert_element_type3A_209 = arith.extui %lt3A_208 : i1 to i32
      %cond3A_210 = arith.constant 0 : i32
      %cond3A_211 = arith.cmpi ne, %convert_element_type3A_209, %cond3A_210 : i32
      scf.if %cond3A_211 {
        %ge3A_212 = arith.constant 4 : i32
        %ge3A_213 = arith.cmpi sge, %add3A_206, %ge3A_212 : i32
        %convert_element_type3A_214 = arith.extui %ge3A_213 : i1 to i32
        %cond3A_215 = arith.constant 0 : i32
        %cond3A_216 = arith.cmpi ne, %convert_element_type3A_214, %cond3A_215 : i32
        scf.if %cond3A_216 {
          %dma_wait3A_222 = arith.constant 0 : i32
          %dma_wait3A_223 = arith.constant 0 : i32
          %dma_wait3A_224 = arith.constant 0 : i32
          %dma_wait3A_225 = arith.constant 0 : i32
          %dma_wait3A_226 = tpu.memref_slice %arg6[%dma_wait3A_222, %dma_wait3A_224, %dma_wait3A_225] : memref<4x208x64xf32, #tpu.memory_space<vmem>> -> memref<1x208x64xf32, #tpu.memory_space<vmem>>
          %dma_wait3A_227 = tpu.memref_squeeze %dma_wait3A_226 : memref<1x208x64xf32, #tpu.memory_space<vmem>> -> memref<208x64xf32, #tpu.memory_space<vmem>>
          %dma_wait3A_228 = arith.constant 0 : i32
          %dma_wait3A_229 = tpu.memref_slice %arg4[%mul3A_4, %dma_wait3A_228] : memref<425984x64xf32, #tpu.memory_space<hbm>> -> memref<208x64xf32, #tpu.memory_space<hbm>>
          %dma_wait3A_230 = tpu.memref_slice %arg8[%dma_wait3A_223] : memref<4x!tpu.dma_semaphore, #tpu.memory_space<semaphore_mem>> -> memref<1x!tpu.dma_semaphore, #tpu.memory_space<semaphore_mem>>
          %dma_wait3A_231 = tpu.memref_squeeze %dma_wait3A_230 : memref<1x!tpu.dma_semaphore, #tpu.memory_space<semaphore_mem>> -> memref<!tpu.dma_semaphore, #tpu.memory_space<semaphore_mem>>
          %dma_wait3A_232 = arith.constant 0 : i32
          %dma_wait3A_233 = tpu.memref_slice %arg4[%mul3A_4, %dma_wait3A_232] : memref<425984x64xf32, #tpu.memory_space<hbm>> -> memref<208x64xf32, #tpu.memory_space<hbm>>
          %dma_wait3A_234 = arith.constant 0 : i32
          %dma_wait3A_235 = arith.constant 0 : i32
          %dma_wait3A_236 = tpu.memref_slice %arg6[%dma_wait3A_222, %dma_wait3A_234, %dma_wait3A_235] : memref<4x208x64xf32, #tpu.memory_space<vmem>> -> memref<1x208x64xf32, #tpu.memory_space<vmem>>
          %dma_wait3A_237 = tpu.memref_squeeze %dma_wait3A_236 : memref<1x208x64xf32, #tpu.memory_space<vmem>> -> memref<208x64xf32, #tpu.memory_space<vmem>>
          tpu.wait_dma2 semaphore(%dma_wait3A_231 : memref<!tpu.dma_semaphore, #tpu.memory_space<semaphore_mem>>) src(%dma_wait3A_237 : memref<208x64xf32, #tpu.memory_space<vmem>>) dst(%dma_wait3A_233 : memref<208x64xf32, #tpu.memory_space<hbm>>)
        } else {
        }
        %scan3A_217 = arith.constant 0 : i32
        %scan3A_218 = arith.constant 13 : i32
        %scan3A_219 = arith.addi %scan3A_217, %scan3A_218 : i32
        %scan3A_220 = arith.constant 1 : i32
        scf.for %scan3A_222 = %scan3A_217 to %scan3A_219 step %scan3A_220  : i32 {
          %mul3A_223 = arith.constant 1 : i32
          %mul3A_224 = arith.muli %scan3A_222, %mul3A_223 : i32
          %add3A_225 = arith.constant 0 : i32
          %add3A_226 = arith.addi %add3A_225, %mul3A_224 : i32
          %mul3A_227 = arith.constant 208 : i32
          %mul3A_228 = arith.muli %add3A_206, %mul3A_227 : i32
          %mul3A_229 = arith.constant 16 : i32
          %mul3A_230 = arith.muli %add3A_226, %mul3A_229 : i32
          %add3A_231 = arith.addi %mul3A_228, %mul3A_230 : i32
          %jit3A = arith.constant 128 : i32
          %div3A = arith.divsi %add3A_231, %jit3A : i32
          %sign3A = arith.constant 0 : i32
          %sign3A_232 = arith.cmpi sgt, %add3A_231, %sign3A : i32
          %sign3A_233 = arith.extui %sign3A_232 : i1 to i32
          %sign3A_234 = arith.constant 0 : i32
          %sign3A_235 = arith.cmpi slt, %add3A_231, %sign3A_234 : i32
          %sign3A_236 = arith.extui %sign3A_235 : i1 to i32
          %sign3A_237 = arith.subi %sign3A_233, %sign3A_236 : i32
          %sign3A_238 = arith.constant 0 : i32
          %sign3A_239 = arith.cmpi sgt, %jit3A, %sign3A_238 : i32
          %sign3A_240 = arith.extui %sign3A_239 : i1 to i32
          %sign3A_241 = arith.constant 0 : i32
          %sign3A_242 = arith.cmpi slt, %jit3A, %sign3A_241 : i32
          %sign3A_243 = arith.extui %sign3A_242 : i1 to i32
          %sign3A_244 = arith.subi %sign3A_240, %sign3A_243 : i32
          %ne3A = arith.cmpi ne, %sign3A_237, %sign3A_244 : i32
          %rem3A = arith.remsi %add3A_231, %jit3A : i32
          %ne3A_245 = arith.constant 0 : i32
          %ne3A_246 = arith.cmpi ne, %rem3A, %ne3A_245 : i32
          %and3A = arith.andi %ne3A, %ne3A_246 : i1
          %sub3A_247 = arith.constant 1 : i32
          %sub3A_248 = arith.subi %div3A, %sub3A_247 : i32
          %select_n3A = arith.select %and3A, %sub3A_248, %div3A : i32
          %jit3A_249 = arith.constant 128 : i32
          %eq3A = arith.constant 0 : i32
          %eq3A_250 = arith.cmpi eq, %jit3A_249, %eq3A : i32
          %jit3A_251 = arith.constant 1 : i32
          %select_n3A_252 = arith.select %eq3A_250, %jit3A_251, %jit3A_249 : i32
          %rem3A_253 = arith.remsi %add3A_231, %select_n3A_252 : i32
          %ne3A_254 = arith.constant 0 : i32
          %ne3A_255 = arith.cmpi ne, %rem3A_253, %ne3A_254 : i32
          %lt3A_256 = arith.constant 0 : i32
          %lt3A_257 = arith.cmpi slt, %rem3A_253, %lt3A_256 : i32
          %lt3A_258 = arith.constant 0 : i32
          %lt3A_259 = arith.cmpi slt, %select_n3A_252, %lt3A_258 : i32
          %ne3A_260 = arith.xori %lt3A_257, %lt3A_259 : i1
          %and3A_261 = arith.andi %ne3A_260, %ne3A_255 : i1
          %add3A_262 = arith.addi %rem3A_253, %select_n3A_252 : i32
          %select_n3A_263 = arith.select %and3A_261, %add3A_262, %rem3A_253 : i32
          %get3A = arith.index_cast %select_n3A : i32 to index
          %get3A_264 = arith.index_cast %select_n3A_263 : i32 to index
          %get3A_265 = tpu.vector_load %arg5[%get3A, %get3A_264] {strides = array<i32>} : memref<104x128xi32, #tpu.memory_space<vmem>>, vector<1x16xi32>,
          %get3A_266 = vector.shape_cast %get3A_265 : vector<1x16xi32> to vector<16xi32>
          %slice3A = vector.extract_strided_slice %get3A_266 {offsets = [0], sizes = [1], strides = [1]} : vector<16xi32> to vector<1xi32>
          %squeeze3A = vector.extract %slice3A[0] : i32 from vector<1xi32>
          %mul3A_267 = arith.constant 16 : i32
          %mul3A_268 = arith.muli %add3A_226, %mul3A_267 : i32
          %add3A_269 = arith.constant 0 : i32
          %add3A_270 = arith.addi %mul3A_268, %add3A_269 : i32
          %dma_start3A_271 = arith.constant 0 : i32
          %dma_start3A_272 = arith.constant 0 : i32
          %dma_start3A_273 = arith.constant 0 : i32
          %dma_start3A_274 = tpu.memref_slice %arg6[%dma_start3A_271, %add3A_270, %dma_start3A_273] : memref<4x208x64xf32, #tpu.memory_space<vmem>> -> memref<1x1x64xf32, #tpu.memory_space<vmem>>
          %dma_start3A_275 = tpu.memref_squeeze %dma_start3A_274 : memref<1x1x64xf32, #tpu.memory_space<vmem>> -> memref<1x64xf32, #tpu.memory_space<vmem>>
          %dma_start3A_276 = arith.constant 0 : i32
          %dma_start3A_277 = tpu.memref_slice %arg3[%squeeze3A, %dma_start3A_276] : memref<1000000x64xf32, #tpu.memory_space<hbm>> -> memref<1x64xf32, #tpu.memory_space<hbm>>
          %dma_start3A_278 = tpu.memref_slice %arg7[%dma_start3A_272] : memref<4x!tpu.dma_semaphore, #tpu.memory_space<semaphore_mem>> -> memref<1x!tpu.dma_semaphore, #tpu.memory_space<semaphore_mem>>
          %dma_start3A_279 = tpu.memref_squeeze %dma_start3A_278 : memref<1x!tpu.dma_semaphore, #tpu.memory_space<semaphore_mem>> -> memref<!tpu.dma_semaphore, #tpu.memory_space<semaphore_mem>>
          %dma_start3A_280 = arith.constant 0 : i32
          %dma_start3A_281 = tpu.memref_slice %arg6[%dma_start3A_271, %add3A_270, %dma_start3A_280] : memref<4x208x64xf32, #tpu.memory_space<vmem>> -> memref<1x1x64xf32, #tpu.memory_space<vmem>>
          %dma_start3A_282 = tpu.memref_squeeze %dma_start3A_281 : memref<1x1x64xf32, #tpu.memory_space<vmem>> -> memref<1x64xf32, #tpu.memory_space<vmem>>
          %dma_start3A_283 = arith.constant 0 : i32
          %dma_start3A_284 = tpu.memref_slice %arg3[%squeeze3A, %dma_start3A_283] : memref<1000000x64xf32, #tpu.memory_space<hbm>> -> memref<1x64xf32, #tpu.memory_space<hbm>>
          tpu.enqueue_dma source(%dma_start3A_284 : memref<1x64xf32, #tpu.memory_space<hbm>>) target(%dma_start3A_282 : memref<1x64xf32, #tpu.memory_space<vmem>>) target_semaphore(%dma_start3A_279 : memref<!tpu.dma_semaphore, #tpu.memory_space<semaphore_mem>>)
          %slice3A_285 = vector.extract_strided_slice %get3A_266 {offsets = [1], sizes = [1], strides = [1]} : vector<16xi32> to vector<1xi32>
          %squeeze3A_286 = vector.extract %slice3A_285[0] : i32 from vector<1xi32>
          %mul3A_287 = arith.constant 16 : i32
          %mul3A_288 = arith.muli %add3A_226, %mul3A_287 : i32
          %add3A_289 = arith.constant 1 : i32
          %add3A_290 = arith.addi %mul3A_288, %add3A_289 : i32
          %dma_start3A_291 = arith.constant 0 : i32
          %dma_start3A_292 = arith.constant 0 : i32
          %dma_start3A_293 = arith.constant 0 : i32
          %dma_start3A_294 = tpu.memref_slice %arg6[%dma_start3A_291, %add3A_290, %dma_start3A_293] : memref<4x208x64xf32, #tpu.memory_space<vmem>> -> memref<1x1x64xf32, #tpu.memory_space<vmem>>
          %dma_start3A_295 = tpu.memref_squeeze %dma_start3A_294 : memref<1x1x64xf32, #tpu.memory_space<vmem>> -> memref<1x64xf32, #tpu.memory_space<vmem>>
          %dma_start3A_296 = arith.constant 0 : i32
          %dma_start3A_297 = tpu.memref_slice %arg3[%squeeze3A_286, %dma_start3A_296] : memref<1000000x64xf32, #tpu.memory_space<hbm>> -> memref<1x64xf32, #tpu.memory_space<hbm>>
          %dma_start3A_298 = tpu.memref_slice %arg7[%dma_start3A_292] : memref<4x!tpu.dma_semaphore, #tpu.memory_space<semaphore_mem>> -> memref<1x!tpu.dma_semaphore, #tpu.memory_space<semaphore_mem>>
          %dma_start3A_299 = tpu.memref_squeeze %dma_start3A_298 : memref<1x!tpu.dma_semaphore, #tpu.memory_space<semaphore_mem>> -> memref<!tpu.dma_semaphore, #tpu.memory_space<semaphore_mem>>
          %dma_start3A_300 = arith.constant 0 : i32
          %dma_start3A_301 = tpu.memref_slice %arg6[%dma_start3A_291, %add3A_290, %dma_start3A_300] : memref<4x208x64xf32, #tpu.memory_space<vmem>> -> memref<1x1x64xf32, #tpu.memory_space<vmem>>
          %dma_start3A_302 = tpu.memref_squeeze %dma_start3A_301 : memref<1x1x64xf32, #tpu.memory_space<vmem>> -> memref<1x64xf32, #tpu.memory_space<vmem>>
          %dma_start3A_303 = arith.constant 0 : i32
          %dma_start3A_304 = tpu.memref_slice %arg3[%squeeze3A_286, %dma_start3A_303] : memref<1000000x64xf32, #tpu.memory_space<hbm>> -> memref<1x64xf32, #tpu.memory_space<hbm>>
          tpu.enqueue_dma source(%dma_start3A_304 : memref<1x64xf32, #tpu.memory_space<hbm>>) target(%dma_start3A_302 : memref<1x64xf32, #tpu.memory_space<vmem>>) target_semaphore(%dma_start3A_299 : memref<!tpu.dma_semaphore, #tpu.memory_space<semaphore_mem>>)
          %slice3A_305 = vector.extract_strided_slice %get3A_266 {offsets = [2], sizes = [1], strides = [1]} : vector<16xi32> to vector<1xi32>
          %squeeze3A_306 = vector.extract %slice3A_305[0] : i32 from vector<1xi32>
          %mul3A_307 = arith.constant 16 : i32
          %mul3A_308 = arith.muli %add3A_226, %mul3A_307 : i32
          %add3A_309 = arith.constant 2 : i32
          %add3A_310 = arith.addi %mul3A_308, %add3A_309 : i32
          %dma_start3A_311 = arith.constant 0 : i32
          %dma_start3A_312 = arith.constant 0 : i32
          %dma_start3A_313 = arith.constant 0 : i32
          %dma_start3A_314 = tpu.memref_slice %arg6[%dma_start3A_311, %add3A_310, %dma_start3A_313] : memref<4x208x64xf32, #tpu.memory_space<vmem>> -> memref<1x1x64xf32, #tpu.memory_space<vmem>>
          %dma_start3A_315 = tpu.memref_squeeze %dma_start3A_314 : memref<1x1x64xf32, #tpu.memory_space<vmem>> -> memref<1x64xf32, #tpu.memory_space<vmem>>
          %dma_start3A_316 = arith.constant 0 : i32
          %dma_start3A_317 = tpu.memref_slice %arg3[%squeeze3A_306, %dma_start3A_316] : memref<1000000x64xf32, #tpu.memory_space<hbm>> -> memref<1x64xf32, #tpu.memory_space<hbm>>
          %dma_start3A_318 = tpu.memref_slice %arg7[%dma_start3A_312] : memref<4x!tpu.dma_semaphore, #tpu.memory_space<semaphore_mem>> -> memref<1x!tpu.dma_semaphore, #tpu.memory_space<semaphore_mem>>
          %dma_start3A_319 = tpu.memref_squeeze %dma_start3A_318 : memref<1x!tpu.dma_semaphore, #tpu.memory_space<semaphore_mem>> -> memref<!tpu.dma_semaphore, #tpu.memory_space<semaphore_mem>>
          %dma_start3A_320 = arith.constant 0 : i32
          %dma_start3A_321 = tpu.memref_slice %arg6[%dma_start3A_311, %add3A_310, %dma_start3A_320] : memref<4x208x64xf32, #tpu.memory_space<vmem>> -> memref<1x1x64xf32, #tpu.memory_space<vmem>>
          %dma_start3A_322 = tpu.memref_squeeze %dma_start3A_321 : memref<1x1x64xf32, #tpu.memory_space<vmem>> -> memref<1x64xf32, #tpu.memory_space<vmem>>
          %dma_start3A_323 = arith.constant 0 : i32
          %dma_start3A_324 = tpu.memref_slice %arg3[%squeeze3A_306, %dma_start3A_323] : memref<1000000x64xf32, #tpu.memory_space<hbm>> -> memref<1x64xf32, #tpu.memory_space<hbm>>
          tpu.enqueue_dma source(%dma_start3A_324 : memref<1x64xf32, #tpu.memory_space<hbm>>) target(%dma_start3A_322 : memref<1x64xf32, #tpu.memory_space<vmem>>) target_semaphore(%dma_start3A_319 : memref<!tpu.dma_semaphore, #tpu.memory_space<semaphore_mem>>)
          %slice3A_325 = vector.extract_strided_slice %get3A_266 {offsets = [3], sizes = [1], strides = [1]} : vector<16xi32> to vector<1xi32>
          %squeeze3A_326 = vector.extract %slice3A_325[0] : i32 from vector<1xi32>
          %mul3A_327 = arith.constant 16 : i32
          %mul3A_328 = arith.muli %add3A_226, %mul3A_327 : i32
          %add3A_329 = arith.constant 3 : i32
          %add3A_330 = arith.addi %mul3A_328, %add3A_329 : i32
          %dma_start3A_331 = arith.constant 0 : i32
          %dma_start3A_332 = arith.constant 0 : i32
          %dma_start3A_333 = arith.constant 0 : i32
          %dma_start3A_334 = tpu.memref_slice %arg6[%dma_start3A_331, %add3A_330, %dma_start3A_333] : memref<4x208x64xf32, #tpu.memory_space<vmem>> -> memref<1x1x64xf32, #tpu.memory_space<vmem>>
          %dma_start3A_335 = tpu.memref_squeeze %dma_start3A_334 : memref<1x1x64xf32, #tpu.memory_space<vmem>> -> memref<1x64xf32, #tpu.memory_space<vmem>>
          %dma_start3A_336 = arith.constant 0 : i32
          %dma_start3A_337 = tpu.memref_slice %arg3[%squeeze3A_326, %dma_start3A_336] : memref<1000000x64xf32, #tpu.memory_space<hbm>> -> memref<1x64xf32, #tpu.memory_space<hbm>>
          %dma_start3A_338 = tpu.memref_slice %arg7[%dma_start3A_332] : memref<4x!tpu.dma_semaphore, #tpu.memory_space<semaphore_mem>> -> memref<1x!tpu.dma_semaphore, #tpu.memory_space<semaphore_mem>>
          %dma_start3A_339 = tpu.memref_squeeze %dma_start3A_338 : memref<1x!tpu.dma_semaphore, #tpu.memory_space<semaphore_mem>> -> memref<!tpu.dma_semaphore, #tpu.memory_space<semaphore_mem>>
          %dma_start3A_340 = arith.constant 0 : i32
          %dma_start3A_341 = tpu.memref_slice %arg6[%dma_start3A_331, %add3A_330, %dma_start3A_340] : memref<4x208x64xf32, #tpu.memory_space<vmem>> -> memref<1x1x64xf32, #tpu.memory_space<vmem>>
          %dma_start3A_342 = tpu.memref_squeeze %dma_start3A_341 : memref<1x1x64xf32, #tpu.memory_space<vmem>> -> memref<1x64xf32, #tpu.memory_space<vmem>>
          %dma_start3A_343 = arith.constant 0 : i32
          %dma_start3A_344 = tpu.memref_slice %arg3[%squeeze3A_326, %dma_start3A_343] : memref<1000000x64xf32, #tpu.memory_space<hbm>> -> memref<1x64xf32, #tpu.memory_space<hbm>>
          tpu.enqueue_dma source(%dma_start3A_344 : memref<1x64xf32, #tpu.memory_space<hbm>>) target(%dma_start3A_342 : memref<1x64xf32, #tpu.memory_space<vmem>>) target_semaphore(%dma_start3A_339 : memref<!tpu.dma_semaphore, #tpu.memory_space<semaphore_mem>>)
          %slice3A_345 = vector.extract_strided_slice %get3A_266 {offsets = [4], sizes = [1], strides = [1]} : vector<16xi32> to vector<1xi32>
          %squeeze3A_346 = vector.extract %slice3A_345[0] : i32 from vector<1xi32>
          %mul3A_347 = arith.constant 16 : i32
          %mul3A_348 = arith.muli %add3A_226, %mul3A_347 : i32
          %add3A_349 = arith.constant 4 : i32
          %add3A_350 = arith.addi %mul3A_348, %add3A_349 : i32
          %dma_start3A_351 = arith.constant 0 : i32
          %dma_start3A_352 = arith.constant 0 : i32
          %dma_start3A_353 = arith.constant 0 : i32
          %dma_start3A_354 = tpu.memref_slice %arg6[%dma_start3A_351, %add3A_350, %dma_start3A_353] : memref<4x208x64xf32, #tpu.memory_space<vmem>> -> memref<1x1x64xf32, #tpu.memory_space<vmem>>
          %dma_start3A_355 = tpu.memref_squeeze %dma_start3A_354 : memref<1x1x64xf32, #tpu.memory_space<vmem>> -> memref<1x64xf32, #tpu.memory_space<vmem>>
          %dma_start3A_356 = arith.constant 0 : i32
          %dma_start3A_357 = tpu.memref_slice %arg3[%squeeze3A_346, %dma_start3A_356] : memref<1000000x64xf32, #tpu.memory_space<hbm>> -> memref<1x64xf32, #tpu.memory_space<hbm>>
          %dma_start3A_358 = tpu.memref_slice %arg7[%dma_start3A_352] : memref<4x!tpu.dma_semaphore, #tpu.memory_space<semaphore_mem>> -> memref<1x!tpu.dma_semaphore, #tpu.memory_space<semaphore_mem>>
          %dma_start3A_359 = tpu.memref_squeeze %dma_start3A_358 : memref<1x!tpu.dma_semaphore, #tpu.memory_space<semaphore_mem>> -> memref<!tpu.dma_semaphore, #tpu.memory_space<semaphore_mem>>
          %dma_start3A_360 = arith.constant 0 : i32
          %dma_start3A_361 = tpu.memref_slice %arg6[%dma_start3A_351, %add3A_350, %dma_start3A_360] : memref<4x208x64xf32, #tpu.memory_space<vmem>> -> memref<1x1x64xf32, #tpu.memory_space<vmem>>
          %dma_start3A_362 = tpu.memref_squeeze %dma_start3A_361 : memref<1x1x64xf32, #tpu.memory_space<vmem>> -> memref<1x64xf32, #tpu.memory_space<vmem>>
          %dma_start3A_363 = arith.constant 0 : i32
          %dma_start3A_364 = tpu.memref_slice %arg3[%squeeze3A_346, %dma_start3A_363] : memref<1000000x64xf32, #tpu.memory_space<hbm>> -> memref<1x64xf32, #tpu.memory_space<hbm>>
          tpu.enqueue_dma source(%dma_start3A_364 : memref<1x64xf32, #tpu.memory_space<hbm>>) target(%dma_start3A_362 : memref<1x64xf32, #tpu.memory_space<vmem>>) target_semaphore(%dma_start3A_359 : memref<!tpu.dma_semaphore, #tpu.memory_space<semaphore_mem>>)
          %slice3A_365 = vector.extract_strided_slice %get3A_266 {offsets = [5], sizes = [1], strides = [1]} : vector<16xi32> to vector<1xi32>
          %squeeze3A_366 = vector.extract %slice3A_365[0] : i32 from vector<1xi32>
          %mul3A_367 = arith.constant 16 : i32
          %mul3A_368 = arith.muli %add3A_226, %mul3A_367 : i32
          %add3A_369 = arith.constant 5 : i32
          %add3A_370 = arith.addi %mul3A_368, %add3A_369 : i32
          %dma_start3A_371 = arith.constant 0 : i32
          %dma_start3A_372 = arith.constant 0 : i32
          %dma_start3A_373 = arith.constant 0 : i32
          %dma_start3A_374 = tpu.memref_slice %arg6[%dma_start3A_371, %add3A_370, %dma_start3A_373] : memref<4x208x64xf32, #tpu.memory_space<vmem>> -> memref<1x1x64xf32, #tpu.memory_space<vmem>>
          %dma_start3A_375 = tpu.memref_squeeze %dma_start3A_374 : memref<1x1x64xf32, #tpu.memory_space<vmem>> -> memref<1x64xf32, #tpu.memory_space<vmem>>
          %dma_start3A_376 = arith.constant 0 : i32
          %dma_start3A_377 = tpu.memref_slice %arg3[%squeeze3A_366, %dma_start3A_376] : memref<1000000x64xf32, #tpu.memory_space<hbm>> -> memref<1x64xf32, #tpu.memory_space<hbm>>
          %dma_start3A_378 = tpu.memref_slice %arg7[%dma_start3A_372] : memref<4x!tpu.dma_semaphore, #tpu.memory_space<semaphore_mem>> -> memref<1x!tpu.dma_semaphore, #tpu.memory_space<semaphore_mem>>
          %dma_start3A_379 = tpu.memref_squeeze %dma_start3A_378 : memref<1x!tpu.dma_semaphore, #tpu.memory_space<semaphore_mem>> -> memref<!tpu.dma_semaphore, #tpu.memory_space<semaphore_mem>>
          %dma_start3A_380 = arith.constant 0 : i32
          %dma_start3A_381 = tpu.memref_slice %arg6[%dma_start3A_371, %add3A_370, %dma_start3A_380] : memref<4x208x64xf32, #tpu.memory_space<vmem>> -> memref<1x1x64xf32, #tpu.memory_space<vmem>>
          %dma_start3A_382 = tpu.memref_squeeze %dma_start3A_381 : memref<1x1x64xf32, #tpu.memory_space<vmem>> -> memref<1x64xf32, #tpu.memory_space<vmem>>
          %dma_start3A_383 = arith.constant 0 : i32
          %dma_start3A_384 = tpu.memref_slice %arg3[%squeeze3A_366, %dma_start3A_383] : memref<1000000x64xf32, #tpu.memory_space<hbm>> -> memref<1x64xf32, #tpu.memory_space<hbm>>
          tpu.enqueue_dma source(%dma_start3A_384 : memref<1x64xf32, #tpu.memory_space<hbm>>) target(%dma_start3A_382 : memref<1x64xf32, #tpu.memory_space<vmem>>) target_semaphore(%dma_start3A_379 : memref<!tpu.dma_semaphore, #tpu.memory_space<semaphore_mem>>)
          %slice3A_385 = vector.extract_strided_slice %get3A_266 {offsets = [6], sizes = [1], strides = [1]} : vector<16xi32> to vector<1xi32>
          %squeeze3A_386 = vector.extract %slice3A_385[0] : i32 from vector<1xi32>
          %mul3A_387 = arith.constant 16 : i32
          %mul3A_388 = arith.muli %add3A_226, %mul3A_387 : i32
          %add3A_389 = arith.constant 6 : i32
          %add3A_390 = arith.addi %mul3A_388, %add3A_389 : i32
          %dma_start3A_391 = arith.constant 0 : i32
          %dma_start3A_392 = arith.constant 0 : i32
          %dma_start3A_393 = arith.constant 0 : i32
          %dma_start3A_394 = tpu.memref_slice %arg6[%dma_start3A_391, %add3A_390, %dma_start3A_393] : memref<4x208x64xf32, #tpu.memory_space<vmem>> -> memref<1x1x64xf32, #tpu.memory_space<vmem>>
          %dma_start3A_395 = tpu.memref_squeeze %dma_start3A_394 : memref<1x1x64xf32, #tpu.memory_space<vmem>> -> memref<1x64xf32, #tpu.memory_space<vmem>>
          %dma_start3A_396 = arith.constant 0 : i32
          %dma_start3A_397 = tpu.memref_slice %arg3[%squeeze3A_386, %dma_start3A_396] : memref<1000000x64xf32, #tpu.memory_space<hbm>> -> memref<1x64xf32, #tpu.memory_space<hbm>>
          %dma_start3A_398 = tpu.memref_slice %arg7[%dma_start3A_392] : memref<4x!tpu.dma_semaphore, #tpu.memory_space<semaphore_mem>> -> memref<1x!tpu.dma_semaphore, #tpu.memory_space<semaphore_mem>>
          %dma_start3A_399 = tpu.memref_squeeze %dma_start3A_398 : memref<1x!tpu.dma_semaphore, #tpu.memory_space<semaphore_mem>> -> memref<!tpu.dma_semaphore, #tpu.memory_space<semaphore_mem>>
          %dma_start3A_400 = arith.constant 0 : i32
          %dma_start3A_401 = tpu.memref_slice %arg6[%dma_start3A_391, %add3A_390, %dma_start3A_400] : memref<4x208x64xf32, #tpu.memory_space<vmem>> -> memref<1x1x64xf32, #tpu.memory_space<vmem>>
          %dma_start3A_402 = tpu.memref_squeeze %dma_start3A_401 : memref<1x1x64xf32, #tpu.memory_space<vmem>> -> memref<1x64xf32, #tpu.memory_space<vmem>>
          %dma_start3A_403 = arith.constant 0 : i32
          %dma_start3A_404 = tpu.memref_slice %arg3[%squeeze3A_386, %dma_start3A_403] : memref<1000000x64xf32, #tpu.memory_space<hbm>> -> memref<1x64xf32, #tpu.memory_space<hbm>>
          tpu.enqueue_dma source(%dma_start3A_404 : memref<1x64xf32, #tpu.memory_space<hbm>>) target(%dma_start3A_402 : memref<1x64xf32, #tpu.memory_space<vmem>>) target_semaphore(%dma_start3A_399 : memref<!tpu.dma_semaphore, #tpu.memory_space<semaphore_mem>>)
          %slice3A_405 = vector.extract_strided_slice %get3A_266 {offsets = [7], sizes = [1], strides = [1]} : vector<16xi32> to vector<1xi32>
          %squeeze3A_406 = vector.extract %slice3A_405[0] : i32 from vector<1xi32>
          %mul3A_407 = arith.constant 16 : i32
          %mul3A_408 = arith.muli %add3A_226, %mul3A_407 : i32
          %add3A_409 = arith.constant 7 : i32
          %add3A_410 = arith.addi %mul3A_408, %add3A_409 : i32
          %dma_start3A_411 = arith.constant 0 : i32
          %dma_start3A_412 = arith.constant 0 : i32
          %dma_start3A_413 = arith.constant 0 : i32
          %dma_start3A_414 = tpu.memref_slice %arg6[%dma_start3A_411, %add3A_410, %dma_start3A_413] : memref<4x208x64xf32, #tpu.memory_space<vmem>> -> memref<1x1x64xf32, #tpu.memory_space<vmem>>
          %dma_start3A_415 = tpu.memref_squeeze %dma_start3A_414 : memref<1x1x64xf32, #tpu.memory_space<vmem>> -> memref<1x64xf32, #tpu.memory_space<vmem>>
          %dma_start3A_416 = arith.constant 0 : i32
          %dma_start3A_417 = tpu.memref_slice %arg3[%squeeze3A_406, %dma_start3A_416] : memref<1000000x64xf32, #tpu.memory_space<hbm>> -> memref<1x64xf32, #tpu.memory_space<hbm>>
          %dma_start3A_418 = tpu.memref_slice %arg7[%dma_start3A_412] : memref<4x!tpu.dma_semaphore, #tpu.memory_space<semaphore_mem>> -> memref<1x!tpu.dma_semaphore, #tpu.memory_space<semaphore_mem>>
          %dma_start3A_419 = tpu.memref_squeeze %dma_start3A_418 : memref<1x!tpu.dma_semaphore, #tpu.memory_space<semaphore_mem>> -> memref<!tpu.dma_semaphore, #tpu.memory_space<semaphore_mem>>
          %dma_start3A_420 = arith.constant 0 : i32
          %dma_start3A_421 = tpu.memref_slice %arg6[%dma_start3A_411, %add3A_410, %dma_start3A_420] : memref<4x208x64xf32, #tpu.memory_space<vmem>> -> memref<1x1x64xf32, #tpu.memory_space<vmem>>
          %dma_start3A_422 = tpu.memref_squeeze %dma_start3A_421 : memref<1x1x64xf32, #tpu.memory_space<vmem>> -> memref<1x64xf32, #tpu.memory_space<vmem>>
          %dma_start3A_423 = arith.constant 0 : i32
          %dma_start3A_424 = tpu.memref_slice %arg3[%squeeze3A_406, %dma_start3A_423] : memref<1000000x64xf32, #tpu.memory_space<hbm>> -> memref<1x64xf32, #tpu.memory_space<hbm>>
          tpu.enqueue_dma source(%dma_start3A_424 : memref<1x64xf32, #tpu.memory_space<hbm>>) target(%dma_start3A_422 : memref<1x64xf32, #tpu.memory_space<vmem>>) target_semaphore(%dma_start3A_419 : memref<!tpu.dma_semaphore, #tpu.memory_space<semaphore_mem>>)
          %slice3A_425 = vector.extract_strided_slice %get3A_266 {offsets = [8], sizes = [1], strides = [1]} : vector<16xi32> to vector<1xi32>
          %squeeze3A_426 = vector.extract %slice3A_425[0] : i32 from vector<1xi32>
          %mul3A_427 = arith.constant 16 : i32
          %mul3A_428 = arith.muli %add3A_226, %mul3A_427 : i32
          %add3A_429 = arith.constant 8 : i32
          %add3A_430 = arith.addi %mul3A_428, %add3A_429 : i32
          %dma_start3A_431 = arith.constant 0 : i32
          %dma_start3A_432 = arith.constant 0 : i32
          %dma_start3A_433 = arith.constant 0 : i32
          %dma_start3A_434 = tpu.memref_slice %arg6[%dma_start3A_431, %add3A_430, %dma_start3A_433] : memref<4x208x64xf32, #tpu.memory_space<vmem>> -> memref<1x1x64xf32, #tpu.memory_space<vmem>>
          %dma_start3A_435 = tpu.memref_squeeze %dma_start3A_434 : memref<1x1x64xf32, #tpu.memory_space<vmem>> -> memref<1x64xf32, #tpu.memory_space<vmem>>
          %dma_start3A_436 = arith.constant 0 : i32
          %dma_start3A_437 = tpu.memref_slice %arg3[%squeeze3A_426, %dma_start3A_436] : memref<1000000x64xf32, #tpu.memory_space<hbm>> -> memref<1x64xf32, #tpu.memory_space<hbm>>
          %dma_start3A_438 = tpu.memref_slice %arg7[%dma_start3A_432] : memref<4x!tpu.dma_semaphore, #tpu.memory_space<semaphore_mem>> -> memref<1x!tpu.dma_semaphore, #tpu.memory_space<semaphore_mem>>
          %dma_start3A_439 = tpu.memref_squeeze %dma_start3A_438 : memref<1x!tpu.dma_semaphore, #tpu.memory_space<semaphore_mem>> -> memref<!tpu.dma_semaphore, #tpu.memory_space<semaphore_mem>>
          %dma_start3A_440 = arith.constant 0 : i32
          %dma_start3A_441 = tpu.memref_slice %arg6[%dma_start3A_431, %add3A_430, %dma_start3A_440] : memref<4x208x64xf32, #tpu.memory_space<vmem>> -> memref<1x1x64xf32, #tpu.memory_space<vmem>>
          %dma_start3A_442 = tpu.memref_squeeze %dma_start3A_441 : memref<1x1x64xf32, #tpu.memory_space<vmem>> -> memref<1x64xf32, #tpu.memory_space<vmem>>
          %dma_start3A_443 = arith.constant 0 : i32
          %dma_start3A_444 = tpu.memref_slice %arg3[%squeeze3A_426, %dma_start3A_443] : memref<1000000x64xf32, #tpu.memory_space<hbm>> -> memref<1x64xf32, #tpu.memory_space<hbm>>
          tpu.enqueue_dma source(%dma_start3A_444 : memref<1x64xf32, #tpu.memory_space<hbm>>) target(%dma_start3A_442 : memref<1x64xf32, #tpu.memory_space<vmem>>) target_semaphore(%dma_start3A_439 : memref<!tpu.dma_semaphore, #tpu.memory_space<semaphore_mem>>)
          %slice3A_445 = vector.extract_strided_slice %get3A_266 {offsets = [9], sizes = [1], strides = [1]} : vector<16xi32> to vector<1xi32>
          %squeeze3A_446 = vector.extract %slice3A_445[0] : i32 from vector<1xi32>
          %mul3A_447 = arith.constant 16 : i32
          %mul3A_448 = arith.muli %add3A_226, %mul3A_447 : i32
          %add3A_449 = arith.constant 9 : i32
          %add3A_450 = arith.addi %mul3A_448, %add3A_449 : i32
          %dma_start3A_451 = arith.constant 0 : i32
          %dma_start3A_452 = arith.constant 0 : i32
          %dma_start3A_453 = arith.constant 0 : i32
          %dma_start3A_454 = tpu.memref_slice %arg6[%dma_start3A_451, %add3A_450, %dma_start3A_453] : memref<4x208x64xf32, #tpu.memory_space<vmem>> -> memref<1x1x64xf32, #tpu.memory_space<vmem>>
          %dma_start3A_455 = tpu.memref_squeeze %dma_start3A_454 : memref<1x1x64xf32, #tpu.memory_space<vmem>> -> memref<1x64xf32, #tpu.memory_space<vmem>>
          %dma_start3A_456 = arith.constant 0 : i32
          %dma_start3A_457 = tpu.memref_slice %arg3[%squeeze3A_446, %dma_start3A_456] : memref<1000000x64xf32, #tpu.memory_space<hbm>> -> memref<1x64xf32, #tpu.memory_space<hbm>>
          %dma_start3A_458 = tpu.memref_slice %arg7[%dma_start3A_452] : memref<4x!tpu.dma_semaphore, #tpu.memory_space<semaphore_mem>> -> memref<1x!tpu.dma_semaphore, #tpu.memory_space<semaphore_mem>>
          %dma_start3A_459 = tpu.memref_squeeze %dma_start3A_458 : memref<1x!tpu.dma_semaphore, #tpu.memory_space<semaphore_mem>> -> memref<!tpu.dma_semaphore, #tpu.memory_space<semaphore_mem>>
          %dma_start3A_460 = arith.constant 0 : i32
          %dma_start3A_461 = tpu.memref_slice %arg6[%dma_start3A_451, %add3A_450, %dma_start3A_460] : memref<4x208x64xf32, #tpu.memory_space<vmem>> -> memref<1x1x64xf32, #tpu.memory_space<vmem>>
          %dma_start3A_462 = tpu.memref_squeeze %dma_start3A_461 : memref<1x1x64xf32, #tpu.memory_space<vmem>> -> memref<1x64xf32, #tpu.memory_space<vmem>>
          %dma_start3A_463 = arith.constant 0 : i32
          %dma_start3A_464 = tpu.memref_slice %arg3[%squeeze3A_446, %dma_start3A_463] : memref<1000000x64xf32, #tpu.memory_space<hbm>> -> memref<1x64xf32, #tpu.memory_space<hbm>>
          tpu.enqueue_dma source(%dma_start3A_464 : memref<1x64xf32, #tpu.memory_space<hbm>>) target(%dma_start3A_462 : memref<1x64xf32, #tpu.memory_space<vmem>>) target_semaphore(%dma_start3A_459 : memref<!tpu.dma_semaphore, #tpu.memory_space<semaphore_mem>>)
          %slice3A_465 = vector.extract_strided_slice %get3A_266 {offsets = [10], sizes = [1], strides = [1]} : vector<16xi32> to vector<1xi32>
          %squeeze3A_466 = vector.extract %slice3A_465[0] : i32 from vector<1xi32>
          %mul3A_467 = arith.constant 16 : i32
          %mul3A_468 = arith.muli %add3A_226, %mul3A_467 : i32
          %add3A_469 = arith.constant 10 : i32
          %add3A_470 = arith.addi %mul3A_468, %add3A_469 : i32
          %dma_start3A_471 = arith.constant 0 : i32
          %dma_start3A_472 = arith.constant 0 : i32
          %dma_start3A_473 = arith.constant 0 : i32
          %dma_start3A_474 = tpu.memref_slice %arg6[%dma_start3A_471, %add3A_470, %dma_start3A_473] : memref<4x208x64xf32, #tpu.memory_space<vmem>> -> memref<1x1x64xf32, #tpu.memory_space<vmem>>
          %dma_start3A_475 = tpu.memref_squeeze %dma_start3A_474 : memref<1x1x64xf32, #tpu.memory_space<vmem>> -> memref<1x64xf32, #tpu.memory_space<vmem>>
          %dma_start3A_476 = arith.constant 0 : i32
          %dma_start3A_477 = tpu.memref_slice %arg3[%squeeze3A_466, %dma_start3A_476] : memref<1000000x64xf32, #tpu.memory_space<hbm>> -> memref<1x64xf32, #tpu.memory_space<hbm>>
          %dma_start3A_478 = tpu.memref_slice %arg7[%dma_start3A_472] : memref<4x!tpu.dma_semaphore, #tpu.memory_space<semaphore_mem>> -> memref<1x!tpu.dma_semaphore, #tpu.memory_space<semaphore_mem>>
          %dma_start3A_479 = tpu.memref_squeeze %dma_start3A_478 : memref<1x!tpu.dma_semaphore, #tpu.memory_space<semaphore_mem>> -> memref<!tpu.dma_semaphore, #tpu.memory_space<semaphore_mem>>
          %dma_start3A_480 = arith.constant 0 : i32
          %dma_start3A_481 = tpu.memref_slice %arg6[%dma_start3A_471, %add3A_470, %dma_start3A_480] : memref<4x208x64xf32, #tpu.memory_space<vmem>> -> memref<1x1x64xf32, #tpu.memory_space<vmem>>
          %dma_start3A_482 = tpu.memref_squeeze %dma_start3A_481 : memref<1x1x64xf32, #tpu.memory_space<vmem>> -> memref<1x64xf32, #tpu.memory_space<vmem>>
          %dma_start3A_483 = arith.constant 0 : i32
          %dma_start3A_484 = tpu.memref_slice %arg3[%squeeze3A_466, %dma_start3A_483] : memref<1000000x64xf32, #tpu.memory_space<hbm>> -> memref<1x64xf32, #tpu.memory_space<hbm>>
          tpu.enqueue_dma source(%dma_start3A_484 : memref<1x64xf32, #tpu.memory_space<hbm>>) target(%dma_start3A_482 : memref<1x64xf32, #tpu.memory_space<vmem>>) target_semaphore(%dma_start3A_479 : memref<!tpu.dma_semaphore, #tpu.memory_space<semaphore_mem>>)
          %slice3A_485 = vector.extract_strided_slice %get3A_266 {offsets = [11], sizes = [1], strides = [1]} : vector<16xi32> to vector<1xi32>
          %squeeze3A_486 = vector.extract %slice3A_485[0] : i32 from vector<1xi32>
          %mul3A_487 = arith.constant 16 : i32
          %mul3A_488 = arith.muli %add3A_226, %mul3A_487 : i32
          %add3A_489 = arith.constant 11 : i32
          %add3A_490 = arith.addi %mul3A_488, %add3A_489 : i32
          %dma_start3A_491 = arith.constant 0 : i32
          %dma_start3A_492 = arith.constant 0 : i32
          %dma_start3A_493 = arith.constant 0 : i32
          %dma_start3A_494 = tpu.memref_slice %arg6[%dma_start3A_491, %add3A_490, %dma_start3A_493] : memref<4x208x64xf32, #tpu.memory_space<vmem>> -> memref<1x1x64xf32, #tpu.memory_space<vmem>>
          %dma_start3A_495 = tpu.memref_squeeze %dma_start3A_494 : memref<1x1x64xf32, #tpu.memory_space<vmem>> -> memref<1x64xf32, #tpu.memory_space<vmem>>
          %dma_start3A_496 = arith.constant 0 : i32
          %dma_start3A_497 = tpu.memref_slice %arg3[%squeeze3A_486, %dma_start3A_496] : memref<1000000x64xf32, #tpu.memory_space<hbm>> -> memref<1x64xf32, #tpu.memory_space<hbm>>
          %dma_start3A_498 = tpu.memref_slice %arg7[%dma_start3A_492] : memref<4x!tpu.dma_semaphore, #tpu.memory_space<semaphore_mem>> -> memref<1x!tpu.dma_semaphore, #tpu.memory_space<semaphore_mem>>
          %dma_start3A_499 = tpu.memref_squeeze %dma_start3A_498 : memref<1x!tpu.dma_semaphore, #tpu.memory_space<semaphore_mem>> -> memref<!tpu.dma_semaphore, #tpu.memory_space<semaphore_mem>>
          %dma_start3A_500 = arith.constant 0 : i32
          %dma_start3A_501 = tpu.memref_slice %arg6[%dma_start3A_491, %add3A_490, %dma_start3A_500] : memref<4x208x64xf32, #tpu.memory_space<vmem>> -> memref<1x1x64xf32, #tpu.memory_space<vmem>>
          %dma_start3A_502 = tpu.memref_squeeze %dma_start3A_501 : memref<1x1x64xf32, #tpu.memory_space<vmem>> -> memref<1x64xf32, #tpu.memory_space<vmem>>
          %dma_start3A_503 = arith.constant 0 : i32
          %dma_start3A_504 = tpu.memref_slice %arg3[%squeeze3A_486, %dma_start3A_503] : memref<1000000x64xf32, #tpu.memory_space<hbm>> -> memref<1x64xf32, #tpu.memory_space<hbm>>
          tpu.enqueue_dma source(%dma_start3A_504 : memref<1x64xf32, #tpu.memory_space<hbm>>) target(%dma_start3A_502 : memref<1x64xf32, #tpu.memory_space<vmem>>) target_semaphore(%dma_start3A_499 : memref<!tpu.dma_semaphore, #tpu.memory_space<semaphore_mem>>)
          %slice3A_505 = vector.extract_strided_slice %get3A_266 {offsets = [12], sizes = [1], strides = [1]} : vector<16xi32> to vector<1xi32>
          %squeeze3A_506 = vector.extract %slice3A_505[0] : i32 from vector<1xi32>
          %mul3A_507 = arith.constant 16 : i32
          %mul3A_508 = arith.muli %add3A_226, %mul3A_507 : i32
          %add3A_509 = arith.constant 12 : i32
          %add3A_510 = arith.addi %mul3A_508, %add3A_509 : i32
          %dma_start3A_511 = arith.constant 0 : i32
          %dma_start3A_512 = arith.constant 0 : i32
          %dma_start3A_513 = arith.constant 0 : i32
          %dma_start3A_514 = tpu.memref_slice %arg6[%dma_start3A_511, %add3A_510, %dma_start3A_513] : memref<4x208x64xf32, #tpu.memory_space<vmem>> -> memref<1x1x64xf32, #tpu.memory_space<vmem>>
          %dma_start3A_515 = tpu.memref_squeeze %dma_start3A_514 : memref<1x1x64xf32, #tpu.memory_space<vmem>> -> memref<1x64xf32, #tpu.memory_space<vmem>>
          %dma_start3A_516 = arith.constant 0 : i32
          %dma_start3A_517 = tpu.memref_slice %arg3[%squeeze3A_506, %dma_start3A_516] : memref<1000000x64xf32, #tpu.memory_space<hbm>> -> memref<1x64xf32, #tpu.memory_space<hbm>>
          %dma_start3A_518 = tpu.memref_slice %arg7[%dma_start3A_512] : memref<4x!tpu.dma_semaphore, #tpu.memory_space<semaphore_mem>> -> memref<1x!tpu.dma_semaphore, #tpu.memory_space<semaphore_mem>>
          %dma_start3A_519 = tpu.memref_squeeze %dma_start3A_518 : memref<1x!tpu.dma_semaphore, #tpu.memory_space<semaphore_mem>> -> memref<!tpu.dma_semaphore, #tpu.memory_space<semaphore_mem>>
          %dma_start3A_520 = arith.constant 0 : i32
          %dma_start3A_521 = tpu.memref_slice %arg6[%dma_start3A_511, %add3A_510, %dma_start3A_520] : memref<4x208x64xf32, #tpu.memory_space<vmem>> -> memref<1x1x64xf32, #tpu.memory_space<vmem>>
          %dma_start3A_522 = tpu.memref_squeeze %dma_start3A_521 : memref<1x1x64xf32, #tpu.memory_space<vmem>> -> memref<1x64xf32, #tpu.memory_space<vmem>>
          %dma_start3A_523 = arith.constant 0 : i32
          %dma_start3A_524 = tpu.memref_slice %arg3[%squeeze3A_506, %dma_start3A_523] : memref<1000000x64xf32, #tpu.memory_space<hbm>> -> memref<1x64xf32, #tpu.memory_space<hbm>>
          tpu.enqueue_dma source(%dma_start3A_524 : memref<1x64xf32, #tpu.memory_space<hbm>>) target(%dma_start3A_522 : memref<1x64xf32, #tpu.memory_space<vmem>>) target_semaphore(%dma_start3A_519 : memref<!tpu.dma_semaphore, #tpu.memory_space<semaphore_mem>>)
          %slice3A_525 = vector.extract_strided_slice %get3A_266 {offsets = [13], sizes = [1], strides = [1]} : vector<16xi32> to vector<1xi32>
          %squeeze3A_526 = vector.extract %slice3A_525[0] : i32 from vector<1xi32>
          %mul3A_527 = arith.constant 16 : i32
          %mul3A_528 = arith.muli %add3A_226, %mul3A_527 : i32
          %add3A_529 = arith.constant 13 : i32
          %add3A_530 = arith.addi %mul3A_528, %add3A_529 : i32
          %dma_start3A_531 = arith.constant 0 : i32
          %dma_start3A_532 = arith.constant 0 : i32
          %dma_start3A_533 = arith.constant 0 : i32
          %dma_start3A_534 = tpu.memref_slice %arg6[%dma_start3A_531, %add3A_530, %dma_start3A_533] : memref<4x208x64xf32, #tpu.memory_space<vmem>> -> memref<1x1x64xf32, #tpu.memory_space<vmem>>
          %dma_start3A_535 = tpu.memref_squeeze %dma_start3A_534 : memref<1x1x64xf32, #tpu.memory_space<vmem>> -> memref<1x64xf32, #tpu.memory_space<vmem>>
          %dma_start3A_536 = arith.constant 0 : i32
          %dma_start3A_537 = tpu.memref_slice %arg3[%squeeze3A_526, %dma_start3A_536] : memref<1000000x64xf32, #tpu.memory_space<hbm>> -> memref<1x64xf32, #tpu.memory_space<hbm>>
          %dma_start3A_538 = tpu.memref_slice %arg7[%dma_start3A_532] : memref<4x!tpu.dma_semaphore, #tpu.memory_space<semaphore_mem>> -> memref<1x!tpu.dma_semaphore, #tpu.memory_space<semaphore_mem>>
          %dma_start3A_539 = tpu.memref_squeeze %dma_start3A_538 : memref<1x!tpu.dma_semaphore, #tpu.memory_space<semaphore_mem>> -> memref<!tpu.dma_semaphore, #tpu.memory_space<semaphore_mem>>
          %dma_start3A_540 = arith.constant 0 : i32
          %dma_start3A_541 = tpu.memref_slice %arg6[%dma_start3A_531, %add3A_530, %dma_start3A_540] : memref<4x208x64xf32, #tpu.memory_space<vmem>> -> memref<1x1x64xf32, #tpu.memory_space<vmem>>
          %dma_start3A_542 = tpu.memref_squeeze %dma_start3A_541 : memref<1x1x64xf32, #tpu.memory_space<vmem>> -> memref<1x64xf32, #tpu.memory_space<vmem>>
          %dma_start3A_543 = arith.constant 0 : i32
          %dma_start3A_544 = tpu.memref_slice %arg3[%squeeze3A_526, %dma_start3A_543] : memref<1000000x64xf32, #tpu.memory_space<hbm>> -> memref<1x64xf32, #tpu.memory_space<hbm>>
          tpu.enqueue_dma source(%dma_start3A_544 : memref<1x64xf32, #tpu.memory_space<hbm>>) target(%dma_start3A_542 : memref<1x64xf32, #tpu.memory_space<vmem>>) target_semaphore(%dma_start3A_539 : memref<!tpu.dma_semaphore, #tpu.memory_space<semaphore_mem>>)
          %slice3A_545 = vector.extract_strided_slice %get3A_266 {offsets = [14], sizes = [1], strides = [1]} : vector<16xi32> to vector<1xi32>
          %squeeze3A_546 = vector.extract %slice3A_545[0] : i32 from vector<1xi32>
          %mul3A_547 = arith.constant 16 : i32
          %mul3A_548 = arith.muli %add3A_226, %mul3A_547 : i32
          %add3A_549 = arith.constant 14 : i32
          %add3A_550 = arith.addi %mul3A_548, %add3A_549 : i32
          %dma_start3A_551 = arith.constant 0 : i32
          %dma_start3A_552 = arith.constant 0 : i32
          %dma_start3A_553 = arith.constant 0 : i32
          %dma_start3A_554 = tpu.memref_slice %arg6[%dma_start3A_551, %add3A_550, %dma_start3A_553] : memref<4x208x64xf32, #tpu.memory_space<vmem>> -> memref<1x1x64xf32, #tpu.memory_space<vmem>>
          %dma_start3A_555 = tpu.memref_squeeze %dma_start3A_554 : memref<1x1x64xf32, #tpu.memory_space<vmem>> -> memref<1x64xf32, #tpu.memory_space<vmem>>
          %dma_start3A_556 = arith.constant 0 : i32
          %dma_start3A_557 = tpu.memref_slice %arg3[%squeeze3A_546, %dma_start3A_556] : memref<1000000x64xf32, #tpu.memory_space<hbm>> -> memref<1x64xf32, #tpu.memory_space<hbm>>
          %dma_start3A_558 = tpu.memref_slice %arg7[%dma_start3A_552] : memref<4x!tpu.dma_semaphore, #tpu.memory_space<semaphore_mem>> -> memref<1x!tpu.dma_semaphore, #tpu.memory_space<semaphore_mem>>
          %dma_start3A_559 = tpu.memref_squeeze %dma_start3A_558 : memref<1x!tpu.dma_semaphore, #tpu.memory_space<semaphore_mem>> -> memref<!tpu.dma_semaphore, #tpu.memory_space<semaphore_mem>>
          %dma_start3A_560 = arith.constant 0 : i32
          %dma_start3A_561 = tpu.memref_slice %arg6[%dma_start3A_551, %add3A_550, %dma_start3A_560] : memref<4x208x64xf32, #tpu.memory_space<vmem>> -> memref<1x1x64xf32, #tpu.memory_space<vmem>>
          %dma_start3A_562 = tpu.memref_squeeze %dma_start3A_561 : memref<1x1x64xf32, #tpu.memory_space<vmem>> -> memref<1x64xf32, #tpu.memory_space<vmem>>
          %dma_start3A_563 = arith.constant 0 : i32
          %dma_start3A_564 = tpu.memref_slice %arg3[%squeeze3A_546, %dma_start3A_563] : memref<1000000x64xf32, #tpu.memory_space<hbm>> -> memref<1x64xf32, #tpu.memory_space<hbm>>
          tpu.enqueue_dma source(%dma_start3A_564 : memref<1x64xf32, #tpu.memory_space<hbm>>) target(%dma_start3A_562 : memref<1x64xf32, #tpu.memory_space<vmem>>) target_semaphore(%dma_start3A_559 : memref<!tpu.dma_semaphore, #tpu.memory_space<semaphore_mem>>)
          %slice3A_565 = vector.extract_strided_slice %get3A_266 {offsets = [15], sizes = [1], strides = [1]} : vector<16xi32> to vector<1xi32>
          %squeeze3A_566 = vector.extract %slice3A_565[0] : i32 from vector<1xi32>
          %mul3A_567 = arith.constant 16 : i32
          %mul3A_568 = arith.muli %add3A_226, %mul3A_567 : i32
          %add3A_569 = arith.constant 15 : i32
          %add3A_570 = arith.addi %mul3A_568, %add3A_569 : i32
          %dma_start3A_571 = arith.constant 0 : i32
          %dma_start3A_572 = arith.constant 0 : i32
          %dma_start3A_573 = arith.constant 0 : i32
          %dma_start3A_574 = tpu.memref_slice %arg6[%dma_start3A_571, %add3A_570, %dma_start3A_573] : memref<4x208x64xf32, #tpu.memory_space<vmem>> -> memref<1x1x64xf32, #tpu.memory_space<vmem>>
          %dma_start3A_575 = tpu.memref_squeeze %dma_start3A_574 : memref<1x1x64xf32, #tpu.memory_space<vmem>> -> memref<1x64xf32, #tpu.memory_space<vmem>>
          %dma_start3A_576 = arith.constant 0 : i32
          %dma_start3A_577 = tpu.memref_slice %arg3[%squeeze3A_566, %dma_start3A_576] : memref<1000000x64xf32, #tpu.memory_space<hbm>> -> memref<1x64xf32, #tpu.memory_space<hbm>>
          %dma_start3A_578 = tpu.memref_slice %arg7[%dma_start3A_572] : memref<4x!tpu.dma_semaphore, #tpu.memory_space<semaphore_mem>> -> memref<1x!tpu.dma_semaphore, #tpu.memory_space<semaphore_mem>>
          %dma_start3A_579 = tpu.memref_squeeze %dma_start3A_578 : memref<1x!tpu.dma_semaphore, #tpu.memory_space<semaphore_mem>> -> memref<!tpu.dma_semaphore, #tpu.memory_space<semaphore_mem>>
          %dma_start3A_580 = arith.constant 0 : i32
          %dma_start3A_581 = tpu.memref_slice %arg6[%dma_start3A_571, %add3A_570, %dma_start3A_580] : memref<4x208x64xf32, #tpu.memory_space<vmem>> -> memref<1x1x64xf32, #tpu.memory_space<vmem>>
          %dma_start3A_582 = tpu.memref_squeeze %dma_start3A_581 : memref<1x1x64xf32, #tpu.memory_space<vmem>> -> memref<1x64xf32, #tpu.memory_space<vmem>>
          %dma_start3A_583 = arith.constant 0 : i32
          %dma_start3A_584 = tpu.memref_slice %arg3[%squeeze3A_566, %dma_start3A_583] : memref<1000000x64xf32, #tpu.memory_space<hbm>> -> memref<1x64xf32, #tpu.memory_space<hbm>>
          tpu.enqueue_dma source(%dma_start3A_584 : memref<1x64xf32, #tpu.memory_space<hbm>>) target(%dma_start3A_582 : memref<1x64xf32, #tpu.memory_space<vmem>>) target_semaphore(%dma_start3A_579 : memref<!tpu.dma_semaphore, #tpu.memory_space<semaphore_mem>>)
        }
        %scan3A_221 = arith.constant 13 : i32
      } else {
      }
    }
    %scan3A_13 = arith.constant 16 : i32
    %dma_wait3A = arith.constant 2 : i32
    %dma_wait3A_14 = arith.constant 2 : i32
    %dma_wait3A_15 = arith.constant 0 : i32
    %dma_wait3A_16 = arith.constant 0 : i32
    %dma_wait3A_17 = tpu.memref_slice %arg6[%dma_wait3A, %dma_wait3A_15, %dma_wait3A_16] : memref<4x208x64xf32, #tpu.memory_space<vmem>> -> memref<1x208x64xf32, #tpu.memory_space<vmem>>
    %dma_wait3A_18 = tpu.memref_squeeze %dma_wait3A_17 : memref<1x208x64xf32, #tpu.memory_space<vmem>> -> memref<208x64xf32, #tpu.memory_space<vmem>>
    %dma_wait3A_19 = arith.constant 0 : i32
    %dma_wait3A_20 = arith.constant 0 : i32
    %dma_wait3A_21 = tpu.memref_slice %arg3[%dma_wait3A_19, %dma_wait3A_20] : memref<1000000x64xf32, #tpu.memory_space<hbm>> -> memref<208x64xf32, #tpu.memory_space<hbm>>
    %dma_wait3A_22 = tpu.memref_slice %arg7[%dma_wait3A_14] : memref<4x!tpu.dma_semaphore, #tpu.memory_space<semaphore_mem>> -> memref<1x!tpu.dma_semaphore, #tpu.memory_space<semaphore_mem>>
    %dma_wait3A_23 = tpu.memref_squeeze %dma_wait3A_22 : memref<1x!tpu.dma_semaphore, #tpu.memory_space<semaphore_mem>> -> memref<!tpu.dma_semaphore, #tpu.memory_space<semaphore_mem>>
    %dma_wait3A_24 = arith.constant 0 : i32
    %dma_wait3A_25 = arith.constant 0 : i32
    %dma_wait3A_26 = tpu.memref_slice %arg6[%dma_wait3A, %dma_wait3A_24, %dma_wait3A_25] : memref<4x208x64xf32, #tpu.memory_space<vmem>> -> memref<1x208x64xf32, #tpu.memory_space<vmem>>
    %dma_wait3A_27 = tpu.memref_squeeze %dma_wait3A_26 : memref<1x208x64xf32, #tpu.memory_space<vmem>> -> memref<208x64xf32, #tpu.memory_space<vmem>>
    %dma_wait3A_28 = arith.constant 0 : i32
    %dma_wait3A_29 = arith.constant 0 : i32
    %dma_wait3A_30 = tpu.memref_slice %arg3[%dma_wait3A_28, %dma_wait3A_29] : memref<1000000x64xf32, #tpu.memory_space<hbm>> -> memref<208x64xf32, #tpu.memory_space<hbm>>
    tpu.wait_dma2 semaphore(%dma_wait3A_23 : memref<!tpu.dma_semaphore, #tpu.memory_space<semaphore_mem>>) src(%dma_wait3A_30 : memref<208x64xf32, #tpu.memory_space<hbm>>) dst(%dma_wait3A_27 : memref<208x64xf32, #tpu.memory_space<vmem>>)
    %add3A_31 = arith.constant 12896 : i32
    %add3A_32 = arith.addi %mul3A_4, %add3A_31 : i32
    %dma_start3A = arith.constant 2 : i32
    %dma_start3A_33 = arith.constant 2 : i32
    %dma_start3A_34 = arith.constant 0 : i32
    %dma_start3A_35 = arith.constant 0 : i32
    %dma_start3A_36 = tpu.memref_slice %arg6[%dma_start3A, %dma_start3A_34, %dma_start3A_35] : memref<4x208x64xf32, #tpu.memory_space<vmem>> -> memref<1x208x64xf32, #tpu.memory_space<vmem>>
    %dma_start3A_37 = tpu.memref_squeeze %dma_start3A_36 : memref<1x208x64xf32, #tpu.memory_space<vmem>> -> memref<208x64xf32, #tpu.memory_space<vmem>>
    %dma_start3A_38 = arith.constant 0 : i32
    %dma_start3A_39 = tpu.memref_slice %arg4[%add3A_32, %dma_start3A_38] : memref<425984x64xf32, #tpu.memory_space<hbm>> -> memref<208x64xf32, #tpu.memory_space<hbm>>
    %dma_start3A_40 = tpu.memref_slice %arg8[%dma_start3A_33] : memref<4x!tpu.dma_semaphore, #tpu.memory_space<semaphore_mem>> -> memref<1x!tpu.dma_semaphore, #tpu.memory_space<semaphore_mem>>
    %dma_start3A_41 = tpu.memref_squeeze %dma_start3A_40 : memref<1x!tpu.dma_semaphore, #tpu.memory_space<semaphore_mem>> -> memref<!tpu.dma_semaphore, #tpu.memory_space<semaphore_mem>>
    %dma_start3A_42 = arith.constant 0 : i32
    %dma_start3A_43 = tpu.memref_slice %arg4[%add3A_32, %dma_start3A_42] : memref<425984x64xf32, #tpu.memory_space<hbm>> -> memref<208x64xf32, #tpu.memory_space<hbm>>
    %dma_start3A_44 = arith.constant 0 : i32
    %dma_start3A_45 = arith.constant 0 : i32
    %dma_start3A_46 = tpu.memref_slice %arg6[%dma_start3A, %dma_start3A_44, %dma_start3A_45] : memref<4x208x64xf32, #tpu.memory_space<vmem>> -> memref<1x208x64xf32, #tpu.memory_space<vmem>>
    %dma_start3A_47 = tpu.memref_squeeze %dma_start3A_46 : memref<1x208x64xf32, #tpu.memory_space<vmem>> -> memref<208x64xf32, #tpu.memory_space<vmem>>
    tpu.enqueue_dma source(%dma_start3A_47 : memref<208x64xf32, #tpu.memory_space<vmem>>) target(%dma_start3A_43 : memref<208x64xf32, #tpu.memory_space<hbm>>) target_semaphore(%dma_start3A_41 : memref<!tpu.dma_semaphore, #tpu.memory_space<semaphore_mem>>)
    %dma_wait3A_48 = arith.constant 3 : i32
    %dma_wait3A_49 = arith.constant 3 : i32
    %dma_wait3A_50 = arith.constant 0 : i32
    %dma_wait3A_51 = arith.constant 0 : i32
    %dma_wait3A_52 = tpu.memref_slice %arg6[%dma_wait3A_48, %dma_wait3A_50, %dma_wait3A_51] : memref<4x208x64xf32, #tpu.memory_space<vmem>> -> memref<1x208x64xf32, #tpu.memory_space<vmem>>
    %dma_wait3A_53 = tpu.memref_squeeze %dma_wait3A_52 : memref<1x208x64xf32, #tpu.memory_space<vmem>> -> memref<208x64xf32, #tpu.memory_space<vmem>>
    %dma_wait3A_54 = arith.constant 0 : i32
    %dma_wait3A_55 = arith.constant 0 : i32
    %dma_wait3A_56 = tpu.memref_slice %arg3[%dma_wait3A_54, %dma_wait3A_55] : memref<1000000x64xf32, #tpu.memory_space<hbm>> -> memref<208x64xf32, #tpu.memory_space<hbm>>
    %dma_wait3A_57 = tpu.memref_slice %arg7[%dma_wait3A_49] : memref<4x!tpu.dma_semaphore, #tpu.memory_space<semaphore_mem>> -> memref<1x!tpu.dma_semaphore, #tpu.memory_space<semaphore_mem>>
    %dma_wait3A_58 = tpu.memref_squeeze %dma_wait3A_57 : memref<1x!tpu.dma_semaphore, #tpu.memory_space<semaphore_mem>> -> memref<!tpu.dma_semaphore, #tpu.memory_space<semaphore_mem>>
    %dma_wait3A_59 = arith.constant 0 : i32
    %dma_wait3A_60 = arith.constant 0 : i32
    %dma_wait3A_61 = tpu.memref_slice %arg6[%dma_wait3A_48, %dma_wait3A_59, %dma_wait3A_60] : memref<4x208x64xf32, #tpu.memory_space<vmem>> -> memref<1x208x64xf32, #tpu.memory_space<vmem>>
    %dma_wait3A_62 = tpu.memref_squeeze %dma_wait3A_61 : memref<1x208x64xf32, #tpu.memory_space<vmem>> -> memref<208x64xf32, #tpu.memory_space<vmem>>
    %dma_wait3A_63 = arith.constant 0 : i32
    %dma_wait3A_64 = arith.constant 0 : i32
    %dma_wait3A_65 = tpu.memref_slice %arg3[%dma_wait3A_63, %dma_wait3A_64] : memref<1000000x64xf32, #tpu.memory_space<hbm>> -> memref<208x64xf32, #tpu.memory_space<hbm>>
    tpu.wait_dma2 semaphore(%dma_wait3A_58 : memref<!tpu.dma_semaphore, #tpu.memory_space<semaphore_mem>>) src(%dma_wait3A_65 : memref<208x64xf32, #tpu.memory_space<hbm>>) dst(%dma_wait3A_62 : memref<208x64xf32, #tpu.memory_space<vmem>>)
    %add3A_66 = arith.constant 13104 : i32
    %add3A_67 = arith.addi %mul3A_4, %add3A_66 : i32
    %dma_start3A_68 = arith.constant 3 : i32
    %dma_start3A_69 = arith.constant 3 : i32
    %dma_start3A_70 = arith.constant 0 : i32
    %dma_start3A_71 = arith.constant 0 : i32
    %dma_start3A_72 = tpu.memref_slice %arg6[%dma_start3A_68, %dma_start3A_70, %dma_start3A_71] : memref<4x208x64xf32, #tpu.memory_space<vmem>> -> memref<1x208x64xf32, #tpu.memory_space<vmem>>
    %dma_start3A_73 = tpu.memref_squeeze %dma_start3A_72 : memref<1x208x64xf32, #tpu.memory_space<vmem>> -> memref<208x64xf32, #tpu.memory_space<vmem>>
    %dma_start3A_74 = arith.constant 0 : i32
    %dma_start3A_75 = tpu.memref_slice %arg4[%add3A_67, %dma_start3A_74] : memref<425984x64xf32, #tpu.memory_space<hbm>> -> memref<208x64xf32, #tpu.memory_space<hbm>>
    %dma_start3A_76 = tpu.memref_slice %arg8[%dma_start3A_69] : memref<4x!tpu.dma_semaphore, #tpu.memory_space<semaphore_mem>> -> memref<1x!tpu.dma_semaphore, #tpu.memory_space<semaphore_mem>>
    %dma_start3A_77 = tpu.memref_squeeze %dma_start3A_76 : memref<1x!tpu.dma_semaphore, #tpu.memory_space<semaphore_mem>> -> memref<!tpu.dma_semaphore, #tpu.memory_space<semaphore_mem>>
    %dma_start3A_78 = arith.constant 0 : i32
    %dma_start3A_79 = tpu.memref_slice %arg4[%add3A_67, %dma_start3A_78] : memref<425984x64xf32, #tpu.memory_space<hbm>> -> memref<208x64xf32, #tpu.memory_space<hbm>>
    %dma_start3A_80 = arith.constant 0 : i32
    %dma_start3A_81 = arith.constant 0 : i32
    %dma_start3A_82 = tpu.memref_slice %arg6[%dma_start3A_68, %dma_start3A_80, %dma_start3A_81] : memref<4x208x64xf32, #tpu.memory_space<vmem>> -> memref<1x208x64xf32, #tpu.memory_space<vmem>>
    %dma_start3A_83 = tpu.memref_squeeze %dma_start3A_82 : memref<1x208x64xf32, #tpu.memory_space<vmem>> -> memref<208x64xf32, #tpu.memory_space<vmem>>
    tpu.enqueue_dma source(%dma_start3A_83 : memref<208x64xf32, #tpu.memory_space<vmem>>) target(%dma_start3A_79 : memref<208x64xf32, #tpu.memory_space<hbm>>) target_semaphore(%dma_start3A_77 : memref<!tpu.dma_semaphore, #tpu.memory_space<semaphore_mem>>)
    %dma_wait3A_84 = arith.constant 0 : i32
    %dma_wait3A_85 = arith.constant 0 : i32
    %dma_wait3A_86 = arith.constant 0 : i32
    %dma_wait3A_87 = arith.constant 0 : i32
    %dma_wait3A_88 = tpu.memref_slice %arg6[%dma_wait3A_84, %dma_wait3A_86, %dma_wait3A_87] : memref<4x208x64xf32, #tpu.memory_space<vmem>> -> memref<1x208x64xf32, #tpu.memory_space<vmem>>
    %dma_wait3A_89 = tpu.memref_squeeze %dma_wait3A_88 : memref<1x208x64xf32, #tpu.memory_space<vmem>> -> memref<208x64xf32, #tpu.memory_space<vmem>>
    %dma_wait3A_90 = arith.constant 0 : i32
    %dma_wait3A_91 = tpu.memref_slice %arg4[%mul3A_4, %dma_wait3A_90] : memref<425984x64xf32, #tpu.memory_space<hbm>> -> memref<208x64xf32, #tpu.memory_space<hbm>>
    %dma_wait3A_92 = tpu.memref_slice %arg8[%dma_wait3A_85] : memref<4x!tpu.dma_semaphore, #tpu.memory_space<semaphore_mem>> -> memref<1x!tpu.dma_semaphore, #tpu.memory_space<semaphore_mem>>
    %dma_wait3A_93 = tpu.memref_squeeze %dma_wait3A_92 : memref<1x!tpu.dma_semaphore, #tpu.memory_space<semaphore_mem>> -> memref<!tpu.dma_semaphore, #tpu.memory_space<semaphore_mem>>
    %dma_wait3A_94 = arith.constant 0 : i32
    %dma_wait3A_95 = tpu.memref_slice %arg4[%mul3A_4, %dma_wait3A_94] : memref<425984x64xf32, #tpu.memory_space<hbm>> -> memref<208x64xf32, #tpu.memory_space<hbm>>
    %dma_wait3A_96 = arith.constant 0 : i32
    %dma_wait3A_97 = arith.constant 0 : i32
    %dma_wait3A_98 = tpu.memref_slice %arg6[%dma_wait3A_84, %dma_wait3A_96, %dma_wait3A_97] : memref<4x208x64xf32, #tpu.memory_space<vmem>> -> memref<1x208x64xf32, #tpu.memory_space<vmem>>
    %dma_wait3A_99 = tpu.memref_squeeze %dma_wait3A_98 : memref<1x208x64xf32, #tpu.memory_space<vmem>> -> memref<208x64xf32, #tpu.memory_space<vmem>>
    tpu.wait_dma2 semaphore(%dma_wait3A_93 : memref<!tpu.dma_semaphore, #tpu.memory_space<semaphore_mem>>) src(%dma_wait3A_99 : memref<208x64xf32, #tpu.memory_space<vmem>>) dst(%dma_wait3A_95 : memref<208x64xf32, #tpu.memory_space<hbm>>)
    %dma_wait3A_100 = arith.constant 1 : i32
    %dma_wait3A_101 = arith.constant 1 : i32
    %dma_wait3A_102 = arith.constant 0 : i32
    %dma_wait3A_103 = arith.constant 0 : i32
    %dma_wait3A_104 = tpu.memref_slice %arg6[%dma_wait3A_100, %dma_wait3A_102, %dma_wait3A_103] : memref<4x208x64xf32, #tpu.memory_space<vmem>> -> memref<1x208x64xf32, #tpu.memory_space<vmem>>
    %dma_wait3A_105 = tpu.memref_squeeze %dma_wait3A_104 : memref<1x208x64xf32, #tpu.memory_space<vmem>> -> memref<208x64xf32, #tpu.memory_space<vmem>>
    %dma_wait3A_106 = arith.constant 0 : i32
    %dma_wait3A_107 = tpu.memref_slice %arg4[%mul3A_4, %dma_wait3A_106] : memref<425984x64xf32, #tpu.memory_space<hbm>> -> memref<208x64xf32, #tpu.memory_space<hbm>>
    %dma_wait3A_108 = tpu.memref_slice %arg8[%dma_wait3A_101] : memref<4x!tpu.dma_semaphore, #tpu.memory_space<semaphore_mem>> -> memref<1x!tpu.dma_semaphore, #tpu.memory_space<semaphore_mem>>
    %dma_wait3A_109 = tpu.memref_squeeze %dma_wait3A_108 : memref<1x!tpu.dma_semaphore, #tpu.memory_space<semaphore_mem>> -> memref<!tpu.dma_semaphore, #tpu.memory_space<semaphore_mem>>
    %dma_wait3A_110 = arith.constant 0 : i32
    %dma_wait3A_111 = tpu.memref_slice %arg4[%mul3A_4, %dma_wait3A_110] : memref<425984x64xf32, #tpu.memory_space<hbm>> -> memref<208x64xf32, #tpu.memory_space<hbm>>
    %dma_wait3A_112 = arith.constant 0 : i32
    %dma_wait3A_113 = arith.constant 0 : i32
    %dma_wait3A_114 = tpu.memref_slice %arg6[%dma_wait3A_100, %dma_wait3A_112, %dma_wait3A_113] : memref<4x208x64xf32, #tpu.memory_space<vmem>> -> memref<1x208x64xf32, #tpu.memory_space<vmem>>
    %dma_wait3A_115 = tpu.memref_squeeze %dma_wait3A_114 : memref<1x208x64xf32, #tpu.memory_space<vmem>> -> memref<208x64xf32, #tpu.memory_space<vmem>>
    tpu.wait_dma2 semaphore(%dma_wait3A_109 : memref<!tpu.dma_semaphore, #tpu.memory_space<semaphore_mem>>) src(%dma_wait3A_115 : memref<208x64xf32, #tpu.memory_space<vmem>>) dst(%dma_wait3A_111 : memref<208x64xf32, #tpu.memory_space<hbm>>)
    %dma_wait3A_116 = arith.constant 2 : i32
    %dma_wait3A_117 = arith.constant 2 : i32
    %dma_wait3A_118 = arith.constant 0 : i32
    %dma_wait3A_119 = arith.constant 0 : i32
    %dma_wait3A_120 = tpu.memref_slice %arg6[%dma_wait3A_116, %dma_wait3A_118, %dma_wait3A_119] : memref<4x208x64xf32, #tpu.memory_space<vmem>> -> memref<1x208x64xf32, #tpu.memory_space<vmem>>
    %dma_wait3A_121 = tpu.memref_squeeze %dma_wait3A_120 : memref<1x208x64xf32, #tpu.memory_space<vmem>> -> memref<208x64xf32, #tpu.memory_space<vmem>>
    %dma_wait3A_122 = arith.constant 0 : i32
    %dma_wait3A_123 = tpu.memref_slice %arg4[%mul3A_4, %dma_wait3A_122] : memref<425984x64xf32, #tpu.memory_space<hbm>> -> memref<208x64xf32, #tpu.memory_space<hbm>>
    %dma_wait3A_124 = tpu.memref_slice %arg8[%dma_wait3A_117] : memref<4x!tpu.dma_semaphore, #tpu.memory_space<semaphore_mem>> -> memref<1x!tpu.dma_semaphore, #tpu.memory_space<semaphore_mem>>
    %dma_wait3A_125 = tpu.memref_squeeze %dma_wait3A_124 : memref<1x!tpu.dma_semaphore, #tpu.memory_space<semaphore_mem>> -> memref<!tpu.dma_semaphore, #tpu.memory_space<semaphore_mem>>
    %dma_wait3A_126 = arith.constant 0 : i32
    %dma_wait3A_127 = tpu.memref_slice %arg4[%mul3A_4, %dma_wait3A_126] : memref<425984x64xf32, #tpu.memory_space<hbm>> -> memref<208x64xf32, #tpu.memory_space<hbm>>
    %dma_wait3A_128 = arith.constant 0 : i32
    %dma_wait3A_129 = arith.constant 0 : i32
    %dma_wait3A_130 = tpu.memref_slice %arg6[%dma_wait3A_116, %dma_wait3A_128, %dma_wait3A_129] : memref<4x208x64xf32, #tpu.memory_space<vmem>> -> memref<1x208x64xf32, #tpu.memory_space<vmem>>
    %dma_wait3A_131 = tpu.memref_squeeze %dma_wait3A_130 : memref<1x208x64xf32, #tpu.memory_space<vmem>> -> memref<208x64xf32, #tpu.memory_space<vmem>>
    tpu.wait_dma2 semaphore(%dma_wait3A_125 : memref<!tpu.dma_semaphore, #tpu.memory_space<semaphore_mem>>) src(%dma_wait3A_131 : memref<208x64xf32, #tpu.memory_space<vmem>>) dst(%dma_wait3A_127 : memref<208x64xf32, #tpu.memory_space<hbm>>)
    %dma_wait3A_132 = arith.constant 3 : i32
    %dma_wait3A_133 = arith.constant 3 : i32
    %dma_wait3A_134 = arith.constant 0 : i32
    %dma_wait3A_135 = arith.constant 0 : i32
    %dma_wait3A_136 = tpu.memref_slice %arg6[%dma_wait3A_132, %dma_wait3A_134, %dma_wait3A_135] : memref<4x208x64xf32, #tpu.memory_space<vmem>> -> memref<1x208x64xf32, #tpu.memory_space<vmem>>
    %dma_wait3A_137 = tpu.memref_squeeze %dma_wait3A_136 : memref<1x208x64xf32, #tpu.memory_space<vmem>> -> memref<208x64xf32, #tpu.memory_space<vmem>>
    %dma_wait3A_138 = arith.constant 0 : i32
    %dma_wait3A_139 = tpu.memref_slice %arg4[%mul3A_4, %dma_wait3A_138] : memref<425984x64xf32, #tpu.memory_space<hbm>> -> memref<208x64xf32, #tpu.memory_space<hbm>>
    %dma_wait3A_140 = tpu.memref_slice %arg8[%dma_wait3A_133] : memref<4x!tpu.dma_semaphore, #tpu.memory_space<semaphore_mem>> -> memref<1x!tpu.dma_semaphore, #tpu.memory_space<semaphore_mem>>
    %dma_wait3A_141 = tpu.memref_squeeze %dma_wait3A_140 : memref<1x!tpu.dma_semaphore, #tpu.memory_space<semaphore_mem>> -> memref<!tpu.dma_semaphore, #tpu.memory_space<semaphore_mem>>
    %dma_wait3A_142 = arith.constant 0 : i32
    %dma_wait3A_143 = tpu.memref_slice %arg4[%mul3A_4, %dma_wait3A_142] : memref<425984x64xf32, #tpu.memory_space<hbm>> -> memref<208x64xf32, #tpu.memory_space<hbm>>
    %dma_wait3A_144 = arith.constant 0 : i32
    %dma_wait3A_145 = arith.constant 0 : i32
    %dma_wait3A_146 = tpu.memref_slice %arg6[%dma_wait3A_132, %dma_wait3A_144, %dma_wait3A_145] : memref<4x208x64xf32, #tpu.memory_space<vmem>> -> memref<1x208x64xf32, #tpu.memory_space<vmem>>
    %dma_wait3A_147 = tpu.memref_squeeze %dma_wait3A_146 : memref<1x208x64xf32, #tpu.memory_space<vmem>> -> memref<208x64xf32, #tpu.memory_space<vmem>>
    tpu.wait_dma2 semaphore(%dma_wait3A_141 : memref<!tpu.dma_semaphore, #tpu.memory_space<semaphore_mem>>) src(%dma_wait3A_147 : memref<208x64xf32, #tpu.memory_space<vmem>>) dst(%dma_wait3A_143 : memref<208x64xf32, #tpu.memory_space<hbm>>)
    return
  }
}

module attributes {stable_mosaic.version = 14 : i64} {
  func.func @body(%arg0: i32, %arg1: memref<3328x64xf32, #tpu.memory_space<vmem>>, %arg2: memref<26x8x1x8x128xf32, #tpu.memory_space<vmem>>) attributes {dimension_semantics = [#tpu.dimension_semantics<arbitrary>], iteration_bounds = array<i64: 128>, scalar_prefetch = 0 : i64, scratch_operands = 0 : i64, tpu.core_type = #tpu.core_type<tc>, window_params = [{transform_indices = @transform_0, window_bounds = array<i64: 3328, 64>}, {transform_indices = @transform_1, window_bounds = array<i64: 26, 8, 1, 8, 128>}]} {
    %get3A = arith.constant 0 : index
    %get3A_0 = arith.constant 0 : index
    %get3A_1 = vector.load %arg1[%get3A, %get3A_0] : memref<3328x64xf32, #tpu.memory_space<vmem>>, vector<3328x64xf32>
    %reshape3A = vector.shape_cast %get3A_1 : vector<3328x64xf32> to vector<128x26x64xf32>
    %transpose3A = tpu.transpose %reshape3A, [1, 2, 0] : vector<128x26x64xf32> -> vector<26x64x128xf32>
    %reshape3A_2 = vector.shape_cast %transpose3A : vector<26x64x128xf32> to vector<26x8x1x8x128xf32>
    %swap3A = arith.constant 0 : index
    %swap3A_3 = arith.constant 0 : index
    %swap3A_4 = arith.constant 0 : index
    %swap3A_5 = arith.constant 0 : index
    %swap3A_6 = arith.constant 0 : index
    %swap3A_7 = vector.load %arg2[%swap3A, %swap3A_3, %swap3A_4, %swap3A_5, %swap3A_6] : memref<26x8x1x8x128xf32, #tpu.memory_space<vmem>>, vector<26x8x1x8x128xf32>
    tpu.vector_store %arg2[%swap3A, %swap3A_3, %swap3A_4, %swap3A_5, %swap3A_6], %reshape3A_2 {strides = array<i32>} : memref<26x8x1x8x128xf32, #tpu.memory_space<vmem>>, vector<26x8x1x8x128xf32>,
    return
  }
  func.func @transform_0(%arg0: i32) -> (i32, i32) {
    %c0_i32 = arith.constant 0 : i32
    %c0_i32_0 = arith.constant 0 : i32
    return %arg0, %c0_i32 : i32, i32
  }
  func.func @transform_1(%arg0: i32) -> (i32, i32, i32, i32, i32) {
    %c0_i32 = arith.constant 0 : i32
    %c0_i32_0 = arith.constant 0 : i32
    %c0_i32_1 = arith.constant 0 : i32
    %c0_i32_2 = arith.constant 0 : i32
    %c0_i32_3 = arith.constant 0 : i32
    return %c0_i32, %c0_i32_0, %arg0, %c0_i32_1, %c0_i32_2 : i32, i32, i32, i32, i32
  }
}

</mosaic_0001>

<sc_bundles>
// kernel: kernel.4.cloned.1.call-start
scs
__scs_entry_jumppad:
0x0: {  	(pc) =	sbr.rel $0x88, $3  }
0x1: {  	(tag) =	ssettag $0x0;
	lr =	simm.s32 $0x1  }
0x2: {  	[smem:$0x3F9F] =	sst lr;
	_ =	strace $0xD0000000  }
0x3: {  	_ = 	snop  }
0x4: {  	_ = 	snop  }
0x5: {  	_ = 	snop  }
0x6: {  	_ = 	snop  }
0x7: {  	_ = 	snop  }
__scs_overlays_trampoline_lowered:
0x8: {  	[smem:$0x3FAE] =	sst s0  }
0x9: {  	[smem:$0x3FAF] =	sst s1  }
0xa: {  	[smem:$0x3FB0] =	sst s2  }
0xb: {  	[smem:$0x3FB1] =	sst s3  }
0xc: {  	[smem:$0x3FB2] =	sst s4  }
0xd: {  	[smem:$0x3FB3] =	sst s5  }
0xe: {  	[smem:$0x3FB4] =	sst s6  }
0xf: {  	[smem:$0x3FB5] =	sst s7  }
0x10: {  	[smem:$0x3FB6] =	sst s8  }
0x11: {  	[smem:$0x3FB7] =	sst s9;
	s0 =	simm.s32 @!p0 $0x0  }
0x12: {  	s1 =	sld [smem:$0x3F9D];
	s0 =	simm.s32 @p0 $0x1  }
0x13: {  	[smem:$0x3FB8] =	sst s0;
	s0 =	simm.s32 @!p1 $0x0  }
0x14: {  	s2 =	sld [smem:$0x3F9C];
	s0 =	simm.s32 @p1 $0x1  }
0x15: {  	[smem:$0x3FB9] =	sst s0;
	s0 =	simm.s32 @!p2 $0x0  }
0x16: {  	s3 =	sld [smem:$0x3FDB];
	s0 =	simm.s32 @p2 $0x1  }
0x17: {  	s4 =	simm.s32 $0x1BF5;
	[smem:$0x3FBB] =	sst s0  }
0x18: {  	s0 =	sld [smem:$0x3F9E];
	_ =	swait.ge [sflag:s4], $0x0  }
0x19: {  	s7 =	sld [smem:$0x3F9F]  }
0x1a: {  	s8 =	sadd.s32 $0xFFFFE003, lr  }
0x1b: {  	s9 =	sadd.s32 $0xFFFFFEF7, lr;
	s5 =	simm.s32 $0xFFFFFFFF;
	p2 =	slt.u32 s8, $0xFFFFF086  }
0x1c: {  	p1 =	slt.u32 s9, $0xF7A;
	s5 =	simm.s32 @!p2 $0x0  }
0x1d: {  	s5 =	simm.s32 @p1 $0x1;
	p0 =	seq.s32 s7, s2  }
0x1e: {  	s7 =	smul.u32 @!p0 $0xF7A, s2;
	p2 =	seq.s32 @!p0 s5, $0x0  }
0x1f: {  	s9 =	smul.u32 $0xF7A, s1;
	s8 =	simm.s32 @!p0 $0x1BF5;
	p2 =	por !p2, p0  }
0x20: {  	[sflag:s8] =	ssyncset.s32 @!p0 $0xFFFFF086;
	s6 =	sadd.s32 @!p0 s3, s7;
	s7 =	simm.s32 @!p0 $0x108  }
0x21: {  	s3 =	sadd.s32 s3, s9;
	s6 =	sadd.s32 @!p0 $0x88, s6;
	s7 =	simm.s32 @p2 $0x1082  }
0x22: {  	[simem:s7], [sflag:s8] =	dma.local @!p0 [hbm:s6], $0xF7A  }
0x23: {  	s9 =	sor.u32 $0xD0000000, s2;
	s6 =	simm.s32 $0x108;
	_ =	swait.ge @!p0 [sflag:s8], $0x0  }
0x24: {  	s3 =	sadd.s32 $0x88, s3;
	s6 =	simm.s32 @!p1 $0x1082;
	[sflag:s4] =	ssyncset.s32 $0xFFFFF086  }
0x25: {  	[simem:s6], [sflag:s4] =	dma.local [hbm:s3], $0xF7A  }
0x26: {  	[smem:$0x3F9F] =	sst s1;
	(tag) =	ssettag s2;
	_ =	strace s9  }
0x27: {  	s1 =	sld [smem:$0x3FAF]  }
0x28: {  	s2 =	sld [smem:$0x3FB0]  }
0x29: {  	s4 =	sld [smem:$0x3FB2]  }
0x2a: {  	p0 =	seq.s32 s5, $0x0;
	s5 =	sld [smem:$0x3FB3]  }
0x2b: {  	s6 =	sld [smem:$0x3FB4]  }
0x2c: {  	s7 =	sld [smem:$0x3FB5]  }
0x2d: {  	s3 =	simm.s32 $0x108;
	s8 =	sld [smem:$0x3FB6]  }
0x2e: {  	s3 =	simm.s32 @!p0 $0x1082;
	s9 =	sld [smem:$0x3FB7]  }
0x2f: {  	lr =	sadd.s32 s0, s3;
	s0 =	sld [smem:$0x3FAE]  }
0x30: {  	s3 =	sld [smem:$0x3FB1]  }
0x31: {  	[smem:$0x3FBA] =	sst s10  }
0x32: {  	s10 =	sld [smem:$0x3FB8];
	_ =	sdelay $0x3  }
0x33: {  	p0 =	seq.s32 s10, $0x1;
	s10 =	sld [smem:$0x3FBA];
	_ =	sdelay $0x3  }
0x34: {  	[smem:$0x3FBA] =	sst s10  }
0x35: {  	s10 =	sld [smem:$0x3FB9];
	_ =	sdelay $0x3  }
0x36: {  	p1 =	seq.s32 s10, $0x1;
	s10 =	sld [smem:$0x3FBA];
	_ =	sdelay $0x3  }
0x37: {  	[smem:$0x3FBA] =	sst s10  }
0x38: {  	s10 =	sld [smem:$0x3FBB]  }
0x39: {  	_ = 	snop;
	(pc) =	sbr.ind lr, $3  }
0x3a: {  	_ = 	snop  }
0x3b: {  	_ = 	snop  }
0x3c: {  	p2 =	seq.s32 s10, $0x1;
	s10 =	sld [smem:$0x3FBA]  }
0x3d: {  	_ =	shalt  }
0x3e: {  	_ =	shalt  }
0x3f: {  	_ =	shalt  }
0x40: {  	_ =	shalt  }
0x41: {  	_ =	shalt  }
0x42: {  	_ =	shalt  }
0x43: {  	_ =	shalt  }
0x44: {  	_ =	shalt  }
0x45: {  	_ =	shalt  }
0x46: {  	_ =	shalt  }
0x47: {  	_ =	shalt  }
0x48: {  	_ =	shalt  }
0x49: {  	_ =	shalt  }
0x4a: {  	_ =	shalt  }
0x4b: {  	_ =	shalt  }
0x4c: {  	_ =	shalt  }
0x4d: {  	_ =	shalt  }
0x4e: {  	_ =	shalt  }
0x4f: {  	_ =	shalt  }
0x50: {  	_ =	shalt  }
0x51: {  	_ =	shalt  }
0x52: {  	_ =	shalt  }
0x53: {  	_ =	shalt  }
0x54: {  	_ =	shalt  }
0x55: {  	_ =	shalt  }
0x56: {  	_ =	shalt  }
0x57: {  	_ =	shalt  }
0x58: {  	_ =	shalt  }
0x59: {  	_ =	shalt  }
0x5a: {  	_ =	shalt  }
0x5b: {  	_ =	shalt  }
0x5c: {  	_ =	shalt  }
0x5d: {  	_ =	shalt  }
0x5e: {  	_ =	shalt  }
0x5f: {  	_ =	shalt  }
0x60: {  	_ =	shalt  }
0x61: {  	_ =	shalt  }
0x62: {  	_ =	shalt  }
0x63: {  	_ =	shalt  }
0x64: {  	_ =	shalt  }
0x65: {  	_ =	shalt  }
0x66: {  	_ =	shalt  }
0x67: {  	_ =	shalt  }
0x68: {  	_ =	shalt  }
0x69: {  	_ =	shalt  }
0x6a: {  	_ =	shalt  }
0x6b: {  	_ =	shalt  }
0x6c: {  	_ =	shalt  }
0x6d: {  	_ =	shalt  }
0x6e: {  	_ =	shalt  }
0x6f: {  	_ =	shalt  }
0x70: {  	_ =	shalt  }
0x71: {  	_ =	shalt  }
0x72: {  	_ =	shalt  }
0x73: {  	_ =	shalt  }
0x74: {  	_ =	shalt  }
0x75: {  	_ =	shalt  }
0x76: {  	_ =	shalt  }
0x77: {  	_ =	shalt  }
0x78: {  	_ =	shalt  }
0x79: {  	_ =	shalt  }
0x7a: {  	_ =	shalt  }
0x7b: {  	_ =	shalt  }
0x7c: {  	_ =	shalt  }
0x7d: {  	_ =	shalt  }
0x7e: {  	_ =	shalt  }
0x7f: {  	_ =	shalt  }
0x80: {  	_ =	shalt  }
0x81: {  	_ =	shalt  }
0x82: {  	_ =	shalt  }
0x83: {  	_ =	shalt  }
0x84: {  	_ =	shalt  }
0x85: {  	_ =	shalt  }
0x86: {  	_ =	shalt  }
0x87: {  	_ =	shalt  }
.Lfunc_end0:
.L_simem_size_0:
called_computation_lowered:
.L_overlay_start_0:
0x88: {  	s2 =	sld [smem:$0x3FD9]  }
0x89: {  	s3 =	sld [smem:$0x3FFE];
	_ =	sdelay $0x1  }
0x8a: {  	s1 =	srdreg.scid  }
0x8b: {  	s0 =	sand.u32 $0x1, s1  }
0x8c: {  	s17 =	sshll.u32 s0, $0xA;
	s2 =	sadd.s32 s3, s2  }
0x8d: {  	s2 =	sadd.s32 s2, s17  }
0x8e: {  	[smem:$0x3FC6] =	sst s2  }
0x8f: {  	_ = 	snop  }
0x90: {  	s2 =	sld [smem:$0x3FD0];
	(tm) =	ssettm $0x1  }
0x91: {  	s18 =	sld [smem:$0x3FFB];
	_ =	sdelay $0x3  }
0x92: {  	_ =	strace s18  }
0x93: {  	s3 =	sld [smem:$0x3FFC];
	_ =	sdelay $0x3  }
0x94: {  	_ =	strace s3  }
0x95: {  	s3 =	sld [smem:$0x3FFD];
	_ =	sdelay $0x3  }
0x96: {  	_ =	strace s3  }
0x97: {  	_ =	strace $0x8FFFFFFF  }
0x98: {  	s19 =	sld [smem:$0x3FDB];
	_ =	sdelay $0x1  }
0x99: {  	s4 =	simm.s32 $_scs_section_size  }
0x9a: {  	s5 =	simm.s32 $_size__tile_overlayer_lowered;
	s6 =	simm.s32 $_tile_overlayer_lowered  }
0x9b: {  	s22 =	simm.s32 $0x1BFF;
	s21 =	sshll.u32 s6, $0x1;
	s3 =	sadd.s32 s4, s19  }
0x9c: {  	s7 =	simm.s32 $0x0;
	s20 =	sshll.u32 s5, $0x1;
	s5 =	sadd.s32 s21, s3  }
0x9d: {  	[timem:s7], [sflag:s22] =	dma.local [hbm:s5], s20  }
0x9e: {  	_ =	swait.ge [sflag:s22], s20  }
0x9f: {  	s4 =	ssub.s32 $0x0, s20;
	[sflag:s22] =	ssyncset.done $0x0  }
0xa0: {  	[sflag:s22] =	ssyncadd.s32 s4;
	_ =	sdelay $0x1  }
0xa1: {  	s23 =	simm.s32 $0x1B8B  }
0xa2: {  	_ =	swait.ge [sflag:s23], $0x1  }
0xa3: {  	[sflag:s23] =	ssyncset.done $0x0  }
0xa4: {  	s25 =	simm.s32 $0x1B8E;
	s24 =	sld [smem:$0x3FFE];
	[sflag:s23] =	ssyncadd.s32 $0xFFFFFFFF  }
0xa5: {  	s26 =	simm.s32 $execute0_lowered;
	[smem:$0x3FD2] =	sst s25  }
0xa6: {  	s5 =	sshll.u32 s26, $0x1;
	_ =	strace $0x80000046;
	[dreg:$0x1] =	wrdreg $0xFFFFFFFF  }
0xa7: {  	s28 =	simm.s32 $_size_execute0_lowered;
	s3 =	sadd.s32 s3, s5;
	[dreg:$0x0] =	wrdreg $0x0  }
0xa8: {  	s5 =	sshll.u32 s28, $0x1;
	[dreg:$0x2] =	wrdreg s3  }
0xa9: {  	[dreg:$0x3] =	wrdreg s5  }
0xaa: {  	[dreg:$0x4] =	wrdreg $0xC0  }
0xab: {  	_ =	task [dreg:s7], $0x5FFFF  }
0xac: {  	[dreg:$0x1] =	wrdreg $0xFFFFFFFF  }
0xad: {  	[dreg:$0x0] =	wrdreg $0x60  }
0xae: {  	[dreg:$0x2] =	wrdreg s2  }
0xaf: {  	[dreg:$0x3] =	wrdreg s24  }
0xb0: {  	[dreg:$0x4] =	wrdreg $0x9  }
0xb1: {  	_ =	task.clear_ibuf [dreg:s7], $0x5FFFF;
	_ =	strace $0x90000046  }
0xb2: {  	s29 =	simm.s32 $0x9;
	_ =	strace $0x80000048  }
0xb3: {  	_ =	swait.ge [sflag:s29], $0x1  }
0xb4: {  	[sflag:s29] =	ssyncadd.s32 $0xFFFFFFFF  }
0xb5: {  	_ =	strace $0x90000048  }
0xb6: {  	_ =	sfence  }
0xb7: {  	s30 =	sld [smem:$0x0];
	_ =	sdelay $0x2  }
0xb8: {  	s31 =	sshll.u32 s1, $0xD;
	s1 =	sshrl.u32 s1, $0x2  }
0xb9: {  	s3 =	sand.u32 $0x4000, s31;
	s1 =	sadd.s32 s1, s30  }
0xba: {  	s0 =	sor.u32 s3, s0;
	s1 =	sshll.u32 s1, $0x11  }
0xbb: {  	s0 =	sor.u32 s1, s0  }
0xbc: {  	s0 =	sadd.s32 $0x8F2B, s0  }
0xbd: {  	[sflag:s0] =	ssyncadd.remote.s32 $0x1  }
0xbe: {  	_ =	sfence.sel $0xFFFF  }
0xbf: {  	[dreg:$0x0] =	wrdreg $0xFFFFFFFF;
	(pc) =	sbr.abs _section_cstart, $3  }
0xc0: {  	[dreg:$0x1] =	wrdreg $0xFFFFFFFF  }
0xc1: {  	_ =	task.clear_ibuf [dreg:s7], $0x2FFFF;
	_ =	strace $0x9FFFFFFF  }
0xc2: {  	(tm) =	ssettm $0x7FFFFFFF  }
0xc3: {  	_ =	shalt  }
tec
execute0_lowered:
.L_overlay_start_1:
0x0: {  	(tag) =	ssettag $0x1  }
0x1: {  	s1 =	srdreg.scid;
	s2 =	stileid.u32  }
0x2: {  	s1 =	sand.u32 $0x1, s1;
	s3 =	sshll.u32 s2, $0x1  }
0x3: {  	s0 =	rddreg [dreg:$0x0];
	s6 =	sor.u32 s1, s3  }
0x4: {  	s5 =	rddreg [dreg:$0x1];
	s2 =	simm.s32 $0x0;
	s3 =	smul.u32 $0x3400, s6  }
0x5: {  	s4 =	sadd.s32 $0x400, s5;
	s5 =	sadd.s32 $0xF42800, s5;
	s7 =	smul.u32 $0x1A0000, s6  }
0x6: {  	[smem:$0x7FF] =	sst s2;
	s1 =	ssub.s32 $0x2, s1;
	s6 =	smul.u32 $0x680, s6  }
0x7: {  	_ =	strace $0x80000047;
	s8 =	sshrl.u32 s1, $0x1;
	[dreg:$0x4] =	wrdreg s5  }
0x8: {  	s1 =	ssub.s32 s1, s8;
	s0 =	sadd.s32 s0, s6;
	[dreg:$0x3] =	wrdreg s3  }
0x9: {  	s26 =	sshrl.u32 s7, $0x3;
	s28 =	sadd.s32 $0xFFFFFE60, s3;
	[dreg:$0x5] =	wrdreg s0  }
.Ltmp0:
0xa: {  	s3 =	sadd.s32 $0xFFFFFF30, s3;
	[dreg:$0x6] =	wrdreg s28;
	(pc) =	sbr.rel .LBB2_1-.Ltmp0, $4  }
0xb: {  	s31 =	smax.u32 s1, $0x1;
	s29 =	sadd.s32 s5, s26;
	[dreg:$0x7] =	wrdreg s3  }
0xc: {  	[dreg:$0xa] =	wrdreg s31;
	s30 =	sadd.s32 $0x32600, s29  }
0xd: {  	s0 =	sadd.s32 $0x33300, s29;
	[dreg:$0x8] =	wrdreg s30  }
0xe: {  	s3 =	simm.s32 $0x0;
	[dreg:$0x9] =	wrdreg s0  }
.LBB2_16:
0xf: {  	s0 =	simm.s32 $0x3  }
0x10: {  	_ =	swait.ge [sflag:s0], $0x6800  }
0x11: {  	s1 =	simm.s32 $0x10400;
	[sflag:s0] =	ssyncset.done $0x0  }
0x12: {  	s23 =	simm.s32 $0x4;
	s22 =	rddreg [dreg:$0x8];
	[sflag:s0] =	ssyncadd.s32 $0xFFFF9800  }
0x13: {  	[hbm4b:s22+s2] =	stream.linear.scatter [tilespmem:s1], [sflag:$0x7], $0x6800, $0x38;
	[tilespmem:$0x1D400] =	vst v63  }
0x14: {  	_ =	swait.ge [sflag:s23], $0x6800  }
0x15: {  	s25 =	simm.s32 $0x16C00;
	[sflag:s23] =	ssyncset.done $0x0  }
0x16: {  	s26 =	simm.s32 $0x5;
	s24 =	rddreg [dreg:$0x9];
	[sflag:s23] =	ssyncadd.s32 $0xFFFF9800  }
0x17: {  	[hbm4b:s24+s2] =	stream.linear.scatter [tilespmem:s25], [sflag:$0x8], $0x6800, $0x38;
	[tilespmem:$0x1D400] =	vst v63  }
0x18: {  	_ =	swait.ge [sflag:s26], $0x6800  }
0x19: {  	[sflag:s26] =	ssyncset.done $0x0  }
0x1a: {  	s28 =	simm.s32 $0x6;
	[sflag:s26] =	ssyncadd.s32 $0xFFFF9800  }
0x1b: {  	_ =	swait.ge [sflag:s28], $0x6800  }
0x1c: {  	[sflag:s28] =	ssyncset.done $0x0  }
0x1d: {  	s29 =	simm.s32 $0x7;
	[sflag:s28] =	ssyncadd.s32 $0xFFFF9800  }
0x1e: {  	_ =	swait.ge [sflag:s29], $0x6800  }
0x1f: {  	[sflag:s29] =	ssyncset.done $0x0  }
0x20: {  	s30 =	simm.s32 $0x8;
	[sflag:s29] =	ssyncadd.s32 $0xFFFF9800  }
0x21: {  	_ =	swait.ge [sflag:s30], $0x6800  }
0x22: {  	s3 =	rddreg [dreg:$0xb]  }
0x23: {  	s31 =	rddreg [dreg:$0xa];
	s3 =	sadd.s32 $0x1, s3  }
0x24: {  	p0 =	sne.s32 s3, s31  }
.Ltmp1:
0x25: {  	_ = 	snop;
	(pc) =	sbr.rel @!p0 .LBB2_17-.Ltmp1, $3  }
0x26: {  	_ =	sdelay $0x1  }
0x27: {  	[sflag:s30] =	ssyncset.done $0x0  }
0x28: {  	[sflag:s30] =	ssyncadd.s32 $0xFFFF9800  }
.LBB2_1:
0x29: {  	[dreg:$0xb] =	wrdreg s3  }
0x2a: {  	s0 =	rddreg [dreg:$0x5];
	s22 =	simm.s32 $0x9  }
0x2b: {  	[tilespmem:s2], [sflag:$0x9] =	stream.linear.gather [hbm4b:s0+s2], $0x3400, $0x38;
	[tilespmem:$0x1D400] =	vst v63  }
0x2c: {  	s23 =	sand.u32 $0x200, s2;
	_ =	swait.ge [sflag:s22], $0x3400  }
0x2d: {  	s1 =	sand.u32 $0x70, s2;
	s0 =	sshrl.u32 s23, $0x2;
	[sflag:s22] =	ssyncset.done $0x0  }
0x2e: {  	s0 =	sor.u32 s1, s0;
	[sflag:s22] =	ssyncadd.s32 $0xFFFFCC00  }
0x2f: {  	v0 =	vld [tilespmem:s0+$0x0];
	_ =	sdelay $0x4  }
0x30: {  	v0 =	vshll.u32 v0, $0x4  }
0x31: {  	(v2sf) =	vpush v0, $0x0;
	_ =	sdelay $0x1  }
0x32: {  	(v2sf) =	vpush v0, $0x1  }
0x33: {  	(v2sf) =	vpush v0, $0x2;
	_ =	sdelay $0x1  }
0x34: {  	(v2sf) =	vpush v0, $0x3;
	_ =	sdelay $0x1  }
0x35: {  	(v2sf) =	vpush v0, $0x4;
	_ =	sdelay $0x1  }
0x36: {  	(v2sf) =	vpush v0, $0x5;
	_ =	sdelay $0x1  }
0x37: {  	(v2sf) =	vpush v0, $0x6  }
0x38: {  	s29 =	simm.s32 $0x40  }
0x39: {  	s28 =	simm.s32 $0x2000;
	s6 =	simm.s32 $0x3600;
	s19 =	simm.s32 $0x3880  }
0x3a: {  	s9 =	simm.s32 $0x3900;
	s11 =	simm.s32 $0x3400;
	s17 =	simm.s32 $0x3700  }
0x3b: {  	s20 =	simm.s32 $0x3780;
	s24 =	simm.s32 $0x3480;
	s12 =	spop (v2sf);
	(v2sf) =	vpush v0, $0x7  }
0x3c: {  	s26 =	simm.s32 $0x3500;
	s31 =	simm.s32 $0x3580;
	s5 =	simm.s32 $0x3680  }
0x3d: {  	s8 =	simm.s32 $0x3800;
	s12 =	sand.u32 $0x1FFFFFF0, s12;
	s18 =	spop (v2sf);
	(v2sf) =	vpush v0, $0x8  }
0x3e: {  	s18 =	sand.u32 $0x1FFFFFF0, s18;
	s12 =	sadd.s32 s4, s12;
	(v2sf) =	vpush v0, $0x9;
	s25 =	spop (v2sf)  }
0x3f: {  	[tilespmem:s11], [sflag:$0x1] =	stream.linear.gather [hbm4b:s12+s2], $0x80, $0x38;
	(v2sf) =	vpush v0, $0xA;
	[tilespmem:$0x1D400] =	vst v63  }
0x40: {  	s18 =	sadd.s32 s4, s18;
	s12 =	sand.u32 $0x1FFFFFF0, s25;
	s30 =	spop (v2sf)  }
0x41: {  	[tilespmem:s24], [sflag:$0x1] =	stream.linear.gather [hbm4b:s18+s2], $0x80, $0x38;
	[tilespmem:$0x1D400] =	vst v63  }
0x42: {  	s22 =	spop (v2sf);
	s12 =	sadd.s32 s4, s12;
	s18 =	sand.u32 $0x1FFFFFF0, s30  }
0x43: {  	[tilespmem:s26], [sflag:$0x1] =	stream.linear.gather [hbm4b:s12+s2], $0x80, $0x38;
	[tilespmem:$0x1D400] =	vst v63  }
0x44: {  	(v2sf) =	vpush v0, $0xB;
	s3 =	sand.u32 $0x1FFFFFF0, s22;
	s7 =	spop (v2sf);
	s18 =	sadd.s32 s4, s18  }
0x45: {  	[tilespmem:s31], [sflag:$0x1] =	stream.linear.gather [hbm4b:s18+s2], $0x80, $0x38;
	[tilespmem:$0x1D400] =	vst v63  }
0x46: {  	s13 =	sand.u32 $0x1FFFFFF0, s7;
	s14 =	spop (v2sf);
	s12 =	sadd.s32 s4, s3  }
0x47: {  	[tilespmem:s6], [sflag:$0x1] =	stream.linear.gather [hbm4b:s12+s2], $0x80, $0x38;
	[tilespmem:$0x1D400] =	vst v63  }
0x48: {  	s10 =	sand.u32 $0x200, s29;
	(v2sf) =	vpush v0, $0xC;
	s23 =	sand.u32 $0x1FFFFFF0, s14;
	s12 =	sadd.s32 s4, s13  }
0x49: {  	[tilespmem:s5], [sflag:$0x1] =	stream.linear.gather [hbm4b:s12+s2], $0x80, $0x38;
	[tilespmem:$0x1D400] =	vst v63  }
0x4a: {  	s1 =	simm.s32 $0x4000;
	s16 =	sadd.s32 s4, s23;
	s15 =	spop (v2sf);
	(v2sf) =	vpush v0, $0xD  }
0x4b: {  	[tilespmem:s17], [sflag:$0x1] =	stream.linear.gather [hbm4b:s16+s2], $0x80, $0x38;
	[tilespmem:$0x1D400] =	vst v63  }
0x4c: {  	s0 =	simm.s32 $0x0;
	s11 =	simm.s32 $0x3A80;
	s17 =	spop (v2sf);
	(v2sf) =	vpush v0, $0xE  }
0x4d: {  	s18 =	sshrl.u32 s10, $0x2;
	s10 =	sand.u32 $0x1FFFFFF0, s15;
	s24 =	spop (v2sf)  }
0x4e: {  	s6 =	simm.s32 $0x3B80;
	s10 =	sadd.s32 s4, s10;
	s26 =	spop (v2sf);
	(v2sf) =	vpush v0, $0xF  }
0x4f: {  	[tilespmem:s20], [sflag:$0x1] =	stream.linear.gather [hbm4b:s10+s2], $0x80, $0x38;
	[tilespmem:$0x1D400] =	vst v63  }
0x50: {  	s12 =	simm.s32 $0x3980;
	s21 =	sand.u32 $0x1FFFFFF0, s17;
	s25 =	sand.u32 $0x1FFFFFF0, s24  }
0x51: {  	s17 =	sadd.s32 s4, s21;
	s10 =	sadd.s32 s4, s25;
	s30 =	sand.u32 $0x1FFFFFF0, s26  }
0x52: {  	[tilespmem:s8], [sflag:$0x1] =	stream.linear.gather [hbm4b:s17+s2], $0x80, $0x38;
	[tilespmem:$0x1D400] =	vst v63  }
0x53: {  	s31 =	spop (v2sf);
	s26 =	simm.s32 $0x0;
	s17 =	simm.s32 $0x3A00  }
0x54: {  	[tilespmem:s19], [sflag:$0x1] =	stream.linear.gather [hbm4b:s10+s2], $0x80, $0x38;
	[tilespmem:$0x1D400] =	vst v63  }
0x55: {  	s22 =	sadd.s32 s4, s30;
	s10 =	simm.s32 $0x10;
	s19 =	sand.u32 $0x1FFFFFF0, s31  }
.LBB2_2:
0x56: {  	p0 =	sne.s32 s1, $0x18000  }
0x57: {  	s20 =	sand.u32 $0x70, s10;
	s23 =	spop (v2sf);
	s24 =	smov.u32 s1  }
0x58: {  	[tilespmem:s9], [sflag:$0x1] =	stream.linear.gather [hbm4b:s22+s26], $0x80, $0x38;
	[tilespmem:$0x1D400] =	vst v63  }
0x59: {  	s9 =	sadd.s32 s4, s19;
	s19 =	sand.u32 $0x1FFFFFF0, s23;
	s22 =	spop (v2sf)  }
0x5a: {  	[tilespmem:s12], [sflag:$0x1] =	stream.linear.gather [hbm4b:s9+s26], $0x80, $0x38;
	[tilespmem:$0x1D400] =	vst v63  }
0x5b: {  	s9 =	sadd.s32 s4, s19;
	s12 =	sand.u32 $0x1FFFFFF0, s22;
	s19 =	spop (v2sf)  }
0x5c: {  	[tilespmem:s17], [sflag:$0x1] =	stream.linear.gather [hbm4b:s9+s26], $0x80, $0x38;
	[tilespmem:$0x1D400] =	vst v63  }
0x5d: {  	s9 =	sadd.s32 s4, s12;
	s12 =	sand.u32 $0x1FFFFFF0, s19;
	s17 =	spop (v2sf)  }
0x5e: {  	[tilespmem:s11], [sflag:$0x1] =	stream.linear.gather [hbm4b:s9+s26], $0x80, $0x38;
	[tilespmem:$0x1D400] =	vst v63  }
0x5f: {  	s0 =	sadd.s32 $0x3B00, s0;
	s9 =	sadd.s32 s4, s12;
	s11 =	sand.u32 $0x1FFFFFF0, s17  }
0x60: {  	[tilespmem:s0], [sflag:$0x1] =	stream.linear.gather [hbm4b:s9+s26], $0x80, $0x38;
	[tilespmem:$0x1D400] =	vst v63  }
0x61: {  	s1 =	sadd.s32 $0x2000, s1;
	s0 =	sor.u32 s20, s18;
	s9 =	sadd.s32 s4, s11  }
0x62: {  	[tilespmem:s6], [sflag:$0x1] =	stream.linear.gather [hbm4b:s9+s26], $0x80, $0x38;
	[tilespmem:$0x1D400] =	vst v63  }
0x63: {  	v0 =	vld [tilespmem:s0+$0x0];
	_ =	sdelay $0x4  }
0x64: {  	v0 =	vshll.u32 v0, $0x4  }
0x65: {  	(v2sf) =	vpush v0, $0x0  }
0x66: {  	(v2sf) =	vpush v0, $0x1  }
0x67: {  	(v2sf) =	vpush v0, $0x2  }
0x68: {  	(v2sf) =	vpush v0, $0x3;
	_ =	sdelay $0x1  }
0x69: {  	(v2sf) =	vpush v0, $0x4;
	_ =	sdelay $0x1  }
0x6a: {  	s29 =	sadd.s32 $0x40, s29;
	(v2sf) =	vpush v0, $0x5  }
0x6b: {  	s11 =	sand.u32 $0x200, s29;
	s0 =	sshra.s32 s28, $0x2;
	s28 =	smov.u32 s24  }
0x6c: {  	s23 =	sadd.s32 $0x3600, s0;
	s20 =	sadd.s32 $0x3880, s0;
	s9 =	sadd.s32 $0x3900, s0;
	(v2sf) =	vpush v0, $0x6  }
0x6d: {  	s25 =	sadd.s32 $0x3400, s0;
	s22 =	sadd.s32 $0x3700, s0;
	s30 =	sadd.s32 $0x3780, s0  }
0x6e: {  	s24 =	sadd.s32 $0x3680, s0;
	s19 =	sadd.s32 $0x3800, s0;
	s6 =	sadd.s32 $0x3B80, s0;
	(v2sf) =	vpush v0, $0x7  }
0x6f: {  	s18 =	sshrl.u32 s11, $0x2;
	s31 =	sadd.s32 $0x3580, s0;
	s12 =	sadd.s32 $0x3980, s0  }
0x70: {  	s14 =	sadd.s32 $0x3480, s0;
	s11 =	sadd.s32 $0x3A80, s0;
	(v2sf) =	vpush v0, $0x8;
	_ =	sdelay $0x1  }
0x71: {  	s10 =	sadd.s32 $0x10, s10;
	s17 =	sadd.s32 $0x3A00, s0;
	s26 =	spop (v2sf);
	(v2sf) =	vpush v0, $0x9  }
0x72: {  	s16 =	sand.u32 $0x1FFFFFF0, s26;
	s26 =	simm.s32 $0x0;
	s7 =	spop (v2sf)  }
0x73: {  	s8 =	sadd.s32 $0x3500, s0;
	s7 =	sand.u32 $0x1FFFFFF0, s7;
	s13 =	spop (v2sf);
	(v2sf) =	vpush v0, $0xA  }
0x74: {  	s16 =	sadd.s32 s4, s16;
	s13 =	sand.u32 $0x1FFFFFF0, s13;
	s15 =	spop (v2sf)  }
0x75: {  	[tilespmem:s25], [sflag:$0x1] =	stream.linear.gather [hbm4b:s16+s26], $0x80, $0x38;
	(v2sf) =	vpush v0, $0xB;
	[tilespmem:$0x1D400] =	vst v63  }
0x76: {  	s7 =	sadd.s32 s4, s7;
	s15 =	sand.u32 $0x1FFFFFF0, s15;
	s16 =	spop (v2sf)  }
0x77: {  	[tilespmem:s14], [sflag:$0x1] =	stream.linear.gather [hbm4b:s7+s26], $0x80, $0x38;
	[tilespmem:$0x1D400] =	vst v63  }
0x78: {  	s7 =	sadd.s32 s4, s13;
	s13 =	sand.u32 $0x1FFFFFF0, s16;
	s14 =	spop (v2sf)  }
0x79: {  	[tilespmem:s8], [sflag:$0x1] =	stream.linear.gather [hbm4b:s7+s26], $0x80, $0x38;
	(v2sf) =	vpush v0, $0xC;
	[tilespmem:$0x1D400] =	vst v63  }
0x7a: {  	s7 =	sadd.s32 s4, s15;
	s8 =	sand.u32 $0x1FFFFFF0, s14;
	s14 =	spop (v2sf)  }
0x7b: {  	[tilespmem:s31], [sflag:$0x1] =	stream.linear.gather [hbm4b:s7+s26], $0x80, $0x38;
	(v2sf) =	vpush v0, $0xD;
	[tilespmem:$0x1D400] =	vst v63  }
0x7c: {  	s7 =	sadd.s32 s4, s13;
	s13 =	sand.u32 $0x1FFFFFF0, s14;
	s14 =	spop (v2sf)  }
0x7d: {  	[tilespmem:s23], [sflag:$0x1] =	stream.linear.gather [hbm4b:s7+s26], $0x80, $0x38;
	(v2sf) =	vpush v0, $0xE;
	[tilespmem:$0x1D400] =	vst v63  }
0x7e: {  	s7 =	sadd.s32 s4, s8;
	s8 =	sand.u32 $0x1FFFFFF0, s14;
	s14 =	spop (v2sf)  }
0x7f: {  	[tilespmem:s24], [sflag:$0x1] =	stream.linear.gather [hbm4b:s7+s26], $0x80, $0x38;
	(v2sf) =	vpush v0, $0xF;
	[tilespmem:$0x1D400] =	vst v63  }
0x80: {  	s7 =	sadd.s32 s4, s13;
	s13 =	sand.u32 $0x1FFFFFF0, s14;
	s14 =	spop (v2sf)  }
0x81: {  	[tilespmem:s22], [sflag:$0x1] =	stream.linear.gather [hbm4b:s7+s26], $0x80, $0x38;
	[tilespmem:$0x1D400] =	vst v63  }
0x82: {  	s7 =	sadd.s32 s4, s8;
	s8 =	sand.u32 $0x1FFFFFF0, s14;
	s14 =	spop (v2sf)  }
0x83: {  	[tilespmem:s30], [sflag:$0x1] =	stream.linear.gather [hbm4b:s7+s26], $0x80, $0x38;
	[tilespmem:$0x1D400] =	vst v63  }
.Ltmp2:
0x84: {  	_ = 	snop;
	(pc) =	sbr.rel @p0 .LBB2_2-.Ltmp2, $4  }
0x85: {  	s7 =	sadd.s32 s4, s13;
	s13 =	sand.u32 $0x1FFFFFF0, s14;
	s14 =	spop (v2sf)  }
0x86: {  	[tilespmem:s19], [sflag:$0x1] =	stream.linear.gather [hbm4b:s7+s26], $0x80, $0x38;
	[tilespmem:$0x1D400] =	vst v63  }
0x87: {  	s22 =	sadd.s32 s4, s13;
	s7 =	sadd.s32 s4, s8;
	s19 =	sand.u32 $0x1FFFFFF0, s14  }
0x88: {  	[tilespmem:s20], [sflag:$0x1] =	stream.linear.gather [hbm4b:s7+s26], $0x80, $0x38;
	[tilespmem:$0x1D400] =	vst v63  }
0x89: {  	s1 =	sand.u32 $0x70, s10;
	s7 =	spop (v2sf)  }
0x8a: {  	[tilespmem:s9], [sflag:$0x1] =	stream.linear.gather [hbm4b:s22+s26], $0x80, $0x38;
	[tilespmem:$0x1D400] =	vst v63  }
0x8b: {  	s8 =	sadd.s32 s4, s19;
	s7 =	sand.u32 $0x1FFFFFF0, s7;
	s14 =	spop (v2sf)  }
0x8c: {  	[tilespmem:s12], [sflag:$0x1] =	stream.linear.gather [hbm4b:s8+s26], $0x80, $0x38;
	[tilespmem:$0x1D400] =	vst v63  }
0x8d: {  	s7 =	sadd.s32 s4, s7;
	s15 =	sand.u32 $0x1FFFFFF0, s14;
	s16 =	spop (v2sf)  }
0x8e: {  	[tilespmem:s17], [sflag:$0x1] =	stream.linear.gather [hbm4b:s7+s26], $0x80, $0x38;
	[tilespmem:$0x1D400] =	vst v63  }
0x8f: {  	s17 =	sadd.s32 s4, s15;
	s19 =	sand.u32 $0x1FFFFFF0, s16;
	s20 =	spop (v2sf)  }
0x90: {  	[tilespmem:s11], [sflag:$0x1] =	stream.linear.gather [hbm4b:s17+s26], $0x80, $0x38;
	[tilespmem:$0x1D400] =	vst v63  }
0x91: {  	s0 =	sadd.s32 $0x3B00, s0;
	s21 =	sadd.s32 s4, s19;
	s22 =	sand.u32 $0x1FFFFFF0, s20  }
0x92: {  	[tilespmem:s0], [sflag:$0x1] =	stream.linear.gather [hbm4b:s21+s26], $0x80, $0x38;
	[tilespmem:$0x1D400] =	vst v63  }
0x93: {  	s23 =	sor.u32 s1, s18;
	s24 =	sadd.s32 s4, s22  }
0x94: {  	[tilespmem:s6], [sflag:$0x1] =	stream.linear.gather [hbm4b:s24+s26], $0x80, $0x38;
	[tilespmem:$0x1D400] =	vst v63  }
0x95: {  	v0 =	vld [tilespmem:s23+$0x0];
	_ =	sdelay $0x4  }
0x96: {  	v0 =	vshll.u32 v0, $0x4  }
0x97: {  	(v2sf) =	vpush v0, $0x0  }
0x98: {  	(v2sf) =	vpush v0, $0x1  }
0x99: {  	(v2sf) =	vpush v0, $0x2;
	_ =	sdelay $0x1  }
0x9a: {  	(v2sf) =	vpush v0, $0x3;
	_ =	sdelay $0x1  }
0x9b: {  	(v2sf) =	vpush v0, $0x4;
	_ =	sdelay $0x1  }
0x9c: {  	(v2sf) =	vpush v0, $0x5;
	_ =	sdelay $0x1  }
0x9d: {  	s0 =	sshra.s32 s28, $0x2;
	(v2sf) =	vpush v0, $0x6  }
0x9e: {  	s25 =	sadd.s32 $0x3600, s0;
	s9 =	sadd.s32 $0x3880, s0  }
0x9f: {  	s1 =	sadd.s32 $0x3900, s0;
	s28 =	sadd.s32 $0x3400, s0;
	s11 =	sadd.s32 $0x3700, s0;
	(v2sf) =	vpush v0, $0x7  }
0xa0: {  	s12 =	sadd.s32 $0x3780, s0;
	s13 =	sadd.s32 $0x3680, s0;
	s14 =	sadd.s32 $0x3800, s0  }
0xa1: {  	s15 =	sadd.s32 $0x3580, s0;
	s10 =	sadd.s32 $0x3980, s0;
	s29 =	sadd.s32 $0x3480, s0;
	(v2sf) =	vpush v0, $0x8  }
0xa2: {  	s19 =	sadd.s32 $0x3A00, s0;
	s20 =	sadd.s32 $0x3500, s0;
	s16 =	spop (v2sf)  }
0xa3: {  	s6 =	sadd.s32 $0x3A80, s0;
	(v2sf) =	vpush v0, $0x9;
	s30 =	spop (v2sf);
	s16 =	sand.u32 $0x1FFFFFF0, s16  }
0xa4: {  	s18 =	sand.u32 $0x1FFFFFF0, s30;
	s31 =	spop (v2sf);
	s16 =	sadd.s32 s4, s16  }
0xa5: {  	(v2sf) =	vpush v0, $0xA;
	[tilespmem:s28], [sflag:$0x1] =	stream.linear.gather [hbm4b:s16+s26], $0x80, $0x38;
	[tilespmem:$0x1D400] =	vst v63  }
0xa6: {  	s3 =	sand.u32 $0x1FFFFFF0, s31;
	s5 =	spop (v2sf);
	s18 =	sadd.s32 s4, s18  }
0xa7: {  	(v2sf) =	vpush v0, $0xB;
	[tilespmem:s29], [sflag:$0x1] =	stream.linear.gather [hbm4b:s18+s26], $0x80, $0x38;
	[tilespmem:$0x1D400] =	vst v63  }
0xa8: {  	s16 =	sand.u32 $0x1FFFFFF0, s5;
	s8 =	sadd.s32 s4, s3;
	s18 =	spop (v2sf)  }
0xa9: {  	(v2sf) =	vpush v0, $0xC;
	[tilespmem:s20], [sflag:$0x1] =	stream.linear.gather [hbm4b:s8+s26], $0x80, $0x38;
	[tilespmem:$0x1D400] =	vst v63  }
0xaa: {  	s16 =	sadd.s32 s4, s16;
	s21 =	sand.u32 $0x1FFFFFF0, s18;
	s22 =	spop (v2sf)  }
0xab: {  	(v2sf) =	vpush v0, $0xD;
	[tilespmem:s15], [sflag:$0x1] =	stream.linear.gather [hbm4b:s16+s26], $0x80, $0x38;
	[tilespmem:$0x1D400] =	vst v63  }
0xac: {  	s23 =	sand.u32 $0x1FFFFFF0, s22;
	s24 =	spop (v2sf);
	s8 =	sadd.s32 s4, s21  }
0xad: {  	(v2sf) =	vpush v0, $0xE;
	[tilespmem:s25], [sflag:$0x1] =	stream.linear.gather [hbm4b:s8+s26], $0x80, $0x38;
	[tilespmem:$0x1D400] =	vst v63  }
0xae: {  	s28 =	spop (v2sf);
	s15 =	sadd.s32 s4, s23;
	s25 =	sand.u32 $0x1FFFFFF0, s24  }
0xaf: {  	(v2sf) =	vpush v0, $0xF;
	[tilespmem:s13], [sflag:$0x1] =	stream.linear.gather [hbm4b:s15+s26], $0x80, $0x38;
	[tilespmem:$0x1D400] =	vst v63  }
0xb0: {  	s29 =	spop (v2sf);
	s8 =	sand.u32 $0x1FFFFFF0, s28;
	s7 =	sadd.s32 s4, s25  }
0xb1: {  	[tilespmem:s11], [sflag:$0x1] =	stream.linear.gather [hbm4b:s7+s26], $0x80, $0x38;
	[tilespmem:$0x1D400] =	vst v63  }
0xb2: {  	s30 =	sand.u32 $0x1FFFFFF0, s29;
	s8 =	sadd.s32 s4, s8;
	s31 =	spop (v2sf)  }
0xb3: {  	[tilespmem:s12], [sflag:$0x1] =	stream.linear.gather [hbm4b:s8+s26], $0x80, $0x38;
	[tilespmem:$0x1D400] =	vst v63  }
0xb4: {  	s7 =	sadd.s32 s4, s30;
	s3 =	sand.u32 $0x1FFFFFF0, s31;
	s5 =	spop (v2sf)  }
0xb5: {  	[tilespmem:s14], [sflag:$0x1] =	stream.linear.gather [hbm4b:s7+s26], $0x80, $0x38;
	[tilespmem:$0x1D400] =	vst v63  }
0xb6: {  	s12 =	sand.u32 $0x1FFFFFF0, s5;
	s13 =	spop (v2sf);
	s8 =	sadd.s32 s4, s3  }
0xb7: {  	[tilespmem:s9], [sflag:$0x1] =	stream.linear.gather [hbm4b:s8+s26], $0x80, $0x38;
	[tilespmem:$0x1D400] =	vst v63  }
0xb8: {  	s15 =	spop (v2sf);
	s7 =	sadd.s32 s4, s12;
	s14 =	sand.u32 $0x1FFFFFF0, s13  }
0xb9: {  	[tilespmem:s1], [sflag:$0x1] =	stream.linear.gather [hbm4b:s7+s26], $0x80, $0x38;
	[tilespmem:$0x1D400] =	vst v63  }
0xba: {  	s17 =	sand.u32 $0x1FFFFFF0, s15;
	s16 =	sadd.s32 s4, s14;
	s18 =	spop (v2sf)  }
0xbb: {  	[tilespmem:s10], [sflag:$0x1] =	stream.linear.gather [hbm4b:s16+s26], $0x80, $0x38;
	[tilespmem:$0x1D400] =	vst v63  }
0xbc: {  	s20 =	sadd.s32 s4, s17;
	s21 =	sand.u32 $0x1FFFFFF0, s18;
	s22 =	spop (v2sf)  }
0xbd: {  	[tilespmem:s19], [sflag:$0x1] =	stream.linear.gather [hbm4b:s20+s26], $0x80, $0x38;
	[tilespmem:$0x1D400] =	vst v63  }
0xbe: {  	s23 =	sadd.s32 s4, s21;
	s24 =	sand.u32 $0x1FFFFFF0, s22;
	s25 =	spop (v2sf)  }
0xbf: {  	[tilespmem:s6], [sflag:$0x1] =	stream.linear.gather [hbm4b:s23+s26], $0x80, $0x38;
	[tilespmem:$0x1D400] =	vst v63  }
0xc0: {  	s28 =	sadd.s32 $0x3B00, s0;
	s29 =	sadd.s32 s4, s24;
	s30 =	sand.u32 $0x1FFFFFF0, s25  }
0xc1: {  	[tilespmem:s28], [sflag:$0x1] =	stream.linear.gather [hbm4b:s29+s26], $0x80, $0x38;
	[tilespmem:$0x1D400] =	vst v63  }
0xc2: {  	s0 =	sadd.s32 $0x3B80, s0;
	s31 =	sadd.s32 s4, s30  }
0xc3: {  	[tilespmem:s0], [sflag:$0x1] =	stream.linear.gather [hbm4b:s31+s26], $0x80, $0x38;
	[tilespmem:$0x1D400] =	vst v63  }
.LBB2_4:
0xc4: {  	p0 =	seq.s32 s26, $0x0  }
0xc5: {  	s0 =	simm.s32 @!p0 $0x3  }
0xc6: {  	s28 =	smul.u32 @!p0 $0x340, s26;
	_ =	swait.ge @!p0 [sflag:s0], $0x6800  }
0xc7: {  	s1 =	rddreg [dreg:$0x6]  }
0xc8: {  	p2 =	por $0x1, $0x1;
	[sflag:s0] =	ssyncset.done @!p0 $0x0;
	s1 =	sadd.s32 @!p0 s28, s1  }
0xc9: {  	[sflag:s0] =	ssyncadd.s32 @!p0 $0xFFFF9800;
	s0 =	sshll.u32 @!p0 s1, $0x4;
	s1 =	rddreg [dreg:$0x4]  }
0xca: {  	s30 =	simm.s32 @!p0 $0x0;
	s0 =	sadd.s32 @!p0 s1, s0;
	s1 =	simm.s32 @!p0 $0x10400  }
0xcb: {  	[hbm4b:s0+s30] =	stream.linear.scatter @!p0 [tilespmem:s1], [sflag:$0x7], $0x6800, $0x38;
	[tilespmem:$0x1D400] =	vst v63  }
.Ltmp3:
0xcc: {  	s6 =	sadd.s32 @!p0 $0xD0, s28;
	(pc) =	sbr.rel @!p2 .LBB2_5-.Ltmp3, $4  }
0xcd: {  	s6 =	simm.s32 @p0 $0xD0;
	s1 =	simm.s32 @!p0 $0x6  }
0xce: {  	s0 =	sshll.u32 s6, $0x2;
	_ =	swait.ge @!p0 [sflag:s1], $0x6800  }
0xcf: {  	s31 =	simm.s32 $0x2000;
	s29 =	sand.u32 $0x7FFFFE00, s0;
	[sflag:s1] =	ssyncset.done @!p0 $0x0  }
0xd0: {  	p1 =	por $0x0, $0x0;
	s20 =	sshrl.u32 s29, $0x2;
	[sflag:s1] =	ssyncadd.s32 @!p0 $0xFFFF9800  }
0xd1: {  	s1 =	sand.u32 $0x70, s6  }
0xd2: {  	s1 =	sor.u32 s1, s20  }
0xd3: {  	v0 =	vld [tilespmem:s1+$0x0];
	_ =	sdelay $0x4  }
0xd4: {  	v0 =	vshll.u32 v0, $0x4  }
0xd5: {  	(v2sf) =	vpush v0, $0x0;
	_ =	sdelay $0x1  }
0xd6: {  	(v2sf) =	vpush v0, $0x1;
	_ =	sdelay $0x1  }
0xd7: {  	(v2sf) =	vpush v0, $0x2;
	_ =	sdelay $0x1  }
0xd8: {  	(v2sf) =	vpush v0, $0x3;
	_ =	sdelay $0x1  }
0xd9: {  	(v2sf) =	vpush v0, $0x4;
	_ =	sdelay $0x1  }
0xda: {  	(v2sf) =	vpush v0, $0x5  }
0xdb: {  	(v2sf) =	vpush v0, $0x6;
	_ =	sdelay $0x1  }
0xdc: {  	(v2sf) =	vpush v0, $0x7  }
0xdd: {  	p2 =	por $0x1, $0x1;
	s18 =	simm.s32 $0x0  }
0xde: {  	s8 =	simm.s32 $0x9C80;
	s12 =	simm.s32 $0x9F00;
	s10 =	spop (v2sf);
	(v2sf) =	vpush v0, $0x8  }
0xdf: {  	s13 =	simm.s32 $0x9F80;
	s9 =	simm.s32 $0x9C00;
	s11 =	simm.s32 $0x9E00  }
0xe0: {  	s16 =	simm.s32 $0x9D00;
	s19 =	simm.s32 $0x9D80;
	s14 =	spop (v2sf);
	(v2sf) =	vpush v0, $0x9  }
0xe1: {  	s23 =	simm.s32 $0x9E80;
	s29 =	sadd.s32 $0x10, s6;
	s10 =	sand.u32 $0x1FFFFFF0, s10  }
0xe2: {  	s1 =	sadd.s32 $0x40, s0;
	s15 =	spop (v2sf);
	s10 =	sadd.s32 s4, s10;
	(v2sf) =	vpush v0, $0xA  }
0xe3: {  	[tilespmem:s9], [sflag:$0x2] =	stream.linear.gather [hbm4b:s10+s2], $0x80, $0x38;
	[tilespmem:$0x1D400] =	vst v63  }
0xe4: {  	p1 =	por $0x1, $0x1;
	s7 =	sand.u32 $0x7FFFFE00, s1;
	s17 =	spop (v2sf);
	(v2sf) =	vpush v0, $0xB  }
0xe5: {  	s0 =	simm.s32 $0x4000;
	s14 =	sand.u32 $0x1FFFFFF0, s14;
	s10 =	simm.s32 $0xA100  }
0xe6: {  	s15 =	sand.u32 $0x1FFFFFF0, s15;
	s14 =	sadd.s32 s4, s14;
	s21 =	spop (v2sf)  }
0xe7: {  	[tilespmem:s8], [sflag:$0x2] =	stream.linear.gather [hbm4b:s14+s2], $0x80, $0x38;
	[tilespmem:$0x1D400] =	vst v63  }
0xe8: {  	s9 =	sadd.s32 s4, s15;
	s20 =	sand.u32 $0x1FFFFFF0, s17;
	s22 =	spop (v2sf)  }
0xe9: {  	s15 =	simm.s32 $0xA000;
	s17 =	simm.s32 $0xA200;
	s25 =	spop (v2sf)  }
0xea: {  	[tilespmem:s16], [sflag:$0x2] =	stream.linear.gather [hbm4b:s9+s2], $0x80, $0x38;
	[tilespmem:$0x1D400] =	vst v63  }
0xeb: {  	s14 =	sand.u32 $0x1FFFFFF0, s21;
	s9 =	sadd.s32 s4, s20;
	s5 =	spop (v2sf)  }
0xec: {  	[tilespmem:s19], [sflag:$0x2] =	stream.linear.gather [hbm4b:s9+s2], $0x80, $0x38;
	[tilespmem:$0x1D400] =	vst v63  }
0xed: {  	s24 =	sand.u32 $0x1FFFFFF0, s22;
	s14 =	sadd.s32 s4, s14;
	s16 =	spop (v2sf);
	(v2sf) =	vpush v0, $0xC  }
0xee: {  	[tilespmem:s11], [sflag:$0x2] =	stream.linear.gather [hbm4b:s14+s2], $0x80, $0x38;
	[tilespmem:$0x1D400] =	vst v63  }
0xef: {  	s3 =	sand.u32 $0x1FFFFFF0, s25;
	s9 =	sadd.s32 s4, s24;
	s21 =	spop (v2sf);
	(v2sf) =	vpush v0, $0xD  }
0xf0: {  	[tilespmem:s23], [sflag:$0x2] =	stream.linear.gather [hbm4b:s9+s2], $0x80, $0x38;
	[tilespmem:$0x1D400] =	vst v63  }
0xf1: {  	s22 =	simm.s32 $0xA080;
	s8 =	sadd.s32 s4, s3;
	s23 =	spop (v2sf);
	(v2sf) =	vpush v0, $0xE  }
0xf2: {  	[tilespmem:s12], [sflag:$0x2] =	stream.linear.gather [hbm4b:s8+s2], $0x80, $0x38;
	[tilespmem:$0x1D400] =	vst v63  }
0xf3: {  	s20 =	sshrl.u32 s7, $0x2;
	s14 =	sand.u32 $0x1FFFFFF0, s5;
	s25 =	spop (v2sf);
	(v2sf) =	vpush v0, $0xF  }
0xf4: {  	s11 =	simm.s32 $0xA180;
	s7 =	sadd.s32 s4, s14;
	s19 =	sand.u32 $0x1FFFFFF0, s16  }
0xf5: {  	[tilespmem:s13], [sflag:$0x2] =	stream.linear.gather [hbm4b:s7+s2], $0x80, $0x38;
	[tilespmem:$0x1D400] =	vst v63  }
.Ltmp4:
0xf6: {  	s13 =	sand.u32 $0x1FFFFFF0, s21;
	s7 =	sadd.s32 s4, s19;
	(pc) =	sbr.rel @!p2 .LBB2_8-.Ltmp4, $4  }
0xf7: {  	[tilespmem:s15], [sflag:$0x2] =	stream.linear.gather [hbm4b:s7+s2], $0x80, $0x38;
	[tilespmem:$0x1D400] =	vst v63  }
0xf8: {  	s9 =	simm.s32 $0xA380;
	s13 =	sadd.s32 s4, s13;
	s24 =	sand.u32 $0x1FFFFFF0, s23  }
0xf9: {  	[tilespmem:s22], [sflag:$0x2] =	stream.linear.gather [hbm4b:s13+s2], $0x80, $0x38;
	[tilespmem:$0x1D400] =	vst v63  }
0xfa: {  	s12 =	simm.s32 $0xA280;
	s19 =	sadd.s32 s4, s24;
	s22 =	sand.u32 $0x1FFFFFF0, s25  }
.LBB2_7:
0xfb: {  	p2 =	sne.s32 s0, $0x18000  }
0xfc: {  	s7 =	sand.u32 $0x70, s29;
	s8 =	spop (v2sf);
	s13 =	smov.u32 s0  }
0xfd: {  	[tilespmem:s10], [sflag:$0x2] =	stream.linear.gather [hbm4b:s19+s2], $0x80, $0x38;
	[tilespmem:$0x1D400] =	vst v63  }
0xfe: {  	s10 =	sadd.s32 s4, s22;
	s8 =	sand.u32 $0x1FFFFFF0, s8;
	s14 =	spop (v2sf)  }
0xff: {  	[tilespmem:s11], [sflag:$0x2] =	stream.linear.gather [hbm4b:s10+s2], $0x80, $0x38;
	[tilespmem:$0x1D400] =	vst v63  }
0x100: {  	s8 =	sadd.s32 s4, s8;
	s10 =	sand.u32 $0x1FFFFFF0, s14;
	s11 =	spop (v2sf)  }
0x101: {  	[tilespmem:s17], [sflag:$0x2] =	stream.linear.gather [hbm4b:s8+s2], $0x80, $0x38;
	[tilespmem:$0x1D400] =	vst v63  }
0x102: {  	s8 =	sadd.s32 s4, s10;
	s10 =	sand.u32 $0x1FFFFFF0, s11;
	s11 =	spop (v2sf)  }
0x103: {  	[tilespmem:s12], [sflag:$0x2] =	stream.linear.gather [hbm4b:s8+s2], $0x80, $0x38;
	[tilespmem:$0x1D400] =	vst v63  }
0x104: {  	s10 =	sadd.s32 s4, s10;
	s8 =	sadd.s32 $0xA300, s18;
	s11 =	sand.u32 $0x1FFFFFF0, s11  }
0x105: {  	[tilespmem:s8], [sflag:$0x2] =	stream.linear.gather [hbm4b:s10+s2], $0x80, $0x38;
	[tilespmem:$0x1D400] =	vst v63  }
0x106: {  	s0 =	sadd.s32 $0x2000, s0;
	s7 =	sor.u32 s7, s20;
	s8 =	sadd.s32 s4, s11  }
0x107: {  	[tilespmem:s9], [sflag:$0x2] =	stream.linear.gather [hbm4b:s8+s2], $0x80, $0x38;
	[tilespmem:$0x1D400] =	vst v63  }
0x108: {  	v0 =	vld [tilespmem:s7+$0x0];
	_ =	sdelay $0x4  }
0x109: {  	v0 =	vshll.u32 v0, $0x4  }
0x10a: {  	(v2sf) =	vpush v0, $0x0  }
0x10b: {  	(v2sf) =	vpush v0, $0x1  }
0x10c: {  	(v2sf) =	vpush v0, $0x2  }
0x10d: {  	(v2sf) =	vpush v0, $0x3;
	_ =	sdelay $0x1  }
0x10e: {  	(v2sf) =	vpush v0, $0x4;
	_ =	sdelay $0x1  }
0x10f: {  	s1 =	sadd.s32 $0x40, s1;
	(v2sf) =	vpush v0, $0x5  }
0x110: {  	s18 =	sshra.s32 s31, $0x2;
	s31 =	smov.u32 s13;
	s7 =	sand.u32 $0x7FFFFE00, s1  }
0x111: {  	s22 =	sadd.s32 $0x9F00, s18;
	s19 =	sadd.s32 $0x9F80, s18;
	s8 =	sadd.s32 $0x9C80, s18;
	(v2sf) =	vpush v0, $0x6  }
0x112: {  	s13 =	sadd.s32 $0x9C00, s18;
	s14 =	sadd.s32 $0x9E00, s18;
	s10 =	sadd.s32 $0xA100, s18  }
0x113: {  	s25 =	sadd.s32 $0x9E80, s18;
	s11 =	sadd.s32 $0xA180, s18;
	s9 =	sadd.s32 $0xA380, s18;
	(v2sf) =	vpush v0, $0x7  }
0x114: {  	s23 =	sadd.s32 $0xA000, s18;
	s17 =	sadd.s32 $0xA200, s18;
	s20 =	sshrl.u32 s7, $0x2  }
0x115: {  	s12 =	sadd.s32 $0xA280, s18;
	(v2sf) =	vpush v0, $0x8  }
0x116: {  	s24 =	sadd.s32 $0xA080, s18  }
0x117: {  	s7 =	sadd.s32 $0x9D80, s18;
	s15 =	spop (v2sf);
	(v2sf) =	vpush v0, $0x9  }
0x118: {  	s29 =	sadd.s32 $0x10, s29;
	s15 =	sand.u32 $0x1FFFFFF0, s15;
	s16 =	spop (v2sf)  }
0x119: {  	s21 =	sadd.s32 $0x9D00, s18;
	s16 =	sand.u32 $0x1FFFFFF0, s16;
	s3 =	spop (v2sf);
	(v2sf) =	vpush v0, $0xA  }
0x11a: {  	s15 =	sadd.s32 s4, s15;
	s3 =	sand.u32 $0x1FFFFFF0, s3;
	s5 =	spop (v2sf)  }
0x11b: {  	[tilespmem:s13], [sflag:$0x2] =	stream.linear.gather [hbm4b:s15+s2], $0x80, $0x38;
	(v2sf) =	vpush v0, $0xB;
	[tilespmem:$0x1D400] =	vst v63  }
0x11c: {  	s13 =	sadd.s32 s4, s16;
	s5 =	sand.u32 $0x1FFFFFF0, s5;
	s15 =	spop (v2sf)  }
0x11d: {  	[tilespmem:s8], [sflag:$0x2] =	stream.linear.gather [hbm4b:s13+s2], $0x80, $0x38;
	[tilespmem:$0x1D400] =	vst v63  }
0x11e: {  	s3 =	sadd.s32 s4, s3;
	s8 =	sand.u32 $0x1FFFFFF0, s15;
	s13 =	spop (v2sf)  }
0x11f: {  	[tilespmem:s21], [sflag:$0x2] =	stream.linear.gather [hbm4b:s3+s2], $0x80, $0x38;
	(v2sf) =	vpush v0, $0xC;
	[tilespmem:$0x1D400] =	vst v63  }
0x120: {  	s3 =	sadd.s32 s4, s5;
	s5 =	sand.u32 $0x1FFFFFF0, s13;
	s13 =	spop (v2sf)  }
0x121: {  	[tilespmem:s7], [sflag:$0x2] =	stream.linear.gather [hbm4b:s3+s2], $0x80, $0x38;
	(v2sf) =	vpush v0, $0xD;
	[tilespmem:$0x1D400] =	vst v63  }
0x122: {  	s3 =	sadd.s32 s4, s8;
	s7 =	sand.u32 $0x1FFFFFF0, s13;
	s8 =	spop (v2sf)  }
0x123: {  	[tilespmem:s14], [sflag:$0x2] =	stream.linear.gather [hbm4b:s3+s2], $0x80, $0x38;
	(v2sf) =	vpush v0, $0xE;
	[tilespmem:$0x1D400] =	vst v63  }
0x124: {  	s3 =	sadd.s32 s4, s5;
	s5 =	sand.u32 $0x1FFFFFF0, s8;
	s8 =	spop (v2sf)  }
0x125: {  	[tilespmem:s25], [sflag:$0x2] =	stream.linear.gather [hbm4b:s3+s2], $0x80, $0x38;
	(v2sf) =	vpush v0, $0xF;
	[tilespmem:$0x1D400] =	vst v63  }
0x126: {  	s3 =	sadd.s32 s4, s7;
	s7 =	sand.u32 $0x1FFFFFF0, s8;
	s8 =	spop (v2sf)  }
0x127: {  	[tilespmem:s22], [sflag:$0x2] =	stream.linear.gather [hbm4b:s3+s2], $0x80, $0x38;
	[tilespmem:$0x1D400] =	vst v63  }
0x128: {  	s3 =	sadd.s32 s4, s5;
	s5 =	sand.u32 $0x1FFFFFF0, s8;
	s8 =	spop (v2sf)  }
0x129: {  	[tilespmem:s19], [sflag:$0x2] =	stream.linear.gather [hbm4b:s3+s2], $0x80, $0x38;
	[tilespmem:$0x1D400] =	vst v63  }
.Ltmp5:
0x12a: {  	_ = 	snop;
	(pc) =	sbr.rel @p2 .LBB2_7-.Ltmp5, $4  }
0x12b: {  	s3 =	sadd.s32 s4, s7;
	s7 =	sand.u32 $0x1FFFFFF0, s8;
	s8 =	spop (v2sf)  }
0x12c: {  	[tilespmem:s23], [sflag:$0x2] =	stream.linear.gather [hbm4b:s3+s2], $0x80, $0x38;
	[tilespmem:$0x1D400] =	vst v63  }
0x12d: {  	s19 =	sadd.s32 s4, s7;
	s3 =	sadd.s32 s4, s5;
	s22 =	sand.u32 $0x1FFFFFF0, s8  }
0x12e: {  	[tilespmem:s24], [sflag:$0x2] =	stream.linear.gather [hbm4b:s3+s2], $0x80, $0x38;
	[tilespmem:$0x1D400] =	vst v63  }
.LBB2_8:
0x12f: {  	[tilespmem:s10], [sflag:$0x2] =	stream.linear.gather @p1 [hbm4b:s19+s2], $0x80, $0x38;
	[tilespmem:$0x1D400] =	vst v63  }
0x130: {  	s3 =	sadd.s32 @p1 s4, s22;
	s1 =	spop @p1 (v2sf)  }
0x131: {  	[tilespmem:s11], [sflag:$0x2] =	stream.linear.gather @p1 [hbm4b:s3+s2], $0x80, $0x38;
	[tilespmem:$0x1D400] =	vst v63  }
0x132: {  	s1 =	sand.u32 @p1 $0x1FFFFFF0, s1;
	s5 =	spop @p1 (v2sf)  }
0x133: {  	s1 =	sadd.s32 @p1 s4, s1;
	s3 =	sand.u32 @p1 $0x1FFFFFF0, s5  }
0x134: {  	[tilespmem:s17], [sflag:$0x2] =	stream.linear.gather @p1 [hbm4b:s1+s2], $0x80, $0x38;
	[tilespmem:$0x1D400] =	vst v63  }
0x135: {  	s5 =	spop @p1 (v2sf);
	s1 =	sadd.s32 @p1 s4, s3  }
0x136: {  	[tilespmem:s12], [sflag:$0x2] =	stream.linear.gather @p1 [hbm4b:s1+s2], $0x80, $0x38;
	[tilespmem:$0x1D400] =	vst v63  }
0x137: {  	s0 =	sand.u32 $0x70, s29;
	s3 =	sand.u32 @p1 $0x1FFFFFF0, s5;
	s5 =	spop @p1 (v2sf)  }
0x138: {  	s1 =	sadd.s32 @p1 $0xA300, s18;
	s3 =	sadd.s32 @p1 s4, s3;
	s5 =	sand.u32 @p1 $0x1FFFFFF0, s5  }
0x139: {  	[tilespmem:s1], [sflag:$0x2] =	stream.linear.gather @p1 [hbm4b:s3+s2], $0x80, $0x38;
	[tilespmem:$0x1D400] =	vst v63  }
0x13a: {  	s0 =	sor.u32 s0, s20;
	s1 =	sadd.s32 @p1 s4, s5  }
0x13b: {  	[tilespmem:s9], [sflag:$0x2] =	stream.linear.gather @p1 [hbm4b:s1+s2], $0x80, $0x38;
	[tilespmem:$0x1D400] =	vst v63  }
0x13c: {  	v0 =	vld [tilespmem:s0+$0x0];
	_ =	sdelay $0x4  }
0x13d: {  	v0 =	vshll.u32 v0, $0x4  }
0x13e: {  	(v2sf) =	vpush v0, $0x0;
	_ =	sdelay $0x1  }
0x13f: {  	(v2sf) =	vpush v0, $0x1;
	_ =	sdelay $0x1  }
0x140: {  	(v2sf) =	vpush v0, $0x2  }
0x141: {  	(v2sf) =	vpush v0, $0x3;
	_ =	sdelay $0x1  }
0x142: {  	(v2sf) =	vpush v0, $0x4;
	_ =	sdelay $0x1  }
0x143: {  	(v2sf) =	vpush v0, $0x5;
	_ =	sdelay $0x1  }
0x144: {  	s0 =	sshra.s32 s31, $0x2;
	(v2sf) =	vpush v0, $0x6  }
0x145: {  	s23 =	sadd.s32 $0x9C80, s0;
	s5 =	sadd.s32 $0x9F00, s0  }
0x146: {  	s7 =	sadd.s32 $0x9F80, s0;
	s8 =	sadd.s32 $0x9C00, s0;
	s24 =	sadd.s32 $0x9E00, s0;
	(v2sf) =	vpush v0, $0x7  }
0x147: {  	s9 =	sadd.s32 $0xA100, s0;
	s25 =	sadd.s32 $0x9E80, s0;
	s1 =	sadd.s32 $0xA180, s0  }
0x148: {  	s16 =	sadd.s32 $0x9D00, s0;
	s18 =	sadd.s32 $0x9D80, s0;
	s14 =	spop (v2sf);
	(v2sf) =	vpush v0, $0x8  }
0x149: {  	s3 =	sadd.s32 $0xA280, s0;
	s10 =	sadd.s32 $0xA080, s0;
	s12 =	sand.u32 $0x1FFFFFF0, s14  }
0x14a: {  	s13 =	spop (v2sf);
	s14 =	sadd.s32 $0xA000, s0;
	(v2sf) =	vpush v0, $0x9;
	s12 =	sadd.s32 s4, s12  }
0x14b: {  	[tilespmem:s8], [sflag:$0x2] =	stream.linear.gather [hbm4b:s12+s2], $0x80, $0x38;
	[tilespmem:$0x1D400] =	vst v63  }
0x14c: {  	s13 =	sand.u32 $0x1FFFFFF0, s13;
	s15 =	spop (v2sf);
	(v2sf) =	vpush v0, $0xA;
	s8 =	sadd.s32 $0xA200, s0  }
0x14d: {  	s13 =	sadd.s32 s4, s13;
	s12 =	sand.u32 $0x1FFFFFF0, s15;
	s17 =	spop (v2sf)  }
0x14e: {  	(v2sf) =	vpush v0, $0xB;
	[tilespmem:s23], [sflag:$0x2] =	stream.linear.gather [hbm4b:s13+s2], $0x80, $0x38;
	[tilespmem:$0x1D400] =	vst v63  }
0x14f: {  	s15 =	spop (v2sf);
	s12 =	sadd.s32 s4, s12;
	s13 =	sand.u32 $0x1FFFFFF0, s17  }
0x150: {  	(v2sf) =	vpush v0, $0xC;
	[tilespmem:s16], [sflag:$0x2] =	stream.linear.gather [hbm4b:s12+s2], $0x80, $0x38;
	[tilespmem:$0x1D400] =	vst v63  }
0x151: {  	s19 =	sand.u32 $0x1FFFFFF0, s15;
	s20 =	spop (v2sf);
	s13 =	sadd.s32 s4, s13  }
0x152: {  	(v2sf) =	vpush v0, $0xD;
	[tilespmem:s18], [sflag:$0x2] =	stream.linear.gather [hbm4b:s13+s2], $0x80, $0x38;
	[tilespmem:$0x1D400] =	vst v63  }
0x153: {  	s21 =	sand.u32 $0x1FFFFFF0, s20;
	s22 =	spop (v2sf);
	s12 =	sadd.s32 s4, s19  }
0x154: {  	(v2sf) =	vpush v0, $0xE;
	[tilespmem:s24], [sflag:$0x2] =	stream.linear.gather [hbm4b:s12+s2], $0x80, $0x38;
	[tilespmem:$0x1D400] =	vst v63  }
0x155: {  	s23 =	spop (v2sf);
	s13 =	sand.u32 $0x1FFFFFF0, s22;
	s12 =	sadd.s32 s4, s21  }
0x156: {  	(v2sf) =	vpush v0, $0xF;
	[tilespmem:s25], [sflag:$0x2] =	stream.linear.gather [hbm4b:s12+s2], $0x80, $0x38;
	[tilespmem:$0x1D400] =	vst v63  }
0x157: {  	s13 =	sadd.s32 s4, s13;
	s24 =	sand.u32 $0x1FFFFFF0, s23;
	s25 =	spop (v2sf)  }
0x158: {  	[tilespmem:s5], [sflag:$0x2] =	stream.linear.gather [hbm4b:s13+s2], $0x80, $0x38;
	[tilespmem:$0x1D400] =	vst v63  }
0x159: {  	s11 =	sadd.s32 s4, s24;
	s15 =	sand.u32 $0x1FFFFFF0, s25;
	s16 =	spop (v2sf)  }
0x15a: {  	[tilespmem:s7], [sflag:$0x2] =	stream.linear.gather [hbm4b:s11+s2], $0x80, $0x38;
	[tilespmem:$0x1D400] =	vst v63  }
0x15b: {  	s17 =	sand.u32 $0x1FFFFFF0, s16;
	s18 =	spop (v2sf);
	s5 =	sadd.s32 s4, s15  }
0x15c: {  	[tilespmem:s14], [sflag:$0x2] =	stream.linear.gather [hbm4b:s5+s2], $0x80, $0x38;
	[tilespmem:$0x1D400] =	vst v63  }
0x15d: {  	s19 =	sand.u32 $0x1FFFFFF0, s18;
	s20 =	spop (v2sf);
	s7 =	sadd.s32 s4, s17  }
0x15e: {  	[tilespmem:s10], [sflag:$0x2] =	stream.linear.gather [hbm4b:s7+s2], $0x80, $0x38;
	[tilespmem:$0x1D400] =	vst v63  }
0x15f: {  	s5 =	sadd.s32 s4, s19;
	s21 =	sand.u32 $0x1FFFFFF0, s20;
	s22 =	spop (v2sf)  }
0x160: {  	[tilespmem:s9], [sflag:$0x2] =	stream.linear.gather [hbm4b:s5+s2], $0x80, $0x38;
	[tilespmem:$0x1D400] =	vst v63  }
0x161: {  	s23 =	sadd.s32 s4, s21;
	s24 =	sand.u32 $0x1FFFFFF0, s22;
	s25 =	spop (v2sf)  }
0x162: {  	[tilespmem:s1], [sflag:$0x2] =	stream.linear.gather [hbm4b:s23+s2], $0x80, $0x38;
	[tilespmem:$0x1D400] =	vst v63  }
0x163: {  	s7 =	sand.u32 $0x1FFFFFF0, s25;
	s5 =	sadd.s32 s4, s24;
	s9 =	spop (v2sf)  }
0x164: {  	[tilespmem:s8], [sflag:$0x2] =	stream.linear.gather [hbm4b:s5+s2], $0x80, $0x38;
	[tilespmem:$0x1D400] =	vst v63  }
0x165: {  	s10 =	sadd.s32 s4, s7;
	s11 =	sand.u32 $0x1FFFFFF0, s9;
	s12 =	spop (v2sf)  }
0x166: {  	[tilespmem:s3], [sflag:$0x2] =	stream.linear.gather [hbm4b:s10+s2], $0x80, $0x38;
	[tilespmem:$0x1D400] =	vst v63  }
0x167: {  	s13 =	sadd.s32 $0xA300, s0;
	s14 =	sadd.s32 s4, s11;
	s15 =	sand.u32 $0x1FFFFFF0, s12  }
0x168: {  	[tilespmem:s13], [sflag:$0x2] =	stream.linear.gather [hbm4b:s14+s2], $0x80, $0x38;
	[tilespmem:$0x1D400] =	vst v63  }
0x169: {  	s0 =	sadd.s32 $0xA380, s0;
	s16 =	sadd.s32 s4, s15  }
0x16a: {  	[tilespmem:s0], [sflag:$0x2] =	stream.linear.gather [hbm4b:s16+s2], $0x80, $0x38;
	[tilespmem:$0x1D400] =	vst v63  }
0x16b: {  	s0 =	simm.s32 @!p0 $0x4  }
0x16c: {  	_ =	swait.ge @!p0 [sflag:s0], $0x6800  }
0x16d: {  	s1 =	rddreg [dreg:$0x7]  }
0x16e: {  	[sflag:s0] =	ssyncset.done @!p0 $0x0;
	s1 =	sadd.s32 @!p0 s28, s1  }
0x16f: {  	[sflag:s0] =	ssyncadd.s32 @!p0 $0xFFFF9800;
	s0 =	rddreg [dreg:$0x4];
	s1 =	sshll.u32 @!p0 s1, $0x4  }
0x170: {  	s28 =	simm.s32 @p0 $0x0;
	s0 =	sadd.s32 @!p0 s0, s1;
	s1 =	simm.s32 @!p0 $0x16C00  }
0x171: {  	[hbm4b:s0+s30] =	stream.linear.scatter @!p0 [tilespmem:s1], [sflag:$0x8], $0x6800, $0x38;
	[tilespmem:$0x1D400] =	vst v63  }
0x172: {  	s30 =	sshll.u32 s28, $0x2  }
0x173: {  	s0 =	simm.s32 @!p0 $0x7;
	s17 =	sadd.s32 $0x680, s30  }
0x174: {  	s10 =	sadd.s32 $0x1A0, s28;
	_ =	swait.ge @!p0 [sflag:s0], $0x6800;
	s18 =	sand.u32 $0x3FE00, s17  }
0x175: {  	s19 =	sand.u32 $0x70, s10;
	[sflag:s0] =	ssyncset.done @!p0 $0x0;
	s3 =	sshrl.u32 s18, $0x2  }
0x176: {  	[sflag:s0] =	ssyncadd.s32 @!p0 $0xFFFF9800;
	s20 =	sor.u32 s19, s3  }
0x177: {  	v63 =	vld [tilespmem:s20+$0x0];
	_ =	sdelay $0x4  }
0x178: {  	v0 =	vshll.u32 v63, $0x4  }
0x179: {  	(v2sf) =	vpush v0, $0x0  }
0x17a: {  	(v2sf) =	vpush v0, $0x1  }
0x17b: {  	(v2sf) =	vpush v0, $0x2;
	_ =	sdelay $0x5  }
0x17c: {  	(v2sf) =	vpush v0, $0x3;
	_ =	sdelay $0x1  }
0x17d: {  	(v2sf) =	vpush v0, $0x4  }
0x17e: {  	(v2sf) =	vpush v0, $0x5;
	_ =	sdelay $0x1  }
0x17f: {  	(v2sf) =	vpush v0, $0x6  }
0x180: {  	(v2sf) =	vpush v0, $0x7  }
0x181: {  	s22 =	spop (v2sf)  }
0x182: {  	s24 =	spop (v2sf);
	(v2sf) =	vpush v0, $0x8  }
0x183: {  	s25 =	spop (v2sf);
	(v2sf) =	vpush v0, $0x9  }
0x184: {  	s29 =	simm.s32 $0x10A80;
	s31 =	simm.s32 $0x2000;
	s21 =	simm.s32 $0x10480  }
0x185: {  	s7 =	simm.s32 $0x10700;
	s23 =	simm.s32 $0x10400;
	s8 =	simm.s32 $0x10780  }
0x186: {  	s14 =	simm.s32 $0x10600;
	s16 =	simm.s32 $0x10500;
	s9 =	sand.u32 $0x1FFFFFF0, s22  }
0x187: {  	s10 =	sadd.s32 $0x10, s10;
	s12 =	sand.u32 $0x1FFFFFF0, s24;
	s9 =	sadd.s32 s4, s9  }
0x188: {  	[tilespmem:s23], [sflag:$0x3] =	stream.linear.gather [hbm4b:s9+s2], $0x80, $0x38;
	[tilespmem:$0x1D400] =	vst v63  }
0x189: {  	s1 =	sadd.s32 $0x40, s17;
	s12 =	sadd.s32 s4, s12;
	s17 =	spop (v2sf);
	(v2sf) =	vpush v0, $0xA  }
0x18a: {  	[tilespmem:s21], [sflag:$0x3] =	stream.linear.gather [hbm4b:s12+s2], $0x80, $0x38;
	[tilespmem:$0x1D400] =	vst v63  }
0x18b: {  	s0 =	simm.s32 $0x4000;
	s15 =	sand.u32 $0x1FFFFFF0, s25;
	s21 =	spop (v2sf)  }
0x18c: {  	s18 =	simm.s32 $0x0;
	s11 =	sadd.s32 s4, s15;
	s22 =	spop (v2sf)  }
0x18d: {  	[tilespmem:s16], [sflag:$0x3] =	stream.linear.gather [hbm4b:s11+s2], $0x80, $0x38;
	[tilespmem:$0x1D400] =	vst v63  }
0x18e: {  	s3 =	sand.u32 $0x3FE00, s1;
	s20 =	sand.u32 $0x1FFFFFF0, s17;
	(v2sf) =	vpush v0, $0xB;
	s25 =	spop (v2sf)  }
0x18f: {  	s19 =	simm.s32 $0x10580;
	s11 =	sadd.s32 s4, s20;
	s15 =	spop (v2sf)  }
0x190: {  	[tilespmem:s19], [sflag:$0x3] =	stream.linear.gather [hbm4b:s11+s2], $0x80, $0x38;
	[tilespmem:$0x1D400] =	vst v63  }
0x191: {  	s24 =	simm.s32 $0x10680;
	s12 =	sand.u32 $0x1FFFFFF0, s21;
	s16 =	spop (v2sf)  }
0x192: {  	s23 =	sand.u32 $0x1FFFFFF0, s22;
	s12 =	sadd.s32 s4, s12;
	s21 =	spop (v2sf);
	(v2sf) =	vpush v0, $0xC  }
0x193: {  	[tilespmem:s14], [sflag:$0x3] =	stream.linear.gather [hbm4b:s12+s2], $0x80, $0x38;
	[tilespmem:$0x1D400] =	vst v63  }
0x194: {  	s9 =	simm.s32 $0x10B80;
	s5 =	sadd.s32 s4, s23;
	s14 =	sand.u32 $0x1FFFFFF0, s25;
	(v2sf) =	vpush v0, $0xD  }
0x195: {  	[tilespmem:s24], [sflag:$0x3] =	stream.linear.gather [hbm4b:s5+s2], $0x80, $0x38;
	[tilespmem:$0x1D400] =	vst v63  }
0x196: {  	s20 =	sshrl.u32 s3, $0x2;
	s13 =	sand.u32 $0x1FFFFFF0, s15;
	s5 =	sadd.s32 s4, s14;
	(v2sf) =	vpush v0, $0xE  }
0x197: {  	[tilespmem:s7], [sflag:$0x3] =	stream.linear.gather [hbm4b:s5+s2], $0x80, $0x38;
	[tilespmem:$0x1D400] =	vst v63  }
0x198: {  	s22 =	simm.s32 $0x10880;
	s17 =	sadd.s32 s4, s13;
	s23 =	spop (v2sf);
	(v2sf) =	vpush v0, $0xF  }
0x199: {  	[tilespmem:s8], [sflag:$0x3] =	stream.linear.gather [hbm4b:s17+s2], $0x80, $0x38;
	[tilespmem:$0x1D400] =	vst v63  }
0x19a: {  	s11 =	simm.s32 $0x10900;
	s19 =	simm.s32 $0x10800;
	s3 =	sand.u32 $0x1FFFFFF0, s16  }
0x19b: {  	s12 =	simm.s32 $0x10980;
	s7 =	sand.u32 $0x1FFFFFF0, s21;
	s3 =	sadd.s32 s4, s3  }
0x19c: {  	[tilespmem:s19], [sflag:$0x3] =	stream.linear.gather [hbm4b:s3+s2], $0x80, $0x38;
	[tilespmem:$0x1D400] =	vst v63  }
0x19d: {  	s7 =	sadd.s32 s4, s7;
	s24 =	sand.u32 $0x1FFFFFF0, s23;
	s25 =	spop (v2sf)  }
0x19e: {  	[tilespmem:s22], [sflag:$0x3] =	stream.linear.gather [hbm4b:s7+s2], $0x80, $0x38;
	[tilespmem:$0x1D400] =	vst v63  }
0x19f: {  	s17 =	simm.s32 $0x10A00;
	s22 =	sadd.s32 s4, s24;
	s19 =	sand.u32 $0x1FFFFFF0, s25  }
.LBB2_9:
0x1a0: {  	p1 =	sne.s32 s0, $0x18000  }
0x1a1: {  	s3 =	sand.u32 $0x70, s10;
	s5 =	spop (v2sf);
	s7 =	smov.u32 s0  }
0x1a2: {  	[tilespmem:s11], [sflag:$0x3] =	stream.linear.gather [hbm4b:s22+s2], $0x80, $0x38;
	[tilespmem:$0x1D400] =	vst v63  }
0x1a3: {  	s8 =	sadd.s32 s4, s19;
	s5 =	sand.u32 $0x1FFFFFF0, s5;
	s11 =	spop (v2sf)  }
0x1a4: {  	[tilespmem:s12], [sflag:$0x3] =	stream.linear.gather [hbm4b:s8+s2], $0x80, $0x38;
	[tilespmem:$0x1D400] =	vst v63  }
0x1a5: {  	s5 =	sadd.s32 s4, s5;
	s8 =	sand.u32 $0x1FFFFFF0, s11;
	s11 =	spop (v2sf)  }
0x1a6: {  	[tilespmem:s17], [sflag:$0x3] =	stream.linear.gather [hbm4b:s5+s2], $0x80, $0x38;
	[tilespmem:$0x1D400] =	vst v63  }
0x1a7: {  	s5 =	sadd.s32 s4, s8;
	s8 =	sand.u32 $0x1FFFFFF0, s11;
	s11 =	spop (v2sf)  }
0x1a8: {  	[tilespmem:s29], [sflag:$0x3] =	stream.linear.gather [hbm4b:s5+s2], $0x80, $0x38;
	[tilespmem:$0x1D400] =	vst v63  }
0x1a9: {  	s8 =	sadd.s32 s4, s8;
	s5 =	sadd.s32 $0x10B00, s18;
	s11 =	sand.u32 $0x1FFFFFF0, s11  }
0x1aa: {  	[tilespmem:s5], [sflag:$0x3] =	stream.linear.gather [hbm4b:s8+s2], $0x80, $0x38;
	[tilespmem:$0x1D400] =	vst v63  }
0x1ab: {  	s0 =	sadd.s32 $0x2000, s0;
	s3 =	sor.u32 s3, s20;
	s5 =	sadd.s32 s4, s11  }
0x1ac: {  	[tilespmem:s9], [sflag:$0x3] =	stream.linear.gather [hbm4b:s5+s2], $0x80, $0x38;
	[tilespmem:$0x1D400] =	vst v63  }
0x1ad: {  	v0 =	vld [tilespmem:s3+$0x0];
	_ =	sdelay $0x4  }
0x1ae: {  	v0 =	vshll.u32 v0, $0x4  }
0x1af: {  	(v2sf) =	vpush v0, $0x0  }
0x1b0: {  	(v2sf) =	vpush v0, $0x1  }
0x1b1: {  	(v2sf) =	vpush v0, $0x2  }
0x1b2: {  	(v2sf) =	vpush v0, $0x3;
	_ =	sdelay $0x1  }
0x1b3: {  	(v2sf) =	vpush v0, $0x4;
	_ =	sdelay $0x1  }
0x1b4: {  	s1 =	sadd.s32 $0x40, s1;
	(v2sf) =	vpush v0, $0x5  }
0x1b5: {  	s18 =	sshra.s32 s31, $0x2;
	s31 =	smov.u32 s7;
	s3 =	sand.u32 $0x3FE00, s1  }
0x1b6: {  	s22 =	sadd.s32 $0x10700, s18;
	s19 =	sadd.s32 $0x10780, s18;
	s5 =	sadd.s32 $0x10480, s18;
	(v2sf) =	vpush v0, $0x6  }
0x1b7: {  	s7 =	sadd.s32 $0x10400, s18;
	s8 =	sadd.s32 $0x10600, s18;
	s11 =	sadd.s32 $0x10900, s18  }
0x1b8: {  	s25 =	sadd.s32 $0x10680, s18;
	s12 =	sadd.s32 $0x10980, s18;
	s9 =	sadd.s32 $0x10B80, s18;
	(v2sf) =	vpush v0, $0x7  }
0x1b9: {  	s23 =	sadd.s32 $0x10800, s18;
	s17 =	sadd.s32 $0x10A00, s18;
	s20 =	sshrl.u32 s3, $0x2  }
0x1ba: {  	s29 =	sadd.s32 $0x10A80, s18;
	(v2sf) =	vpush v0, $0x8  }
0x1bb: {  	s24 =	sadd.s32 $0x10880, s18  }
0x1bc: {  	s3 =	sadd.s32 $0x10580, s18;
	s13 =	spop (v2sf);
	(v2sf) =	vpush v0, $0x9  }
0x1bd: {  	s10 =	sadd.s32 $0x10, s10;
	s13 =	sand.u32 $0x1FFFFFF0, s13;
	s14 =	spop (v2sf)  }
0x1be: {  	s15 =	sadd.s32 $0x10500, s18;
	s14 =	sand.u32 $0x1FFFFFF0, s14;
	s16 =	spop (v2sf);
	(v2sf) =	vpush v0, $0xA  }
0x1bf: {  	s13 =	sadd.s32 s4, s13;
	s16 =	sand.u32 $0x1FFFFFF0, s16;
	s21 =	spop (v2sf)  }
0x1c0: {  	[tilespmem:s7], [sflag:$0x3] =	stream.linear.gather [hbm4b:s13+s2], $0x80, $0x38;
	(v2sf) =	vpush v0, $0xB;
	[tilespmem:$0x1D400] =	vst v63  }
0x1c1: {  	s7 =	sadd.s32 s4, s14;
	s13 =	sand.u32 $0x1FFFFFF0, s21;
	s14 =	spop (v2sf)  }
0x1c2: {  	[tilespmem:s5], [sflag:$0x3] =	stream.linear.gather [hbm4b:s7+s2], $0x80, $0x38;
	[tilespmem:$0x1D400] =	vst v63  }
0x1c3: {  	s5 =	sadd.s32 s4, s16;
	s7 =	sand.u32 $0x1FFFFFF0, s14;
	s14 =	spop (v2sf)  }
0x1c4: {  	[tilespmem:s15], [sflag:$0x3] =	stream.linear.gather [hbm4b:s5+s2], $0x80, $0x38;
	(v2sf) =	vpush v0, $0xC;
	[tilespmem:$0x1D400] =	vst v63  }
0x1c5: {  	s5 =	sadd.s32 s4, s13;
	s13 =	sand.u32 $0x1FFFFFF0, s14;
	s14 =	spop (v2sf)  }
0x1c6: {  	[tilespmem:s3], [sflag:$0x3] =	stream.linear.gather [hbm4b:s5+s2], $0x80, $0x38;
	(v2sf) =	vpush v0, $0xD;
	[tilespmem:$0x1D400] =	vst v63  }
0x1c7: {  	s3 =	sadd.s32 s4, s7;
	s5 =	sand.u32 $0x1FFFFFF0, s14;
	s7 =	spop (v2sf)  }
0x1c8: {  	[tilespmem:s8], [sflag:$0x3] =	stream.linear.gather [hbm4b:s3+s2], $0x80, $0x38;
	(v2sf) =	vpush v0, $0xE;
	[tilespmem:$0x1D400] =	vst v63  }
0x1c9: {  	s3 =	sadd.s32 s4, s13;
	s7 =	sand.u32 $0x1FFFFFF0, s7;
	s8 =	spop (v2sf)  }
0x1ca: {  	[tilespmem:s25], [sflag:$0x3] =	stream.linear.gather [hbm4b:s3+s2], $0x80, $0x38;
	(v2sf) =	vpush v0, $0xF;
	[tilespmem:$0x1D400] =	vst v63  }
0x1cb: {  	s3 =	sadd.s32 s4, s5;
	s5 =	sand.u32 $0x1FFFFFF0, s8;
	s8 =	spop (v2sf)  }
0x1cc: {  	[tilespmem:s22], [sflag:$0x3] =	stream.linear.gather [hbm4b:s3+s2], $0x80, $0x38;
	[tilespmem:$0x1D400] =	vst v63  }
0x1cd: {  	s3 =	sadd.s32 s4, s7;
	s7 =	sand.u32 $0x1FFFFFF0, s8;
	s8 =	spop (v2sf)  }
0x1ce: {  	[tilespmem:s19], [sflag:$0x3] =	stream.linear.gather [hbm4b:s3+s2], $0x80, $0x38;
	[tilespmem:$0x1D400] =	vst v63  }
.Ltmp6:
0x1cf: {  	_ = 	snop;
	(pc) =	sbr.rel @p1 .LBB2_9-.Ltmp6, $4  }
0x1d0: {  	s3 =	sadd.s32 s4, s5;
	s5 =	sand.u32 $0x1FFFFFF0, s8;
	s8 =	spop (v2sf)  }
0x1d1: {  	[tilespmem:s23], [sflag:$0x3] =	stream.linear.gather [hbm4b:s3+s2], $0x80, $0x38;
	[tilespmem:$0x1D400] =	vst v63  }
0x1d2: {  	s22 =	sadd.s32 s4, s5;
	s3 =	sadd.s32 s4, s7;
	s19 =	sand.u32 $0x1FFFFFF0, s8  }
0x1d3: {  	[tilespmem:s24], [sflag:$0x3] =	stream.linear.gather [hbm4b:s3+s2], $0x80, $0x38;
	[tilespmem:$0x1D400] =	vst v63  }
0x1d4: {  	s0 =	sand.u32 $0x70, s10;
	s1 =	spop (v2sf)  }
0x1d5: {  	[tilespmem:s11], [sflag:$0x3] =	stream.linear.gather [hbm4b:s22+s2], $0x80, $0x38;
	[tilespmem:$0x1D400] =	vst v63  }
0x1d6: {  	s3 =	sadd.s32 s4, s19;
	s1 =	sand.u32 $0x1FFFFFF0, s1;
	s5 =	spop (v2sf)  }
0x1d7: {  	[tilespmem:s12], [sflag:$0x3] =	stream.linear.gather [hbm4b:s3+s2], $0x80, $0x38;
	[tilespmem:$0x1D400] =	vst v63  }
0x1d8: {  	s1 =	sadd.s32 s4, s1;
	s12 =	sand.u32 $0x1FFFFFF0, s5;
	s13 =	spop (v2sf)  }
0x1d9: {  	[tilespmem:s17], [sflag:$0x3] =	stream.linear.gather [hbm4b:s1+s2], $0x80, $0x38;
	[tilespmem:$0x1D400] =	vst v63  }
0x1da: {  	s14 =	sadd.s32 s4, s12;
	s15 =	sand.u32 $0x1FFFFFF0, s13;
	s16 =	spop (v2sf)  }
0x1db: {  	[tilespmem:s29], [sflag:$0x3] =	stream.linear.gather [hbm4b:s14+s2], $0x80, $0x38;
	[tilespmem:$0x1D400] =	vst v63  }
0x1dc: {  	s17 =	sadd.s32 $0x10B00, s18;
	s3 =	sadd.s32 s4, s15;
	s5 =	sand.u32 $0x1FFFFFF0, s16  }
0x1dd: {  	[tilespmem:s17], [sflag:$0x3] =	stream.linear.gather [hbm4b:s3+s2], $0x80, $0x38;
	[tilespmem:$0x1D400] =	vst v63  }
0x1de: {  	s0 =	sor.u32 s0, s20;
	s18 =	sadd.s32 s4, s5  }
0x1df: {  	[tilespmem:s9], [sflag:$0x3] =	stream.linear.gather [hbm4b:s18+s2], $0x80, $0x38;
	[tilespmem:$0x1D400] =	vst v63  }
0x1e0: {  	v0 =	vld [tilespmem:s0+$0x0];
	_ =	sdelay $0x4  }
0x1e1: {  	v0 =	vshll.u32 v0, $0x4  }
0x1e2: {  	(v2sf) =	vpush v0, $0x0  }
0x1e3: {  	(v2sf) =	vpush v0, $0x1  }
0x1e4: {  	(v2sf) =	vpush v0, $0x2;
	_ =	sdelay $0x1  }
0x1e5: {  	(v2sf) =	vpush v0, $0x3  }
0x1e6: {  	(v2sf) =	vpush v0, $0x4;
	_ =	sdelay $0x3  }
0x1e7: {  	(v2sf) =	vpush v0, $0x5;
	_ =	sdelay $0x1  }
0x1e8: {  	s0 =	sshra.s32 s31, $0x2;
	(v2sf) =	vpush v0, $0x6  }
0x1e9: {  	s19 =	sadd.s32 $0x10480, s0;
	s5 =	sadd.s32 $0x10700, s0  }
0x1ea: {  	s7 =	sadd.s32 $0x10780, s0;
	s8 =	sadd.s32 $0x10400, s0;
	s20 =	sadd.s32 $0x10600, s0;
	(v2sf) =	vpush v0, $0x7  }
0x1eb: {  	s9 =	sadd.s32 $0x10900, s0;
	s21 =	sadd.s32 $0x10680, s0;
	s1 =	sadd.s32 $0x10980, s0  }
0x1ec: {  	s14 =	sadd.s32 $0x10800, s0;
	s24 =	sadd.s32 $0x10500, s0;
	s22 =	spop (v2sf);
	(v2sf) =	vpush v0, $0x8  }
0x1ed: {  	s3 =	sadd.s32 $0x10A80, s0;
	s12 =	sand.u32 $0x1FFFFFF0, s22;
	s13 =	spop (v2sf)  }
0x1ee: {  	s17 =	sadd.s32 $0x10880, s0;
	(v2sf) =	vpush v0, $0x9;
	s12 =	sadd.s32 s4, s12;
	s23 =	spop (v2sf)  }
0x1ef: {  	[tilespmem:s8], [sflag:$0x3] =	stream.linear.gather [hbm4b:s12+s2], $0x80, $0x38;
	[tilespmem:$0x1D400] =	vst v63  }
0x1f0: {  	s13 =	sand.u32 $0x1FFFFFF0, s13;
	(v2sf) =	vpush v0, $0xA;
	s8 =	sadd.s32 $0x10A00, s0;
	s25 =	spop (v2sf)  }
0x1f1: {  	s13 =	sadd.s32 s4, s13;
	s12 =	sand.u32 $0x1FFFFFF0, s23;
	s15 =	spop (v2sf)  }
0x1f2: {  	(v2sf) =	vpush v0, $0xB;
	[tilespmem:s19], [sflag:$0x3] =	stream.linear.gather [hbm4b:s13+s2], $0x80, $0x38;
	[tilespmem:$0x1D400] =	vst v63  }
0x1f3: {  	s12 =	sadd.s32 s4, s12;
	s13 =	sand.u32 $0x1FFFFFF0, s25;
	s15 =	sand.u32 $0x1FFFFFF0, s15  }
0x1f4: {  	(v2sf) =	vpush v0, $0xC;
	[tilespmem:s24], [sflag:$0x3] =	stream.linear.gather [hbm4b:s12+s2], $0x80, $0x38;
	[tilespmem:$0x1D400] =	vst v63  }
0x1f5: {  	s16 =	spop (v2sf);
	s13 =	sadd.s32 s4, s13;
	s12 =	sadd.s32 $0x10580, s0  }
0x1f6: {  	(v2sf) =	vpush v0, $0xD;
	[tilespmem:s12], [sflag:$0x3] =	stream.linear.gather [hbm4b:s13+s2], $0x80, $0x38;
	[tilespmem:$0x1D400] =	vst v63  }
0x1f7: {  	s18 =	sand.u32 $0x1FFFFFF0, s16;
	s19 =	spop (v2sf);
	s12 =	sadd.s32 s4, s15  }
0x1f8: {  	(v2sf) =	vpush v0, $0xE;
	[tilespmem:s20], [sflag:$0x3] =	stream.linear.gather [hbm4b:s12+s2], $0x80, $0x38;
	[tilespmem:$0x1D400] =	vst v63  }
0x1f9: {  	s13 =	sand.u32 $0x1FFFFFF0, s19;
	s20 =	spop (v2sf);
	s12 =	sadd.s32 s4, s18  }
0x1fa: {  	(v2sf) =	vpush v0, $0xF;
	[tilespmem:s21], [sflag:$0x3] =	stream.linear.gather [hbm4b:s12+s2], $0x80, $0x38;
	[tilespmem:$0x1D400] =	vst v63  }
0x1fb: {  	s13 =	sadd.s32 s4, s13;
	s21 =	sand.u32 $0x1FFFFFF0, s20;
	s22 =	spop (v2sf)  }
0x1fc: {  	[tilespmem:s5], [sflag:$0x3] =	stream.linear.gather [hbm4b:s13+s2], $0x80, $0x38;
	[tilespmem:$0x1D400] =	vst v63  }
0x1fd: {  	s11 =	sadd.s32 s4, s21;
	s23 =	sand.u32 $0x1FFFFFF0, s22;
	s24 =	spop (v2sf)  }
0x1fe: {  	[tilespmem:s7], [sflag:$0x3] =	stream.linear.gather [hbm4b:s11+s2], $0x80, $0x38;
	[tilespmem:$0x1D400] =	vst v63  }
0x1ff: {  	s25 =	sand.u32 $0x1FFFFFF0, s24;
	s12 =	spop (v2sf);
	s5 =	sadd.s32 s4, s23  }
0x200: {  	[tilespmem:s14], [sflag:$0x3] =	stream.linear.gather [hbm4b:s5+s2], $0x80, $0x38;
	[tilespmem:$0x1D400] =	vst v63  }
0x201: {  	s13 =	sand.u32 $0x1FFFFFF0, s12;
	s7 =	sadd.s32 s4, s25;
	s14 =	spop (v2sf)  }
0x202: {  	[tilespmem:s17], [sflag:$0x3] =	stream.linear.gather [hbm4b:s7+s2], $0x80, $0x38;
	[tilespmem:$0x1D400] =	vst v63  }
0x203: {  	s5 =	sadd.s32 s4, s13;
	s15 =	sand.u32 $0x1FFFFFF0, s14;
	s16 =	spop (v2sf)  }
0x204: {  	[tilespmem:s9], [sflag:$0x3] =	stream.linear.gather [hbm4b:s5+s2], $0x80, $0x38;
	[tilespmem:$0x1D400] =	vst v63  }
0x205: {  	s17 =	sadd.s32 s4, s15;
	s18 =	sand.u32 $0x1FFFFFF0, s16;
	s19 =	spop (v2sf)  }
0x206: {  	[tilespmem:s1], [sflag:$0x3] =	stream.linear.gather [hbm4b:s17+s2], $0x80, $0x38;
	[tilespmem:$0x1D400] =	vst v63  }
0x207: {  	s20 =	sadd.s32 s4, s18;
	s21 =	sand.u32 $0x1FFFFFF0, s19;
	s22 =	spop (v2sf)  }
0x208: {  	[tilespmem:s8], [sflag:$0x3] =	stream.linear.gather [hbm4b:s20+s2], $0x80, $0x38;
	[tilespmem:$0x1D400] =	vst v63  }
0x209: {  	s23 =	sadd.s32 s4, s21;
	s24 =	sand.u32 $0x1FFFFFF0, s22;
	s25 =	spop (v2sf)  }
0x20a: {  	[tilespmem:s3], [sflag:$0x3] =	stream.linear.gather [hbm4b:s23+s2], $0x80, $0x38;
	[tilespmem:$0x1D400] =	vst v63  }
0x20b: {  	s8 =	sadd.s32 s4, s24;
	s9 =	sand.u32 $0x1FFFFFF0, s25;
	s3 =	sadd.s32 $0x10B00, s0  }
0x20c: {  	[tilespmem:s3], [sflag:$0x3] =	stream.linear.gather [hbm4b:s8+s2], $0x80, $0x38;
	[tilespmem:$0x1D400] =	vst v63  }
0x20d: {  	s11 =	simm.s32 $0x1;
	s10 =	sadd.s32 s4, s9;
	s0 =	sadd.s32 $0x10B80, s0  }
0x20e: {  	[tilespmem:s0], [sflag:$0x3] =	stream.linear.gather [hbm4b:s10+s2], $0x80, $0x38;
	[tilespmem:$0x1D400] =	vst v63  }
0x20f: {  	_ =	swait.ge [sflag:s11], $0x6800  }
0x210: {  	s12 =	rddreg [dreg:$0x3]  }
0x211: {  	s0 =	sadd.s32 s12, s28  }
0x212: {  	[sflag:s11] =	ssyncset.done $0x0;
	s13 =	rddreg [dreg:$0x4];
	s0 =	sshll.u32 s0, $0x4  }
0x213: {  	s14 =	simm.s32 $0x3400;
	[sflag:s11] =	ssyncadd.s32 $0xFFFF9800;
	s0 =	sadd.s32 s13, s0  }
0x214: {  	[hbm4b:s0+s2] =	stream.linear.scatter [tilespmem:s14], [sflag:$0x5], $0x6800, $0x38;
	[tilespmem:$0x1D400] =	vst v63  }
0x215: {  	s15 =	sadd.s32 $0x9C0, s30;
	s0 =	simm.s32 @!p0 $0x8  }
0x216: {  	s16 =	sand.u32 $0x3FE00, s15;
	s20 =	sadd.s32 $0x270, s28;
	_ =	swait.ge @!p0 [sflag:s0], $0x6800  }
0x217: {  	s17 =	sand.u32 $0x70, s20;
	s3 =	sshrl.u32 s16, $0x2;
	[sflag:s0] =	ssyncset.done @!p0 $0x0  }
0x218: {  	s18 =	sor.u32 s17, s3;
	[sflag:s0] =	ssyncadd.s32 @!p0 $0xFFFF9800  }
0x219: {  	v63 =	vld [tilespmem:s18+$0x0];
	_ =	sdelay $0x4  }
0x21a: {  	v0 =	vshll.u32 v63, $0x4  }
0x21b: {  	(v2sf) =	vpush v0, $0x0;
	_ =	sdelay $0x1  }
0x21c: {  	(v2sf) =	vpush v0, $0x1  }
0x21d: {  	(v2sf) =	vpush v0, $0x2;
	_ =	sdelay $0x1  }
0x21e: {  	(v2sf) =	vpush v0, $0x3;
	_ =	sdelay $0x1  }
0x21f: {  	(v2sf) =	vpush v0, $0x4;
	_ =	sdelay $0x3  }
0x220: {  	(v2sf) =	vpush v0, $0x5;
	_ =	sdelay $0x1  }
0x221: {  	s29 =	simm.s32 $0x17280;
	s31 =	simm.s32 $0x2000;
	s7 =	simm.s32 $0x16F00;
	(v2sf) =	vpush v0, $0x6  }
0x222: {  	s19 =	simm.s32 $0x16C80;
	s22 =	simm.s32 $0x16C00;
	s1 =	sadd.s32 $0x40, s15;
	(v2sf) =	vpush v0, $0x7  }
0x223: {  	s15 =	simm.s32 $0x16D80;
	s25 =	simm.s32 $0x16E00;
	s21 =	spop (v2sf);
	(v2sf) =	vpush v0, $0x8  }
0x224: {  	s20 =	sadd.s32 $0x10, s20;
	s8 =	simm.s32 $0x16F80;
	s3 =	sand.u32 $0x3FE00, s1  }
0x225: {  	s13 =	simm.s32 $0x16D00;
	s9 =	sand.u32 $0x1FFFFFF0, s21;
	s23 =	spop (v2sf);
	(v2sf) =	vpush v0, $0x9  }
0x226: {  	s11 =	sand.u32 $0x1FFFFFF0, s23;
	s24 =	spop (v2sf);
	s9 =	sadd.s32 s4, s9  }
0x227: {  	(v2sf) =	vpush v0, $0xA;
	[tilespmem:s22], [sflag:$0x4] =	stream.linear.gather [hbm4b:s9+s2], $0x80, $0x38;
	[tilespmem:$0x1D400] =	vst v63  }
0x228: {  	s12 =	sand.u32 $0x1FFFFFF0, s24;
	s11 =	sadd.s32 s4, s11;
	s14 =	spop (v2sf)  }
0x229: {  	[tilespmem:s19], [sflag:$0x4] =	stream.linear.gather [hbm4b:s11+s2], $0x80, $0x38;
	[tilespmem:$0x1D400] =	vst v63  }
0x22a: {  	s10 =	sadd.s32 s4, s12;
	s16 =	sand.u32 $0x1FFFFFF0, s14;
	s17 =	spop (v2sf)  }
0x22b: {  	[tilespmem:s13], [sflag:$0x4] =	stream.linear.gather [hbm4b:s10+s2], $0x80, $0x38;
	[tilespmem:$0x1D400] =	vst v63  }
0x22c: {  	s0 =	simm.s32 $0x4000;
	(v2sf) =	vpush v0, $0xB;
	s19 =	sand.u32 $0x1FFFFFF0, s17;
	s10 =	sadd.s32 s4, s16  }
0x22d: {  	[tilespmem:s15], [sflag:$0x4] =	stream.linear.gather [hbm4b:s10+s2], $0x80, $0x38;
	[tilespmem:$0x1D400] =	vst v63  }
0x22e: {  	s18 =	simm.s32 $0x0;
	s21 =	spop (v2sf);
	s23 =	sadd.s32 s4, s19  }
0x22f: {  	[tilespmem:s25], [sflag:$0x4] =	stream.linear.gather [hbm4b:s23+s2], $0x80, $0x38;
	[tilespmem:$0x1D400] =	vst v63  }
0x230: {  	s24 =	simm.s32 $0x16E80;
	s9 =	simm.s32 $0x17380;
	(v2sf) =	vpush v0, $0xC;
	s25 =	spop (v2sf)  }
0x231: {  	s12 =	simm.s32 $0x17180;
	s22 =	sand.u32 $0x1FFFFFF0, s21;
	s14 =	spop (v2sf)  }
0x232: {  	s5 =	sadd.s32 s4, s22;
	s13 =	sand.u32 $0x1FFFFFF0, s25;
	s16 =	spop (v2sf);
	(v2sf) =	vpush v0, $0xD  }
0x233: {  	[tilespmem:s24], [sflag:$0x4] =	stream.linear.gather [hbm4b:s5+s2], $0x80, $0x38;
	[tilespmem:$0x1D400] =	vst v63  }
0x234: {  	s11 =	simm.s32 $0x17100;
	s5 =	sadd.s32 s4, s13;
	s21 =	spop (v2sf);
	(v2sf) =	vpush v0, $0xE  }
0x235: {  	[tilespmem:s7], [sflag:$0x4] =	stream.linear.gather [hbm4b:s5+s2], $0x80, $0x38;
	[tilespmem:$0x1D400] =	vst v63  }
0x236: {  	s19 =	simm.s32 $0x17000;
	s15 =	sand.u32 $0x1FFFFFF0, s14;
	s23 =	spop (v2sf);
	(v2sf) =	vpush v0, $0xF  }
0x237: {  	s10 =	sshrl.u32 s3, $0x2;
	s17 =	sadd.s32 s4, s15;
	s3 =	sand.u32 $0x1FFFFFF0, s16  }
0x238: {  	[tilespmem:s8], [sflag:$0x4] =	stream.linear.gather [hbm4b:s17+s2], $0x80, $0x38;
	[tilespmem:$0x1D400] =	vst v63  }
0x239: {  	s22 =	simm.s32 $0x17080;
	s7 =	sand.u32 $0x1FFFFFF0, s21;
	s3 =	sadd.s32 s4, s3  }
0x23a: {  	[tilespmem:s19], [sflag:$0x4] =	stream.linear.gather [hbm4b:s3+s2], $0x80, $0x38;
	[tilespmem:$0x1D400] =	vst v63  }
0x23b: {  	s7 =	sadd.s32 s4, s7;
	s24 =	sand.u32 $0x1FFFFFF0, s23;
	s25 =	spop (v2sf)  }
0x23c: {  	[tilespmem:s22], [sflag:$0x4] =	stream.linear.gather [hbm4b:s7+s2], $0x80, $0x38;
	[tilespmem:$0x1D400] =	vst v63  }
0x23d: {  	s17 =	simm.s32 $0x17200;
	s19 =	sand.u32 $0x1FFFFFF0, s25;
	s22 =	sadd.s32 s4, s24  }
.LBB2_11:
0x23e: {  	p0 =	sne.s32 s0, $0x18000  }
0x23f: {  	s3 =	sand.u32 $0x70, s20;
	s5 =	spop (v2sf);
	s7 =	smov.u32 s0  }
0x240: {  	[tilespmem:s11], [sflag:$0x4] =	stream.linear.gather [hbm4b:s22+s2], $0x80, $0x38;
	[tilespmem:$0x1D400] =	vst v63  }
0x241: {  	s8 =	sadd.s32 s4, s19;
	s5 =	sand.u32 $0x1FFFFFF0, s5;
	s11 =	spop (v2sf)  }
0x242: {  	[tilespmem:s12], [sflag:$0x4] =	stream.linear.gather [hbm4b:s8+s2], $0x80, $0x38;
	[tilespmem:$0x1D400] =	vst v63  }
0x243: {  	s5 =	sadd.s32 s4, s5;
	s8 =	sand.u32 $0x1FFFFFF0, s11;
	s11 =	spop (v2sf)  }
0x244: {  	[tilespmem:s17], [sflag:$0x4] =	stream.linear.gather [hbm4b:s5+s2], $0x80, $0x38;
	[tilespmem:$0x1D400] =	vst v63  }
0x245: {  	s5 =	sadd.s32 s4, s8;
	s8 =	sand.u32 $0x1FFFFFF0, s11;
	s11 =	spop (v2sf)  }
0x246: {  	[tilespmem:s29], [sflag:$0x4] =	stream.linear.gather [hbm4b:s5+s2], $0x80, $0x38;
	[tilespmem:$0x1D400] =	vst v63  }
0x247: {  	s8 =	sadd.s32 s4, s8;
	s5 =	sadd.s32 $0x17300, s18;
	s11 =	sand.u32 $0x1FFFFFF0, s11  }
0x248: {  	[tilespmem:s5], [sflag:$0x4] =	stream.linear.gather [hbm4b:s8+s2], $0x80, $0x38;
	[tilespmem:$0x1D400] =	vst v63  }
0x249: {  	s0 =	sadd.s32 $0x2000, s0;
	s3 =	sor.u32 s3, s10;
	s5 =	sadd.s32 s4, s11  }
0x24a: {  	[tilespmem:s9], [sflag:$0x4] =	stream.linear.gather [hbm4b:s5+s2], $0x80, $0x38;
	[tilespmem:$0x1D400] =	vst v63  }
0x24b: {  	v0 =	vld [tilespmem:s3+$0x0];
	_ =	sdelay $0x4  }
0x24c: {  	v0 =	vshll.u32 v0, $0x4  }
0x24d: {  	(v2sf) =	vpush v0, $0x0  }
0x24e: {  	(v2sf) =	vpush v0, $0x1  }
0x24f: {  	(v2sf) =	vpush v0, $0x2  }
0x250: {  	(v2sf) =	vpush v0, $0x3;
	_ =	sdelay $0x1  }
0x251: {  	(v2sf) =	vpush v0, $0x4;
	_ =	sdelay $0x1  }
0x252: {  	s1 =	sadd.s32 $0x40, s1;
	(v2sf) =	vpush v0, $0x5  }
0x253: {  	s18 =	sshra.s32 s31, $0x2;
	s31 =	smov.u32 s7;
	s3 =	sand.u32 $0x3FE00, s1  }
0x254: {  	s22 =	sadd.s32 $0x16F00, s18;
	s19 =	sadd.s32 $0x16F80, s18;
	s5 =	sadd.s32 $0x16C80, s18;
	(v2sf) =	vpush v0, $0x6  }
0x255: {  	s7 =	sadd.s32 $0x16C00, s18;
	s8 =	sadd.s32 $0x16E00, s18;
	s11 =	sadd.s32 $0x17100, s18  }
0x256: {  	s25 =	sadd.s32 $0x16E80, s18;
	s12 =	sadd.s32 $0x17180, s18;
	s9 =	sadd.s32 $0x17380, s18;
	(v2sf) =	vpush v0, $0x7  }
0x257: {  	s23 =	sadd.s32 $0x17000, s18;
	s17 =	sadd.s32 $0x17200, s18;
	s10 =	sshrl.u32 s3, $0x2  }
0x258: {  	s29 =	sadd.s32 $0x17280, s18;
	(v2sf) =	vpush v0, $0x8  }
0x259: {  	s24 =	sadd.s32 $0x17080, s18  }
0x25a: {  	s3 =	sadd.s32 $0x16D80, s18;
	s13 =	spop (v2sf);
	(v2sf) =	vpush v0, $0x9  }
0x25b: {  	s20 =	sadd.s32 $0x10, s20;
	s13 =	sand.u32 $0x1FFFFFF0, s13;
	s14 =	spop (v2sf)  }
0x25c: {  	s15 =	sadd.s32 $0x16D00, s18;
	s14 =	sand.u32 $0x1FFFFFF0, s14;
	s16 =	spop (v2sf);
	(v2sf) =	vpush v0, $0xA  }
0x25d: {  	s13 =	sadd.s32 s4, s13;
	s16 =	sand.u32 $0x1FFFFFF0, s16;
	s21 =	spop (v2sf)  }
0x25e: {  	[tilespmem:s7], [sflag:$0x4] =	stream.linear.gather [hbm4b:s13+s2], $0x80, $0x38;
	(v2sf) =	vpush v0, $0xB;
	[tilespmem:$0x1D400] =	vst v63  }
0x25f: {  	s7 =	sadd.s32 s4, s14;
	s13 =	sand.u32 $0x1FFFFFF0, s21;
	s14 =	spop (v2sf)  }
0x260: {  	[tilespmem:s5], [sflag:$0x4] =	stream.linear.gather [hbm4b:s7+s2], $0x80, $0x38;
	[tilespmem:$0x1D400] =	vst v63  }
0x261: {  	s5 =	sadd.s32 s4, s16;
	s7 =	sand.u32 $0x1FFFFFF0, s14;
	s14 =	spop (v2sf)  }
0x262: {  	[tilespmem:s15], [sflag:$0x4] =	stream.linear.gather [hbm4b:s5+s2], $0x80, $0x38;
	(v2sf) =	vpush v0, $0xC;
	[tilespmem:$0x1D400] =	vst v63  }
0x263: {  	s5 =	sadd.s32 s4, s13;
	s13 =	sand.u32 $0x1FFFFFF0, s14;
	s14 =	spop (v2sf)  }
0x264: {  	[tilespmem:s3], [sflag:$0x4] =	stream.linear.gather [hbm4b:s5+s2], $0x80, $0x38;
	(v2sf) =	vpush v0, $0xD;
	[tilespmem:$0x1D400] =	vst v63  }
0x265: {  	s3 =	sadd.s32 s4, s7;
	s5 =	sand.u32 $0x1FFFFFF0, s14;
	s7 =	spop (v2sf)  }
0x266: {  	[tilespmem:s8], [sflag:$0x4] =	stream.linear.gather [hbm4b:s3+s2], $0x80, $0x38;
	(v2sf) =	vpush v0, $0xE;
	[tilespmem:$0x1D400] =	vst v63  }
0x267: {  	s3 =	sadd.s32 s4, s13;
	s7 =	sand.u32 $0x1FFFFFF0, s7;
	s8 =	spop (v2sf)  }
0x268: {  	[tilespmem:s25], [sflag:$0x4] =	stream.linear.gather [hbm4b:s3+s2], $0x80, $0x38;
	(v2sf) =	vpush v0, $0xF;
	[tilespmem:$0x1D400] =	vst v63  }
0x269: {  	s3 =	sadd.s32 s4, s5;
	s5 =	sand.u32 $0x1FFFFFF0, s8;
	s8 =	spop (v2sf)  }
0x26a: {  	[tilespmem:s22], [sflag:$0x4] =	stream.linear.gather [hbm4b:s3+s2], $0x80, $0x38;
	[tilespmem:$0x1D400] =	vst v63  }
0x26b: {  	s3 =	sadd.s32 s4, s7;
	s7 =	sand.u32 $0x1FFFFFF0, s8;
	s8 =	spop (v2sf)  }
0x26c: {  	[tilespmem:s19], [sflag:$0x4] =	stream.linear.gather [hbm4b:s3+s2], $0x80, $0x38;
	[tilespmem:$0x1D400] =	vst v63  }
.Ltmp7:
0x26d: {  	_ = 	snop;
	(pc) =	sbr.rel @p0 .LBB2_11-.Ltmp7, $4  }
0x26e: {  	s3 =	sadd.s32 s4, s5;
	s5 =	sand.u32 $0x1FFFFFF0, s8;
	s8 =	spop (v2sf)  }
0x26f: {  	[tilespmem:s23], [sflag:$0x4] =	stream.linear.gather [hbm4b:s3+s2], $0x80, $0x38;
	[tilespmem:$0x1D400] =	vst v63  }
0x270: {  	s22 =	sadd.s32 s4, s5;
	s3 =	sadd.s32 s4, s7;
	s19 =	sand.u32 $0x1FFFFFF0, s8  }
0x271: {  	[tilespmem:s24], [sflag:$0x4] =	stream.linear.gather [hbm4b:s3+s2], $0x80, $0x38;
	[tilespmem:$0x1D400] =	vst v63  }
0x272: {  	[tilespmem:s11], [sflag:$0x4] =	stream.linear.gather [hbm4b:s22+s2], $0x80, $0x38;
	[tilespmem:$0x1D400] =	vst v63  }
0x273: {  	s0 =	sadd.s32 s4, s19  }
0x274: {  	[tilespmem:s12], [sflag:$0x4] =	stream.linear.gather [hbm4b:s0+s2], $0x80, $0x38;
	[tilespmem:$0x1D400] =	vst v63  }
0x275: {  	s12 =	spop (v2sf)  }
0x276: {  	s0 =	sand.u32 $0x1FFFFFF0, s12  }
0x277: {  	s13 =	spop (v2sf);
	s0 =	sadd.s32 s4, s0  }
0x278: {  	[tilespmem:s17], [sflag:$0x4] =	stream.linear.gather [hbm4b:s0+s2], $0x80, $0x38;
	[tilespmem:$0x1D400] =	vst v63  }
0x279: {  	s0 =	sand.u32 $0x1FFFFFF0, s13  }
0x27a: {  	s14 =	spop (v2sf);
	s0 =	sadd.s32 s4, s0  }
0x27b: {  	[tilespmem:s29], [sflag:$0x4] =	stream.linear.gather [hbm4b:s0+s2], $0x80, $0x38;
	[tilespmem:$0x1D400] =	vst v63  }
0x27c: {  	s0 =	sand.u32 $0x1FFFFFF0, s14  }
0x27d: {  	s1 =	sadd.s32 $0x17300, s18;
	s15 =	spop (v2sf);
	s0 =	sadd.s32 s4, s0  }
0x27e: {  	[tilespmem:s1], [sflag:$0x4] =	stream.linear.gather [hbm4b:s0+s2], $0x80, $0x38;
	[tilespmem:$0x1D400] =	vst v63  }
0x27f: {  	s0 =	sand.u32 $0x1FFFFFF0, s15  }
0x280: {  	s16 =	sand.u32 $0x70, s20;
	s0 =	sadd.s32 s4, s0  }
0x281: {  	[tilespmem:s9], [sflag:$0x4] =	stream.linear.gather [hbm4b:s0+s2], $0x80, $0x38;
	[tilespmem:$0x1D400] =	vst v63  }
0x282: {  	s0 =	sor.u32 s16, s10  }
0x283: {  	v0 =	vld [tilespmem:s0+$0x0];
	_ =	sdelay $0x4  }
0x284: {  	v0 =	vshll.u32 v0, $0x4  }
0x285: {  	(v2sf) =	vpush v0, $0x0;
	_ =	sdelay $0x1  }
0x286: {  	(v2sf) =	vpush v0, $0x1;
	_ =	sdelay $0x1  }
0x287: {  	(v2sf) =	vpush v0, $0x2;
	_ =	sdelay $0x2  }
0x288: {  	(v2sf) =	vpush v0, $0x3;
	_ =	sdelay $0x7  }
0x289: {  	s17 =	spop (v2sf);
	(v2sf) =	vpush v0, $0x4;
	_ =	sdelay $0x1  }
0x28a: {  	s18 =	spop (v2sf);
	(v2sf) =	vpush v0, $0x5;
	_ =	sdelay $0x1  }
0x28b: {  	s20 =	spop (v2sf);
	(v2sf) =	vpush v0, $0x6;
	_ =	sdelay $0x1  }
0x28c: {  	s0 =	sshra.s32 s31, $0x2;
	s1 =	sand.u32 $0x1FFFFFF0, s17  }
0x28d: {  	s3 =	sadd.s32 $0x16C00, s0;
	s1 =	sadd.s32 s4, s1;
	s22 =	spop (v2sf);
	(v2sf) =	vpush v0, $0x7  }
0x28e: {  	[tilespmem:s3], [sflag:$0x4] =	stream.linear.gather [hbm4b:s1+s2], $0x80, $0x38;
	[tilespmem:$0x1D400] =	vst v63  }
0x28f: {  	s1 =	sand.u32 $0x1FFFFFF0, s18  }
0x290: {  	s19 =	sadd.s32 $0x16C80, s0;
	s1 =	sadd.s32 s4, s1  }
0x291: {  	[tilespmem:s19], [sflag:$0x4] =	stream.linear.gather [hbm4b:s1+s2], $0x80, $0x38;
	[tilespmem:$0x1D400] =	vst v63  }
0x292: {  	s1 =	sand.u32 $0x1FFFFFF0, s20  }
0x293: {  	s21 =	sadd.s32 $0x16D00, s0;
	s1 =	sadd.s32 s4, s1  }
0x294: {  	[tilespmem:s21], [sflag:$0x4] =	stream.linear.gather [hbm4b:s1+s2], $0x80, $0x38;
	[tilespmem:$0x1D400] =	vst v63  }
0x295: {  	s24 =	spop (v2sf);
	(v2sf) =	vpush v0, $0x8  }
0x296: {  	s1 =	sand.u32 $0x1FFFFFF0, s22  }
0x297: {  	s23 =	sadd.s32 $0x16D80, s0;
	s1 =	sadd.s32 s4, s1;
	s29 =	spop (v2sf);
	(v2sf) =	vpush v0, $0x9  }
0x298: {  	[tilespmem:s23], [sflag:$0x4] =	stream.linear.gather [hbm4b:s1+s2], $0x80, $0x38;
	[tilespmem:$0x1D400] =	vst v63  }
0x299: {  	s1 =	sand.u32 $0x1FFFFFF0, s24;
	s3 =	spop (v2sf);
	(v2sf) =	vpush v0, $0xA  }
0x29a: {  	s25 =	sadd.s32 $0x16E00, s0;
	s1 =	sadd.s32 s4, s1  }
0x29b: {  	[tilespmem:s25], [sflag:$0x4] =	stream.linear.gather [hbm4b:s1+s2], $0x80, $0x38;
	[tilespmem:$0x1D400] =	vst v63  }
0x29c: {  	s7 =	spop (v2sf);
	(v2sf) =	vpush v0, $0xB  }
0x29d: {  	s1 =	sand.u32 $0x1FFFFFF0, s29  }
0x29e: {  	s31 =	sadd.s32 $0x16E80, s0;
	s1 =	sadd.s32 s4, s1  }
0x29f: {  	[tilespmem:s31], [sflag:$0x4] =	stream.linear.gather [hbm4b:s1+s2], $0x80, $0x38;
	[tilespmem:$0x1D400] =	vst v63  }
0x2a0: {  	s1 =	sand.u32 $0x1FFFFFF0, s3  }
0x2a1: {  	s5 =	sadd.s32 $0x16F00, s0;
	s1 =	sadd.s32 s4, s1  }
0x2a2: {  	[tilespmem:s5], [sflag:$0x4] =	stream.linear.gather [hbm4b:s1+s2], $0x80, $0x38;
	[tilespmem:$0x1D400] =	vst v63  }
0x2a3: {  	s1 =	sand.u32 $0x1FFFFFF0, s7  }
0x2a4: {  	s8 =	sadd.s32 $0x16F80, s0;
	s1 =	sadd.s32 s4, s1;
	s9 =	spop (v2sf);
	(v2sf) =	vpush v0, $0xC  }
0x2a5: {  	[tilespmem:s8], [sflag:$0x4] =	stream.linear.gather [hbm4b:s1+s2], $0x80, $0x38;
	[tilespmem:$0x1D400] =	vst v63  }
0x2a6: {  	s11 =	spop (v2sf);
	(v2sf) =	vpush v0, $0xD  }
0x2a7: {  	s1 =	sand.u32 $0x1FFFFFF0, s9  }
0x2a8: {  	s10 =	sadd.s32 $0x17000, s0;
	s1 =	sadd.s32 s4, s1;
	s13 =	spop (v2sf)  }
0x2a9: {  	(v2sf) =	vpush v0, $0xE;
	[tilespmem:s10], [sflag:$0x4] =	stream.linear.gather [hbm4b:s1+s2], $0x80, $0x38;
	[tilespmem:$0x1D400] =	vst v63  }
0x2aa: {  	s1 =	sand.u32 $0x1FFFFFF0, s11  }
0x2ab: {  	s12 =	sadd.s32 $0x17080, s0;
	s15 =	spop (v2sf);
	s1 =	sadd.s32 s4, s1  }
0x2ac: {  	(v2sf) =	vpush v0, $0xF;
	[tilespmem:s12], [sflag:$0x4] =	stream.linear.gather [hbm4b:s1+s2], $0x80, $0x38;
	[tilespmem:$0x1D400] =	vst v63  }
0x2ad: {  	s1 =	sand.u32 $0x1FFFFFF0, s13  }
0x2ae: {  	s14 =	sadd.s32 $0x17100, s0;
	s1 =	sadd.s32 s4, s1  }
0x2af: {  	[tilespmem:s14], [sflag:$0x4] =	stream.linear.gather [hbm4b:s1+s2], $0x80, $0x38;
	[tilespmem:$0x1D400] =	vst v63  }
0x2b0: {  	s1 =	sand.u32 $0x1FFFFFF0, s15  }
0x2b1: {  	s16 =	sadd.s32 $0x17180, s0;
	s1 =	sadd.s32 s4, s1  }
0x2b2: {  	[tilespmem:s16], [sflag:$0x4] =	stream.linear.gather [hbm4b:s1+s2], $0x80, $0x38;
	[tilespmem:$0x1D400] =	vst v63  }
0x2b3: {  	s17 =	spop (v2sf)  }
0x2b4: {  	s1 =	sand.u32 $0x1FFFFFF0, s17  }
0x2b5: {  	s18 =	sadd.s32 $0x17200, s0;
	s19 =	spop (v2sf);
	s1 =	sadd.s32 s4, s1  }
0x2b6: {  	[tilespmem:s18], [sflag:$0x4] =	stream.linear.gather [hbm4b:s1+s2], $0x80, $0x38;
	[tilespmem:$0x1D400] =	vst v63  }
0x2b7: {  	s1 =	sand.u32 $0x1FFFFFF0, s19  }
0x2b8: {  	s20 =	sadd.s32 $0x17280, s0;
	s21 =	spop (v2sf);
	s1 =	sadd.s32 s4, s1  }
0x2b9: {  	[tilespmem:s20], [sflag:$0x4] =	stream.linear.gather [hbm4b:s1+s2], $0x80, $0x38;
	[tilespmem:$0x1D400] =	vst v63  }
0x2ba: {  	s1 =	sand.u32 $0x1FFFFFF0, s21  }
0x2bb: {  	s22 =	sadd.s32 $0x17300, s0;
	s23 =	spop (v2sf);
	s1 =	sadd.s32 s4, s1  }
0x2bc: {  	[tilespmem:s22], [sflag:$0x4] =	stream.linear.gather [hbm4b:s1+s2], $0x80, $0x38;
	[tilespmem:$0x1D400] =	vst v63  }
0x2bd: {  	s1 =	sand.u32 $0x1FFFFFF0, s23  }
0x2be: {  	s0 =	sadd.s32 $0x17380, s0;
	s24 =	simm.s32 $0x2;
	s1 =	sadd.s32 s4, s1  }
0x2bf: {  	[tilespmem:s0], [sflag:$0x4] =	stream.linear.gather [hbm4b:s1+s2], $0x80, $0x38;
	[tilespmem:$0x1D400] =	vst v63  }
0x2c0: {  	p0 =	seq.s32 s26, $0xF;
	_ =	swait.ge [sflag:s24], $0x6800  }
.Ltmp8:
0x2c1: {  	s25 =	rddreg [dreg:$0x3];
	(pc) =	sbr.rel @p0 .LBB2_16-.Ltmp8, $4  }
0x2c2: {  	s0 =	sadd.s32 s25, s6  }
0x2c3: {  	[sflag:s24] =	ssyncset.done $0x0;
	s29 =	rddreg [dreg:$0x4];
	s0 =	sshll.u32 s0, $0x4  }
0x2c4: {  	s31 =	simm.s32 $0x9C00;
	[sflag:s24] =	ssyncadd.s32 $0xFFFF9800;
	s0 =	sadd.s32 s29, s0  }
0x2c5: {  	[hbm4b:s0+s2] =	stream.linear.scatter [tilespmem:s31], [sflag:$0x6], $0x6800, $0x38;
	[tilespmem:$0x1D400] =	vst v63  }
0x2c6: {  	s1 =	sadd.s32 $0xD00, s30;
	s5 =	simm.s32 $0x5  }
0x2c7: {  	s9 =	sadd.s32 $0x340, s28;
	_ =	swait.ge [sflag:s5], $0x6800;
	s0 =	sand.u32 $0x3FE00, s1  }
0x2c8: {  	s3 =	sand.u32 $0x70, s9;
	[sflag:s5] =	ssyncset.done $0x0;
	s0 =	sshrl.u32 s0, $0x2  }
0x2c9: {  	[sflag:s5] =	ssyncadd.s32 $0xFFFF9800;
	s0 =	sor.u32 s3, s0  }
0x2ca: {  	v0 =	vld [tilespmem:s0+$0x0];
	_ =	sdelay $0x4  }
0x2cb: {  	v0 =	vshll.u32 v0, $0x4  }
0x2cc: {  	(v2sf) =	vpush v0, $0x0  }
0x2cd: {  	(v2sf) =	vpush v0, $0x1  }
0x2ce: {  	(v2sf) =	vpush v0, $0x2;
	_ =	sdelay $0x4  }
0x2cf: {  	(v2sf) =	vpush v0, $0x3  }
0x2d0: {  	(v2sf) =	vpush v0, $0x4;
	_ =	sdelay $0x1  }
0x2d1: {  	(v2sf) =	vpush v0, $0x5;
	_ =	sdelay $0x1  }
0x2d2: {  	(v2sf) =	vpush v0, $0x6;
	_ =	sdelay $0x1  }
0x2d3: {  	(v2sf) =	vpush v0, $0x7  }
0x2d4: {  	s6 =	spop (v2sf)  }
0x2d5: {  	s11 =	spop (v2sf);
	(v2sf) =	vpush v0, $0x8  }
0x2d6: {  	s12 =	spop (v2sf);
	(v2sf) =	vpush v0, $0x9  }
0x2d7: {  	s28 =	simm.s32 $0x2000;
	s18 =	simm.s32 $0x0;
	s20 =	simm.s32 $0x3480  }
0x2d8: {  	s7 =	simm.s32 $0x3700;
	s8 =	simm.s32 $0x3780;
	s6 =	sand.u32 $0x1FFFFFF0, s6  }
0x2d9: {  	s10 =	simm.s32 $0x3400;
	s23 =	simm.s32 $0x3500;
	s6 =	sadd.s32 s4, s6  }
0x2da: {  	[tilespmem:s10], [sflag:$0x1] =	stream.linear.gather [hbm4b:s6+s2], $0x80, $0x38;
	[tilespmem:$0x1D400] =	vst v63  }
0x2db: {  	s25 =	simm.s32 $0x3580;
	s11 =	sand.u32 $0x1FFFFFF0, s11;
	s24 =	spop (v2sf)  }
0x2dc: {  	s22 =	sand.u32 $0x1FFFFFF0, s12;
	s11 =	sadd.s32 s4, s11;
	(v2sf) =	vpush v0, $0xA;
	s30 =	spop (v2sf)  }
0x2dd: {  	[tilespmem:s20], [sflag:$0x1] =	stream.linear.gather [hbm4b:s11+s2], $0x80, $0x38;
	[tilespmem:$0x1D400] =	vst v63  }
0x2de: {  	s10 =	sadd.s32 s4, s22;
	s29 =	sand.u32 $0x1FFFFFF0, s24;
	s13 =	spop (v2sf)  }
0x2df: {  	[tilespmem:s23], [sflag:$0x1] =	stream.linear.gather [hbm4b:s10+s2], $0x80, $0x38;
	[tilespmem:$0x1D400] =	vst v63  }
0x2e0: {  	s31 =	sand.u32 $0x1FFFFFF0, s30;
	s16 =	spop (v2sf);
	s10 =	sadd.s32 s4, s29  }
0x2e1: {  	(v2sf) =	vpush v0, $0xB;
	[tilespmem:s25], [sflag:$0x1] =	stream.linear.gather [hbm4b:s10+s2], $0x80, $0x38;
	[tilespmem:$0x1D400] =	vst v63  }
0x2e2: {  	s21 =	simm.s32 $0x3600;
	s14 =	sadd.s32 s4, s31;
	s19 =	spop (v2sf)  }
0x2e3: {  	[tilespmem:s21], [sflag:$0x1] =	stream.linear.gather [hbm4b:s14+s2], $0x80, $0x38;
	[tilespmem:$0x1D400] =	vst v63  }
0x2e4: {  	s15 =	simm.s32 $0x3680;
	s1 =	sadd.s32 $0x40, s1;
	s21 =	spop (v2sf)  }
0x2e5: {  	s9 =	sadd.s32 $0x10, s9;
	s3 =	sand.u32 $0x3FE00, s1;
	s24 =	spop (v2sf);
	(v2sf) =	vpush v0, $0xC  }
0x2e6: {  	s0 =	simm.s32 $0x4000;
	s12 =	simm.s32 $0x3980;
	s13 =	sand.u32 $0x1FFFFFF0, s13  }
0x2e7: {  	s6 =	simm.s32 $0x3B80;
	s5 =	sadd.s32 s4, s13;
	s17 =	sand.u32 $0x1FFFFFF0, s16;
	(v2sf) =	vpush v0, $0xD  }
0x2e8: {  	[tilespmem:s15], [sflag:$0x1] =	stream.linear.gather [hbm4b:s5+s2], $0x80, $0x38;
	[tilespmem:$0x1D400] =	vst v63  }
0x2e9: {  	s11 =	simm.s32 $0x3900;
	s20 =	sand.u32 $0x1FFFFFF0, s19;
	s5 =	sadd.s32 s4, s17;
	(v2sf) =	vpush v0, $0xE  }
0x2ea: {  	[tilespmem:s7], [sflag:$0x1] =	stream.linear.gather [hbm4b:s5+s2], $0x80, $0x38;
	[tilespmem:$0x1D400] =	vst v63  }
0x2eb: {  	s23 =	simm.s32 $0x3800;
	s22 =	sadd.s32 s4, s20;
	s29 =	spop (v2sf);
	(v2sf) =	vpush v0, $0xF  }
0x2ec: {  	[tilespmem:s8], [sflag:$0x1] =	stream.linear.gather [hbm4b:s22+s2], $0x80, $0x38;
	[tilespmem:$0x1D400] =	vst v63  }
0x2ed: {  	s10 =	sshrl.u32 s3, $0x2;
	s25 =	simm.s32 $0x3880;
	s3 =	sand.u32 $0x1FFFFFF0, s21  }
0x2ee: {  	s20 =	simm.s32 $0x3A80;
	s17 =	simm.s32 $0x3A00;
	s3 =	sadd.s32 s4, s3  }
0x2ef: {  	[tilespmem:s23], [sflag:$0x1] =	stream.linear.gather [hbm4b:s3+s2], $0x80, $0x38;
	[tilespmem:$0x1D400] =	vst v63  }
0x2f0: {  	s7 =	sand.u32 $0x1FFFFFF0, s24;
	s30 =	sand.u32 $0x1FFFFFF0, s29;
	s31 =	spop (v2sf)  }
0x2f1: {  	s7 =	sadd.s32 s4, s7;
	s22 =	sadd.s32 s4, s30;
	s19 =	sand.u32 $0x1FFFFFF0, s31  }
0x2f2: {  	[tilespmem:s25], [sflag:$0x1] =	stream.linear.gather [hbm4b:s7+s2], $0x80, $0x38;
	[tilespmem:$0x1D400] =	vst v63  }
.LBB2_14:
0x2f3: {  	p0 =	sne.s32 s0, $0x18000  }
0x2f4: {  	s3 =	sand.u32 $0x70, s9;
	s5 =	spop (v2sf);
	s7 =	smov.u32 s0  }
0x2f5: {  	[tilespmem:s11], [sflag:$0x1] =	stream.linear.gather [hbm4b:s22+s2], $0x80, $0x38;
	[tilespmem:$0x1D400] =	vst v63  }
0x2f6: {  	s8 =	sadd.s32 s4, s19;
	s5 =	sand.u32 $0x1FFFFFF0, s5;
	s11 =	spop (v2sf)  }
0x2f7: {  	[tilespmem:s12], [sflag:$0x1] =	stream.linear.gather [hbm4b:s8+s2], $0x80, $0x38;
	[tilespmem:$0x1D400] =	vst v63  }
0x2f8: {  	s5 =	sadd.s32 s4, s5;
	s8 =	sand.u32 $0x1FFFFFF0, s11;
	s11 =	spop (v2sf)  }
0x2f9: {  	[tilespmem:s17], [sflag:$0x1] =	stream.linear.gather [hbm4b:s5+s2], $0x80, $0x38;
	[tilespmem:$0x1D400] =	vst v63  }
0x2fa: {  	s5 =	sadd.s32 s4, s8;
	s8 =	sand.u32 $0x1FFFFFF0, s11;
	s11 =	spop (v2sf)  }
0x2fb: {  	[tilespmem:s20], [sflag:$0x1] =	stream.linear.gather [hbm4b:s5+s2], $0x80, $0x38;
	[tilespmem:$0x1D400] =	vst v63  }
0x2fc: {  	s8 =	sadd.s32 s4, s8;
	s5 =	sadd.s32 $0x3B00, s18;
	s11 =	sand.u32 $0x1FFFFFF0, s11  }
0x2fd: {  	[tilespmem:s5], [sflag:$0x1] =	stream.linear.gather [hbm4b:s8+s2], $0x80, $0x38;
	[tilespmem:$0x1D400] =	vst v63  }
0x2fe: {  	s0 =	sadd.s32 $0x2000, s0;
	s3 =	sor.u32 s3, s10;
	s5 =	sadd.s32 s4, s11  }
0x2ff: {  	[tilespmem:s6], [sflag:$0x1] =	stream.linear.gather [hbm4b:s5+s2], $0x80, $0x38;
	[tilespmem:$0x1D400] =	vst v63  }
0x300: {  	v0 =	vld [tilespmem:s3+$0x0];
	_ =	sdelay $0x4  }
0x301: {  	v0 =	vshll.u32 v0, $0x4  }
0x302: {  	(v2sf) =	vpush v0, $0x0  }
0x303: {  	(v2sf) =	vpush v0, $0x1  }
0x304: {  	(v2sf) =	vpush v0, $0x2  }
0x305: {  	(v2sf) =	vpush v0, $0x3;
	_ =	sdelay $0x1  }
0x306: {  	(v2sf) =	vpush v0, $0x4;
	_ =	sdelay $0x1  }
0x307: {  	s1 =	sadd.s32 $0x40, s1;
	(v2sf) =	vpush v0, $0x5  }
0x308: {  	s18 =	sshra.s32 s28, $0x2;
	s28 =	smov.u32 s7;
	s3 =	sand.u32 $0x3FE00, s1  }
0x309: {  	s22 =	sadd.s32 $0x3700, s18;
	s19 =	sadd.s32 $0x3780, s18;
	s5 =	sadd.s32 $0x3480, s18;
	(v2sf) =	vpush v0, $0x6  }
0x30a: {  	s7 =	sadd.s32 $0x3400, s18;
	s8 =	sadd.s32 $0x3600, s18;
	s11 =	sadd.s32 $0x3900, s18  }
0x30b: {  	s25 =	sadd.s32 $0x3680, s18;
	s12 =	sadd.s32 $0x3980, s18;
	s6 =	sadd.s32 $0x3B80, s18;
	(v2sf) =	vpush v0, $0x7  }
0x30c: {  	s23 =	sadd.s32 $0x3800, s18;
	s17 =	sadd.s32 $0x3A00, s18;
	s10 =	sshrl.u32 s3, $0x2  }
0x30d: {  	s20 =	sadd.s32 $0x3A80, s18;
	(v2sf) =	vpush v0, $0x8  }
0x30e: {  	s24 =	sadd.s32 $0x3880, s18  }
0x30f: {  	s3 =	sadd.s32 $0x3580, s18;
	s13 =	spop (v2sf);
	(v2sf) =	vpush v0, $0x9  }
0x310: {  	s9 =	sadd.s32 $0x10, s9;
	s13 =	sand.u32 $0x1FFFFFF0, s13;
	s14 =	spop (v2sf)  }
0x311: {  	s15 =	sadd.s32 $0x3500, s18;
	s14 =	sand.u32 $0x1FFFFFF0, s14;
	s16 =	spop (v2sf);
	(v2sf) =	vpush v0, $0xA  }
0x312: {  	s13 =	sadd.s32 s4, s13;
	s16 =	sand.u32 $0x1FFFFFF0, s16;
	s21 =	spop (v2sf)  }
0x313: {  	[tilespmem:s7], [sflag:$0x1] =	stream.linear.gather [hbm4b:s13+s2], $0x80, $0x38;
	(v2sf) =	vpush v0, $0xB;
	[tilespmem:$0x1D400] =	vst v63  }
0x314: {  	s7 =	sadd.s32 s4, s14;
	s13 =	sand.u32 $0x1FFFFFF0, s21;
	s14 =	spop (v2sf)  }
0x315: {  	[tilespmem:s5], [sflag:$0x1] =	stream.linear.gather [hbm4b:s7+s2], $0x80, $0x38;
	[tilespmem:$0x1D400] =	vst v63  }
0x316: {  	s5 =	sadd.s32 s4, s16;
	s7 =	sand.u32 $0x1FFFFFF0, s14;
	s14 =	spop (v2sf)  }
0x317: {  	[tilespmem:s15], [sflag:$0x1] =	stream.linear.gather [hbm4b:s5+s2], $0x80, $0x38;
	(v2sf) =	vpush v0, $0xC;
	[tilespmem:$0x1D400] =	vst v63  }
0x318: {  	s5 =	sadd.s32 s4, s13;
	s13 =	sand.u32 $0x1FFFFFF0, s14;
	s14 =	spop (v2sf)  }
0x319: {  	[tilespmem:s3], [sflag:$0x1] =	stream.linear.gather [hbm4b:s5+s2], $0x80, $0x38;
	(v2sf) =	vpush v0, $0xD;
	[tilespmem:$0x1D400] =	vst v63  }
0x31a: {  	s3 =	sadd.s32 s4, s7;
	s5 =	sand.u32 $0x1FFFFFF0, s14;
	s7 =	spop (v2sf)  }
0x31b: {  	[tilespmem:s8], [sflag:$0x1] =	stream.linear.gather [hbm4b:s3+s2], $0x80, $0x38;
	(v2sf) =	vpush v0, $0xE;
	[tilespmem:$0x1D400] =	vst v63  }
0x31c: {  	s3 =	sadd.s32 s4, s13;
	s7 =	sand.u32 $0x1FFFFFF0, s7;
	s8 =	spop (v2sf)  }
0x31d: {  	[tilespmem:s25], [sflag:$0x1] =	stream.linear.gather [hbm4b:s3+s2], $0x80, $0x38;
	(v2sf) =	vpush v0, $0xF;
	[tilespmem:$0x1D400] =	vst v63  }
0x31e: {  	s3 =	sadd.s32 s4, s5;
	s5 =	sand.u32 $0x1FFFFFF0, s8;
	s8 =	spop (v2sf)  }
0x31f: {  	[tilespmem:s22], [sflag:$0x1] =	stream.linear.gather [hbm4b:s3+s2], $0x80, $0x38;
	[tilespmem:$0x1D400] =	vst v63  }
0x320: {  	s3 =	sadd.s32 s4, s7;
	s7 =	sand.u32 $0x1FFFFFF0, s8;
	s8 =	spop (v2sf)  }
0x321: {  	[tilespmem:s19], [sflag:$0x1] =	stream.linear.gather [hbm4b:s3+s2], $0x80, $0x38;
	[tilespmem:$0x1D400] =	vst v63  }
.Ltmp9:
0x322: {  	_ = 	snop;
	(pc) =	sbr.rel @p0 .LBB2_14-.Ltmp9, $4  }
0x323: {  	s3 =	sadd.s32 s4, s5;
	s5 =	sand.u32 $0x1FFFFFF0, s8;
	s8 =	spop (v2sf)  }
0x324: {  	[tilespmem:s23], [sflag:$0x1] =	stream.linear.gather [hbm4b:s3+s2], $0x80, $0x38;
	[tilespmem:$0x1D400] =	vst v63  }
0x325: {  	s22 =	sadd.s32 s4, s5;
	s3 =	sadd.s32 s4, s7;
	s19 =	sand.u32 $0x1FFFFFF0, s8  }
0x326: {  	[tilespmem:s24], [sflag:$0x1] =	stream.linear.gather [hbm4b:s3+s2], $0x80, $0x38;
	[tilespmem:$0x1D400] =	vst v63  }
0x327: {  	s0 =	sand.u32 $0x70, s9;
	s1 =	spop (v2sf)  }
0x328: {  	[tilespmem:s11], [sflag:$0x1] =	stream.linear.gather [hbm4b:s22+s2], $0x80, $0x38;
	[tilespmem:$0x1D400] =	vst v63  }
0x329: {  	s3 =	sadd.s32 s4, s19;
	s1 =	sand.u32 $0x1FFFFFF0, s1;
	s5 =	spop (v2sf)  }
0x32a: {  	[tilespmem:s12], [sflag:$0x1] =	stream.linear.gather [hbm4b:s3+s2], $0x80, $0x38;
	[tilespmem:$0x1D400] =	vst v63  }
0x32b: {  	s1 =	sadd.s32 s4, s1;
	s14 =	sand.u32 $0x1FFFFFF0, s5;
	s15 =	spop (v2sf)  }
0x32c: {  	[tilespmem:s17], [sflag:$0x1] =	stream.linear.gather [hbm4b:s1+s2], $0x80, $0x38;
	[tilespmem:$0x1D400] =	vst v63  }
0x32d: {  	s16 =	sadd.s32 s4, s14;
	s17 =	sand.u32 $0x1FFFFFF0, s15;
	s19 =	spop (v2sf)  }
0x32e: {  	[tilespmem:s20], [sflag:$0x1] =	stream.linear.gather [hbm4b:s16+s2], $0x80, $0x38;
	[tilespmem:$0x1D400] =	vst v63  }
0x32f: {  	s21 =	sadd.s32 $0x3B00, s18;
	s3 =	sadd.s32 s4, s17;
	s5 =	sand.u32 $0x1FFFFFF0, s19  }
0x330: {  	[tilespmem:s21], [sflag:$0x1] =	stream.linear.gather [hbm4b:s3+s2], $0x80, $0x38;
	[tilespmem:$0x1D400] =	vst v63  }
0x331: {  	s0 =	sor.u32 s0, s10;
	s22 =	sadd.s32 s4, s5  }
0x332: {  	[tilespmem:s6], [sflag:$0x1] =	stream.linear.gather [hbm4b:s22+s2], $0x80, $0x38;
	[tilespmem:$0x1D400] =	vst v63  }
0x333: {  	v0 =	vld [tilespmem:s0+$0x0];
	_ =	sdelay $0x4  }
0x334: {  	v0 =	vshll.u32 v0, $0x4  }
0x335: {  	(v2sf) =	vpush v0, $0x0  }
0x336: {  	(v2sf) =	vpush v0, $0x1  }
0x337: {  	(v2sf) =	vpush v0, $0x2;
	_ =	sdelay $0x1  }
0x338: {  	(v2sf) =	vpush v0, $0x3;
	_ =	sdelay $0x1  }
0x339: {  	(v2sf) =	vpush v0, $0x4;
	_ =	sdelay $0x1  }
0x33a: {  	(v2sf) =	vpush v0, $0x5;
	_ =	sdelay $0x1  }
0x33b: {  	(v2sf) =	vpush v0, $0x6  }
0x33c: {  	s0 =	sshra.s32 s28, $0x2  }
0x33d: {  	s23 =	sadd.s32 $0x3480, s0;
	s5 =	sadd.s32 $0x3700, s0;
	s7 =	sadd.s32 $0x3780, s0;
	(v2sf) =	vpush v0, $0x7  }
0x33e: {  	s8 =	sadd.s32 $0x3400, s0;
	s24 =	sadd.s32 $0x3600, s0;
	s10 =	sadd.s32 $0x3900, s0  }
0x33f: {  	s12 =	sadd.s32 $0x3680, s0;
	s9 =	sadd.s32 $0x3980, s0;
	s13 =	sadd.s32 $0x3800, s0;
	(v2sf) =	vpush v0, $0x8  }
0x340: {  	s15 =	sadd.s32 $0x3880, s0;
	s25 =	sadd.s32 $0x3580, s0;
	s14 =	spop (v2sf)  }
0x341: {  	s28 =	sadd.s32 $0x3500, s0;
	(v2sf) =	vpush v0, $0x9;
	s16 =	spop (v2sf);
	s14 =	sand.u32 $0x1FFFFFF0, s14  }
0x342: {  	s16 =	sand.u32 $0x1FFFFFF0, s16;
	s29 =	spop (v2sf);
	s14 =	sadd.s32 s4, s14  }
0x343: {  	(v2sf) =	vpush v0, $0xA;
	[tilespmem:s8], [sflag:$0x1] =	stream.linear.gather [hbm4b:s14+s2], $0x80, $0x38;
	[tilespmem:$0x1D400] =	vst v63  }
0x344: {  	s30 =	sand.u32 $0x1FFFFFF0, s29;
	s31 =	spop (v2sf);
	s16 =	sadd.s32 s4, s16  }
0x345: {  	(v2sf) =	vpush v0, $0xB;
	[tilespmem:s23], [sflag:$0x1] =	stream.linear.gather [hbm4b:s16+s2], $0x80, $0x38;
	[tilespmem:$0x1D400] =	vst v63  }
0x346: {  	s19 =	spop (v2sf);
	s8 =	sadd.s32 s4, s30;
	s16 =	sand.u32 $0x1FFFFFF0, s31  }
0x347: {  	(v2sf) =	vpush v0, $0xC;
	[tilespmem:s28], [sflag:$0x1] =	stream.linear.gather [hbm4b:s8+s2], $0x80, $0x38;
	[tilespmem:$0x1D400] =	vst v63  }
0x348: {  	s20 =	sand.u32 $0x1FFFFFF0, s19;
	s21 =	spop (v2sf);
	s3 =	sadd.s32 s4, s16  }
0x349: {  	(v2sf) =	vpush v0, $0xD;
	[tilespmem:s25], [sflag:$0x1] =	stream.linear.gather [hbm4b:s3+s2], $0x80, $0x38;
	[tilespmem:$0x1D400] =	vst v63  }
0x34a: {  	s22 =	sand.u32 $0x1FFFFFF0, s21;
	s23 =	spop (v2sf);
	s8 =	sadd.s32 s4, s20  }
0x34b: {  	[tilespmem:s24], [sflag:$0x1] =	stream.linear.gather [hbm4b:s8+s2], $0x80, $0x38;
	[tilespmem:$0x1D400] =	vst v63  }
0x34c: {  	s25 =	spop (v2sf);
	s3 =	sadd.s32 s4, s22;
	s24 =	sand.u32 $0x1FFFFFF0, s23  }
0x34d: {  	(v2sf) =	vpush v0, $0xE;
	[tilespmem:s12], [sflag:$0x1] =	stream.linear.gather [hbm4b:s3+s2], $0x80, $0x38;
	[tilespmem:$0x1D400] =	vst v63  }
0x34e: {  	s28 =	sand.u32 $0x1FFFFFF0, s25;
	s29 =	spop (v2sf);
	s8 =	sadd.s32 s4, s24  }
0x34f: {  	(v2sf) =	vpush v0, $0xF;
	[tilespmem:s5], [sflag:$0x1] =	stream.linear.gather [hbm4b:s8+s2], $0x80, $0x38;
	[tilespmem:$0x1D400] =	vst v63  }
0x350: {  	s30 =	sand.u32 $0x1FFFFFF0, s29;
	s3 =	sadd.s32 s4, s28;
	s31 =	spop (v2sf)  }
0x351: {  	[tilespmem:s7], [sflag:$0x1] =	stream.linear.gather [hbm4b:s3+s2], $0x80, $0x38;
	[tilespmem:$0x1D400] =	vst v63  }
0x352: {  	s5 =	sadd.s32 s4, s30;
	s8 =	sand.u32 $0x1FFFFFF0, s31;
	s11 =	spop (v2sf)  }
0x353: {  	[tilespmem:s13], [sflag:$0x1] =	stream.linear.gather [hbm4b:s5+s2], $0x80, $0x38;
	[tilespmem:$0x1D400] =	vst v63  }
0x354: {  	s12 =	sand.u32 $0x1FFFFFF0, s11;
	s3 =	sadd.s32 s4, s8;
	s13 =	spop (v2sf)  }
0x355: {  	[tilespmem:s15], [sflag:$0x1] =	stream.linear.gather [hbm4b:s3+s2], $0x80, $0x38;
	[tilespmem:$0x1D400] =	vst v63  }
0x356: {  	s14 =	sadd.s32 s4, s12;
	s16 =	spop (v2sf);
	s15 =	sand.u32 $0x1FFFFFF0, s13  }
0x357: {  	[tilespmem:s10], [sflag:$0x1] =	stream.linear.gather [hbm4b:s14+s2], $0x80, $0x38;
	[tilespmem:$0x1D400] =	vst v63  }
0x358: {  	s18 =	sand.u32 $0x1FFFFFF0, s16;
	s19 =	spop (v2sf);
	s17 =	sadd.s32 s4, s15  }
0x359: {  	[tilespmem:s9], [sflag:$0x1] =	stream.linear.gather [hbm4b:s17+s2], $0x80, $0x38;
	[tilespmem:$0x1D400] =	vst v63  }
0x35a: {  	s6 =	sadd.s32 $0x3A00, s0;
	s20 =	sadd.s32 s4, s18;
	s21 =	sand.u32 $0x1FFFFFF0, s19  }
0x35b: {  	[tilespmem:s6], [sflag:$0x1] =	stream.linear.gather [hbm4b:s20+s2], $0x80, $0x38;
	[tilespmem:$0x1D400] =	vst v63  }
0x35c: {  	s1 =	sadd.s32 $0x3A80, s0;
	s22 =	spop (v2sf);
	s23 =	sadd.s32 s4, s21  }
0x35d: {  	[tilespmem:s1], [sflag:$0x1] =	stream.linear.gather [hbm4b:s23+s2], $0x80, $0x38;
	[tilespmem:$0x1D400] =	vst v63  }
.Ltmp10:
0x35e: {  	s24 =	sand.u32 $0x1FFFFFF0, s22;
	s25 =	spop (v2sf);
	(pc) =	sbr.rel .LBB2_4-.Ltmp10, $4  }
0x35f: {  	s28 =	sadd.s32 $0x3B00, s0;
	s29 =	sadd.s32 s4, s24;
	s30 =	sand.u32 $0x1FFFFFF0, s25  }
0x360: {  	[tilespmem:s28], [sflag:$0x1] =	stream.linear.gather [hbm4b:s29+s2], $0x80, $0x38;
	[tilespmem:$0x1D400] =	vst v63  }
0x361: {  	s26 =	sadd.s32 $0x1, s26;
	s0 =	sadd.s32 $0x3B80, s0;
	s31 =	sadd.s32 s4, s30  }
0x362: {  	[tilespmem:s0], [sflag:$0x1] =	stream.linear.gather [hbm4b:s31+s2], $0x80, $0x38;
	[tilespmem:$0x1D400] =	vst v63  }
.LBB2_5:
.Ltmp11:
0x363: {  	(pc) =	sbr.rel .LBB2_8-.Ltmp11, $2  }
0x364: {  	_ =	sdelay $0x2  }
0x365: {  	s29 =	smov.u32 s6;
	s31 =	simm.s32 $0x0  }
.LBB2_17:
0x366: {  	_ =	sfence.sel $0x180000  }
0x367: {  	[bflag:$0x0] =	sbarrier.arrive $0xFFFF  }
0x368: {  	_ =	strace $0x90000047  }
0x369: {  	s0 =	stileid.u32;
	[bflag:$0x2] =	sbarrier.arrive $0xFFFF  }
0x36a: {  	p0 =	sne.s32 s0, $0x0;
	s0 =	rddreg [dreg:$0x2]  }
0x36b: {  	s0 =	sadd.s32 @!p0 $0x100000, s0  }
0x36c: {  	[sflag:s0] =	ssyncadd.tile.s32 @!p0 $0x1;
	_ =	shalt  }
.Lfunc_end2:
_tile_overlayer_lowered:
.L_overlay_start_2:
0x36d: {  	(tag) =	ssettag $0x2  }
0x36e: {  	s0 =	rddreg [dreg:$0x0];
	s2 =	stileid.u32  }
0x36f: {  	s1 =	rddreg [dreg:$0x1];
	p0 =	sne.s32 s2, $0x0  }
0x370: {  	s3 =	rddreg [dreg:$0x2];
	[bflag:$0x3] =	sbarrier.arrive $0xFFFF;
	s2 =	simm.s32 @!p0 $0x1C09  }
0x371: {  	[timem:s3], [sflag:s2] =	dma.local @!p0 [hbm:s0], s1  }
0x372: {  	s0 =	simm.s32 @!p0 $0x9  }
0x373: {  	_ =	swait.ge @!p0 [sflag:s0], s1  }
0x374: {  	s1 =	ssub.s32 @!p0 $0x0, s1;
	[sflag:s0] =	ssyncset.done @!p0 $0x0  }
0x375: {  	[sflag:s0] =	ssyncadd.s32 @!p0 s1  }
0x376: {  	[bflag:$0x3] =	sbarrier.arrive $0xFFFF  }
0x377: {  	_ =	shalt  }

</sc_bundles>
